<compile_context>
chip_gen: v7x
topology: tpu7x:2x2x1
jax: 0.10.2.dev20260603
libtpu: 0.0.44.dev20260713+nightly
codegen_flags: <defaults>
</compile_context>

<pallas_src>
import functools

import jax
import jax.numpy as jnp
from jax import lax
from jax.experimental import pallas as pl
from jax.experimental.pallas import tpu as pltpu
from jax.experimental.pallas import tpu_sc as plsc

N = 20000
H = 256
W = 256
GP = 20480
GCH = GP // 16
TS = 16
TGX = W // TS
TGY = H // TS
T = TGX * TGY
K = 448
PW = 8
PTR = 16
TWO_T = 24.0
CAND = 3104
NSUB = 32
TPS = T // NSUB
PBLK = 2048


def _proj_kernel(xyz_ref, chol_ref, fdc_ref, op_ref, out_ref):
    i = pl.program_id(0)
    mx = jnp.tanh(xyz_ref[0:1, :])
    my = jnp.tanh(xyz_ref[1:2, :])
    x = 0.5 * (mx + 1.0) * float(W)
    y = 0.5 * (my + 1.0) * float(H)
    l1 = chol_ref[0:1, :] + 0.5
    l2 = chol_ref[1:2, :]
    l3 = chol_ref[2:3, :] + 0.5
    a = l1 * l1
    b = l1 * l2
    c = l2 * l2 + l3 * l3
    inv_det = 1.0 / (a * c - b * b)
    e = 0.5 * c * inv_det
    f = -b * inv_det
    g = 0.5 * a * inv_det
    valid = (i * PBLK + lax.broadcasted_iota(jnp.int32, (1, PBLK), 1)) < N
    r2 = jnp.where(valid, TWO_T * (a + c), -1.0)
    cols = fdc_ref[...] * op_ref[0:1, :]
    zero = jnp.zeros((1, PBLK), jnp.float32)
    out_ref[...] = jnp.concatenate(
        [x, y, e, f, g, cols[0:1], cols[1:2], cols[2:3], r2,
         zero, zero, zero, zero, zero, zero, zero], axis=0)


def _project(xyz_t, chol_t, fdc_t, op_t):
    return pl.pallas_call(
        _proj_kernel,
        grid=(GP // PBLK,),
        in_specs=[
            pl.BlockSpec((2, PBLK), lambda i: (0, i)),
            pl.BlockSpec((3, PBLK), lambda i: (0, i)),
            pl.BlockSpec((3, PBLK), lambda i: (0, i)),
            pl.BlockSpec((1, PBLK), lambda i: (0, i)),
        ],
        out_specs=pl.BlockSpec((PTR, PBLK), lambda i: (0, i)),
        out_shape=jax.ShapeDtypeStruct((PTR, GP), jnp.float32),
    )(xyz_t, chol_t, fdc_t, op_t)


@functools.cache
def _make_bin_kernel():
    mesh = plsc.VectorSubcoreMesh(core_axis_name="c", subcore_axis_name="s")
    return functools.partial(
        pl.kernel,
        mesh=mesh,
        compiler_params=pltpu.CompilerParams(
            use_tc_tiling_on_sc=False, needs_layout_passes=False),
        out_type=[
            jax.ShapeDtypeStruct((T, K, PW), jnp.float32),
            jax.ShapeDtypeStruct((T,), jnp.int32),
        ],
        scratch_types=[
            pltpu.VMEM((GP,), jnp.float32),
            pltpu.VMEM((GP,), jnp.float32),
            pltpu.VMEM((GP,), jnp.float32),
            pltpu.VMEM((CAND,), jnp.int32),
            pltpu.VMEM((2, 2048), jnp.int32),
            pltpu.VMEM((TPS, K, PW), jnp.float32),
            pltpu.VMEM((16,), jnp.int32),
            pltpu.SemaphoreType.DMA,
        ],
    )(_bin_kernel)


_DN = lax.GatherDimensionNumbers(
    offset_dims=(), collapsed_slice_dims=(0,), start_index_map=(0,))


def _take16(v, idx):
    return lax.gather(v, idx[:, None], _DN, (1,),
                      mode=lax.GatherScatterMode.PROMISE_IN_BOUNDS)


def _prefix16(mi):
    lanes = lax.iota(jnp.int32, 16)
    pre = mi
    for sh in (1, 2, 4, 8):
        shifted = _take16(pre, jnp.maximum(lanes - sh, 0))
        pre = pre + jnp.where(lanes >= sh, shifted, 0)
    return pre


def _bin_kernel(pt_hbm, tbl_hbm, tp_hbm, cnt_hbm, xs, ys, r2s,
                cand_id, ids2, rows_all, cvec, semg):
    c_ = lax.axis_index("c")
    s_ = lax.axis_index("s")
    wid = s_ * 2 + c_
    row = wid // 2
    half = wid % 2
    with jax.named_scope("bin_in_copies"):
        pltpu.sync_copy(pt_hbm.at[0], xs)
        pltpu.sync_copy(pt_hbm.at[1], ys)
        pltpu.sync_copy(pt_hbm.at[8], r2s)

    y0 = row.astype(jnp.float32) * float(TS) + 0.5
    y1 = y0 + float(TS - 1)
    fifteen = jnp.full((16,), 15, jnp.int32)

    def p1(ci, cntv):
        yv = ys[pl.ds(ci * 16, 16)]
        rv = r2s[pl.ds(ci * 16, 16)]
        dy = jnp.maximum(jnp.maximum(y0 - yv, yv - y1), 0.0)
        m = (dy * dy) <= rv
        mi = jnp.where(m, 1, 0)
        pre = _prefix16(mi)
        pos = cntv + pre - 1
        iv = ci * 16 + lax.iota(jnp.int32, 16)
        plsc.store_scatter(cand_id, [pos], iv, mask=m)
        return cntv + _take16(pre, fifteen)

    with jax.named_scope("bin_p1"):
        cntv1 = lax.fori_loop(0, GCH, p1, jnp.zeros((16,), jnp.int32))
    plsc.store_scatter(cand_id, [cntv1 + lax.iota(jnp.int32, 16)],
                       jnp.full((16,), GP - 1, jnp.int32))
    cnt1 = jnp.sum(cntv1) // 16
    nch = (cnt1 + 15) // 16

    cvals = jnp.zeros((16,), jnp.int32)
    for k in range(TPS):
        tx = half * TPS + k
        x0 = tx.astype(jnp.float32) * float(TS) + 0.5
        x1 = x0 + float(TS - 1)
        ids = ids2.at[k % 2]

        def init_body(j, _):
            ids[pl.ds(j * 16, 16)] = jnp.full((16,), GP, jnp.int32)
            return 0

        with jax.named_scope("bin_init"):
            lax.fori_loop(0, K // 16, init_body, 0)

        def p2(ci, cntv):
            idv = cand_id[pl.ds(ci * 16, 16)]
            xv = plsc.load_gather(xs, [idv])
            yv = plsc.load_gather(ys, [idv])
            rv = plsc.load_gather(r2s, [idv])
            dxc = jnp.maximum(jnp.maximum(x0 - xv, xv - x1), 0.0)
            dyc = jnp.maximum(jnp.maximum(y0 - yv, yv - y1), 0.0)
            m = (dxc * dxc + dyc * dyc) <= rv
            mi = jnp.where(m, 1, 0)
            pre = _prefix16(mi)
            pos = cntv + pre - 1
            plsc.store_scatter(ids, [pos], idv, mask=m)
            return cntv + _take16(pre, fifteen)

        with jax.named_scope("bin_p2"):
            cntv2 = lax.fori_loop(0, nch, p2, jnp.zeros((16,), jnp.int32))
        cvals = jnp.where(lax.iota(jnp.int32, 16) == k,
                          jnp.sum(cntv2) // 16, cvals)

        if k > 0:
            off = 0
            while off < K:
                sz = min(128, K - off)
                pltpu.make_async_copy(
                    tbl_hbm.at[ids2.at[(k - 1) % 2].at[pl.ds(0, sz)]],
                    rows_all.at[k - 1].at[pl.ds(off, sz)], semg).wait()
                off += sz
        off = 0
        while off < K:
            sz = min(128, K - off)
            pltpu.async_copy(
                tbl_hbm.at[ids.at[pl.ds(off, sz)]],
                rows_all.at[k].at[pl.ds(off, sz)], semg)
            off += sz

    off = 0
    while off < K:
        sz = min(128, K - off)
        pltpu.make_async_copy(
            tbl_hbm.at[ids2.at[(TPS - 1) % 2].at[pl.ds(0, sz)]],
            rows_all.at[TPS - 1].at[pl.ds(off, sz)], semg).wait()
        off += sz

    with jax.named_scope("bin_out_write"):
        pltpu.sync_copy(rows_all, tp_hbm.at[pl.ds(wid * TPS, TPS)])
    cvec[...] = cvals
    pltpu.sync_copy(cvec.at[pl.ds(0, TPS)],
                    cnt_hbm.at[pl.ds(wid * TPS, TPS)])


def _raster_kernel(tp_ref, out_ref):
    t = pl.program_id(0)
    ty = t // TGX
    tx = t % TGX
    p = tp_ref[0]
    x = p[:, 0:1]
    y = p[:, 1:2]
    e = p[:, 2:3]
    f = p[:, 3:4]
    g = p[:, 4:5]
    li = lax.broadcasted_iota(jnp.int32, (K, TS * TS), 1)
    pxv = (tx * TS + (li & (TS - 1))).astype(jnp.float32) + 0.5
    pyv = (ty * TS + (li >> 4)).astype(jnp.float32) + 0.5
    dx = pxv - x
    dy = pyv - y
    sig = dx * (e * dx + f * dy) + g * dy * dy
    alpha = jnp.exp(-sig)
    colsT = p[:, 5:8].T
    acc = lax.dot_general(colsT, alpha, (((1,), (0,)), ((), ())),
                          preferred_element_type=jnp.float32)
    out_ref[0] = jnp.clip(acc, 0.0, 1.0)


def _raster(tp, cnts):
    del cnts
    return pl.pallas_call(
        _raster_kernel,
        grid=(T,),
        in_specs=[pl.BlockSpec((1, K, PW), lambda t: (t, 0, 0))],
        out_specs=pl.BlockSpec((1, 3, TS * TS), lambda t: (t, 0, 0)),
        out_shape=jax.ShapeDtypeStruct((T, 3, TS * TS), jnp.float32),
    )(tp)


def kernel(_xyz, _cholesky, _opacity, _features_dc, background):
    pad = GP - N
    xyz_t = jnp.concatenate([_xyz, jnp.zeros((pad, 2), jnp.float32)]).T
    chol_t = jnp.concatenate([_cholesky, jnp.ones((pad, 3), jnp.float32)]).T
    fdc_t = jnp.concatenate([_features_dc, jnp.zeros((pad, 3), jnp.float32)]).T
    op_t = jnp.concatenate([_opacity, jnp.zeros((pad, 1), jnp.float32)]).T

    pt = _project(xyz_t, chol_t, fdc_t, op_t)

    dummy = jnp.zeros((8, PW), jnp.float32)
    dummy = dummy.at[:, 0].set(1e9).at[:, 1].set(1e9)
    dummy = dummy.at[:, 2].set(0.5).at[:, 4].set(0.5)
    tbl = jnp.concatenate([pt[:PW].T, dummy], axis=0)

    tp, cnts = _make_bin_kernel()(pt, tbl)
    out = _raster(tp, cnts)

    img = out.reshape(TGY, TGX, 3, TS, TS)
    img = img.transpose(2, 0, 3, 1, 4).reshape(1, 3, H, W)
    return img

# --- scband reference (transcript-rebuilt; emitter-appended) ---
"""Pipeline reference for scband-gaussian-image-cholesky-15917148799694 (READ-ONLY COPY).

The authoritative reference and input builder live on the scoring server;
editing this copy changes nothing except your own understanding.
"""

import jax, jax.numpy as jnp
import numpy as np

N = 20000
H = 256
W = 256
CHUNK = 1024

def setup_inputs(seed: int = 0):
    key = jax.random.key(seed)
    k1, k2, k3, k4 = jax.random.split(key, 4)
    u = jax.random.uniform(k1, (N, 2), dtype=jnp.float32)
    _xyz = jnp.arctanh(jnp.clip(2.0 * (u - 0.5), -0.999, 0.999))
    _cholesky = jax.random.uniform(k2, (N, 3), dtype=jnp.float32)
    _opacity = jnp.ones((N, 1), dtype=jnp.float32)
    _features_dc = jax.random.uniform(k4, (N, 3), dtype=jnp.float32)
    background = jnp.ones((3,), dtype=jnp.float32)
    return {"_xyz": _xyz, "_cholesky": _cholesky, "_opacity": _opacity, "_features_dc": _features_dc, "background": background}

def reference(_xyz, _cholesky, _opacity, _features_dc, background):
    # project_gaussians_2d: tanh-bounded means -> pixel coords; cholesky -> conic (inverse 2x2 covariance)
    cholesky_bound = jnp.array([0.5, 0.0, 0.5], dtype=jnp.float32)
    means = jnp.tanh(_xyz)
    chol = _cholesky + cholesky_bound
    xys = 0.5 * (means + 1.0) * jnp.array([float(W), float(H)], dtype=jnp.float32)
    l1, l2, l3 = chol[:, 0], chol[:, 1], chol[:, 2]
    # Sigma = L L^T with L = [[l1, 0], [l2, l3]]
    a = l1 * l1
    b = l1 * l2
    c = l2 * l2 + l3 * l3
    det = a * c - b * b
    inv_det = 1.0 / det
    cA = c * inv_det
    cB = -b * inv_det
    cC = a * inv_det
    # rasterize_gaussians_sum: out(p) = sum_i feat_i * opac_i * exp(-0.5 d^T conic d)
    colors = _features_dc * _opacity
    px = jnp.arange(W, dtype=jnp.float32) + 0.5
    py = jnp.arange(H, dtype=jnp.float32) + 0.5
    gx, gy = jnp.meshgrid(px, py, indexing="xy")
    grid = jnp.stack([gx.reshape(-1), gy.reshape(-1)], axis=-1)
    chunks = grid.reshape(-1, CHUNK, 2)
    def chunk_fn(pix):
        dx = pix[:, 0:1] - xys[None, :, 0]
        dy = pix[:, 1:2] - xys[None, :, 1]
        sigma = 0.5 * (cA[None, :] * dx * dx + cC[None, :] * dy * dy) + cB[None, :] * dx * dy
        alpha = jnp.where(sigma >= 0.0, jnp.exp(-sigma), 0.0)
        return alpha @ colors
    out = jax.lax.map(chunk_fn, chunks).reshape(H * W, 3)
    out = jnp.clip(out, 0.0, 1.0)
    img = out.reshape(1, H, W, 3).transpose(0, 3, 1, 2)
    return img

if __name__ == "__main__":
    import jax
    _d = setup_inputs()
    print(jax.jit(kernel)(*tuple(_d.values())))

</pallas_src>

<mosaic_0001>
#map = affine_map<(d0, d1) -> (0, 0)>
#map1 = affine_map<(d0, d1) -> (0, 0, 0)>
#map2 = affine_map<(d0, d1) -> (0)>
module attributes {stable_mosaic.version = 14 : i64} {
  func.func @_bin_kernel(%arg0: i32, %arg1: i32, %arg2: memref<16x20480xf32, #tpu.memory_space<hbm>>, %arg3: memref<20488x8xf32, #tpu.memory_space<hbm>>, %arg4: memref<256x448x8xf32, #tpu.memory_space<hbm>>, %arg5: memref<256xi32, #tpu.memory_space<hbm>>, %arg6: memref<20480xf32, #tpu.memory_space<vmem>>, %arg7: memref<20480xf32, #tpu.memory_space<vmem>>, %arg8: memref<20480xf32, #tpu.memory_space<vmem>>, %arg9: memref<3104xi32, #tpu.memory_space<vmem>>, %arg10: memref<2x2048xi32, #tpu.memory_space<vmem>>, %arg11: memref<8x448x8xf32, #tpu.memory_space<vmem>>, %arg12: memref<16xi32, #tpu.memory_space<vmem>>, %arg13: memref<!tpu.dma_semaphore, #tpu.memory_space<semaphore_mem>>) attributes {dimension_semantics = [#tpu.dimension_semantics<core_parallel>, #tpu.dimension_semantics<subcore_parallel>], iteration_bounds = array<i64: 2, 16>, scalar_prefetch = 0 : i64, scratch_operands = 8 : i64, tpu.core_type = #tpu.core_type<sc_vector_subcore>, window_params = [{transform_indices = #map}, {transform_indices = #map}, {transform_indices = #map1}, {transform_indices = #map2}]} {
    %mul3A = arith.constant 2 : i32
    %mul3A_0 = arith.muli %arg1, %mul3A : i32
    %add3A = arith.addi %mul3A_0, %arg0 : i32
    %jit3A = arith.constant 2 : i32
    %div3A = arith.divsi %add3A, %jit3A : i32
    %sign3A = arith.constant 0 : i32
    %sign3A_1 = arith.cmpi sgt, %add3A, %sign3A : i32
    %sign3A_2 = arith.extui %sign3A_1 : i1 to i32
    %sign3A_3 = arith.constant 0 : i32
    %sign3A_4 = arith.cmpi slt, %add3A, %sign3A_3 : i32
    %sign3A_5 = arith.extui %sign3A_4 : i1 to i32
    %sign3A_6 = arith.subi %sign3A_2, %sign3A_5 : i32
    %sign3A_7 = arith.constant 0 : i32
    %sign3A_8 = arith.cmpi sgt, %jit3A, %sign3A_7 : i32
    %sign3A_9 = arith.extui %sign3A_8 : i1 to i32
    %sign3A_10 = arith.constant 0 : i32
    %sign3A_11 = arith.cmpi slt, %jit3A, %sign3A_10 : i32
    %sign3A_12 = arith.extui %sign3A_11 : i1 to i32
    %sign3A_13 = arith.subi %sign3A_9, %sign3A_12 : i32
    %ne3A = arith.cmpi ne, %sign3A_6, %sign3A_13 : i32
    %rem3A = arith.remsi %add3A, %jit3A : i32
    %ne3A_14 = arith.constant 0 : i32
    %ne3A_15 = arith.cmpi ne, %rem3A, %ne3A_14 : i32
    %and3A = arith.andi %ne3A, %ne3A_15 : i1
    %sub3A = arith.constant 1 : i32
    %sub3A_16 = arith.subi %div3A, %sub3A : i32
    %select_n3A = arith.select %and3A, %sub3A_16, %div3A : i32
    %jit3A_17 = arith.constant 2 : i32
    %eq3A = arith.constant 0 : i32
    %eq3A_18 = arith.cmpi eq, %jit3A_17, %eq3A : i32
    %jit3A_19 = arith.constant 1 : i32
    %select_n3A_20 = arith.select %eq3A_18, %jit3A_19, %jit3A_17 : i32
    %rem3A_21 = arith.remsi %add3A, %select_n3A_20 : i32
    %ne3A_22 = arith.constant 0 : i32
    %ne3A_23 = arith.cmpi ne, %rem3A_21, %ne3A_22 : i32
    %lt3A = arith.constant 0 : i32
    %lt3A_24 = arith.cmpi slt, %rem3A_21, %lt3A : i32
    %lt3A_25 = arith.constant 0 : i32
    %lt3A_26 = arith.cmpi slt, %select_n3A_20, %lt3A_25 : i32
    %ne3A_27 = arith.xori %lt3A_24, %lt3A_26 : i1
    %and3A_28 = arith.andi %ne3A_27, %ne3A_23 : i1
    %add3A_29 = arith.addi %rem3A_21, %select_n3A_20 : i32
    %select_n3A_30 = arith.select %and3A_28, %add3A_29, %rem3A_21 : i32
    %run_scoped3A = arith.constant 0 : i32
    "tpu.trace_start"() <{level = 10 : i32, message = "bin_in_copies"}> : () -> ()
    "tpu.region"() ({
      %run_scoped3A_1731 = tpu.sem_alloc : memref<!tpu.dma_semaphore, #tpu.memory_space<semaphore_mem>>
      %dma_start3A_1732 = arith.constant 0 : i32
      %dma_start3A_1733 = tpu.memref_slice %arg2[%run_scoped3A, %dma_start3A_1732] : memref<16x20480xf32, #tpu.memory_space<hbm>> -> memref<1x20480xf32, #tpu.memory_space<hbm>>
      %dma_start3A_1734 = tpu.memref_squeeze %dma_start3A_1733 : memref<1x20480xf32, #tpu.memory_space<hbm>> -> memref<20480xf32, #tpu.memory_space<hbm>>
      %dma_start3A_1735 = arith.constant 0 : i32
      %dma_start3A_1736 = tpu.memref_slice %arg2[%run_scoped3A, %dma_start3A_1735] : memref<16x20480xf32, #tpu.memory_space<hbm>> -> memref<1x20480xf32, #tpu.memory_space<hbm>>
      %dma_start3A_1737 = tpu.memref_squeeze %dma_start3A_1736 : memref<1x20480xf32, #tpu.memory_space<hbm>> -> memref<20480xf32, #tpu.memory_space<hbm>>
      tpu.enqueue_dma source(%dma_start3A_1737 : memref<20480xf32, #tpu.memory_space<hbm>>) target(%arg6 : memref<20480xf32, #tpu.memory_space<vmem>>) target_semaphore(%run_scoped3A_1731 : memref<!tpu.dma_semaphore, #tpu.memory_space<semaphore_mem>>)
      %dma_wait3A_1738 = arith.constant 0 : i32
      %dma_wait3A_1739 = tpu.memref_slice %arg2[%run_scoped3A, %dma_wait3A_1738] : memref<16x20480xf32, #tpu.memory_space<hbm>> -> memref<1x20480xf32, #tpu.memory_space<hbm>>
      %dma_wait3A_1740 = tpu.memref_squeeze %dma_wait3A_1739 : memref<1x20480xf32, #tpu.memory_space<hbm>> -> memref<20480xf32, #tpu.memory_space<hbm>>
      %dma_wait3A_1741 = arith.constant 0 : i32
      %dma_wait3A_1742 = tpu.memref_slice %arg2[%run_scoped3A, %dma_wait3A_1741] : memref<16x20480xf32, #tpu.memory_space<hbm>> -> memref<1x20480xf32, #tpu.memory_space<hbm>>
      %dma_wait3A_1743 = tpu.memref_squeeze %dma_wait3A_1742 : memref<1x20480xf32, #tpu.memory_space<hbm>> -> memref<20480xf32, #tpu.memory_space<hbm>>
      tpu.wait_dma2 semaphore(%run_scoped3A_1731 : memref<!tpu.dma_semaphore, #tpu.memory_space<semaphore_mem>>) src(%dma_wait3A_1743 : memref<20480xf32, #tpu.memory_space<hbm>>) dst(%arg6 : memref<20480xf32, #tpu.memory_space<vmem>>)
      tpu.yield
    }) : () -> ()
    %run_scoped3A_31 = arith.constant 1 : i32
    "tpu.region"() ({
      %run_scoped3A_1731 = tpu.sem_alloc : memref<!tpu.dma_semaphore, #tpu.memory_space<semaphore_mem>>
      %dma_start3A_1732 = arith.constant 0 : i32
      %dma_start3A_1733 = tpu.memref_slice %arg2[%run_scoped3A_31, %dma_start3A_1732] : memref<16x20480xf32, #tpu.memory_space<hbm>> -> memref<1x20480xf32, #tpu.memory_space<hbm>>
      %dma_start3A_1734 = tpu.memref_squeeze %dma_start3A_1733 : memref<1x20480xf32, #tpu.memory_space<hbm>> -> memref<20480xf32, #tpu.memory_space<hbm>>
      %dma_start3A_1735 = arith.constant 0 : i32
      %dma_start3A_1736 = tpu.memref_slice %arg2[%run_scoped3A_31, %dma_start3A_1735] : memref<16x20480xf32, #tpu.memory_space<hbm>> -> memref<1x20480xf32, #tpu.memory_space<hbm>>
      %dma_start3A_1737 = tpu.memref_squeeze %dma_start3A_1736 : memref<1x20480xf32, #tpu.memory_space<hbm>> -> memref<20480xf32, #tpu.memory_space<hbm>>
      tpu.enqueue_dma source(%dma_start3A_1737 : memref<20480xf32, #tpu.memory_space<hbm>>) target(%arg7 : memref<20480xf32, #tpu.memory_space<vmem>>) target_semaphore(%run_scoped3A_1731 : memref<!tpu.dma_semaphore, #tpu.memory_space<semaphore_mem>>)
      %dma_wait3A_1738 = arith.constant 0 : i32
      %dma_wait3A_1739 = tpu.memref_slice %arg2[%run_scoped3A_31, %dma_wait3A_1738] : memref<16x20480xf32, #tpu.memory_space<hbm>> -> memref<1x20480xf32, #tpu.memory_space<hbm>>
      %dma_wait3A_1740 = tpu.memref_squeeze %dma_wait3A_1739 : memref<1x20480xf32, #tpu.memory_space<hbm>> -> memref<20480xf32, #tpu.memory_space<hbm>>
      %dma_wait3A_1741 = arith.constant 0 : i32
      %dma_wait3A_1742 = tpu.memref_slice %arg2[%run_scoped3A_31, %dma_wait3A_1741] : memref<16x20480xf32, #tpu.memory_space<hbm>> -> memref<1x20480xf32, #tpu.memory_space<hbm>>
      %dma_wait3A_1743 = tpu.memref_squeeze %dma_wait3A_1742 : memref<1x20480xf32, #tpu.memory_space<hbm>> -> memref<20480xf32, #tpu.memory_space<hbm>>
      tpu.wait_dma2 semaphore(%run_scoped3A_1731 : memref<!tpu.dma_semaphore, #tpu.memory_space<semaphore_mem>>) src(%dma_wait3A_1743 : memref<20480xf32, #tpu.memory_space<hbm>>) dst(%arg7 : memref<20480xf32, #tpu.memory_space<vmem>>)
      tpu.yield
    }) : () -> ()
    %run_scoped3A_32 = arith.constant 8 : i32
    "tpu.region"() ({
      %run_scoped3A_1731 = tpu.sem_alloc : memref<!tpu.dma_semaphore, #tpu.memory_space<semaphore_mem>>
      %dma_start3A_1732 = arith.constant 0 : i32
      %dma_start3A_1733 = tpu.memref_slice %arg2[%run_scoped3A_32, %dma_start3A_1732] : memref<16x20480xf32, #tpu.memory_space<hbm>> -> memref<1x20480xf32, #tpu.memory_space<hbm>>
      %dma_start3A_1734 = tpu.memref_squeeze %dma_start3A_1733 : memref<1x20480xf32, #tpu.memory_space<hbm>> -> memref<20480xf32, #tpu.memory_space<hbm>>
      %dma_start3A_1735 = arith.constant 0 : i32
      %dma_start3A_1736 = tpu.memref_slice %arg2[%run_scoped3A_32, %dma_start3A_1735] : memref<16x20480xf32, #tpu.memory_space<hbm>> -> memref<1x20480xf32, #tpu.memory_space<hbm>>
      %dma_start3A_1737 = tpu.memref_squeeze %dma_start3A_1736 : memref<1x20480xf32, #tpu.memory_space<hbm>> -> memref<20480xf32, #tpu.memory_space<hbm>>
      tpu.enqueue_dma source(%dma_start3A_1737 : memref<20480xf32, #tpu.memory_space<hbm>>) target(%arg8 : memref<20480xf32, #tpu.memory_space<vmem>>) target_semaphore(%run_scoped3A_1731 : memref<!tpu.dma_semaphore, #tpu.memory_space<semaphore_mem>>)
      %dma_wait3A_1738 = arith.constant 0 : i32
      %dma_wait3A_1739 = tpu.memref_slice %arg2[%run_scoped3A_32, %dma_wait3A_1738] : memref<16x20480xf32, #tpu.memory_space<hbm>> -> memref<1x20480xf32, #tpu.memory_space<hbm>>
      %dma_wait3A_1740 = tpu.memref_squeeze %dma_wait3A_1739 : memref<1x20480xf32, #tpu.memory_space<hbm>> -> memref<20480xf32, #tpu.memory_space<hbm>>
      %dma_wait3A_1741 = arith.constant 0 : i32
      %dma_wait3A_1742 = tpu.memref_slice %arg2[%run_scoped3A_32, %dma_wait3A_1741] : memref<16x20480xf32, #tpu.memory_space<hbm>> -> memref<1x20480xf32, #tpu.memory_space<hbm>>
      %dma_wait3A_1743 = tpu.memref_squeeze %dma_wait3A_1742 : memref<1x20480xf32, #tpu.memory_space<hbm>> -> memref<20480xf32, #tpu.memory_space<hbm>>
      tpu.wait_dma2 semaphore(%run_scoped3A_1731 : memref<!tpu.dma_semaphore, #tpu.memory_space<semaphore_mem>>) src(%dma_wait3A_1743 : memref<20480xf32, #tpu.memory_space<hbm>>) dst(%arg8 : memref<20480xf32, #tpu.memory_space<vmem>>)
      tpu.yield
    }) : () -> ()
    "tpu.trace_stop"() : () -> ()
    %convert_element_type3A = arith.sitofp %select_n3A : i32 to f32
    %mul3A_33 = arith.constant 1.600000e+01 : f32
    %mul3A_34 = arith.mulf %convert_element_type3A, %mul3A_33 : f32
    %add3A_35 = arith.constant 5.000000e-01 : f32
    %add3A_36 = arith.addf %mul3A_34, %add3A_35 : f32
    %add3A_37 = arith.constant 1.500000e+01 : f32
    %add3A_38 = arith.addf %add3A_36, %add3A_37 : f32
    %broadcast_in_dim3A = arith.constant 15 : i32
    %broadcast_in_dim3A_39 = vector.broadcast %broadcast_in_dim3A : i32 to vector<16xi32>
    %broadcast_in_dim3A_40 = arith.constant 0 : i32
    "tpu.trace_start"() <{level = 10 : i32, message = "bin_p1"}> : () -> ()
    %broadcast_in_dim3A_41 = vector.broadcast %broadcast_in_dim3A_40 : i32 to vector<16xi32>
    %scan3A = arith.constant 0 : i32
    %scan3A_42 = arith.constant 1280 : i32
    %scan3A_43 = arith.addi %scan3A, %scan3A_42 : i32
    %scan3A_44 = arith.constant 1 : i32
    %scan3A_45 = scf.for %scan3A_1731 = %scan3A to %scan3A_43 step %scan3A_44 iter_args(%scan3A_1732 = %broadcast_in_dim3A_41) -> (vector<16xi32>)  : i32 {
      %mul3A_1733 = arith.constant 16 : i32
      %mul3A_1734 = arith.muli %scan3A_1731, %mul3A_1733 : i32
      %get3A = arith.index_cast %mul3A_1734 : i32 to index
      %get3A_1735 = tpu.vector_load %arg7[%get3A] {strides = array<i32>} : memref<20480xf32, #tpu.memory_space<vmem>>, vector<16xf32>,
      %mul3A_1736 = arith.constant 16 : i32
      %mul3A_1737 = arith.muli %scan3A_1731, %mul3A_1736 : i32
      %get3A_1738 = arith.index_cast %mul3A_1737 : i32 to index
      %get3A_1739 = tpu.vector_load %arg8[%get3A_1738] {strides = array<i32>} : memref<20480xf32, #tpu.memory_space<vmem>>, vector<16xf32>,
      %sub3A_1740 = vector.broadcast %add3A_36 : f32 to vector<16xf32>
      %sub3A_1741 = arith.subf %sub3A_1740, %get3A_1735 : vector<16xf32>
      %sub3A_1742 = vector.broadcast %add3A_38 : f32 to vector<16xf32>
      %sub3A_1743 = arith.subf %get3A_1735, %sub3A_1742 : vector<16xf32>
      %max3A = arith.maximumf %sub3A_1741, %sub3A_1743 : vector<16xf32>
      %max3A_1744 = arith.constant 0.000000e+00 : f32
      %max3A_1745 = vector.broadcast %max3A_1744 : f32 to vector<16xf32>
      %max3A_1746 = arith.maximumf %max3A, %max3A_1745 : vector<16xf32>
      %mul3A_1747 = arith.mulf %max3A_1746, %max3A_1746 : vector<16xf32>
      %le3A = arith.cmpf ole, %mul3A_1747, %get3A_1739 : vector<16xf32>
      %jit3A_1748 = arith.constant 1 : i32
      %jit3A_1749 = arith.constant 0 : i32
      %broadcast_in_dim3A_1750 = vector.broadcast %jit3A_1748 : i32 to vector<16xi32>
      %broadcast_in_dim3A_1751 = vector.broadcast %jit3A_1749 : i32 to vector<16xi32>
      %select_n3A_1752 = arith.select %le3A, %broadcast_in_dim3A_1750, %broadcast_in_dim3A_1751 : vector<16xi1>, vector<16xi32>
      %iota3A_1753 = tpu.iota {dimensions = array<i32: 0>} : vector<16xi32>
      %sub3A_1754 = arith.constant 1 : i32
      %sub3A_1755 = vector.broadcast %sub3A_1754 : i32 to vector<16xi32>
      %sub3A_1756 = arith.subi %iota3A_1753, %sub3A_1755 : vector<16xi32>
      %max3A_1757 = arith.constant 0 : i32
      %max3A_1758 = vector.broadcast %max3A_1757 : i32 to vector<16xi32>
      %max3A_1759 = arith.maxsi %sub3A_1756, %max3A_1758 : vector<16xi32>
      %broadcast_in_dim3A_1760 = vector.shape_cast %max3A_1759 : vector<16xi32> to vector<16x1xi32>
      %gather3A = vector.shape_cast %broadcast_in_dim3A_1760 : vector<16x1xi32> to vector<16xi32>
      %gather3A_1761 = tpu.dynamic_gather %select_n3A_1752[%gather3A] in [0] : vector<16xi32>, vector<16xi32> -> vector<16xi32>
      %ge3A = arith.constant 1 : i32
      %ge3A_1762 = vector.broadcast %ge3A : i32 to vector<16xi32>
      %ge3A_1763 = arith.cmpi sge, %iota3A_1753, %ge3A_1762 : vector<16xi32>
      %jit3A_1764 = arith.constant 0 : i32
      %broadcast_in_dim3A_1765 = vector.broadcast %jit3A_1764 : i32 to vector<16xi32>
      %select_n3A_1766 = arith.select %ge3A_1763, %gather3A_1761, %broadcast_in_dim3A_1765 : vector<16xi1>, vector<16xi32>
      %add3A_1767 = arith.addi %select_n3A_1752, %select_n3A_1766 : vector<16xi32>
      %sub3A_1768 = arith.constant 2 : i32
      %sub3A_1769 = vector.broadcast %sub3A_1768 : i32 to vector<16xi32>
      %sub3A_1770 = arith.subi %iota3A_1753, %sub3A_1769 : vector<16xi32>
      %max3A_1771 = arith.constant 0 : i32
      %max3A_1772 = vector.broadcast %max3A_1771 : i32 to vector<16xi32>
      %max3A_1773 = arith.maxsi %sub3A_1770, %max3A_1772 : vector<16xi32>
      %broadcast_in_dim3A_1774 = vector.shape_cast %max3A_1773 : vector<16xi32> to vector<16x1xi32>
      %gather3A_1775 = vector.shape_cast %broadcast_in_dim3A_1774 : vector<16x1xi32> to vector<16xi32>
      %gather3A_1776 = tpu.dynamic_gather %add3A_1767[%gather3A_1775] in [0] : vector<16xi32>, vector<16xi32> -> vector<16xi32>
      %ge3A_1777 = arith.constant 2 : i32
      %ge3A_1778 = vector.broadcast %ge3A_1777 : i32 to vector<16xi32>
      %ge3A_1779 = arith.cmpi sge, %iota3A_1753, %ge3A_1778 : vector<16xi32>
      %jit3A_1780 = arith.constant 0 : i32
      %broadcast_in_dim3A_1781 = vector.broadcast %jit3A_1780 : i32 to vector<16xi32>
      %select_n3A_1782 = arith.select %ge3A_1779, %gather3A_1776, %broadcast_in_dim3A_1781 : vector<16xi1>, vector<16xi32>
      %add3A_1783 = arith.addi %add3A_1767, %select_n3A_1782 : vector<16xi32>
      %sub3A_1784 = arith.constant 4 : i32
      %sub3A_1785 = vector.broadcast %sub3A_1784 : i32 to vector<16xi32>
      %sub3A_1786 = arith.subi %iota3A_1753, %sub3A_1785 : vector<16xi32>
      %max3A_1787 = arith.constant 0 : i32
      %max3A_1788 = vector.broadcast %max3A_1787 : i32 to vector<16xi32>
      %max3A_1789 = arith.maxsi %sub3A_1786, %max3A_1788 : vector<16xi32>
      %broadcast_in_dim3A_1790 = vector.shape_cast %max3A_1789 : vector<16xi32> to vector<16x1xi32>
      %gather3A_1791 = vector.shape_cast %broadcast_in_dim3A_1790 : vector<16x1xi32> to vector<16xi32>
      %gather3A_1792 = tpu.dynamic_gather %add3A_1783[%gather3A_1791] in [0] : vector<16xi32>, vector<16xi32> -> vector<16xi32>
      %ge3A_1793 = arith.constant 4 : i32
      %ge3A_1794 = vector.broadcast %ge3A_1793 : i32 to vector<16xi32>
      %ge3A_1795 = arith.cmpi sge, %iota3A_1753, %ge3A_1794 : vector<16xi32>
      %jit3A_1796 = arith.constant 0 : i32
      %broadcast_in_dim3A_1797 = vector.broadcast %jit3A_1796 : i32 to vector<16xi32>
      %select_n3A_1798 = arith.select %ge3A_1795, %gather3A_1792, %broadcast_in_dim3A_1797 : vector<16xi1>, vector<16xi32>
      %add3A_1799 = arith.addi %add3A_1783, %select_n3A_1798 : vector<16xi32>
      %sub3A_1800 = arith.constant 8 : i32
      %sub3A_1801 = vector.broadcast %sub3A_1800 : i32 to vector<16xi32>
      %sub3A_1802 = arith.subi %iota3A_1753, %sub3A_1801 : vector<16xi32>
      %max3A_1803 = arith.constant 0 : i32
      %max3A_1804 = vector.broadcast %max3A_1803 : i32 to vector<16xi32>
      %max3A_1805 = arith.maxsi %sub3A_1802, %max3A_1804 : vector<16xi32>
      %broadcast_in_dim3A_1806 = vector.shape_cast %max3A_1805 : vector<16xi32> to vector<16x1xi32>
      %gather3A_1807 = vector.shape_cast %broadcast_in_dim3A_1806 : vector<16x1xi32> to vector<16xi32>
      %gather3A_1808 = tpu.dynamic_gather %add3A_1799[%gather3A_1807] in [0] : vector<16xi32>, vector<16xi32> -> vector<16xi32>
      %ge3A_1809 = arith.constant 8 : i32
      %ge3A_1810 = vector.broadcast %ge3A_1809 : i32 to vector<16xi32>
      %ge3A_1811 = arith.cmpi sge, %iota3A_1753, %ge3A_1810 : vector<16xi32>
      %jit3A_1812 = arith.constant 0 : i32
      %broadcast_in_dim3A_1813 = vector.broadcast %jit3A_1812 : i32 to vector<16xi32>
      %select_n3A_1814 = arith.select %ge3A_1811, %gather3A_1808, %broadcast_in_dim3A_1813 : vector<16xi1>, vector<16xi32>
      %add3A_1815 = arith.addi %add3A_1799, %select_n3A_1814 : vector<16xi32>
      %add3A_1816 = arith.addi %scan3A_1732, %add3A_1815 : vector<16xi32>
      %sub3A_1817 = arith.constant 1 : i32
      %sub3A_1818 = vector.broadcast %sub3A_1817 : i32 to vector<16xi32>
      %sub3A_1819 = arith.subi %add3A_1816, %sub3A_1818 : vector<16xi32>
      %mul3A_1820 = arith.constant 16 : i32
      %mul3A_1821 = arith.muli %scan3A_1731, %mul3A_1820 : i32
      %iota3A_1822 = tpu.iota {dimensions = array<i32: 0>} : vector<16xi32>
      %add3A_1823 = vector.broadcast %mul3A_1821 : i32 to vector<16xi32>
      %add3A_1824 = arith.addi %add3A_1823, %iota3A_1822 : vector<16xi32>
      tpu.vector_store_idx %arg9[%sub3A_1819], %add3A_1824 masked %le3A : memref<3104xi32, #tpu.memory_space<vmem>>[vector<16xi32>], vector<16xi32>, vector<16xi1>
      %broadcast_in_dim3A_1825 = vector.shape_cast %broadcast_in_dim3A_39 : vector<16xi32> to vector<16x1xi32>
      %gather3A_1826 = vector.shape_cast %broadcast_in_dim3A_1825 : vector<16x1xi32> to vector<16xi32>
      %gather3A_1827 = tpu.dynamic_gather %add3A_1815[%gather3A_1826] in [0] : vector<16xi32>, vector<16xi32> -> vector<16xi32>
      %add3A_1828 = arith.addi %scan3A_1732, %gather3A_1827 : vector<16xi32>
      scf.yield %add3A_1828 : vector<16xi32>
    }
    %scan3A_46 = arith.constant 1280 : i32
    "tpu.trace_stop"() : () -> ()
    %iota3A = tpu.iota {dimensions = array<i32: 0>} : vector<16xi32>
    %add3A_47 = arith.addi %scan3A_45, %iota3A : vector<16xi32>
    %broadcast_in_dim3A_48 = arith.constant 20479 : i32
    %broadcast_in_dim3A_49 = vector.broadcast %broadcast_in_dim3A_48 : i32 to vector<16xi32>
    tpu.vector_store_idx %arg9[%add3A_47], %broadcast_in_dim3A_49 : memref<3104xi32, #tpu.memory_space<vmem>>[vector<16xi32>], vector<16xi32>,
    %reduce_sum3A = arith.constant true
    %reduce_sum3A_50 = vector.broadcast %reduce_sum3A : i1 to vector<16xi1>
    %reduce_sum3A_51 = tpu.scan <sum>, %scan3A_45 masked %reduce_sum3A_50 : vector<16xi32>, vector<16xi1> -> vector<16xi32>
    %reduce_sum3A_52 = vector.extract %reduce_sum3A_51[15] : i32 from vector<16xi32>
    %jit3A_53 = arith.constant 16 : i32
    %div3A_54 = arith.divsi %reduce_sum3A_52, %jit3A_53 : i32
    %sign3A_55 = arith.constant 0 : i32
    %sign3A_56 = arith.cmpi sgt, %reduce_sum3A_52, %sign3A_55 : i32
    %sign3A_57 = arith.extui %sign3A_56 : i1 to i32
    %sign3A_58 = arith.constant 0 : i32
    %sign3A_59 = arith.cmpi slt, %reduce_sum3A_52, %sign3A_58 : i32
    %sign3A_60 = arith.extui %sign3A_59 : i1 to i32
    %sign3A_61 = arith.subi %sign3A_57, %sign3A_60 : i32
    %sign3A_62 = arith.constant 0 : i32
    %sign3A_63 = arith.cmpi sgt, %jit3A_53, %sign3A_62 : i32
    %sign3A_64 = arith.extui %sign3A_63 : i1 to i32
    %sign3A_65 = arith.constant 0 : i32
    %sign3A_66 = arith.cmpi slt, %jit3A_53, %sign3A_65 : i32
    %sign3A_67 = arith.extui %sign3A_66 : i1 to i32
    %sign3A_68 = arith.subi %sign3A_64, %sign3A_67 : i32
    %ne3A_69 = arith.cmpi ne, %sign3A_61, %sign3A_68 : i32
    %rem3A_70 = arith.remsi %reduce_sum3A_52, %jit3A_53 : i32
    %ne3A_71 = arith.constant 0 : i32
    %ne3A_72 = arith.cmpi ne, %rem3A_70, %ne3A_71 : i32
    %and3A_73 = arith.andi %ne3A_69, %ne3A_72 : i1
    %sub3A_74 = arith.constant 1 : i32
    %sub3A_75 = arith.subi %div3A_54, %sub3A_74 : i32
    %select_n3A_76 = arith.select %and3A_73, %sub3A_75, %div3A_54 : i32
    %add3A_77 = arith.constant 15 : i32
    %add3A_78 = arith.addi %select_n3A_76, %add3A_77 : i32
    %jit3A_79 = arith.constant 16 : i32
    %div3A_80 = arith.divsi %add3A_78, %jit3A_79 : i32
    %sign3A_81 = arith.constant 0 : i32
    %sign3A_82 = arith.cmpi sgt, %add3A_78, %sign3A_81 : i32
    %sign3A_83 = arith.extui %sign3A_82 : i1 to i32
    %sign3A_84 = arith.constant 0 : i32
    %sign3A_85 = arith.cmpi slt, %add3A_78, %sign3A_84 : i32
    %sign3A_86 = arith.extui %sign3A_85 : i1 to i32
    %sign3A_87 = arith.subi %sign3A_83, %sign3A_86 : i32
    %sign3A_88 = arith.constant 0 : i32
    %sign3A_89 = arith.cmpi sgt, %jit3A_79, %sign3A_88 : i32
    %sign3A_90 = arith.extui %sign3A_89 : i1 to i32
    %sign3A_91 = arith.constant 0 : i32
    %sign3A_92 = arith.cmpi slt, %jit3A_79, %sign3A_91 : i32
    %sign3A_93 = arith.extui %sign3A_92 : i1 to i32
    %sign3A_94 = arith.subi %sign3A_90, %sign3A_93 : i32
    %ne3A_95 = arith.cmpi ne, %sign3A_87, %sign3A_94 : i32
    %rem3A_96 = arith.remsi %add3A_78, %jit3A_79 : i32
    %ne3A_97 = arith.constant 0 : i32
    %ne3A_98 = arith.cmpi ne, %rem3A_96, %ne3A_97 : i32
    %and3A_99 = arith.andi %ne3A_95, %ne3A_98 : i1
    %sub3A_100 = arith.constant 1 : i32
    %sub3A_101 = arith.subi %div3A_80, %sub3A_100 : i32
    %select_n3A_102 = arith.select %and3A_99, %sub3A_101, %div3A_80 : i32
    %broadcast_in_dim3A_103 = arith.constant 0 : i32
    %broadcast_in_dim3A_104 = vector.broadcast %broadcast_in_dim3A_103 : i32 to vector<16xi32>
    %mul3A_105 = arith.constant 8 : i32
    %mul3A_106 = arith.muli %select_n3A_30, %mul3A_105 : i32
    %add3A_107 = arith.constant 0 : i32
    %add3A_108 = arith.addi %mul3A_106, %add3A_107 : i32
    %convert_element_type3A_109 = arith.sitofp %add3A_108 : i32 to f32
    %mul3A_110 = arith.constant 1.600000e+01 : f32
    %mul3A_111 = arith.mulf %convert_element_type3A_109, %mul3A_110 : f32
    %add3A_112 = arith.constant 5.000000e-01 : f32
    %add3A_113 = arith.addf %mul3A_111, %add3A_112 : f32
    %add3A_114 = arith.constant 1.500000e+01 : f32
    %add3A_115 = arith.addf %add3A_113, %add3A_114 : f32
    "tpu.trace_start"() <{level = 10 : i32, message = "bin_init"}> : () -> ()
    %scan3A_116 = arith.constant 0 : i32
    %scan3A_117 = arith.constant 0 : i32
    %scan3A_118 = arith.constant 0 : i32
    %scan3A_119 = arith.constant 28 : i32
    %scan3A_120 = arith.addi %scan3A_118, %scan3A_119 : i32
    %scan3A_121 = arith.constant 1 : i32
    %scan3A_122 = scf.for %scan3A_1731 = %scan3A_118 to %scan3A_120 step %scan3A_121 iter_args(%scan3A_1732 = %scan3A_117) -> (i32)  : i32 {
      %broadcast_in_dim3A_1733 = arith.constant 20480 : i32
      %broadcast_in_dim3A_1734 = vector.broadcast %broadcast_in_dim3A_1733 : i32 to vector<16xi32>
      %mul3A_1735 = arith.constant 16 : i32
      %mul3A_1736 = arith.muli %scan3A_1731, %mul3A_1735 : i32
      %swap3A_1737 = arith.constant 0 : i32
      %swap3A_1738 = tpu.memref_slice %arg10[%scan3A_116, %swap3A_1737] : memref<2x2048xi32, #tpu.memory_space<vmem>> -> memref<1x2048xi32, #tpu.memory_space<vmem>>
      %swap3A_1739 = tpu.memref_squeeze %swap3A_1738 : memref<1x2048xi32, #tpu.memory_space<vmem>> -> memref<2048xi32, #tpu.memory_space<vmem>>
      %swap3A_1740 = arith.index_cast %mul3A_1736 : i32 to index
      %swap3A_1741 = tpu.vector_load %swap3A_1739[%swap3A_1740] {strides = array<i32>} : memref<2048xi32, #tpu.memory_space<vmem>>, vector<16xi32>,
      tpu.vector_store %swap3A_1739[%swap3A_1740], %broadcast_in_dim3A_1734 {strides = array<i32>} : memref<2048xi32, #tpu.memory_space<vmem>>, vector<16xi32>,
      %scan3A_1742 = arith.constant 0 : i32
      scf.yield %scan3A_1742 : i32
    }
    %scan3A_123 = arith.constant 28 : i32
    %broadcast_in_dim3A_124 = arith.constant 0 : i32
    "tpu.trace_stop"() : () -> ()
    "tpu.trace_start"() <{level = 10 : i32, message = "bin_p2"}> : () -> ()
    %broadcast_in_dim3A_125 = vector.broadcast %broadcast_in_dim3A_124 : i32 to vector<16xi32>
    %while3A = arith.constant 0 : i32
    %while3A_126 = arith.constant 0 : i32
    %while3A_127 = arith.subi %select_n3A_102, %while3A_126 : i32
    %while3A_128 = arith.addi %while3A_126, %while3A_127 : i32
    %while3A_129 = arith.constant 1 : i32
    %while3A_130 = arith.divsi %while3A_127, %while3A_129 : i32
    %while3A_131 = arith.muli %while3A_130, %while3A_129 : i32
    %while3A_132 = arith.addi %while3A_126, %while3A_131 : i32
    %while3A_133 = arith.constant 1 : i32
    %while3A_134 = scf.for %while3A_1731 = %while3A_126 to %while3A_132 step %while3A_133 iter_args(%while3A_1732 = %broadcast_in_dim3A_125) -> (vector<16xi32>)  : i32 {
      %mul3A_1733 = arith.constant 16 : i32
      %mul3A_1734 = arith.muli %while3A_1731, %mul3A_1733 : i32
      %get3A = arith.index_cast %mul3A_1734 : i32 to index
      %get3A_1735 = tpu.vector_load %arg9[%get3A] {strides = array<i32>} : memref<3104xi32, #tpu.memory_space<vmem>>, vector<16xi32>,
      %gather3A = tpu.vector_load_idx %arg6[%get3A_1735] : memref<20480xf32, #tpu.memory_space<vmem>>[vector<16xi32>], vector<16xf32>,
      %gather3A_1736 = tpu.vector_load_idx %arg7[%get3A_1735] : memref<20480xf32, #tpu.memory_space<vmem>>[vector<16xi32>], vector<16xf32>,
      %gather3A_1737 = tpu.vector_load_idx %arg8[%get3A_1735] : memref<20480xf32, #tpu.memory_space<vmem>>[vector<16xi32>], vector<16xf32>,
      %sub3A_1738 = vector.broadcast %add3A_113 : f32 to vector<16xf32>
      %sub3A_1739 = arith.subf %sub3A_1738, %gather3A : vector<16xf32>
      %sub3A_1740 = vector.broadcast %add3A_115 : f32 to vector<16xf32>
      %sub3A_1741 = arith.subf %gather3A, %sub3A_1740 : vector<16xf32>
      %max3A = arith.maximumf %sub3A_1739, %sub3A_1741 : vector<16xf32>
      %max3A_1742 = arith.constant 0.000000e+00 : f32
      %max3A_1743 = vector.broadcast %max3A_1742 : f32 to vector<16xf32>
      %max3A_1744 = arith.maximumf %max3A, %max3A_1743 : vector<16xf32>
      %sub3A_1745 = vector.broadcast %add3A_36 : f32 to vector<16xf32>
      %sub3A_1746 = arith.subf %sub3A_1745, %gather3A_1736 : vector<16xf32>
      %sub3A_1747 = vector.broadcast %add3A_38 : f32 to vector<16xf32>
      %sub3A_1748 = arith.subf %gather3A_1736, %sub3A_1747 : vector<16xf32>
      %max3A_1749 = arith.maximumf %sub3A_1746, %sub3A_1748 : vector<16xf32>
      %max3A_1750 = arith.constant 0.000000e+00 : f32
      %max3A_1751 = vector.broadcast %max3A_1750 : f32 to vector<16xf32>
      %max3A_1752 = arith.maximumf %max3A_1749, %max3A_1751 : vector<16xf32>
      %mul3A_1753 = arith.mulf %max3A_1744, %max3A_1744 : vector<16xf32>
      %mul3A_1754 = arith.mulf %max3A_1752, %max3A_1752 : vector<16xf32>
      %add3A_1755 = arith.addf %mul3A_1753, %mul3A_1754 : vector<16xf32>
      %le3A = arith.cmpf ole, %add3A_1755, %gather3A_1737 : vector<16xf32>
      %jit3A_1756 = arith.constant 1 : i32
      %jit3A_1757 = arith.constant 0 : i32
      %broadcast_in_dim3A_1758 = vector.broadcast %jit3A_1756 : i32 to vector<16xi32>
      %broadcast_in_dim3A_1759 = vector.broadcast %jit3A_1757 : i32 to vector<16xi32>
      %select_n3A_1760 = arith.select %le3A, %broadcast_in_dim3A_1758, %broadcast_in_dim3A_1759 : vector<16xi1>, vector<16xi32>
      %iota3A_1761 = tpu.iota {dimensions = array<i32: 0>} : vector<16xi32>
      %sub3A_1762 = arith.constant 1 : i32
      %sub3A_1763 = vector.broadcast %sub3A_1762 : i32 to vector<16xi32>
      %sub3A_1764 = arith.subi %iota3A_1761, %sub3A_1763 : vector<16xi32>
      %max3A_1765 = arith.constant 0 : i32
      %max3A_1766 = vector.broadcast %max3A_1765 : i32 to vector<16xi32>
      %max3A_1767 = arith.maxsi %sub3A_1764, %max3A_1766 : vector<16xi32>
      %broadcast_in_dim3A_1768 = vector.shape_cast %max3A_1767 : vector<16xi32> to vector<16x1xi32>
      %gather3A_1769 = vector.shape_cast %broadcast_in_dim3A_1768 : vector<16x1xi32> to vector<16xi32>
      %gather3A_1770 = tpu.dynamic_gather %select_n3A_1760[%gather3A_1769] in [0] : vector<16xi32>, vector<16xi32> -> vector<16xi32>
      %ge3A = arith.constant 1 : i32
      %ge3A_1771 = vector.broadcast %ge3A : i32 to vector<16xi32>
      %ge3A_1772 = arith.cmpi sge, %iota3A_1761, %ge3A_1771 : vector<16xi32>
      %jit3A_1773 = arith.constant 0 : i32
      %broadcast_in_dim3A_1774 = vector.broadcast %jit3A_1773 : i32 to vector<16xi32>
      %select_n3A_1775 = arith.select %ge3A_1772, %gather3A_1770, %broadcast_in_dim3A_1774 : vector<16xi1>, vector<16xi32>
      %add3A_1776 = arith.addi %select_n3A_1760, %select_n3A_1775 : vector<16xi32>
      %sub3A_1777 = arith.constant 2 : i32
      %sub3A_1778 = vector.broadcast %sub3A_1777 : i32 to vector<16xi32>
      %sub3A_1779 = arith.subi %iota3A_1761, %sub3A_1778 : vector<16xi32>
      %max3A_1780 = arith.constant 0 : i32
      %max3A_1781 = vector.broadcast %max3A_1780 : i32 to vector<16xi32>
      %max3A_1782 = arith.maxsi %sub3A_1779, %max3A_1781 : vector<16xi32>
      %broadcast_in_dim3A_1783 = vector.shape_cast %max3A_1782 : vector<16xi32> to vector<16x1xi32>
      %gather3A_1784 = vector.shape_cast %broadcast_in_dim3A_1783 : vector<16x1xi32> to vector<16xi32>
      %gather3A_1785 = tpu.dynamic_gather %add3A_1776[%gather3A_1784] in [0] : vector<16xi32>, vector<16xi32> -> vector<16xi32>
      %ge3A_1786 = arith.constant 2 : i32
      %ge3A_1787 = vector.broadcast %ge3A_1786 : i32 to vector<16xi32>
      %ge3A_1788 = arith.cmpi sge, %iota3A_1761, %ge3A_1787 : vector<16xi32>
      %jit3A_1789 = arith.constant 0 : i32
      %broadcast_in_dim3A_1790 = vector.broadcast %jit3A_1789 : i32 to vector<16xi32>
      %select_n3A_1791 = arith.select %ge3A_1788, %gather3A_1785, %broadcast_in_dim3A_1790 : vector<16xi1>, vector<16xi32>
      %add3A_1792 = arith.addi %add3A_1776, %select_n3A_1791 : vector<16xi32>
      %sub3A_1793 = arith.constant 4 : i32
      %sub3A_1794 = vector.broadcast %sub3A_1793 : i32 to vector<16xi32>
      %sub3A_1795 = arith.subi %iota3A_1761, %sub3A_1794 : vector<16xi32>
      %max3A_1796 = arith.constant 0 : i32
      %max3A_1797 = vector.broadcast %max3A_1796 : i32 to vector<16xi32>
      %max3A_1798 = arith.maxsi %sub3A_1795, %max3A_1797 : vector<16xi32>
      %broadcast_in_dim3A_1799 = vector.shape_cast %max3A_1798 : vector<16xi32> to vector<16x1xi32>
      %gather3A_1800 = vector.shape_cast %broadcast_in_dim3A_1799 : vector<16x1xi32> to vector<16xi32>
      %gather3A_1801 = tpu.dynamic_gather %add3A_1792[%gather3A_1800] in [0] : vector<16xi32>, vector<16xi32> -> vector<16xi32>
      %ge3A_1802 = arith.constant 4 : i32
      %ge3A_1803 = vector.broadcast %ge3A_1802 : i32 to vector<16xi32>
      %ge3A_1804 = arith.cmpi sge, %iota3A_1761, %ge3A_1803 : vector<16xi32>
      %jit3A_1805 = arith.constant 0 : i32
      %broadcast_in_dim3A_1806 = vector.broadcast %jit3A_1805 : i32 to vector<16xi32>
      %select_n3A_1807 = arith.select %ge3A_1804, %gather3A_1801, %broadcast_in_dim3A_1806 : vector<16xi1>, vector<16xi32>
      %add3A_1808 = arith.addi %add3A_1792, %select_n3A_1807 : vector<16xi32>
      %sub3A_1809 = arith.constant 8 : i32
      %sub3A_1810 = vector.broadcast %sub3A_1809 : i32 to vector<16xi32>
      %sub3A_1811 = arith.subi %iota3A_1761, %sub3A_1810 : vector<16xi32>
      %max3A_1812 = arith.constant 0 : i32
      %max3A_1813 = vector.broadcast %max3A_1812 : i32 to vector<16xi32>
      %max3A_1814 = arith.maxsi %sub3A_1811, %max3A_1813 : vector<16xi32>
      %broadcast_in_dim3A_1815 = vector.shape_cast %max3A_1814 : vector<16xi32> to vector<16x1xi32>
      %gather3A_1816 = vector.shape_cast %broadcast_in_dim3A_1815 : vector<16x1xi32> to vector<16xi32>
      %gather3A_1817 = tpu.dynamic_gather %add3A_1808[%gather3A_1816] in [0] : vector<16xi32>, vector<16xi32> -> vector<16xi32>
      %ge3A_1818 = arith.constant 8 : i32
      %ge3A_1819 = vector.broadcast %ge3A_1818 : i32 to vector<16xi32>
      %ge3A_1820 = arith.cmpi sge, %iota3A_1761, %ge3A_1819 : vector<16xi32>
      %jit3A_1821 = arith.constant 0 : i32
      %broadcast_in_dim3A_1822 = vector.broadcast %jit3A_1821 : i32 to vector<16xi32>
      %select_n3A_1823 = arith.select %ge3A_1820, %gather3A_1817, %broadcast_in_dim3A_1822 : vector<16xi1>, vector<16xi32>
      %add3A_1824 = arith.addi %add3A_1808, %select_n3A_1823 : vector<16xi32>
      %add3A_1825 = arith.addi %while3A_1732, %add3A_1824 : vector<16xi32>
      %sub3A_1826 = arith.constant 1 : i32
      %sub3A_1827 = vector.broadcast %sub3A_1826 : i32 to vector<16xi32>
      %sub3A_1828 = arith.subi %add3A_1825, %sub3A_1827 : vector<16xi32>
      %scatter3A = arith.constant 0 : i32
      %scatter3A_1829 = tpu.memref_slice %arg10[%while3A, %scatter3A] : memref<2x2048xi32, #tpu.memory_space<vmem>> -> memref<1x2048xi32, #tpu.memory_space<vmem>>
      %scatter3A_1830 = tpu.memref_squeeze %scatter3A_1829 : memref<1x2048xi32, #tpu.memory_space<vmem>> -> memref<2048xi32, #tpu.memory_space<vmem>>
      tpu.vector_store_idx %scatter3A_1830[%sub3A_1828], %get3A_1735 masked %le3A : memref<2048xi32, #tpu.memory_space<vmem>>[vector<16xi32>], vector<16xi32>, vector<16xi1>
      %broadcast_in_dim3A_1831 = vector.shape_cast %broadcast_in_dim3A_39 : vector<16xi32> to vector<16x1xi32>
      %gather3A_1832 = vector.shape_cast %broadcast_in_dim3A_1831 : vector<16x1xi32> to vector<16xi32>
      %gather3A_1833 = tpu.dynamic_gather %add3A_1824[%gather3A_1832] in [0] : vector<16xi32>, vector<16xi32> -> vector<16xi32>
      %add3A_1834 = arith.addi %while3A_1732, %gather3A_1833 : vector<16xi32>
      scf.yield %add3A_1834 : vector<16xi32>
    }
    %while3A_135 = arith.constant 1 : i32
    %while3A_136 = scf.for %while3A_1731 = %while3A_132 to %while3A_128 step %while3A_135 iter_args(%while3A_1732 = %while3A_134) -> (vector<16xi32>)  : i32 {
      %mul3A_1733 = arith.constant 16 : i32
      %mul3A_1734 = arith.muli %while3A_1731, %mul3A_1733 : i32
      %get3A = arith.index_cast %mul3A_1734 : i32 to index
      %get3A_1735 = tpu.vector_load %arg9[%get3A] {strides = array<i32>} : memref<3104xi32, #tpu.memory_space<vmem>>, vector<16xi32>,
      %gather3A = tpu.vector_load_idx %arg6[%get3A_1735] : memref<20480xf32, #tpu.memory_space<vmem>>[vector<16xi32>], vector<16xf32>,
      %gather3A_1736 = tpu.vector_load_idx %arg7[%get3A_1735] : memref<20480xf32, #tpu.memory_space<vmem>>[vector<16xi32>], vector<16xf32>,
      %gather3A_1737 = tpu.vector_load_idx %arg8[%get3A_1735] : memref<20480xf32, #tpu.memory_space<vmem>>[vector<16xi32>], vector<16xf32>,
      %sub3A_1738 = vector.broadcast %add3A_113 : f32 to vector<16xf32>
      %sub3A_1739 = arith.subf %sub3A_1738, %gather3A : vector<16xf32>
      %sub3A_1740 = vector.broadcast %add3A_115 : f32 to vector<16xf32>
      %sub3A_1741 = arith.subf %gather3A, %sub3A_1740 : vector<16xf32>
      %max3A = arith.maximumf %sub3A_1739, %sub3A_1741 : vector<16xf32>
      %max3A_1742 = arith.constant 0.000000e+00 : f32
      %max3A_1743 = vector.broadcast %max3A_1742 : f32 to vector<16xf32>
      %max3A_1744 = arith.maximumf %max3A, %max3A_1743 : vector<16xf32>
      %sub3A_1745 = vector.broadcast %add3A_36 : f32 to vector<16xf32>
      %sub3A_1746 = arith.subf %sub3A_1745, %gather3A_1736 : vector<16xf32>
      %sub3A_1747 = vector.broadcast %add3A_38 : f32 to vector<16xf32>
      %sub3A_1748 = arith.subf %gather3A_1736, %sub3A_1747 : vector<16xf32>
      %max3A_1749 = arith.maximumf %sub3A_1746, %sub3A_1748 : vector<16xf32>
      %max3A_1750 = arith.constant 0.000000e+00 : f32
      %max3A_1751 = vector.broadcast %max3A_1750 : f32 to vector<16xf32>
      %max3A_1752 = arith.maximumf %max3A_1749, %max3A_1751 : vector<16xf32>
      %mul3A_1753 = arith.mulf %max3A_1744, %max3A_1744 : vector<16xf32>
      %mul3A_1754 = arith.mulf %max3A_1752, %max3A_1752 : vector<16xf32>
      %add3A_1755 = arith.addf %mul3A_1753, %mul3A_1754 : vector<16xf32>
      %le3A = arith.cmpf ole, %add3A_1755, %gather3A_1737 : vector<16xf32>
      %jit3A_1756 = arith.constant 1 : i32
      %jit3A_1757 = arith.constant 0 : i32
      %broadcast_in_dim3A_1758 = vector.broadcast %jit3A_1756 : i32 to vector<16xi32>
      %broadcast_in_dim3A_1759 = vector.broadcast %jit3A_1757 : i32 to vector<16xi32>
      %select_n3A_1760 = arith.select %le3A, %broadcast_in_dim3A_1758, %broadcast_in_dim3A_1759 : vector<16xi1>, vector<16xi32>
      %iota3A_1761 = tpu.iota {dimensions = array<i32: 0>} : vector<16xi32>
      %sub3A_1762 = arith.constant 1 : i32
      %sub3A_1763 = vector.broadcast %sub3A_1762 : i32 to vector<16xi32>
      %sub3A_1764 = arith.subi %iota3A_1761, %sub3A_1763 : vector<16xi32>
      %max3A_1765 = arith.constant 0 : i32
      %max3A_1766 = vector.broadcast %max3A_1765 : i32 to vector<16xi32>
      %max3A_1767 = arith.maxsi %sub3A_1764, %max3A_1766 : vector<16xi32>
      %broadcast_in_dim3A_1768 = vector.shape_cast %max3A_1767 : vector<16xi32> to vector<16x1xi32>
      %gather3A_1769 = vector.shape_cast %broadcast_in_dim3A_1768 : vector<16x1xi32> to vector<16xi32>
      %gather3A_1770 = tpu.dynamic_gather %select_n3A_1760[%gather3A_1769] in [0] : vector<16xi32>, vector<16xi32> -> vector<16xi32>
      %ge3A = arith.constant 1 : i32
      %ge3A_1771 = vector.broadcast %ge3A : i32 to vector<16xi32>
      %ge3A_1772 = arith.cmpi sge, %iota3A_1761, %ge3A_1771 : vector<16xi32>
      %jit3A_1773 = arith.constant 0 : i32
      %broadcast_in_dim3A_1774 = vector.broadcast %jit3A_1773 : i32 to vector<16xi32>
      %select_n3A_1775 = arith.select %ge3A_1772, %gather3A_1770, %broadcast_in_dim3A_1774 : vector<16xi1>, vector<16xi32>
      %add3A_1776 = arith.addi %select_n3A_1760, %select_n3A_1775 : vector<16xi32>
      %sub3A_1777 = arith.constant 2 : i32
      %sub3A_1778 = vector.broadcast %sub3A_1777 : i32 to vector<16xi32>
      %sub3A_1779 = arith.subi %iota3A_1761, %sub3A_1778 : vector<16xi32>
      %max3A_1780 = arith.constant 0 : i32
      %max3A_1781 = vector.broadcast %max3A_1780 : i32 to vector<16xi32>
      %max3A_1782 = arith.maxsi %sub3A_1779, %max3A_1781 : vector<16xi32>
      %broadcast_in_dim3A_1783 = vector.shape_cast %max3A_1782 : vector<16xi32> to vector<16x1xi32>
      %gather3A_1784 = vector.shape_cast %broadcast_in_dim3A_1783 : vector<16x1xi32> to vector<16xi32>
      %gather3A_1785 = tpu.dynamic_gather %add3A_1776[%gather3A_1784] in [0] : vector<16xi32>, vector<16xi32> -> vector<16xi32>
      %ge3A_1786 = arith.constant 2 : i32
      %ge3A_1787 = vector.broadcast %ge3A_1786 : i32 to vector<16xi32>
      %ge3A_1788 = arith.cmpi sge, %iota3A_1761, %ge3A_1787 : vector<16xi32>
      %jit3A_1789 = arith.constant 0 : i32
      %broadcast_in_dim3A_1790 = vector.broadcast %jit3A_1789 : i32 to vector<16xi32>
      %select_n3A_1791 = arith.select %ge3A_1788, %gather3A_1785, %broadcast_in_dim3A_1790 : vector<16xi1>, vector<16xi32>
      %add3A_1792 = arith.addi %add3A_1776, %select_n3A_1791 : vector<16xi32>
      %sub3A_1793 = arith.constant 4 : i32
      %sub3A_1794 = vector.broadcast %sub3A_1793 : i32 to vector<16xi32>
      %sub3A_1795 = arith.subi %iota3A_1761, %sub3A_1794 : vector<16xi32>
      %max3A_1796 = arith.constant 0 : i32
      %max3A_1797 = vector.broadcast %max3A_1796 : i32 to vector<16xi32>
      %max3A_1798 = arith.maxsi %sub3A_1795, %max3A_1797 : vector<16xi32>
      %broadcast_in_dim3A_1799 = vector.shape_cast %max3A_1798 : vector<16xi32> to vector<16x1xi32>
      %gather3A_1800 = vector.shape_cast %broadcast_in_dim3A_1799 : vector<16x1xi32> to vector<16xi32>
      %gather3A_1801 = tpu.dynamic_gather %add3A_1792[%gather3A_1800] in [0] : vector<16xi32>, vector<16xi32> -> vector<16xi32>
      %ge3A_1802 = arith.constant 4 : i32
      %ge3A_1803 = vector.broadcast %ge3A_1802 : i32 to vector<16xi32>
      %ge3A_1804 = arith.cmpi sge, %iota3A_1761, %ge3A_1803 : vector<16xi32>
      %jit3A_1805 = arith.constant 0 : i32
      %broadcast_in_dim3A_1806 = vector.broadcast %jit3A_1805 : i32 to vector<16xi32>
      %select_n3A_1807 = arith.select %ge3A_1804, %gather3A_1801, %broadcast_in_dim3A_1806 : vector<16xi1>, vector<16xi32>
      %add3A_1808 = arith.addi %add3A_1792, %select_n3A_1807 : vector<16xi32>
      %sub3A_1809 = arith.constant 8 : i32
      %sub3A_1810 = vector.broadcast %sub3A_1809 : i32 to vector<16xi32>
      %sub3A_1811 = arith.subi %iota3A_1761, %sub3A_1810 : vector<16xi32>
      %max3A_1812 = arith.constant 0 : i32
      %max3A_1813 = vector.broadcast %max3A_1812 : i32 to vector<16xi32>
      %max3A_1814 = arith.maxsi %sub3A_1811, %max3A_1813 : vector<16xi32>
      %broadcast_in_dim3A_1815 = vector.shape_cast %max3A_1814 : vector<16xi32> to vector<16x1xi32>
      %gather3A_1816 = vector.shape_cast %broadcast_in_dim3A_1815 : vector<16x1xi32> to vector<16xi32>
      %gather3A_1817 = tpu.dynamic_gather %add3A_1808[%gather3A_1816] in [0] : vector<16xi32>, vector<16xi32> -> vector<16xi32>
      %ge3A_1818 = arith.constant 8 : i32
      %ge3A_1819 = vector.broadcast %ge3A_1818 : i32 to vector<16xi32>
      %ge3A_1820 = arith.cmpi sge, %iota3A_1761, %ge3A_1819 : vector<16xi32>
      %jit3A_1821 = arith.constant 0 : i32
      %broadcast_in_dim3A_1822 = vector.broadcast %jit3A_1821 : i32 to vector<16xi32>
      %select_n3A_1823 = arith.select %ge3A_1820, %gather3A_1817, %broadcast_in_dim3A_1822 : vector<16xi1>, vector<16xi32>
      %add3A_1824 = arith.addi %add3A_1808, %select_n3A_1823 : vector<16xi32>
      %add3A_1825 = arith.addi %while3A_1732, %add3A_1824 : vector<16xi32>
      %sub3A_1826 = arith.constant 1 : i32
      %sub3A_1827 = vector.broadcast %sub3A_1826 : i32 to vector<16xi32>
      %sub3A_1828 = arith.subi %add3A_1825, %sub3A_1827 : vector<16xi32>
      %scatter3A = arith.constant 0 : i32
      %scatter3A_1829 = tpu.memref_slice %arg10[%while3A, %scatter3A] : memref<2x2048xi32, #tpu.memory_space<vmem>> -> memref<1x2048xi32, #tpu.memory_space<vmem>>
      %scatter3A_1830 = tpu.memref_squeeze %scatter3A_1829 : memref<1x2048xi32, #tpu.memory_space<vmem>> -> memref<2048xi32, #tpu.memory_space<vmem>>
      tpu.vector_store_idx %scatter3A_1830[%sub3A_1828], %get3A_1735 masked %le3A : memref<2048xi32, #tpu.memory_space<vmem>>[vector<16xi32>], vector<16xi32>, vector<16xi1>
      %broadcast_in_dim3A_1831 = vector.shape_cast %broadcast_in_dim3A_39 : vector<16xi32> to vector<16x1xi32>
      %gather3A_1832 = vector.shape_cast %broadcast_in_dim3A_1831 : vector<16x1xi32> to vector<16xi32>
      %gather3A_1833 = tpu.dynamic_gather %add3A_1824[%gather3A_1832] in [0] : vector<16xi32>, vector<16xi32> -> vector<16xi32>
      %add3A_1834 = arith.addi %while3A_1732, %gather3A_1833 : vector<16xi32>
      scf.yield %add3A_1834 : vector<16xi32>
    }
    "tpu.trace_stop"() : () -> ()
    %iota3A_137 = tpu.iota {dimensions = array<i32: 0>} : vector<16xi32>
    %eq3A_138 = arith.constant 0 : i32
    %eq3A_139 = vector.broadcast %eq3A_138 : i32 to vector<16xi32>
    %eq3A_140 = arith.cmpi eq, %iota3A_137, %eq3A_139 : vector<16xi32>
    %reduce_sum3A_141 = arith.constant true
    %reduce_sum3A_142 = vector.broadcast %reduce_sum3A_141 : i1 to vector<16xi1>
    %reduce_sum3A_143 = tpu.scan <sum>, %while3A_136 masked %reduce_sum3A_142 : vector<16xi32>, vector<16xi1> -> vector<16xi32>
    %reduce_sum3A_144 = vector.extract %reduce_sum3A_143[15] : i32 from vector<16xi32>
    %jit3A_145 = arith.constant 16 : i32
    %div3A_146 = arith.divsi %reduce_sum3A_144, %jit3A_145 : i32
    %sign3A_147 = arith.constant 0 : i32
    %sign3A_148 = arith.cmpi sgt, %reduce_sum3A_144, %sign3A_147 : i32
    %sign3A_149 = arith.extui %sign3A_148 : i1 to i32
    %sign3A_150 = arith.constant 0 : i32
    %sign3A_151 = arith.cmpi slt, %reduce_sum3A_144, %sign3A_150 : i32
    %sign3A_152 = arith.extui %sign3A_151 : i1 to i32
    %sign3A_153 = arith.subi %sign3A_149, %sign3A_152 : i32
    %sign3A_154 = arith.constant 0 : i32
    %sign3A_155 = arith.cmpi sgt, %jit3A_145, %sign3A_154 : i32
    %sign3A_156 = arith.extui %sign3A_155 : i1 to i32
    %sign3A_157 = arith.constant 0 : i32
    %sign3A_158 = arith.cmpi slt, %jit3A_145, %sign3A_157 : i32
    %sign3A_159 = arith.extui %sign3A_158 : i1 to i32
    %sign3A_160 = arith.subi %sign3A_156, %sign3A_159 : i32
    %ne3A_161 = arith.cmpi ne, %sign3A_153, %sign3A_160 : i32
    %rem3A_162 = arith.remsi %reduce_sum3A_144, %jit3A_145 : i32
    %ne3A_163 = arith.constant 0 : i32
    %ne3A_164 = arith.cmpi ne, %rem3A_162, %ne3A_163 : i32
    %and3A_165 = arith.andi %ne3A_161, %ne3A_164 : i1
    %sub3A_166 = arith.constant 1 : i32
    %sub3A_167 = arith.subi %div3A_146, %sub3A_166 : i32
    %select_n3A_168 = arith.select %and3A_165, %sub3A_167, %div3A_146 : i32
    %broadcast_in_dim3A_169 = vector.broadcast %select_n3A_168 : i32 to vector<16xi32>
    %select_n3A_170 = arith.select %eq3A_140, %broadcast_in_dim3A_169, %broadcast_in_dim3A_104 : vector<16xi1>, vector<16xi32>
    %dma_start3A = arith.constant 0 : i32
    %dma_start3A_171 = arith.constant 0 : i32
    %dma_start3A_172 = arith.constant 0 : i32
    %dma_start3A_173 = arith.constant 0 : i32
    %dma_start3A_174 = tpu.memref_slice %arg11[%dma_start3A_171, %dma_start3A_172, %dma_start3A_173] : memref<8x448x8xf32, #tpu.memory_space<vmem>> -> memref<1x448x8xf32, #tpu.memory_space<vmem>>
    %dma_start3A_175 = tpu.memref_squeeze %dma_start3A_174 : memref<1x448x8xf32, #tpu.memory_space<vmem>> -> memref<448x8xf32, #tpu.memory_space<vmem>>
    %dma_start3A_176 = arith.constant 0 : i32
    %dma_start3A_177 = arith.constant 0 : i32
    %dma_start3A_178 = tpu.memref_slice %dma_start3A_175[%dma_start3A_176, %dma_start3A_177] : memref<448x8xf32, #tpu.memory_space<vmem>> -> memref<128x8xf32, #tpu.memory_space<vmem>>
    %dma_start3A_179 = arith.constant 0 : i32
    %dma_start3A_180 = tpu.memref_slice %arg10[%dma_start3A, %dma_start3A_179] : memref<2x2048xi32, #tpu.memory_space<vmem>> -> memref<1x2048xi32, #tpu.memory_space<vmem>>
    %dma_start3A_181 = tpu.memref_squeeze %dma_start3A_180 : memref<1x2048xi32, #tpu.memory_space<vmem>> -> memref<2048xi32, #tpu.memory_space<vmem>>
    %dma_start3A_182 = arith.constant 0 : i32
    %dma_start3A_183 = tpu.memref_slice %dma_start3A_181[%dma_start3A_182] : memref<2048xi32, #tpu.memory_space<vmem>> -> memref<128xi32, #tpu.memory_space<vmem>>
    %dma_start3A_184 = arith.constant 0 : i32
    %dma_start3A_185 = arith.constant 0 : i32
    %dma_start3A_186 = tpu.memref_slice %arg3[%dma_start3A_184, %dma_start3A_185] : memref<20488x8xf32, #tpu.memory_space<hbm>> -> memref<20488x8xf32, #tpu.memory_space<hbm>>
    tpu.enqueue_indirect_dma source(%dma_start3A_186 : memref<20488x8xf32, #tpu.memory_space<hbm>>) target(%dma_start3A_178 : memref<128x8xf32, #tpu.memory_space<vmem>>) offsets(%dma_start3A_183 : memref<128xi32, #tpu.memory_space<vmem>>) semaphore(%arg13 : memref<!tpu.dma_semaphore, #tpu.memory_space<semaphore_mem>>)
    %dma_start3A_187 = arith.constant 0 : i32
    %dma_start3A_188 = arith.constant 0 : i32
    %dma_start3A_189 = arith.constant 0 : i32
    %dma_start3A_190 = arith.constant 0 : i32
    %dma_start3A_191 = tpu.memref_slice %arg11[%dma_start3A_188, %dma_start3A_189, %dma_start3A_190] : memref<8x448x8xf32, #tpu.memory_space<vmem>> -> memref<1x448x8xf32, #tpu.memory_space<vmem>>
    %dma_start3A_192 = tpu.memref_squeeze %dma_start3A_191 : memref<1x448x8xf32, #tpu.memory_space<vmem>> -> memref<448x8xf32, #tpu.memory_space<vmem>>
    %dma_start3A_193 = arith.constant 128 : i32
    %dma_start3A_194 = arith.constant 0 : i32
    %dma_start3A_195 = tpu.memref_slice %dma_start3A_192[%dma_start3A_193, %dma_start3A_194] : memref<448x8xf32, #tpu.memory_space<vmem>> -> memref<128x8xf32, #tpu.memory_space<vmem>>
    %dma_start3A_196 = arith.constant 0 : i32
    %dma_start3A_197 = tpu.memref_slice %arg10[%dma_start3A_187, %dma_start3A_196] : memref<2x2048xi32, #tpu.memory_space<vmem>> -> memref<1x2048xi32, #tpu.memory_space<vmem>>
    %dma_start3A_198 = tpu.memref_squeeze %dma_start3A_197 : memref<1x2048xi32, #tpu.memory_space<vmem>> -> memref<2048xi32, #tpu.memory_space<vmem>>
    %dma_start3A_199 = arith.constant 128 : i32
    %dma_start3A_200 = tpu.memref_slice %dma_start3A_198[%dma_start3A_199] : memref<2048xi32, #tpu.memory_space<vmem>> -> memref<128xi32, #tpu.memory_space<vmem>>
    %dma_start3A_201 = arith.constant 0 : i32
    %dma_start3A_202 = arith.constant 0 : i32
    %dma_start3A_203 = tpu.memref_slice %arg3[%dma_start3A_201, %dma_start3A_202] : memref<20488x8xf32, #tpu.memory_space<hbm>> -> memref<20488x8xf32, #tpu.memory_space<hbm>>
    tpu.enqueue_indirect_dma source(%dma_start3A_203 : memref<20488x8xf32, #tpu.memory_space<hbm>>) target(%dma_start3A_195 : memref<128x8xf32, #tpu.memory_space<vmem>>) offsets(%dma_start3A_200 : memref<128xi32, #tpu.memory_space<vmem>>) semaphore(%arg13 : memref<!tpu.dma_semaphore, #tpu.memory_space<semaphore_mem>>)
    %dma_start3A_204 = arith.constant 0 : i32
    %dma_start3A_205 = arith.constant 0 : i32
    %dma_start3A_206 = arith.constant 0 : i32
    %dma_start3A_207 = arith.constant 0 : i32
    %dma_start3A_208 = tpu.memref_slice %arg11[%dma_start3A_205, %dma_start3A_206, %dma_start3A_207] : memref<8x448x8xf32, #tpu.memory_space<vmem>> -> memref<1x448x8xf32, #tpu.memory_space<vmem>>
    %dma_start3A_209 = tpu.memref_squeeze %dma_start3A_208 : memref<1x448x8xf32, #tpu.memory_space<vmem>> -> memref<448x8xf32, #tpu.memory_space<vmem>>
    %dma_start3A_210 = arith.constant 256 : i32
    %dma_start3A_211 = arith.constant 0 : i32
    %dma_start3A_212 = tpu.memref_slice %dma_start3A_209[%dma_start3A_210, %dma_start3A_211] : memref<448x8xf32, #tpu.memory_space<vmem>> -> memref<128x8xf32, #tpu.memory_space<vmem>>
    %dma_start3A_213 = arith.constant 0 : i32
    %dma_start3A_214 = tpu.memref_slice %arg10[%dma_start3A_204, %dma_start3A_213] : memref<2x2048xi32, #tpu.memory_space<vmem>> -> memref<1x2048xi32, #tpu.memory_space<vmem>>
    %dma_start3A_215 = tpu.memref_squeeze %dma_start3A_214 : memref<1x2048xi32, #tpu.memory_space<vmem>> -> memref<2048xi32, #tpu.memory_space<vmem>>
    %dma_start3A_216 = arith.constant 256 : i32
    %dma_start3A_217 = tpu.memref_slice %dma_start3A_215[%dma_start3A_216] : memref<2048xi32, #tpu.memory_space<vmem>> -> memref<128xi32, #tpu.memory_space<vmem>>
    %dma_start3A_218 = arith.constant 0 : i32
    %dma_start3A_219 = arith.constant 0 : i32
    %dma_start3A_220 = tpu.memref_slice %arg3[%dma_start3A_218, %dma_start3A_219] : memref<20488x8xf32, #tpu.memory_space<hbm>> -> memref<20488x8xf32, #tpu.memory_space<hbm>>
    tpu.enqueue_indirect_dma source(%dma_start3A_220 : memref<20488x8xf32, #tpu.memory_space<hbm>>) target(%dma_start3A_212 : memref<128x8xf32, #tpu.memory_space<vmem>>) offsets(%dma_start3A_217 : memref<128xi32, #tpu.memory_space<vmem>>) semaphore(%arg13 : memref<!tpu.dma_semaphore, #tpu.memory_space<semaphore_mem>>)
    %dma_start3A_221 = arith.constant 0 : i32
    %dma_start3A_222 = arith.constant 0 : i32
    %dma_start3A_223 = arith.constant 0 : i32
    %dma_start3A_224 = arith.constant 0 : i32
    %dma_start3A_225 = tpu.memref_slice %arg11[%dma_start3A_222, %dma_start3A_223, %dma_start3A_224] : memref<8x448x8xf32, #tpu.memory_space<vmem>> -> memref<1x448x8xf32, #tpu.memory_space<vmem>>
    %dma_start3A_226 = tpu.memref_squeeze %dma_start3A_225 : memref<1x448x8xf32, #tpu.memory_space<vmem>> -> memref<448x8xf32, #tpu.memory_space<vmem>>
    %dma_start3A_227 = arith.constant 384 : i32
    %dma_start3A_228 = arith.constant 0 : i32
    %dma_start3A_229 = tpu.memref_slice %dma_start3A_226[%dma_start3A_227, %dma_start3A_228] : memref<448x8xf32, #tpu.memory_space<vmem>> -> memref<64x8xf32, #tpu.memory_space<vmem>>
    %dma_start3A_230 = arith.constant 0 : i32
    %dma_start3A_231 = tpu.memref_slice %arg10[%dma_start3A_221, %dma_start3A_230] : memref<2x2048xi32, #tpu.memory_space<vmem>> -> memref<1x2048xi32, #tpu.memory_space<vmem>>
    %dma_start3A_232 = tpu.memref_squeeze %dma_start3A_231 : memref<1x2048xi32, #tpu.memory_space<vmem>> -> memref<2048xi32, #tpu.memory_space<vmem>>
    %dma_start3A_233 = arith.constant 384 : i32
    %dma_start3A_234 = tpu.memref_slice %dma_start3A_232[%dma_start3A_233] : memref<2048xi32, #tpu.memory_space<vmem>> -> memref<64xi32, #tpu.memory_space<vmem>>
    %dma_start3A_235 = arith.constant 0 : i32
    %dma_start3A_236 = arith.constant 0 : i32
    %dma_start3A_237 = tpu.memref_slice %arg3[%dma_start3A_235, %dma_start3A_236] : memref<20488x8xf32, #tpu.memory_space<hbm>> -> memref<20488x8xf32, #tpu.memory_space<hbm>>
    tpu.enqueue_indirect_dma source(%dma_start3A_237 : memref<20488x8xf32, #tpu.memory_space<hbm>>) target(%dma_start3A_229 : memref<64x8xf32, #tpu.memory_space<vmem>>) offsets(%dma_start3A_234 : memref<64xi32, #tpu.memory_space<vmem>>) semaphore(%arg13 : memref<!tpu.dma_semaphore, #tpu.memory_space<semaphore_mem>>)
    %mul3A_238 = arith.constant 8 : i32
    %mul3A_239 = arith.muli %select_n3A_30, %mul3A_238 : i32
    %add3A_240 = arith.constant 1 : i32
    %add3A_241 = arith.addi %mul3A_239, %add3A_240 : i32
    %convert_element_type3A_242 = arith.sitofp %add3A_241 : i32 to f32
    %mul3A_243 = arith.constant 1.600000e+01 : f32
    %mul3A_244 = arith.mulf %convert_element_type3A_242, %mul3A_243 : f32
    %add3A_245 = arith.constant 5.000000e-01 : f32
    %add3A_246 = arith.addf %mul3A_244, %add3A_245 : f32
    %add3A_247 = arith.constant 1.500000e+01 : f32
    %add3A_248 = arith.addf %add3A_246, %add3A_247 : f32
    "tpu.trace_start"() <{level = 10 : i32, message = "bin_init"}> : () -> ()
    %scan3A_249 = arith.constant 1 : i32
    %scan3A_250 = arith.constant 0 : i32
    %scan3A_251 = arith.constant 0 : i32
    %scan3A_252 = arith.constant 28 : i32
    %scan3A_253 = arith.addi %scan3A_251, %scan3A_252 : i32
    %scan3A_254 = arith.constant 1 : i32
    %scan3A_255 = scf.for %scan3A_1731 = %scan3A_251 to %scan3A_253 step %scan3A_254 iter_args(%scan3A_1732 = %scan3A_250) -> (i32)  : i32 {
      %broadcast_in_dim3A_1733 = arith.constant 20480 : i32
      %broadcast_in_dim3A_1734 = vector.broadcast %broadcast_in_dim3A_1733 : i32 to vector<16xi32>
      %mul3A_1735 = arith.constant 16 : i32
      %mul3A_1736 = arith.muli %scan3A_1731, %mul3A_1735 : i32
      %swap3A_1737 = arith.constant 0 : i32
      %swap3A_1738 = tpu.memref_slice %arg10[%scan3A_249, %swap3A_1737] : memref<2x2048xi32, #tpu.memory_space<vmem>> -> memref<1x2048xi32, #tpu.memory_space<vmem>>
      %swap3A_1739 = tpu.memref_squeeze %swap3A_1738 : memref<1x2048xi32, #tpu.memory_space<vmem>> -> memref<2048xi32, #tpu.memory_space<vmem>>
      %swap3A_1740 = arith.index_cast %mul3A_1736 : i32 to index
      %swap3A_1741 = tpu.vector_load %swap3A_1739[%swap3A_1740] {strides = array<i32>} : memref<2048xi32, #tpu.memory_space<vmem>>, vector<16xi32>,
      tpu.vector_store %swap3A_1739[%swap3A_1740], %broadcast_in_dim3A_1734 {strides = array<i32>} : memref<2048xi32, #tpu.memory_space<vmem>>, vector<16xi32>,
      %scan3A_1742 = arith.constant 0 : i32
      scf.yield %scan3A_1742 : i32
    }
    %scan3A_256 = arith.constant 28 : i32
    %broadcast_in_dim3A_257 = arith.constant 0 : i32
    "tpu.trace_stop"() : () -> ()
    "tpu.trace_start"() <{level = 10 : i32, message = "bin_p2"}> : () -> ()
    %broadcast_in_dim3A_258 = vector.broadcast %broadcast_in_dim3A_257 : i32 to vector<16xi32>
    %while3A_259 = arith.constant 1 : i32
    %while3A_260 = arith.constant 0 : i32
    %while3A_261 = arith.subi %select_n3A_102, %while3A_260 : i32
    %while3A_262 = arith.addi %while3A_260, %while3A_261 : i32
    %while3A_263 = arith.constant 1 : i32
    %while3A_264 = arith.divsi %while3A_261, %while3A_263 : i32
    %while3A_265 = arith.muli %while3A_264, %while3A_263 : i32
    %while3A_266 = arith.addi %while3A_260, %while3A_265 : i32
    %while3A_267 = arith.constant 1 : i32
    %while3A_268 = scf.for %while3A_1731 = %while3A_260 to %while3A_266 step %while3A_267 iter_args(%while3A_1732 = %broadcast_in_dim3A_258) -> (vector<16xi32>)  : i32 {
      %mul3A_1733 = arith.constant 16 : i32
      %mul3A_1734 = arith.muli %while3A_1731, %mul3A_1733 : i32
      %get3A = arith.index_cast %mul3A_1734 : i32 to index
      %get3A_1735 = tpu.vector_load %arg9[%get3A] {strides = array<i32>} : memref<3104xi32, #tpu.memory_space<vmem>>, vector<16xi32>,
      %gather3A = tpu.vector_load_idx %arg6[%get3A_1735] : memref<20480xf32, #tpu.memory_space<vmem>>[vector<16xi32>], vector<16xf32>,
      %gather3A_1736 = tpu.vector_load_idx %arg7[%get3A_1735] : memref<20480xf32, #tpu.memory_space<vmem>>[vector<16xi32>], vector<16xf32>,
      %gather3A_1737 = tpu.vector_load_idx %arg8[%get3A_1735] : memref<20480xf32, #tpu.memory_space<vmem>>[vector<16xi32>], vector<16xf32>,
      %sub3A_1738 = vector.broadcast %add3A_246 : f32 to vector<16xf32>
      %sub3A_1739 = arith.subf %sub3A_1738, %gather3A : vector<16xf32>
      %sub3A_1740 = vector.broadcast %add3A_248 : f32 to vector<16xf32>
      %sub3A_1741 = arith.subf %gather3A, %sub3A_1740 : vector<16xf32>
      %max3A = arith.maximumf %sub3A_1739, %sub3A_1741 : vector<16xf32>
      %max3A_1742 = arith.constant 0.000000e+00 : f32
      %max3A_1743 = vector.broadcast %max3A_1742 : f32 to vector<16xf32>
      %max3A_1744 = arith.maximumf %max3A, %max3A_1743 : vector<16xf32>
      %sub3A_1745 = vector.broadcast %add3A_36 : f32 to vector<16xf32>
      %sub3A_1746 = arith.subf %sub3A_1745, %gather3A_1736 : vector<16xf32>
      %sub3A_1747 = vector.broadcast %add3A_38 : f32 to vector<16xf32>
      %sub3A_1748 = arith.subf %gather3A_1736, %sub3A_1747 : vector<16xf32>
      %max3A_1749 = arith.maximumf %sub3A_1746, %sub3A_1748 : vector<16xf32>
      %max3A_1750 = arith.constant 0.000000e+00 : f32
      %max3A_1751 = vector.broadcast %max3A_1750 : f32 to vector<16xf32>
      %max3A_1752 = arith.maximumf %max3A_1749, %max3A_1751 : vector<16xf32>
      %mul3A_1753 = arith.mulf %max3A_1744, %max3A_1744 : vector<16xf32>
      %mul3A_1754 = arith.mulf %max3A_1752, %max3A_1752 : vector<16xf32>
      %add3A_1755 = arith.addf %mul3A_1753, %mul3A_1754 : vector<16xf32>
      %le3A = arith.cmpf ole, %add3A_1755, %gather3A_1737 : vector<16xf32>
      %jit3A_1756 = arith.constant 1 : i32
      %jit3A_1757 = arith.constant 0 : i32
      %broadcast_in_dim3A_1758 = vector.broadcast %jit3A_1756 : i32 to vector<16xi32>
      %broadcast_in_dim3A_1759 = vector.broadcast %jit3A_1757 : i32 to vector<16xi32>
      %select_n3A_1760 = arith.select %le3A, %broadcast_in_dim3A_1758, %broadcast_in_dim3A_1759 : vector<16xi1>, vector<16xi32>
      %iota3A_1761 = tpu.iota {dimensions = array<i32: 0>} : vector<16xi32>
      %sub3A_1762 = arith.constant 1 : i32
      %sub3A_1763 = vector.broadcast %sub3A_1762 : i32 to vector<16xi32>
      %sub3A_1764 = arith.subi %iota3A_1761, %sub3A_1763 : vector<16xi32>
      %max3A_1765 = arith.constant 0 : i32
      %max3A_1766 = vector.broadcast %max3A_1765 : i32 to vector<16xi32>
      %max3A_1767 = arith.maxsi %sub3A_1764, %max3A_1766 : vector<16xi32>
      %broadcast_in_dim3A_1768 = vector.shape_cast %max3A_1767 : vector<16xi32> to vector<16x1xi32>
      %gather3A_1769 = vector.shape_cast %broadcast_in_dim3A_1768 : vector<16x1xi32> to vector<16xi32>
      %gather3A_1770 = tpu.dynamic_gather %select_n3A_1760[%gather3A_1769] in [0] : vector<16xi32>, vector<16xi32> -> vector<16xi32>
      %ge3A = arith.constant 1 : i32
      %ge3A_1771 = vector.broadcast %ge3A : i32 to vector<16xi32>
      %ge3A_1772 = arith.cmpi sge, %iota3A_1761, %ge3A_1771 : vector<16xi32>
      %jit3A_1773 = arith.constant 0 : i32
      %broadcast_in_dim3A_1774 = vector.broadcast %jit3A_1773 : i32 to vector<16xi32>
      %select_n3A_1775 = arith.select %ge3A_1772, %gather3A_1770, %broadcast_in_dim3A_1774 : vector<16xi1>, vector<16xi32>
      %add3A_1776 = arith.addi %select_n3A_1760, %select_n3A_1775 : vector<16xi32>
      %sub3A_1777 = arith.constant 2 : i32
      %sub3A_1778 = vector.broadcast %sub3A_1777 : i32 to vector<16xi32>
      %sub3A_1779 = arith.subi %iota3A_1761, %sub3A_1778 : vector<16xi32>
      %max3A_1780 = arith.constant 0 : i32
      %max3A_1781 = vector.broadcast %max3A_1780 : i32 to vector<16xi32>
      %max3A_1782 = arith.maxsi %sub3A_1779, %max3A_1781 : vector<16xi32>
      %broadcast_in_dim3A_1783 = vector.shape_cast %max3A_1782 : vector<16xi32> to vector<16x1xi32>
      %gather3A_1784 = vector.shape_cast %broadcast_in_dim3A_1783 : vector<16x1xi32> to vector<16xi32>
      %gather3A_1785 = tpu.dynamic_gather %add3A_1776[%gather3A_1784] in [0] : vector<16xi32>, vector<16xi32> -> vector<16xi32>
      %ge3A_1786 = arith.constant 2 : i32
      %ge3A_1787 = vector.broadcast %ge3A_1786 : i32 to vector<16xi32>
      %ge3A_1788 = arith.cmpi sge, %iota3A_1761, %ge3A_1787 : vector<16xi32>
      %jit3A_1789 = arith.constant 0 : i32
      %broadcast_in_dim3A_1790 = vector.broadcast %jit3A_1789 : i32 to vector<16xi32>
      %select_n3A_1791 = arith.select %ge3A_1788, %gather3A_1785, %broadcast_in_dim3A_1790 : vector<16xi1>, vector<16xi32>
      %add3A_1792 = arith.addi %add3A_1776, %select_n3A_1791 : vector<16xi32>
      %sub3A_1793 = arith.constant 4 : i32
      %sub3A_1794 = vector.broadcast %sub3A_1793 : i32 to vector<16xi32>
      %sub3A_1795 = arith.subi %iota3A_1761, %sub3A_1794 : vector<16xi32>
      %max3A_1796 = arith.constant 0 : i32
      %max3A_1797 = vector.broadcast %max3A_1796 : i32 to vector<16xi32>
      %max3A_1798 = arith.maxsi %sub3A_1795, %max3A_1797 : vector<16xi32>
      %broadcast_in_dim3A_1799 = vector.shape_cast %max3A_1798 : vector<16xi32> to vector<16x1xi32>
      %gather3A_1800 = vector.shape_cast %broadcast_in_dim3A_1799 : vector<16x1xi32> to vector<16xi32>
      %gather3A_1801 = tpu.dynamic_gather %add3A_1792[%gather3A_1800] in [0] : vector<16xi32>, vector<16xi32> -> vector<16xi32>
      %ge3A_1802 = arith.constant 4 : i32
      %ge3A_1803 = vector.broadcast %ge3A_1802 : i32 to vector<16xi32>
      %ge3A_1804 = arith.cmpi sge, %iota3A_1761, %ge3A_1803 : vector<16xi32>
      %jit3A_1805 = arith.constant 0 : i32
      %broadcast_in_dim3A_1806 = vector.broadcast %jit3A_1805 : i32 to vector<16xi32>
      %select_n3A_1807 = arith.select %ge3A_1804, %gather3A_1801, %broadcast_in_dim3A_1806 : vector<16xi1>, vector<16xi32>
      %add3A_1808 = arith.addi %add3A_1792, %select_n3A_1807 : vector<16xi32>
      %sub3A_1809 = arith.constant 8 : i32
      %sub3A_1810 = vector.broadcast %sub3A_1809 : i32 to vector<16xi32>
      %sub3A_1811 = arith.subi %iota3A_1761, %sub3A_1810 : vector<16xi32>
      %max3A_1812 = arith.constant 0 : i32
      %max3A_1813 = vector.broadcast %max3A_1812 : i32 to vector<16xi32>
      %max3A_1814 = arith.maxsi %sub3A_1811, %max3A_1813 : vector<16xi32>
      %broadcast_in_dim3A_1815 = vector.shape_cast %max3A_1814 : vector<16xi32> to vector<16x1xi32>
      %gather3A_1816 = vector.shape_cast %broadcast_in_dim3A_1815 : vector<16x1xi32> to vector<16xi32>
      %gather3A_1817 = tpu.dynamic_gather %add3A_1808[%gather3A_1816] in [0] : vector<16xi32>, vector<16xi32> -> vector<16xi32>
      %ge3A_1818 = arith.constant 8 : i32
      %ge3A_1819 = vector.broadcast %ge3A_1818 : i32 to vector<16xi32>
      %ge3A_1820 = arith.cmpi sge, %iota3A_1761, %ge3A_1819 : vector<16xi32>
      %jit3A_1821 = arith.constant 0 : i32
      %broadcast_in_dim3A_1822 = vector.broadcast %jit3A_1821 : i32 to vector<16xi32>
      %select_n3A_1823 = arith.select %ge3A_1820, %gather3A_1817, %broadcast_in_dim3A_1822 : vector<16xi1>, vector<16xi32>
      %add3A_1824 = arith.addi %add3A_1808, %select_n3A_1823 : vector<16xi32>
      %add3A_1825 = arith.addi %while3A_1732, %add3A_1824 : vector<16xi32>
      %sub3A_1826 = arith.constant 1 : i32
      %sub3A_1827 = vector.broadcast %sub3A_1826 : i32 to vector<16xi32>
      %sub3A_1828 = arith.subi %add3A_1825, %sub3A_1827 : vector<16xi32>
      %scatter3A = arith.constant 0 : i32
      %scatter3A_1829 = tpu.memref_slice %arg10[%while3A_259, %scatter3A] : memref<2x2048xi32, #tpu.memory_space<vmem>> -> memref<1x2048xi32, #tpu.memory_space<vmem>>
      %scatter3A_1830 = tpu.memref_squeeze %scatter3A_1829 : memref<1x2048xi32, #tpu.memory_space<vmem>> -> memref<2048xi32, #tpu.memory_space<vmem>>
      tpu.vector_store_idx %scatter3A_1830[%sub3A_1828], %get3A_1735 masked %le3A : memref<2048xi32, #tpu.memory_space<vmem>>[vector<16xi32>], vector<16xi32>, vector<16xi1>
      %broadcast_in_dim3A_1831 = vector.shape_cast %broadcast_in_dim3A_39 : vector<16xi32> to vector<16x1xi32>
      %gather3A_1832 = vector.shape_cast %broadcast_in_dim3A_1831 : vector<16x1xi32> to vector<16xi32>
      %gather3A_1833 = tpu.dynamic_gather %add3A_1824[%gather3A_1832] in [0] : vector<16xi32>, vector<16xi32> -> vector<16xi32>
      %add3A_1834 = arith.addi %while3A_1732, %gather3A_1833 : vector<16xi32>
      scf.yield %add3A_1834 : vector<16xi32>
    }
    %while3A_269 = arith.constant 1 : i32
    %while3A_270 = scf.for %while3A_1731 = %while3A_266 to %while3A_262 step %while3A_269 iter_args(%while3A_1732 = %while3A_268) -> (vector<16xi32>)  : i32 {
      %mul3A_1733 = arith.constant 16 : i32
      %mul3A_1734 = arith.muli %while3A_1731, %mul3A_1733 : i32
      %get3A = arith.index_cast %mul3A_1734 : i32 to index
      %get3A_1735 = tpu.vector_load %arg9[%get3A] {strides = array<i32>} : memref<3104xi32, #tpu.memory_space<vmem>>, vector<16xi32>,
      %gather3A = tpu.vector_load_idx %arg6[%get3A_1735] : memref<20480xf32, #tpu.memory_space<vmem>>[vector<16xi32>], vector<16xf32>,
      %gather3A_1736 = tpu.vector_load_idx %arg7[%get3A_1735] : memref<20480xf32, #tpu.memory_space<vmem>>[vector<16xi32>], vector<16xf32>,
      %gather3A_1737 = tpu.vector_load_idx %arg8[%get3A_1735] : memref<20480xf32, #tpu.memory_space<vmem>>[vector<16xi32>], vector<16xf32>,
      %sub3A_1738 = vector.broadcast %add3A_246 : f32 to vector<16xf32>
      %sub3A_1739 = arith.subf %sub3A_1738, %gather3A : vector<16xf32>
      %sub3A_1740 = vector.broadcast %add3A_248 : f32 to vector<16xf32>
      %sub3A_1741 = arith.subf %gather3A, %sub3A_1740 : vector<16xf32>
      %max3A = arith.maximumf %sub3A_1739, %sub3A_1741 : vector<16xf32>
      %max3A_1742 = arith.constant 0.000000e+00 : f32
      %max3A_1743 = vector.broadcast %max3A_1742 : f32 to vector<16xf32>
      %max3A_1744 = arith.maximumf %max3A, %max3A_1743 : vector<16xf32>
      %sub3A_1745 = vector.broadcast %add3A_36 : f32 to vector<16xf32>
      %sub3A_1746 = arith.subf %sub3A_1745, %gather3A_1736 : vector<16xf32>
      %sub3A_1747 = vector.broadcast %add3A_38 : f32 to vector<16xf32>
      %sub3A_1748 = arith.subf %gather3A_1736, %sub3A_1747 : vector<16xf32>
      %max3A_1749 = arith.maximumf %sub3A_1746, %sub3A_1748 : vector<16xf32>
      %max3A_1750 = arith.constant 0.000000e+00 : f32
      %max3A_1751 = vector.broadcast %max3A_1750 : f32 to vector<16xf32>
      %max3A_1752 = arith.maximumf %max3A_1749, %max3A_1751 : vector<16xf32>
      %mul3A_1753 = arith.mulf %max3A_1744, %max3A_1744 : vector<16xf32>
      %mul3A_1754 = arith.mulf %max3A_1752, %max3A_1752 : vector<16xf32>
      %add3A_1755 = arith.addf %mul3A_1753, %mul3A_1754 : vector<16xf32>
      %le3A = arith.cmpf ole, %add3A_1755, %gather3A_1737 : vector<16xf32>
      %jit3A_1756 = arith.constant 1 : i32
      %jit3A_1757 = arith.constant 0 : i32
      %broadcast_in_dim3A_1758 = vector.broadcast %jit3A_1756 : i32 to vector<16xi32>
      %broadcast_in_dim3A_1759 = vector.broadcast %jit3A_1757 : i32 to vector<16xi32>
      %select_n3A_1760 = arith.select %le3A, %broadcast_in_dim3A_1758, %broadcast_in_dim3A_1759 : vector<16xi1>, vector<16xi32>
      %iota3A_1761 = tpu.iota {dimensions = array<i32: 0>} : vector<16xi32>
      %sub3A_1762 = arith.constant 1 : i32
      %sub3A_1763 = vector.broadcast %sub3A_1762 : i32 to vector<16xi32>
      %sub3A_1764 = arith.subi %iota3A_1761, %sub3A_1763 : vector<16xi32>
      %max3A_1765 = arith.constant 0 : i32
      %max3A_1766 = vector.broadcast %max3A_1765 : i32 to vector<16xi32>
      %max3A_1767 = arith.maxsi %sub3A_1764, %max3A_1766 : vector<16xi32>
      %broadcast_in_dim3A_1768 = vector.shape_cast %max3A_1767 : vector<16xi32> to vector<16x1xi32>
      %gather3A_1769 = vector.shape_cast %broadcast_in_dim3A_1768 : vector<16x1xi32> to vector<16xi32>
      %gather3A_1770 = tpu.dynamic_gather %select_n3A_1760[%gather3A_1769] in [0] : vector<16xi32>, vector<16xi32> -> vector<16xi32>
      %ge3A = arith.constant 1 : i32
      %ge3A_1771 = vector.broadcast %ge3A : i32 to vector<16xi32>
      %ge3A_1772 = arith.cmpi sge, %iota3A_1761, %ge3A_1771 : vector<16xi32>
      %jit3A_1773 = arith.constant 0 : i32
      %broadcast_in_dim3A_1774 = vector.broadcast %jit3A_1773 : i32 to vector<16xi32>
      %select_n3A_1775 = arith.select %ge3A_1772, %gather3A_1770, %broadcast_in_dim3A_1774 : vector<16xi1>, vector<16xi32>
      %add3A_1776 = arith.addi %select_n3A_1760, %select_n3A_1775 : vector<16xi32>
      %sub3A_1777 = arith.constant 2 : i32
      %sub3A_1778 = vector.broadcast %sub3A_1777 : i32 to vector<16xi32>
      %sub3A_1779 = arith.subi %iota3A_1761, %sub3A_1778 : vector<16xi32>
      %max3A_1780 = arith.constant 0 : i32
      %max3A_1781 = vector.broadcast %max3A_1780 : i32 to vector<16xi32>
      %max3A_1782 = arith.maxsi %sub3A_1779, %max3A_1781 : vector<16xi32>
      %broadcast_in_dim3A_1783 = vector.shape_cast %max3A_1782 : vector<16xi32> to vector<16x1xi32>
      %gather3A_1784 = vector.shape_cast %broadcast_in_dim3A_1783 : vector<16x1xi32> to vector<16xi32>
      %gather3A_1785 = tpu.dynamic_gather %add3A_1776[%gather3A_1784] in [0] : vector<16xi32>, vector<16xi32> -> vector<16xi32>
      %ge3A_1786 = arith.constant 2 : i32
      %ge3A_1787 = vector.broadcast %ge3A_1786 : i32 to vector<16xi32>
      %ge3A_1788 = arith.cmpi sge, %iota3A_1761, %ge3A_1787 : vector<16xi32>
      %jit3A_1789 = arith.constant 0 : i32
      %broadcast_in_dim3A_1790 = vector.broadcast %jit3A_1789 : i32 to vector<16xi32>
      %select_n3A_1791 = arith.select %ge3A_1788, %gather3A_1785, %broadcast_in_dim3A_1790 : vector<16xi1>, vector<16xi32>
      %add3A_1792 = arith.addi %add3A_1776, %select_n3A_1791 : vector<16xi32>
      %sub3A_1793 = arith.constant 4 : i32
      %sub3A_1794 = vector.broadcast %sub3A_1793 : i32 to vector<16xi32>
      %sub3A_1795 = arith.subi %iota3A_1761, %sub3A_1794 : vector<16xi32>
      %max3A_1796 = arith.constant 0 : i32
      %max3A_1797 = vector.broadcast %max3A_1796 : i32 to vector<16xi32>
      %max3A_1798 = arith.maxsi %sub3A_1795, %max3A_1797 : vector<16xi32>
      %broadcast_in_dim3A_1799 = vector.shape_cast %max3A_1798 : vector<16xi32> to vector<16x1xi32>
      %gather3A_1800 = vector.shape_cast %broadcast_in_dim3A_1799 : vector<16x1xi32> to vector<16xi32>
      %gather3A_1801 = tpu.dynamic_gather %add3A_1792[%gather3A_1800] in [0] : vector<16xi32>, vector<16xi32> -> vector<16xi32>
      %ge3A_1802 = arith.constant 4 : i32
      %ge3A_1803 = vector.broadcast %ge3A_1802 : i32 to vector<16xi32>
      %ge3A_1804 = arith.cmpi sge, %iota3A_1761, %ge3A_1803 : vector<16xi32>
      %jit3A_1805 = arith.constant 0 : i32
      %broadcast_in_dim3A_1806 = vector.broadcast %jit3A_1805 : i32 to vector<16xi32>
      %select_n3A_1807 = arith.select %ge3A_1804, %gather3A_1801, %broadcast_in_dim3A_1806 : vector<16xi1>, vector<16xi32>
      %add3A_1808 = arith.addi %add3A_1792, %select_n3A_1807 : vector<16xi32>
      %sub3A_1809 = arith.constant 8 : i32
      %sub3A_1810 = vector.broadcast %sub3A_1809 : i32 to vector<16xi32>
      %sub3A_1811 = arith.subi %iota3A_1761, %sub3A_1810 : vector<16xi32>
      %max3A_1812 = arith.constant 0 : i32
      %max3A_1813 = vector.broadcast %max3A_1812 : i32 to vector<16xi32>
      %max3A_1814 = arith.maxsi %sub3A_1811, %max3A_1813 : vector<16xi32>
      %broadcast_in_dim3A_1815 = vector.shape_cast %max3A_1814 : vector<16xi32> to vector<16x1xi32>
      %gather3A_1816 = vector.shape_cast %broadcast_in_dim3A_1815 : vector<16x1xi32> to vector<16xi32>
      %gather3A_1817 = tpu.dynamic_gather %add3A_1808[%gather3A_1816] in [0] : vector<16xi32>, vector<16xi32> -> vector<16xi32>
      %ge3A_1818 = arith.constant 8 : i32
      %ge3A_1819 = vector.broadcast %ge3A_1818 : i32 to vector<16xi32>
      %ge3A_1820 = arith.cmpi sge, %iota3A_1761, %ge3A_1819 : vector<16xi32>
      %jit3A_1821 = arith.constant 0 : i32
      %broadcast_in_dim3A_1822 = vector.broadcast %jit3A_1821 : i32 to vector<16xi32>
      %select_n3A_1823 = arith.select %ge3A_1820, %gather3A_1817, %broadcast_in_dim3A_1822 : vector<16xi1>, vector<16xi32>
      %add3A_1824 = arith.addi %add3A_1808, %select_n3A_1823 : vector<16xi32>
      %add3A_1825 = arith.addi %while3A_1732, %add3A_1824 : vector<16xi32>
      %sub3A_1826 = arith.constant 1 : i32
      %sub3A_1827 = vector.broadcast %sub3A_1826 : i32 to vector<16xi32>
      %sub3A_1828 = arith.subi %add3A_1825, %sub3A_1827 : vector<16xi32>
      %scatter3A = arith.constant 0 : i32
      %scatter3A_1829 = tpu.memref_slice %arg10[%while3A_259, %scatter3A] : memref<2x2048xi32, #tpu.memory_space<vmem>> -> memref<1x2048xi32, #tpu.memory_space<vmem>>
      %scatter3A_1830 = tpu.memref_squeeze %scatter3A_1829 : memref<1x2048xi32, #tpu.memory_space<vmem>> -> memref<2048xi32, #tpu.memory_space<vmem>>
      tpu.vector_store_idx %scatter3A_1830[%sub3A_1828], %get3A_1735 masked %le3A : memref<2048xi32, #tpu.memory_space<vmem>>[vector<16xi32>], vector<16xi32>, vector<16xi1>
      %broadcast_in_dim3A_1831 = vector.shape_cast %broadcast_in_dim3A_39 : vector<16xi32> to vector<16x1xi32>
      %gather3A_1832 = vector.shape_cast %broadcast_in_dim3A_1831 : vector<16x1xi32> to vector<16xi32>
      %gather3A_1833 = tpu.dynamic_gather %add3A_1824[%gather3A_1832] in [0] : vector<16xi32>, vector<16xi32> -> vector<16xi32>
      %add3A_1834 = arith.addi %while3A_1732, %gather3A_1833 : vector<16xi32>
      scf.yield %add3A_1834 : vector<16xi32>
    }
    "tpu.trace_stop"() : () -> ()
    %iota3A_271 = tpu.iota {dimensions = array<i32: 0>} : vector<16xi32>
    %eq3A_272 = arith.constant 1 : i32
    %eq3A_273 = vector.broadcast %eq3A_272 : i32 to vector<16xi32>
    %eq3A_274 = arith.cmpi eq, %iota3A_271, %eq3A_273 : vector<16xi32>
    %reduce_sum3A_275 = arith.constant true
    %reduce_sum3A_276 = vector.broadcast %reduce_sum3A_275 : i1 to vector<16xi1>
    %reduce_sum3A_277 = tpu.scan <sum>, %while3A_270 masked %reduce_sum3A_276 : vector<16xi32>, vector<16xi1> -> vector<16xi32>
    %reduce_sum3A_278 = vector.extract %reduce_sum3A_277[15] : i32 from vector<16xi32>
    %jit3A_279 = arith.constant 16 : i32
    %div3A_280 = arith.divsi %reduce_sum3A_278, %jit3A_279 : i32
    %sign3A_281 = arith.constant 0 : i32
    %sign3A_282 = arith.cmpi sgt, %reduce_sum3A_278, %sign3A_281 : i32
    %sign3A_283 = arith.extui %sign3A_282 : i1 to i32
    %sign3A_284 = arith.constant 0 : i32
    %sign3A_285 = arith.cmpi slt, %reduce_sum3A_278, %sign3A_284 : i32
    %sign3A_286 = arith.extui %sign3A_285 : i1 to i32
    %sign3A_287 = arith.subi %sign3A_283, %sign3A_286 : i32
    %sign3A_288 = arith.constant 0 : i32
    %sign3A_289 = arith.cmpi sgt, %jit3A_279, %sign3A_288 : i32
    %sign3A_290 = arith.extui %sign3A_289 : i1 to i32
    %sign3A_291 = arith.constant 0 : i32
    %sign3A_292 = arith.cmpi slt, %jit3A_279, %sign3A_291 : i32
    %sign3A_293 = arith.extui %sign3A_292 : i1 to i32
    %sign3A_294 = arith.subi %sign3A_290, %sign3A_293 : i32
    %ne3A_295 = arith.cmpi ne, %sign3A_287, %sign3A_294 : i32
    %rem3A_296 = arith.remsi %reduce_sum3A_278, %jit3A_279 : i32
    %ne3A_297 = arith.constant 0 : i32
    %ne3A_298 = arith.cmpi ne, %rem3A_296, %ne3A_297 : i32
    %and3A_299 = arith.andi %ne3A_295, %ne3A_298 : i1
    %sub3A_300 = arith.constant 1 : i32
    %sub3A_301 = arith.subi %div3A_280, %sub3A_300 : i32
    %select_n3A_302 = arith.select %and3A_299, %sub3A_301, %div3A_280 : i32
    %broadcast_in_dim3A_303 = vector.broadcast %select_n3A_302 : i32 to vector<16xi32>
    %select_n3A_304 = arith.select %eq3A_274, %broadcast_in_dim3A_303, %select_n3A_170 : vector<16xi1>, vector<16xi32>
    %dma_wait3A = arith.constant 0 : i32
    %dma_wait3A_305 = arith.constant 0 : i32
    %dma_wait3A_306 = arith.constant 0 : i32
    %dma_wait3A_307 = arith.constant 0 : i32
    %dma_wait3A_308 = tpu.memref_slice %arg11[%dma_wait3A_305, %dma_wait3A_306, %dma_wait3A_307] : memref<8x448x8xf32, #tpu.memory_space<vmem>> -> memref<1x448x8xf32, #tpu.memory_space<vmem>>
    %dma_wait3A_309 = tpu.memref_squeeze %dma_wait3A_308 : memref<1x448x8xf32, #tpu.memory_space<vmem>> -> memref<448x8xf32, #tpu.memory_space<vmem>>
    %dma_wait3A_310 = arith.constant 0 : i32
    %dma_wait3A_311 = arith.constant 0 : i32
    %dma_wait3A_312 = tpu.memref_slice %dma_wait3A_309[%dma_wait3A_310, %dma_wait3A_311] : memref<448x8xf32, #tpu.memory_space<vmem>> -> memref<128x8xf32, #tpu.memory_space<vmem>>
    %dma_wait3A_313 = arith.constant 0 : i32
    %dma_wait3A_314 = tpu.memref_slice %arg10[%dma_wait3A, %dma_wait3A_313] : memref<2x2048xi32, #tpu.memory_space<vmem>> -> memref<1x2048xi32, #tpu.memory_space<vmem>>
    %dma_wait3A_315 = tpu.memref_squeeze %dma_wait3A_314 : memref<1x2048xi32, #tpu.memory_space<vmem>> -> memref<2048xi32, #tpu.memory_space<vmem>>
    %dma_wait3A_316 = arith.constant 0 : i32
    %dma_wait3A_317 = tpu.memref_slice %dma_wait3A_315[%dma_wait3A_316] : memref<2048xi32, #tpu.memory_space<vmem>> -> memref<128xi32, #tpu.memory_space<vmem>>
    %dma_wait3A_318 = arith.constant 0 : i32
    %dma_wait3A_319 = arith.constant 0 : i32
    %dma_wait3A_320 = tpu.memref_slice %arg3[%dma_wait3A_318, %dma_wait3A_319] : memref<20488x8xf32, #tpu.memory_space<hbm>> -> memref<20488x8xf32, #tpu.memory_space<hbm>>
    tpu.wait_indirect_dma semaphore(%arg13 : memref<!tpu.dma_semaphore, #tpu.memory_space<semaphore_mem>>) src(%dma_wait3A_320 : memref<20488x8xf32, #tpu.memory_space<hbm>>) dst(%dma_wait3A_312 : memref<128x8xf32, #tpu.memory_space<vmem>>)
    %dma_wait3A_321 = arith.constant 0 : i32
    %dma_wait3A_322 = arith.constant 0 : i32
    %dma_wait3A_323 = arith.constant 0 : i32
    %dma_wait3A_324 = arith.constant 0 : i32
    %dma_wait3A_325 = tpu.memref_slice %arg11[%dma_wait3A_322, %dma_wait3A_323, %dma_wait3A_324] : memref<8x448x8xf32, #tpu.memory_space<vmem>> -> memref<1x448x8xf32, #tpu.memory_space<vmem>>
    %dma_wait3A_326 = tpu.memref_squeeze %dma_wait3A_325 : memref<1x448x8xf32, #tpu.memory_space<vmem>> -> memref<448x8xf32, #tpu.memory_space<vmem>>
    %dma_wait3A_327 = arith.constant 128 : i32
    %dma_wait3A_328 = arith.constant 0 : i32
    %dma_wait3A_329 = tpu.memref_slice %dma_wait3A_326[%dma_wait3A_327, %dma_wait3A_328] : memref<448x8xf32, #tpu.memory_space<vmem>> -> memref<128x8xf32, #tpu.memory_space<vmem>>
    %dma_wait3A_330 = arith.constant 0 : i32
    %dma_wait3A_331 = tpu.memref_slice %arg10[%dma_wait3A_321, %dma_wait3A_330] : memref<2x2048xi32, #tpu.memory_space<vmem>> -> memref<1x2048xi32, #tpu.memory_space<vmem>>
    %dma_wait3A_332 = tpu.memref_squeeze %dma_wait3A_331 : memref<1x2048xi32, #tpu.memory_space<vmem>> -> memref<2048xi32, #tpu.memory_space<vmem>>
    %dma_wait3A_333 = arith.constant 0 : i32
    %dma_wait3A_334 = tpu.memref_slice %dma_wait3A_332[%dma_wait3A_333] : memref<2048xi32, #tpu.memory_space<vmem>> -> memref<128xi32, #tpu.memory_space<vmem>>
    %dma_wait3A_335 = arith.constant 0 : i32
    %dma_wait3A_336 = arith.constant 0 : i32
    %dma_wait3A_337 = tpu.memref_slice %arg3[%dma_wait3A_335, %dma_wait3A_336] : memref<20488x8xf32, #tpu.memory_space<hbm>> -> memref<20488x8xf32, #tpu.memory_space<hbm>>
    tpu.wait_indirect_dma semaphore(%arg13 : memref<!tpu.dma_semaphore, #tpu.memory_space<semaphore_mem>>) src(%dma_wait3A_337 : memref<20488x8xf32, #tpu.memory_space<hbm>>) dst(%dma_wait3A_329 : memref<128x8xf32, #tpu.memory_space<vmem>>)
    %dma_wait3A_338 = arith.constant 0 : i32
    %dma_wait3A_339 = arith.constant 0 : i32
    %dma_wait3A_340 = arith.constant 0 : i32
    %dma_wait3A_341 = arith.constant 0 : i32
    %dma_wait3A_342 = tpu.memref_slice %arg11[%dma_wait3A_339, %dma_wait3A_340, %dma_wait3A_341] : memref<8x448x8xf32, #tpu.memory_space<vmem>> -> memref<1x448x8xf32, #tpu.memory_space<vmem>>
    %dma_wait3A_343 = tpu.memref_squeeze %dma_wait3A_342 : memref<1x448x8xf32, #tpu.memory_space<vmem>> -> memref<448x8xf32, #tpu.memory_space<vmem>>
    %dma_wait3A_344 = arith.constant 256 : i32
    %dma_wait3A_345 = arith.constant 0 : i32
    %dma_wait3A_346 = tpu.memref_slice %dma_wait3A_343[%dma_wait3A_344, %dma_wait3A_345] : memref<448x8xf32, #tpu.memory_space<vmem>> -> memref<128x8xf32, #tpu.memory_space<vmem>>
    %dma_wait3A_347 = arith.constant 0 : i32
    %dma_wait3A_348 = tpu.memref_slice %arg10[%dma_wait3A_338, %dma_wait3A_347] : memref<2x2048xi32, #tpu.memory_space<vmem>> -> memref<1x2048xi32, #tpu.memory_space<vmem>>
    %dma_wait3A_349 = tpu.memref_squeeze %dma_wait3A_348 : memref<1x2048xi32, #tpu.memory_space<vmem>> -> memref<2048xi32, #tpu.memory_space<vmem>>
    %dma_wait3A_350 = arith.constant 0 : i32
    %dma_wait3A_351 = tpu.memref_slice %dma_wait3A_349[%dma_wait3A_350] : memref<2048xi32, #tpu.memory_space<vmem>> -> memref<128xi32, #tpu.memory_space<vmem>>
    %dma_wait3A_352 = arith.constant 0 : i32
    %dma_wait3A_353 = arith.constant 0 : i32
    %dma_wait3A_354 = tpu.memref_slice %arg3[%dma_wait3A_352, %dma_wait3A_353] : memref<20488x8xf32, #tpu.memory_space<hbm>> -> memref<20488x8xf32, #tpu.memory_space<hbm>>
    tpu.wait_indirect_dma semaphore(%arg13 : memref<!tpu.dma_semaphore, #tpu.memory_space<semaphore_mem>>) src(%dma_wait3A_354 : memref<20488x8xf32, #tpu.memory_space<hbm>>) dst(%dma_wait3A_346 : memref<128x8xf32, #tpu.memory_space<vmem>>)
    %dma_wait3A_355 = arith.constant 0 : i32
    %dma_wait3A_356 = arith.constant 0 : i32
    %dma_wait3A_357 = arith.constant 0 : i32
    %dma_wait3A_358 = arith.constant 0 : i32
    %dma_wait3A_359 = tpu.memref_slice %arg11[%dma_wait3A_356, %dma_wait3A_357, %dma_wait3A_358] : memref<8x448x8xf32, #tpu.memory_space<vmem>> -> memref<1x448x8xf32, #tpu.memory_space<vmem>>
    %dma_wait3A_360 = tpu.memref_squeeze %dma_wait3A_359 : memref<1x448x8xf32, #tpu.memory_space<vmem>> -> memref<448x8xf32, #tpu.memory_space<vmem>>
    %dma_wait3A_361 = arith.constant 384 : i32
    %dma_wait3A_362 = arith.constant 0 : i32
    %dma_wait3A_363 = tpu.memref_slice %dma_wait3A_360[%dma_wait3A_361, %dma_wait3A_362] : memref<448x8xf32, #tpu.memory_space<vmem>> -> memref<64x8xf32, #tpu.memory_space<vmem>>
    %dma_wait3A_364 = arith.constant 0 : i32
    %dma_wait3A_365 = tpu.memref_slice %arg10[%dma_wait3A_355, %dma_wait3A_364] : memref<2x2048xi32, #tpu.memory_space<vmem>> -> memref<1x2048xi32, #tpu.memory_space<vmem>>
    %dma_wait3A_366 = tpu.memref_squeeze %dma_wait3A_365 : memref<1x2048xi32, #tpu.memory_space<vmem>> -> memref<2048xi32, #tpu.memory_space<vmem>>
    %dma_wait3A_367 = arith.constant 0 : i32
    %dma_wait3A_368 = tpu.memref_slice %dma_wait3A_366[%dma_wait3A_367] : memref<2048xi32, #tpu.memory_space<vmem>> -> memref<64xi32, #tpu.memory_space<vmem>>
    %dma_wait3A_369 = arith.constant 0 : i32
    %dma_wait3A_370 = arith.constant 0 : i32
    %dma_wait3A_371 = tpu.memref_slice %arg3[%dma_wait3A_369, %dma_wait3A_370] : memref<20488x8xf32, #tpu.memory_space<hbm>> -> memref<20488x8xf32, #tpu.memory_space<hbm>>
    tpu.wait_indirect_dma semaphore(%arg13 : memref<!tpu.dma_semaphore, #tpu.memory_space<semaphore_mem>>) src(%dma_wait3A_371 : memref<20488x8xf32, #tpu.memory_space<hbm>>) dst(%dma_wait3A_363 : memref<64x8xf32, #tpu.memory_space<vmem>>)
    %dma_start3A_372 = arith.constant 1 : i32
    %dma_start3A_373 = arith.constant 1 : i32
    %dma_start3A_374 = arith.constant 0 : i32
    %dma_start3A_375 = arith.constant 0 : i32
    %dma_start3A_376 = tpu.memref_slice %arg11[%dma_start3A_373, %dma_start3A_374, %dma_start3A_375] : memref<8x448x8xf32, #tpu.memory_space<vmem>> -> memref<1x448x8xf32, #tpu.memory_space<vmem>>
    %dma_start3A_377 = tpu.memref_squeeze %dma_start3A_376 : memref<1x448x8xf32, #tpu.memory_space<vmem>> -> memref<448x8xf32, #tpu.memory_space<vmem>>
    %dma_start3A_378 = arith.constant 0 : i32
    %dma_start3A_379 = arith.constant 0 : i32
    %dma_start3A_380 = tpu.memref_slice %dma_start3A_377[%dma_start3A_378, %dma_start3A_379] : memref<448x8xf32, #tpu.memory_space<vmem>> -> memref<128x8xf32, #tpu.memory_space<vmem>>
    %dma_start3A_381 = arith.constant 0 : i32
    %dma_start3A_382 = tpu.memref_slice %arg10[%dma_start3A_372, %dma_start3A_381] : memref<2x2048xi32, #tpu.memory_space<vmem>> -> memref<1x2048xi32, #tpu.memory_space<vmem>>
    %dma_start3A_383 = tpu.memref_squeeze %dma_start3A_382 : memref<1x2048xi32, #tpu.memory_space<vmem>> -> memref<2048xi32, #tpu.memory_space<vmem>>
    %dma_start3A_384 = arith.constant 0 : i32
    %dma_start3A_385 = tpu.memref_slice %dma_start3A_383[%dma_start3A_384] : memref<2048xi32, #tpu.memory_space<vmem>> -> memref<128xi32, #tpu.memory_space<vmem>>
    %dma_start3A_386 = arith.constant 0 : i32
    %dma_start3A_387 = arith.constant 0 : i32
    %dma_start3A_388 = tpu.memref_slice %arg3[%dma_start3A_386, %dma_start3A_387] : memref<20488x8xf32, #tpu.memory_space<hbm>> -> memref<20488x8xf32, #tpu.memory_space<hbm>>
    tpu.enqueue_indirect_dma source(%dma_start3A_388 : memref<20488x8xf32, #tpu.memory_space<hbm>>) target(%dma_start3A_380 : memref<128x8xf32, #tpu.memory_space<vmem>>) offsets(%dma_start3A_385 : memref<128xi32, #tpu.memory_space<vmem>>) semaphore(%arg13 : memref<!tpu.dma_semaphore, #tpu.memory_space<semaphore_mem>>)
    %dma_start3A_389 = arith.constant 1 : i32
    %dma_start3A_390 = arith.constant 1 : i32
    %dma_start3A_391 = arith.constant 0 : i32
    %dma_start3A_392 = arith.constant 0 : i32
    %dma_start3A_393 = tpu.memref_slice %arg11[%dma_start3A_390, %dma_start3A_391, %dma_start3A_392] : memref<8x448x8xf32, #tpu.memory_space<vmem>> -> memref<1x448x8xf32, #tpu.memory_space<vmem>>
    %dma_start3A_394 = tpu.memref_squeeze %dma_start3A_393 : memref<1x448x8xf32, #tpu.memory_space<vmem>> -> memref<448x8xf32, #tpu.memory_space<vmem>>
    %dma_start3A_395 = arith.constant 128 : i32
    %dma_start3A_396 = arith.constant 0 : i32
    %dma_start3A_397 = tpu.memref_slice %dma_start3A_394[%dma_start3A_395, %dma_start3A_396] : memref<448x8xf32, #tpu.memory_space<vmem>> -> memref<128x8xf32, #tpu.memory_space<vmem>>
    %dma_start3A_398 = arith.constant 0 : i32
    %dma_start3A_399 = tpu.memref_slice %arg10[%dma_start3A_389, %dma_start3A_398] : memref<2x2048xi32, #tpu.memory_space<vmem>> -> memref<1x2048xi32, #tpu.memory_space<vmem>>
    %dma_start3A_400 = tpu.memref_squeeze %dma_start3A_399 : memref<1x2048xi32, #tpu.memory_space<vmem>> -> memref<2048xi32, #tpu.memory_space<vmem>>
    %dma_start3A_401 = arith.constant 128 : i32
    %dma_start3A_402 = tpu.memref_slice %dma_start3A_400[%dma_start3A_401] : memref<2048xi32, #tpu.memory_space<vmem>> -> memref<128xi32, #tpu.memory_space<vmem>>
    %dma_start3A_403 = arith.constant 0 : i32
    %dma_start3A_404 = arith.constant 0 : i32
    %dma_start3A_405 = tpu.memref_slice %arg3[%dma_start3A_403, %dma_start3A_404] : memref<20488x8xf32, #tpu.memory_space<hbm>> -> memref<20488x8xf32, #tpu.memory_space<hbm>>
    tpu.enqueue_indirect_dma source(%dma_start3A_405 : memref<20488x8xf32, #tpu.memory_space<hbm>>) target(%dma_start3A_397 : memref<128x8xf32, #tpu.memory_space<vmem>>) offsets(%dma_start3A_402 : memref<128xi32, #tpu.memory_space<vmem>>) semaphore(%arg13 : memref<!tpu.dma_semaphore, #tpu.memory_space<semaphore_mem>>)
    %dma_start3A_406 = arith.constant 1 : i32
    %dma_start3A_407 = arith.constant 1 : i32
    %dma_start3A_408 = arith.constant 0 : i32
    %dma_start3A_409 = arith.constant 0 : i32
    %dma_start3A_410 = tpu.memref_slice %arg11[%dma_start3A_407, %dma_start3A_408, %dma_start3A_409] : memref<8x448x8xf32, #tpu.memory_space<vmem>> -> memref<1x448x8xf32, #tpu.memory_space<vmem>>
    %dma_start3A_411 = tpu.memref_squeeze %dma_start3A_410 : memref<1x448x8xf32, #tpu.memory_space<vmem>> -> memref<448x8xf32, #tpu.memory_space<vmem>>
    %dma_start3A_412 = arith.constant 256 : i32
    %dma_start3A_413 = arith.constant 0 : i32
    %dma_start3A_414 = tpu.memref_slice %dma_start3A_411[%dma_start3A_412, %dma_start3A_413] : memref<448x8xf32, #tpu.memory_space<vmem>> -> memref<128x8xf32, #tpu.memory_space<vmem>>
    %dma_start3A_415 = arith.constant 0 : i32
    %dma_start3A_416 = tpu.memref_slice %arg10[%dma_start3A_406, %dma_start3A_415] : memref<2x2048xi32, #tpu.memory_space<vmem>> -> memref<1x2048xi32, #tpu.memory_space<vmem>>
    %dma_start3A_417 = tpu.memref_squeeze %dma_start3A_416 : memref<1x2048xi32, #tpu.memory_space<vmem>> -> memref<2048xi32, #tpu.memory_space<vmem>>
    %dma_start3A_418 = arith.constant 256 : i32
    %dma_start3A_419 = tpu.memref_slice %dma_start3A_417[%dma_start3A_418] : memref<2048xi32, #tpu.memory_space<vmem>> -> memref<128xi32, #tpu.memory_space<vmem>>
    %dma_start3A_420 = arith.constant 0 : i32
    %dma_start3A_421 = arith.constant 0 : i32
    %dma_start3A_422 = tpu.memref_slice %arg3[%dma_start3A_420, %dma_start3A_421] : memref<20488x8xf32, #tpu.memory_space<hbm>> -> memref<20488x8xf32, #tpu.memory_space<hbm>>
    tpu.enqueue_indirect_dma source(%dma_start3A_422 : memref<20488x8xf32, #tpu.memory_space<hbm>>) target(%dma_start3A_414 : memref<128x8xf32, #tpu.memory_space<vmem>>) offsets(%dma_start3A_419 : memref<128xi32, #tpu.memory_space<vmem>>) semaphore(%arg13 : memref<!tpu.dma_semaphore, #tpu.memory_space<semaphore_mem>>)
    %dma_start3A_423 = arith.constant 1 : i32
    %dma_start3A_424 = arith.constant 1 : i32
    %dma_start3A_425 = arith.constant 0 : i32
    %dma_start3A_426 = arith.constant 0 : i32
    %dma_start3A_427 = tpu.memref_slice %arg11[%dma_start3A_424, %dma_start3A_425, %dma_start3A_426] : memref<8x448x8xf32, #tpu.memory_space<vmem>> -> memref<1x448x8xf32, #tpu.memory_space<vmem>>
    %dma_start3A_428 = tpu.memref_squeeze %dma_start3A_427 : memref<1x448x8xf32, #tpu.memory_space<vmem>> -> memref<448x8xf32, #tpu.memory_space<vmem>>
    %dma_start3A_429 = arith.constant 384 : i32
    %dma_start3A_430 = arith.constant 0 : i32
    %dma_start3A_431 = tpu.memref_slice %dma_start3A_428[%dma_start3A_429, %dma_start3A_430] : memref<448x8xf32, #tpu.memory_space<vmem>> -> memref<64x8xf32, #tpu.memory_space<vmem>>
    %dma_start3A_432 = arith.constant 0 : i32
    %dma_start3A_433 = tpu.memref_slice %arg10[%dma_start3A_423, %dma_start3A_432] : memref<2x2048xi32, #tpu.memory_space<vmem>> -> memref<1x2048xi32, #tpu.memory_space<vmem>>
    %dma_start3A_434 = tpu.memref_squeeze %dma_start3A_433 : memref<1x2048xi32, #tpu.memory_space<vmem>> -> memref<2048xi32, #tpu.memory_space<vmem>>
    %dma_start3A_435 = arith.constant 384 : i32
    %dma_start3A_436 = tpu.memref_slice %dma_start3A_434[%dma_start3A_435] : memref<2048xi32, #tpu.memory_space<vmem>> -> memref<64xi32, #tpu.memory_space<vmem>>
    %dma_start3A_437 = arith.constant 0 : i32
    %dma_start3A_438 = arith.constant 0 : i32
    %dma_start3A_439 = tpu.memref_slice %arg3[%dma_start3A_437, %dma_start3A_438] : memref<20488x8xf32, #tpu.memory_space<hbm>> -> memref<20488x8xf32, #tpu.memory_space<hbm>>
    tpu.enqueue_indirect_dma source(%dma_start3A_439 : memref<20488x8xf32, #tpu.memory_space<hbm>>) target(%dma_start3A_431 : memref<64x8xf32, #tpu.memory_space<vmem>>) offsets(%dma_start3A_436 : memref<64xi32, #tpu.memory_space<vmem>>) semaphore(%arg13 : memref<!tpu.dma_semaphore, #tpu.memory_space<semaphore_mem>>)
    %mul3A_440 = arith.constant 8 : i32
    %mul3A_441 = arith.muli %select_n3A_30, %mul3A_440 : i32
    %add3A_442 = arith.constant 2 : i32
    %add3A_443 = arith.addi %mul3A_441, %add3A_442 : i32
    %convert_element_type3A_444 = arith.sitofp %add3A_443 : i32 to f32
    %mul3A_445 = arith.constant 1.600000e+01 : f32
    %mul3A_446 = arith.mulf %convert_element_type3A_444, %mul3A_445 : f32
    %add3A_447 = arith.constant 5.000000e-01 : f32
    %add3A_448 = arith.addf %mul3A_446, %add3A_447 : f32
    %add3A_449 = arith.constant 1.500000e+01 : f32
    %add3A_450 = arith.addf %add3A_448, %add3A_449 : f32
    "tpu.trace_start"() <{level = 10 : i32, message = "bin_init"}> : () -> ()
    %scan3A_451 = arith.constant 0 : i32
    %scan3A_452 = arith.constant 0 : i32
    %scan3A_453 = arith.constant 0 : i32
    %scan3A_454 = arith.constant 28 : i32
    %scan3A_455 = arith.addi %scan3A_453, %scan3A_454 : i32
    %scan3A_456 = arith.constant 1 : i32
    %scan3A_457 = scf.for %scan3A_1731 = %scan3A_453 to %scan3A_455 step %scan3A_456 iter_args(%scan3A_1732 = %scan3A_452) -> (i32)  : i32 {
      %broadcast_in_dim3A_1733 = arith.constant 20480 : i32
      %broadcast_in_dim3A_1734 = vector.broadcast %broadcast_in_dim3A_1733 : i32 to vector<16xi32>
      %mul3A_1735 = arith.constant 16 : i32
      %mul3A_1736 = arith.muli %scan3A_1731, %mul3A_1735 : i32
      %swap3A_1737 = arith.constant 0 : i32
      %swap3A_1738 = tpu.memref_slice %arg10[%scan3A_451, %swap3A_1737] : memref<2x2048xi32, #tpu.memory_space<vmem>> -> memref<1x2048xi32, #tpu.memory_space<vmem>>
      %swap3A_1739 = tpu.memref_squeeze %swap3A_1738 : memref<1x2048xi32, #tpu.memory_space<vmem>> -> memref<2048xi32, #tpu.memory_space<vmem>>
      %swap3A_1740 = arith.index_cast %mul3A_1736 : i32 to index
      %swap3A_1741 = tpu.vector_load %swap3A_1739[%swap3A_1740] {strides = array<i32>} : memref<2048xi32, #tpu.memory_space<vmem>>, vector<16xi32>,
      tpu.vector_store %swap3A_1739[%swap3A_1740], %broadcast_in_dim3A_1734 {strides = array<i32>} : memref<2048xi32, #tpu.memory_space<vmem>>, vector<16xi32>,
      %scan3A_1742 = arith.constant 0 : i32
      scf.yield %scan3A_1742 : i32
    }
    %scan3A_458 = arith.constant 28 : i32
    %broadcast_in_dim3A_459 = arith.constant 0 : i32
    "tpu.trace_stop"() : () -> ()
    "tpu.trace_start"() <{level = 10 : i32, message = "bin_p2"}> : () -> ()
    %broadcast_in_dim3A_460 = vector.broadcast %broadcast_in_dim3A_459 : i32 to vector<16xi32>
    %while3A_461 = arith.constant 0 : i32
    %while3A_462 = arith.constant 0 : i32
    %while3A_463 = arith.subi %select_n3A_102, %while3A_462 : i32
    %while3A_464 = arith.addi %while3A_462, %while3A_463 : i32
    %while3A_465 = arith.constant 1 : i32
    %while3A_466 = arith.divsi %while3A_463, %while3A_465 : i32
    %while3A_467 = arith.muli %while3A_466, %while3A_465 : i32
    %while3A_468 = arith.addi %while3A_462, %while3A_467 : i32
    %while3A_469 = arith.constant 1 : i32
    %while3A_470 = scf.for %while3A_1731 = %while3A_462 to %while3A_468 step %while3A_469 iter_args(%while3A_1732 = %broadcast_in_dim3A_460) -> (vector<16xi32>)  : i32 {
      %mul3A_1733 = arith.constant 16 : i32
      %mul3A_1734 = arith.muli %while3A_1731, %mul3A_1733 : i32
      %get3A = arith.index_cast %mul3A_1734 : i32 to index
      %get3A_1735 = tpu.vector_load %arg9[%get3A] {strides = array<i32>} : memref<3104xi32, #tpu.memory_space<vmem>>, vector<16xi32>,
      %gather3A = tpu.vector_load_idx %arg6[%get3A_1735] : memref<20480xf32, #tpu.memory_space<vmem>>[vector<16xi32>], vector<16xf32>,
      %gather3A_1736 = tpu.vector_load_idx %arg7[%get3A_1735] : memref<20480xf32, #tpu.memory_space<vmem>>[vector<16xi32>], vector<16xf32>,
      %gather3A_1737 = tpu.vector_load_idx %arg8[%get3A_1735] : memref<20480xf32, #tpu.memory_space<vmem>>[vector<16xi32>], vector<16xf32>,
      %sub3A_1738 = vector.broadcast %add3A_448 : f32 to vector<16xf32>
      %sub3A_1739 = arith.subf %sub3A_1738, %gather3A : vector<16xf32>
      %sub3A_1740 = vector.broadcast %add3A_450 : f32 to vector<16xf32>
      %sub3A_1741 = arith.subf %gather3A, %sub3A_1740 : vector<16xf32>
      %max3A = arith.maximumf %sub3A_1739, %sub3A_1741 : vector<16xf32>
      %max3A_1742 = arith.constant 0.000000e+00 : f32
      %max3A_1743 = vector.broadcast %max3A_1742 : f32 to vector<16xf32>
      %max3A_1744 = arith.maximumf %max3A, %max3A_1743 : vector<16xf32>
      %sub3A_1745 = vector.broadcast %add3A_36 : f32 to vector<16xf32>
      %sub3A_1746 = arith.subf %sub3A_1745, %gather3A_1736 : vector<16xf32>
      %sub3A_1747 = vector.broadcast %add3A_38 : f32 to vector<16xf32>
      %sub3A_1748 = arith.subf %gather3A_1736, %sub3A_1747 : vector<16xf32>
      %max3A_1749 = arith.maximumf %sub3A_1746, %sub3A_1748 : vector<16xf32>
      %max3A_1750 = arith.constant 0.000000e+00 : f32
      %max3A_1751 = vector.broadcast %max3A_1750 : f32 to vector<16xf32>
      %max3A_1752 = arith.maximumf %max3A_1749, %max3A_1751 : vector<16xf32>
      %mul3A_1753 = arith.mulf %max3A_1744, %max3A_1744 : vector<16xf32>
      %mul3A_1754 = arith.mulf %max3A_1752, %max3A_1752 : vector<16xf32>
      %add3A_1755 = arith.addf %mul3A_1753, %mul3A_1754 : vector<16xf32>
      %le3A = arith.cmpf ole, %add3A_1755, %gather3A_1737 : vector<16xf32>
      %jit3A_1756 = arith.constant 1 : i32
      %jit3A_1757 = arith.constant 0 : i32
      %broadcast_in_dim3A_1758 = vector.broadcast %jit3A_1756 : i32 to vector<16xi32>
      %broadcast_in_dim3A_1759 = vector.broadcast %jit3A_1757 : i32 to vector<16xi32>
      %select_n3A_1760 = arith.select %le3A, %broadcast_in_dim3A_1758, %broadcast_in_dim3A_1759 : vector<16xi1>, vector<16xi32>
      %iota3A_1761 = tpu.iota {dimensions = array<i32: 0>} : vector<16xi32>
      %sub3A_1762 = arith.constant 1 : i32
      %sub3A_1763 = vector.broadcast %sub3A_1762 : i32 to vector<16xi32>
      %sub3A_1764 = arith.subi %iota3A_1761, %sub3A_1763 : vector<16xi32>
      %max3A_1765 = arith.constant 0 : i32
      %max3A_1766 = vector.broadcast %max3A_1765 : i32 to vector<16xi32>
      %max3A_1767 = arith.maxsi %sub3A_1764, %max3A_1766 : vector<16xi32>
      %broadcast_in_dim3A_1768 = vector.shape_cast %max3A_1767 : vector<16xi32> to vector<16x1xi32>
      %gather3A_1769 = vector.shape_cast %broadcast_in_dim3A_1768 : vector<16x1xi32> to vector<16xi32>
      %gather3A_1770 = tpu.dynamic_gather %select_n3A_1760[%gather3A_1769] in [0] : vector<16xi32>, vector<16xi32> -> vector<16xi32>
      %ge3A = arith.constant 1 : i32
      %ge3A_1771 = vector.broadcast %ge3A : i32 to vector<16xi32>
      %ge3A_1772 = arith.cmpi sge, %iota3A_1761, %ge3A_1771 : vector<16xi32>
      %jit3A_1773 = arith.constant 0 : i32
      %broadcast_in_dim3A_1774 = vector.broadcast %jit3A_1773 : i32 to vector<16xi32>
      %select_n3A_1775 = arith.select %ge3A_1772, %gather3A_1770, %broadcast_in_dim3A_1774 : vector<16xi1>, vector<16xi32>
      %add3A_1776 = arith.addi %select_n3A_1760, %select_n3A_1775 : vector<16xi32>
      %sub3A_1777 = arith.constant 2 : i32
      %sub3A_1778 = vector.broadcast %sub3A_1777 : i32 to vector<16xi32>
      %sub3A_1779 = arith.subi %iota3A_1761, %sub3A_1778 : vector<16xi32>
      %max3A_1780 = arith.constant 0 : i32
      %max3A_1781 = vector.broadcast %max3A_1780 : i32 to vector<16xi32>
      %max3A_1782 = arith.maxsi %sub3A_1779, %max3A_1781 : vector<16xi32>
      %broadcast_in_dim3A_1783 = vector.shape_cast %max3A_1782 : vector<16xi32> to vector<16x1xi32>
      %gather3A_1784 = vector.shape_cast %broadcast_in_dim3A_1783 : vector<16x1xi32> to vector<16xi32>
      %gather3A_1785 = tpu.dynamic_gather %add3A_1776[%gather3A_1784] in [0] : vector<16xi32>, vector<16xi32> -> vector<16xi32>
      %ge3A_1786 = arith.constant 2 : i32
      %ge3A_1787 = vector.broadcast %ge3A_1786 : i32 to vector<16xi32>
      %ge3A_1788 = arith.cmpi sge, %iota3A_1761, %ge3A_1787 : vector<16xi32>
      %jit3A_1789 = arith.constant 0 : i32
      %broadcast_in_dim3A_1790 = vector.broadcast %jit3A_1789 : i32 to vector<16xi32>
      %select_n3A_1791 = arith.select %ge3A_1788, %gather3A_1785, %broadcast_in_dim3A_1790 : vector<16xi1>, vector<16xi32>
      %add3A_1792 = arith.addi %add3A_1776, %select_n3A_1791 : vector<16xi32>
      %sub3A_1793 = arith.constant 4 : i32
      %sub3A_1794 = vector.broadcast %sub3A_1793 : i32 to vector<16xi32>
      %sub3A_1795 = arith.subi %iota3A_1761, %sub3A_1794 : vector<16xi32>
      %max3A_1796 = arith.constant 0 : i32
      %max3A_1797 = vector.broadcast %max3A_1796 : i32 to vector<16xi32>
      %max3A_1798 = arith.maxsi %sub3A_1795, %max3A_1797 : vector<16xi32>
      %broadcast_in_dim3A_1799 = vector.shape_cast %max3A_1798 : vector<16xi32> to vector<16x1xi32>
      %gather3A_1800 = vector.shape_cast %broadcast_in_dim3A_1799 : vector<16x1xi32> to vector<16xi32>
      %gather3A_1801 = tpu.dynamic_gather %add3A_1792[%gather3A_1800] in [0] : vector<16xi32>, vector<16xi32> -> vector<16xi32>
      %ge3A_1802 = arith.constant 4 : i32
      %ge3A_1803 = vector.broadcast %ge3A_1802 : i32 to vector<16xi32>
      %ge3A_1804 = arith.cmpi sge, %iota3A_1761, %ge3A_1803 : vector<16xi32>
      %jit3A_1805 = arith.constant 0 : i32
      %broadcast_in_dim3A_1806 = vector.broadcast %jit3A_1805 : i32 to vector<16xi32>
      %select_n3A_1807 = arith.select %ge3A_1804, %gather3A_1801, %broadcast_in_dim3A_1806 : vector<16xi1>, vector<16xi32>
      %add3A_1808 = arith.addi %add3A_1792, %select_n3A_1807 : vector<16xi32>
      %sub3A_1809 = arith.constant 8 : i32
      %sub3A_1810 = vector.broadcast %sub3A_1809 : i32 to vector<16xi32>
      %sub3A_1811 = arith.subi %iota3A_1761, %sub3A_1810 : vector<16xi32>
      %max3A_1812 = arith.constant 0 : i32
      %max3A_1813 = vector.broadcast %max3A_1812 : i32 to vector<16xi32>
      %max3A_1814 = arith.maxsi %sub3A_1811, %max3A_1813 : vector<16xi32>
      %broadcast_in_dim3A_1815 = vector.shape_cast %max3A_1814 : vector<16xi32> to vector<16x1xi32>
      %gather3A_1816 = vector.shape_cast %broadcast_in_dim3A_1815 : vector<16x1xi32> to vector<16xi32>
      %gather3A_1817 = tpu.dynamic_gather %add3A_1808[%gather3A_1816] in [0] : vector<16xi32>, vector<16xi32> -> vector<16xi32>
      %ge3A_1818 = arith.constant 8 : i32
      %ge3A_1819 = vector.broadcast %ge3A_1818 : i32 to vector<16xi32>
      %ge3A_1820 = arith.cmpi sge, %iota3A_1761, %ge3A_1819 : vector<16xi32>
      %jit3A_1821 = arith.constant 0 : i32
      %broadcast_in_dim3A_1822 = vector.broadcast %jit3A_1821 : i32 to vector<16xi32>
      %select_n3A_1823 = arith.select %ge3A_1820, %gather3A_1817, %broadcast_in_dim3A_1822 : vector<16xi1>, vector<16xi32>
      %add3A_1824 = arith.addi %add3A_1808, %select_n3A_1823 : vector<16xi32>
      %add3A_1825 = arith.addi %while3A_1732, %add3A_1824 : vector<16xi32>
      %sub3A_1826 = arith.constant 1 : i32
      %sub3A_1827 = vector.broadcast %sub3A_1826 : i32 to vector<16xi32>
      %sub3A_1828 = arith.subi %add3A_1825, %sub3A_1827 : vector<16xi32>
      %scatter3A = arith.constant 0 : i32
      %scatter3A_1829 = tpu.memref_slice %arg10[%while3A_461, %scatter3A] : memref<2x2048xi32, #tpu.memory_space<vmem>> -> memref<1x2048xi32, #tpu.memory_space<vmem>>
      %scatter3A_1830 = tpu.memref_squeeze %scatter3A_1829 : memref<1x2048xi32, #tpu.memory_space<vmem>> -> memref<2048xi32, #tpu.memory_space<vmem>>
      tpu.vector_store_idx %scatter3A_1830[%sub3A_1828], %get3A_1735 masked %le3A : memref<2048xi32, #tpu.memory_space<vmem>>[vector<16xi32>], vector<16xi32>, vector<16xi1>
      %broadcast_in_dim3A_1831 = vector.shape_cast %broadcast_in_dim3A_39 : vector<16xi32> to vector<16x1xi32>
      %gather3A_1832 = vector.shape_cast %broadcast_in_dim3A_1831 : vector<16x1xi32> to vector<16xi32>
      %gather3A_1833 = tpu.dynamic_gather %add3A_1824[%gather3A_1832] in [0] : vector<16xi32>, vector<16xi32> -> vector<16xi32>
      %add3A_1834 = arith.addi %while3A_1732, %gather3A_1833 : vector<16xi32>
      scf.yield %add3A_1834 : vector<16xi32>
    }
    %while3A_471 = arith.constant 1 : i32
    %while3A_472 = scf.for %while3A_1731 = %while3A_468 to %while3A_464 step %while3A_471 iter_args(%while3A_1732 = %while3A_470) -> (vector<16xi32>)  : i32 {
      %mul3A_1733 = arith.constant 16 : i32
      %mul3A_1734 = arith.muli %while3A_1731, %mul3A_1733 : i32
      %get3A = arith.index_cast %mul3A_1734 : i32 to index
      %get3A_1735 = tpu.vector_load %arg9[%get3A] {strides = array<i32>} : memref<3104xi32, #tpu.memory_space<vmem>>, vector<16xi32>,
      %gather3A = tpu.vector_load_idx %arg6[%get3A_1735] : memref<20480xf32, #tpu.memory_space<vmem>>[vector<16xi32>], vector<16xf32>,
      %gather3A_1736 = tpu.vector_load_idx %arg7[%get3A_1735] : memref<20480xf32, #tpu.memory_space<vmem>>[vector<16xi32>], vector<16xf32>,
      %gather3A_1737 = tpu.vector_load_idx %arg8[%get3A_1735] : memref<20480xf32, #tpu.memory_space<vmem>>[vector<16xi32>], vector<16xf32>,
      %sub3A_1738 = vector.broadcast %add3A_448 : f32 to vector<16xf32>
      %sub3A_1739 = arith.subf %sub3A_1738, %gather3A : vector<16xf32>
      %sub3A_1740 = vector.broadcast %add3A_450 : f32 to vector<16xf32>
      %sub3A_1741 = arith.subf %gather3A, %sub3A_1740 : vector<16xf32>
      %max3A = arith.maximumf %sub3A_1739, %sub3A_1741 : vector<16xf32>
      %max3A_1742 = arith.constant 0.000000e+00 : f32
      %max3A_1743 = vector.broadcast %max3A_1742 : f32 to vector<16xf32>
      %max3A_1744 = arith.maximumf %max3A, %max3A_1743 : vector<16xf32>
      %sub3A_1745 = vector.broadcast %add3A_36 : f32 to vector<16xf32>
      %sub3A_1746 = arith.subf %sub3A_1745, %gather3A_1736 : vector<16xf32>
      %sub3A_1747 = vector.broadcast %add3A_38 : f32 to vector<16xf32>
      %sub3A_1748 = arith.subf %gather3A_1736, %sub3A_1747 : vector<16xf32>
      %max3A_1749 = arith.maximumf %sub3A_1746, %sub3A_1748 : vector<16xf32>
      %max3A_1750 = arith.constant 0.000000e+00 : f32
      %max3A_1751 = vector.broadcast %max3A_1750 : f32 to vector<16xf32>
      %max3A_1752 = arith.maximumf %max3A_1749, %max3A_1751 : vector<16xf32>
      %mul3A_1753 = arith.mulf %max3A_1744, %max3A_1744 : vector<16xf32>
      %mul3A_1754 = arith.mulf %max3A_1752, %max3A_1752 : vector<16xf32>
      %add3A_1755 = arith.addf %mul3A_1753, %mul3A_1754 : vector<16xf32>
      %le3A = arith.cmpf ole, %add3A_1755, %gather3A_1737 : vector<16xf32>
      %jit3A_1756 = arith.constant 1 : i32
      %jit3A_1757 = arith.constant 0 : i32
      %broadcast_in_dim3A_1758 = vector.broadcast %jit3A_1756 : i32 to vector<16xi32>
      %broadcast_in_dim3A_1759 = vector.broadcast %jit3A_1757 : i32 to vector<16xi32>
      %select_n3A_1760 = arith.select %le3A, %broadcast_in_dim3A_1758, %broadcast_in_dim3A_1759 : vector<16xi1>, vector<16xi32>
      %iota3A_1761 = tpu.iota {dimensions = array<i32: 0>} : vector<16xi32>
      %sub3A_1762 = arith.constant 1 : i32
      %sub3A_1763 = vector.broadcast %sub3A_1762 : i32 to vector<16xi32>
      %sub3A_1764 = arith.subi %iota3A_1761, %sub3A_1763 : vector<16xi32>
      %max3A_1765 = arith.constant 0 : i32
      %max3A_1766 = vector.broadcast %max3A_1765 : i32 to vector<16xi32>
      %max3A_1767 = arith.maxsi %sub3A_1764, %max3A_1766 : vector<16xi32>
      %broadcast_in_dim3A_1768 = vector.shape_cast %max3A_1767 : vector<16xi32> to vector<16x1xi32>
      %gather3A_1769 = vector.shape_cast %broadcast_in_dim3A_1768 : vector<16x1xi32> to vector<16xi32>
      %gather3A_1770 = tpu.dynamic_gather %select_n3A_1760[%gather3A_1769] in [0] : vector<16xi32>, vector<16xi32> -> vector<16xi32>
      %ge3A = arith.constant 1 : i32
      %ge3A_1771 = vector.broadcast %ge3A : i32 to vector<16xi32>
      %ge3A_1772 = arith.cmpi sge, %iota3A_1761, %ge3A_1771 : vector<16xi32>
      %jit3A_1773 = arith.constant 0 : i32
      %broadcast_in_dim3A_1774 = vector.broadcast %jit3A_1773 : i32 to vector<16xi32>
      %select_n3A_1775 = arith.select %ge3A_1772, %gather3A_1770, %broadcast_in_dim3A_1774 : vector<16xi1>, vector<16xi32>
      %add3A_1776 = arith.addi %select_n3A_1760, %select_n3A_1775 : vector<16xi32>
      %sub3A_1777 = arith.constant 2 : i32
      %sub3A_1778 = vector.broadcast %sub3A_1777 : i32 to vector<16xi32>
      %sub3A_1779 = arith.subi %iota3A_1761, %sub3A_1778 : vector<16xi32>
      %max3A_1780 = arith.constant 0 : i32
      %max3A_1781 = vector.broadcast %max3A_1780 : i32 to vector<16xi32>
      %max3A_1782 = arith.maxsi %sub3A_1779, %max3A_1781 : vector<16xi32>
      %broadcast_in_dim3A_1783 = vector.shape_cast %max3A_1782 : vector<16xi32> to vector<16x1xi32>
      %gather3A_1784 = vector.shape_cast %broadcast_in_dim3A_1783 : vector<16x1xi32> to vector<16xi32>
      %gather3A_1785 = tpu.dynamic_gather %add3A_1776[%gather3A_1784] in [0] : vector<16xi32>, vector<16xi32> -> vector<16xi32>
      %ge3A_1786 = arith.constant 2 : i32
      %ge3A_1787 = vector.broadcast %ge3A_1786 : i32 to vector<16xi32>
      %ge3A_1788 = arith.cmpi sge, %iota3A_1761, %ge3A_1787 : vector<16xi32>
      %jit3A_1789 = arith.constant 0 : i32
      %broadcast_in_dim3A_1790 = vector.broadcast %jit3A_1789 : i32 to vector<16xi32>
      %select_n3A_1791 = arith.select %ge3A_1788, %gather3A_1785, %broadcast_in_dim3A_1790 : vector<16xi1>, vector<16xi32>
      %add3A_1792 = arith.addi %add3A_1776, %select_n3A_1791 : vector<16xi32>
      %sub3A_1793 = arith.constant 4 : i32
      %sub3A_1794 = vector.broadcast %sub3A_1793 : i32 to vector<16xi32>
      %sub3A_1795 = arith.subi %iota3A_1761, %sub3A_1794 : vector<16xi32>
      %max3A_1796 = arith.constant 0 : i32
      %max3A_1797 = vector.broadcast %max3A_1796 : i32 to vector<16xi32>
      %max3A_1798 = arith.maxsi %sub3A_1795, %max3A_1797 : vector<16xi32>
      %broadcast_in_dim3A_1799 = vector.shape_cast %max3A_1798 : vector<16xi32> to vector<16x1xi32>
      %gather3A_1800 = vector.shape_cast %broadcast_in_dim3A_1799 : vector<16x1xi32> to vector<16xi32>
      %gather3A_1801 = tpu.dynamic_gather %add3A_1792[%gather3A_1800] in [0] : vector<16xi32>, vector<16xi32> -> vector<16xi32>
      %ge3A_1802 = arith.constant 4 : i32
      %ge3A_1803 = vector.broadcast %ge3A_1802 : i32 to vector<16xi32>
      %ge3A_1804 = arith.cmpi sge, %iota3A_1761, %ge3A_1803 : vector<16xi32>
      %jit3A_1805 = arith.constant 0 : i32
      %broadcast_in_dim3A_1806 = vector.broadcast %jit3A_1805 : i32 to vector<16xi32>
      %select_n3A_1807 = arith.select %ge3A_1804, %gather3A_1801, %broadcast_in_dim3A_1806 : vector<16xi1>, vector<16xi32>
      %add3A_1808 = arith.addi %add3A_1792, %select_n3A_1807 : vector<16xi32>
      %sub3A_1809 = arith.constant 8 : i32
      %sub3A_1810 = vector.broadcast %sub3A_1809 : i32 to vector<16xi32>
      %sub3A_1811 = arith.subi %iota3A_1761, %sub3A_1810 : vector<16xi32>
      %max3A_1812 = arith.constant 0 : i32
      %max3A_1813 = vector.broadcast %max3A_1812 : i32 to vector<16xi32>
      %max3A_1814 = arith.maxsi %sub3A_1811, %max3A_1813 : vector<16xi32>
      %broadcast_in_dim3A_1815 = vector.shape_cast %max3A_1814 : vector<16xi32> to vector<16x1xi32>
      %gather3A_1816 = vector.shape_cast %broadcast_in_dim3A_1815 : vector<16x1xi32> to vector<16xi32>
      %gather3A_1817 = tpu.dynamic_gather %add3A_1808[%gather3A_1816] in [0] : vector<16xi32>, vector<16xi32> -> vector<16xi32>
      %ge3A_1818 = arith.constant 8 : i32
      %ge3A_1819 = vector.broadcast %ge3A_1818 : i32 to vector<16xi32>
      %ge3A_1820 = arith.cmpi sge, %iota3A_1761, %ge3A_1819 : vector<16xi32>
      %jit3A_1821 = arith.constant 0 : i32
      %broadcast_in_dim3A_1822 = vector.broadcast %jit3A_1821 : i32 to vector<16xi32>
      %select_n3A_1823 = arith.select %ge3A_1820, %gather3A_1817, %broadcast_in_dim3A_1822 : vector<16xi1>, vector<16xi32>
      %add3A_1824 = arith.addi %add3A_1808, %select_n3A_1823 : vector<16xi32>
      %add3A_1825 = arith.addi %while3A_1732, %add3A_1824 : vector<16xi32>
      %sub3A_1826 = arith.constant 1 : i32
      %sub3A_1827 = vector.broadcast %sub3A_1826 : i32 to vector<16xi32>
      %sub3A_1828 = arith.subi %add3A_1825, %sub3A_1827 : vector<16xi32>
      %scatter3A = arith.constant 0 : i32
      %scatter3A_1829 = tpu.memref_slice %arg10[%while3A_461, %scatter3A] : memref<2x2048xi32, #tpu.memory_space<vmem>> -> memref<1x2048xi32, #tpu.memory_space<vmem>>
      %scatter3A_1830 = tpu.memref_squeeze %scatter3A_1829 : memref<1x2048xi32, #tpu.memory_space<vmem>> -> memref<2048xi32, #tpu.memory_space<vmem>>
      tpu.vector_store_idx %scatter3A_1830[%sub3A_1828], %get3A_1735 masked %le3A : memref<2048xi32, #tpu.memory_space<vmem>>[vector<16xi32>], vector<16xi32>, vector<16xi1>
      %broadcast_in_dim3A_1831 = vector.shape_cast %broadcast_in_dim3A_39 : vector<16xi32> to vector<16x1xi32>
      %gather3A_1832 = vector.shape_cast %broadcast_in_dim3A_1831 : vector<16x1xi32> to vector<16xi32>
      %gather3A_1833 = tpu.dynamic_gather %add3A_1824[%gather3A_1832] in [0] : vector<16xi32>, vector<16xi32> -> vector<16xi32>
      %add3A_1834 = arith.addi %while3A_1732, %gather3A_1833 : vector<16xi32>
      scf.yield %add3A_1834 : vector<16xi32>
    }
    "tpu.trace_stop"() : () -> ()
    %iota3A_473 = tpu.iota {dimensions = array<i32: 0>} : vector<16xi32>
    %eq3A_474 = arith.constant 2 : i32
    %eq3A_475 = vector.broadcast %eq3A_474 : i32 to vector<16xi32>
    %eq3A_476 = arith.cmpi eq, %iota3A_473, %eq3A_475 : vector<16xi32>
    %reduce_sum3A_477 = arith.constant true
    %reduce_sum3A_478 = vector.broadcast %reduce_sum3A_477 : i1 to vector<16xi1>
    %reduce_sum3A_479 = tpu.scan <sum>, %while3A_472 masked %reduce_sum3A_478 : vector<16xi32>, vector<16xi1> -> vector<16xi32>
    %reduce_sum3A_480 = vector.extract %reduce_sum3A_479[15] : i32 from vector<16xi32>
    %jit3A_481 = arith.constant 16 : i32
    %div3A_482 = arith.divsi %reduce_sum3A_480, %jit3A_481 : i32
    %sign3A_483 = arith.constant 0 : i32
    %sign3A_484 = arith.cmpi sgt, %reduce_sum3A_480, %sign3A_483 : i32
    %sign3A_485 = arith.extui %sign3A_484 : i1 to i32
    %sign3A_486 = arith.constant 0 : i32
    %sign3A_487 = arith.cmpi slt, %reduce_sum3A_480, %sign3A_486 : i32
    %sign3A_488 = arith.extui %sign3A_487 : i1 to i32
    %sign3A_489 = arith.subi %sign3A_485, %sign3A_488 : i32
    %sign3A_490 = arith.constant 0 : i32
    %sign3A_491 = arith.cmpi sgt, %jit3A_481, %sign3A_490 : i32
    %sign3A_492 = arith.extui %sign3A_491 : i1 to i32
    %sign3A_493 = arith.constant 0 : i32
    %sign3A_494 = arith.cmpi slt, %jit3A_481, %sign3A_493 : i32
    %sign3A_495 = arith.extui %sign3A_494 : i1 to i32
    %sign3A_496 = arith.subi %sign3A_492, %sign3A_495 : i32
    %ne3A_497 = arith.cmpi ne, %sign3A_489, %sign3A_496 : i32
    %rem3A_498 = arith.remsi %reduce_sum3A_480, %jit3A_481 : i32
    %ne3A_499 = arith.constant 0 : i32
    %ne3A_500 = arith.cmpi ne, %rem3A_498, %ne3A_499 : i32
    %and3A_501 = arith.andi %ne3A_497, %ne3A_500 : i1
    %sub3A_502 = arith.constant 1 : i32
    %sub3A_503 = arith.subi %div3A_482, %sub3A_502 : i32
    %select_n3A_504 = arith.select %and3A_501, %sub3A_503, %div3A_482 : i32
    %broadcast_in_dim3A_505 = vector.broadcast %select_n3A_504 : i32 to vector<16xi32>
    %select_n3A_506 = arith.select %eq3A_476, %broadcast_in_dim3A_505, %select_n3A_304 : vector<16xi1>, vector<16xi32>
    %dma_wait3A_507 = arith.constant 1 : i32
    %dma_wait3A_508 = arith.constant 1 : i32
    %dma_wait3A_509 = arith.constant 0 : i32
    %dma_wait3A_510 = arith.constant 0 : i32
    %dma_wait3A_511 = tpu.memref_slice %arg11[%dma_wait3A_508, %dma_wait3A_509, %dma_wait3A_510] : memref<8x448x8xf32, #tpu.memory_space<vmem>> -> memref<1x448x8xf32, #tpu.memory_space<vmem>>
    %dma_wait3A_512 = tpu.memref_squeeze %dma_wait3A_511 : memref<1x448x8xf32, #tpu.memory_space<vmem>> -> memref<448x8xf32, #tpu.memory_space<vmem>>
    %dma_wait3A_513 = arith.constant 0 : i32
    %dma_wait3A_514 = arith.constant 0 : i32
    %dma_wait3A_515 = tpu.memref_slice %dma_wait3A_512[%dma_wait3A_513, %dma_wait3A_514] : memref<448x8xf32, #tpu.memory_space<vmem>> -> memref<128x8xf32, #tpu.memory_space<vmem>>
    %dma_wait3A_516 = arith.constant 0 : i32
    %dma_wait3A_517 = tpu.memref_slice %arg10[%dma_wait3A_507, %dma_wait3A_516] : memref<2x2048xi32, #tpu.memory_space<vmem>> -> memref<1x2048xi32, #tpu.memory_space<vmem>>
    %dma_wait3A_518 = tpu.memref_squeeze %dma_wait3A_517 : memref<1x2048xi32, #tpu.memory_space<vmem>> -> memref<2048xi32, #tpu.memory_space<vmem>>
    %dma_wait3A_519 = arith.constant 0 : i32
    %dma_wait3A_520 = tpu.memref_slice %dma_wait3A_518[%dma_wait3A_519] : memref<2048xi32, #tpu.memory_space<vmem>> -> memref<128xi32, #tpu.memory_space<vmem>>
    %dma_wait3A_521 = arith.constant 0 : i32
    %dma_wait3A_522 = arith.constant 0 : i32
    %dma_wait3A_523 = tpu.memref_slice %arg3[%dma_wait3A_521, %dma_wait3A_522] : memref<20488x8xf32, #tpu.memory_space<hbm>> -> memref<20488x8xf32, #tpu.memory_space<hbm>>
    tpu.wait_indirect_dma semaphore(%arg13 : memref<!tpu.dma_semaphore, #tpu.memory_space<semaphore_mem>>) src(%dma_wait3A_523 : memref<20488x8xf32, #tpu.memory_space<hbm>>) dst(%dma_wait3A_515 : memref<128x8xf32, #tpu.memory_space<vmem>>)
    %dma_wait3A_524 = arith.constant 1 : i32
    %dma_wait3A_525 = arith.constant 1 : i32
    %dma_wait3A_526 = arith.constant 0 : i32
    %dma_wait3A_527 = arith.constant 0 : i32
    %dma_wait3A_528 = tpu.memref_slice %arg11[%dma_wait3A_525, %dma_wait3A_526, %dma_wait3A_527] : memref<8x448x8xf32, #tpu.memory_space<vmem>> -> memref<1x448x8xf32, #tpu.memory_space<vmem>>
    %dma_wait3A_529 = tpu.memref_squeeze %dma_wait3A_528 : memref<1x448x8xf32, #tpu.memory_space<vmem>> -> memref<448x8xf32, #tpu.memory_space<vmem>>
    %dma_wait3A_530 = arith.constant 128 : i32
    %dma_wait3A_531 = arith.constant 0 : i32
    %dma_wait3A_532 = tpu.memref_slice %dma_wait3A_529[%dma_wait3A_530, %dma_wait3A_531] : memref<448x8xf32, #tpu.memory_space<vmem>> -> memref<128x8xf32, #tpu.memory_space<vmem>>
    %dma_wait3A_533 = arith.constant 0 : i32
    %dma_wait3A_534 = tpu.memref_slice %arg10[%dma_wait3A_524, %dma_wait3A_533] : memref<2x2048xi32, #tpu.memory_space<vmem>> -> memref<1x2048xi32, #tpu.memory_space<vmem>>
    %dma_wait3A_535 = tpu.memref_squeeze %dma_wait3A_534 : memref<1x2048xi32, #tpu.memory_space<vmem>> -> memref<2048xi32, #tpu.memory_space<vmem>>
    %dma_wait3A_536 = arith.constant 0 : i32
    %dma_wait3A_537 = tpu.memref_slice %dma_wait3A_535[%dma_wait3A_536] : memref<2048xi32, #tpu.memory_space<vmem>> -> memref<128xi32, #tpu.memory_space<vmem>>
    %dma_wait3A_538 = arith.constant 0 : i32
    %dma_wait3A_539 = arith.constant 0 : i32
    %dma_wait3A_540 = tpu.memref_slice %arg3[%dma_wait3A_538, %dma_wait3A_539] : memref<20488x8xf32, #tpu.memory_space<hbm>> -> memref<20488x8xf32, #tpu.memory_space<hbm>>
    tpu.wait_indirect_dma semaphore(%arg13 : memref<!tpu.dma_semaphore, #tpu.memory_space<semaphore_mem>>) src(%dma_wait3A_540 : memref<20488x8xf32, #tpu.memory_space<hbm>>) dst(%dma_wait3A_532 : memref<128x8xf32, #tpu.memory_space<vmem>>)
    %dma_wait3A_541 = arith.constant 1 : i32
    %dma_wait3A_542 = arith.constant 1 : i32
    %dma_wait3A_543 = arith.constant 0 : i32
    %dma_wait3A_544 = arith.constant 0 : i32
    %dma_wait3A_545 = tpu.memref_slice %arg11[%dma_wait3A_542, %dma_wait3A_543, %dma_wait3A_544] : memref<8x448x8xf32, #tpu.memory_space<vmem>> -> memref<1x448x8xf32, #tpu.memory_space<vmem>>
    %dma_wait3A_546 = tpu.memref_squeeze %dma_wait3A_545 : memref<1x448x8xf32, #tpu.memory_space<vmem>> -> memref<448x8xf32, #tpu.memory_space<vmem>>
    %dma_wait3A_547 = arith.constant 256 : i32
    %dma_wait3A_548 = arith.constant 0 : i32
    %dma_wait3A_549 = tpu.memref_slice %dma_wait3A_546[%dma_wait3A_547, %dma_wait3A_548] : memref<448x8xf32, #tpu.memory_space<vmem>> -> memref<128x8xf32, #tpu.memory_space<vmem>>
    %dma_wait3A_550 = arith.constant 0 : i32
    %dma_wait3A_551 = tpu.memref_slice %arg10[%dma_wait3A_541, %dma_wait3A_550] : memref<2x2048xi32, #tpu.memory_space<vmem>> -> memref<1x2048xi32, #tpu.memory_space<vmem>>
    %dma_wait3A_552 = tpu.memref_squeeze %dma_wait3A_551 : memref<1x2048xi32, #tpu.memory_space<vmem>> -> memref<2048xi32, #tpu.memory_space<vmem>>
    %dma_wait3A_553 = arith.constant 0 : i32
    %dma_wait3A_554 = tpu.memref_slice %dma_wait3A_552[%dma_wait3A_553] : memref<2048xi32, #tpu.memory_space<vmem>> -> memref<128xi32, #tpu.memory_space<vmem>>
    %dma_wait3A_555 = arith.constant 0 : i32
    %dma_wait3A_556 = arith.constant 0 : i32
    %dma_wait3A_557 = tpu.memref_slice %arg3[%dma_wait3A_555, %dma_wait3A_556] : memref<20488x8xf32, #tpu.memory_space<hbm>> -> memref<20488x8xf32, #tpu.memory_space<hbm>>
    tpu.wait_indirect_dma semaphore(%arg13 : memref<!tpu.dma_semaphore, #tpu.memory_space<semaphore_mem>>) src(%dma_wait3A_557 : memref<20488x8xf32, #tpu.memory_space<hbm>>) dst(%dma_wait3A_549 : memref<128x8xf32, #tpu.memory_space<vmem>>)
    %dma_wait3A_558 = arith.constant 1 : i32
    %dma_wait3A_559 = arith.constant 1 : i32
    %dma_wait3A_560 = arith.constant 0 : i32
    %dma_wait3A_561 = arith.constant 0 : i32
    %dma_wait3A_562 = tpu.memref_slice %arg11[%dma_wait3A_559, %dma_wait3A_560, %dma_wait3A_561] : memref<8x448x8xf32, #tpu.memory_space<vmem>> -> memref<1x448x8xf32, #tpu.memory_space<vmem>>
    %dma_wait3A_563 = tpu.memref_squeeze %dma_wait3A_562 : memref<1x448x8xf32, #tpu.memory_space<vmem>> -> memref<448x8xf32, #tpu.memory_space<vmem>>
    %dma_wait3A_564 = arith.constant 384 : i32
    %dma_wait3A_565 = arith.constant 0 : i32
    %dma_wait3A_566 = tpu.memref_slice %dma_wait3A_563[%dma_wait3A_564, %dma_wait3A_565] : memref<448x8xf32, #tpu.memory_space<vmem>> -> memref<64x8xf32, #tpu.memory_space<vmem>>
    %dma_wait3A_567 = arith.constant 0 : i32
    %dma_wait3A_568 = tpu.memref_slice %arg10[%dma_wait3A_558, %dma_wait3A_567] : memref<2x2048xi32, #tpu.memory_space<vmem>> -> memref<1x2048xi32, #tpu.memory_space<vmem>>
    %dma_wait3A_569 = tpu.memref_squeeze %dma_wait3A_568 : memref<1x2048xi32, #tpu.memory_space<vmem>> -> memref<2048xi32, #tpu.memory_space<vmem>>
    %dma_wait3A_570 = arith.constant 0 : i32
    %dma_wait3A_571 = tpu.memref_slice %dma_wait3A_569[%dma_wait3A_570] : memref<2048xi32, #tpu.memory_space<vmem>> -> memref<64xi32, #tpu.memory_space<vmem>>
    %dma_wait3A_572 = arith.constant 0 : i32
    %dma_wait3A_573 = arith.constant 0 : i32
    %dma_wait3A_574 = tpu.memref_slice %arg3[%dma_wait3A_572, %dma_wait3A_573] : memref<20488x8xf32, #tpu.memory_space<hbm>> -> memref<20488x8xf32, #tpu.memory_space<hbm>>
    tpu.wait_indirect_dma semaphore(%arg13 : memref<!tpu.dma_semaphore, #tpu.memory_space<semaphore_mem>>) src(%dma_wait3A_574 : memref<20488x8xf32, #tpu.memory_space<hbm>>) dst(%dma_wait3A_566 : memref<64x8xf32, #tpu.memory_space<vmem>>)
    %dma_start3A_575 = arith.constant 0 : i32
    %dma_start3A_576 = arith.constant 2 : i32
    %dma_start3A_577 = arith.constant 0 : i32
    %dma_start3A_578 = arith.constant 0 : i32
    %dma_start3A_579 = tpu.memref_slice %arg11[%dma_start3A_576, %dma_start3A_577, %dma_start3A_578] : memref<8x448x8xf32, #tpu.memory_space<vmem>> -> memref<1x448x8xf32, #tpu.memory_space<vmem>>
    %dma_start3A_580 = tpu.memref_squeeze %dma_start3A_579 : memref<1x448x8xf32, #tpu.memory_space<vmem>> -> memref<448x8xf32, #tpu.memory_space<vmem>>
    %dma_start3A_581 = arith.constant 0 : i32
    %dma_start3A_582 = arith.constant 0 : i32
    %dma_start3A_583 = tpu.memref_slice %dma_start3A_580[%dma_start3A_581, %dma_start3A_582] : memref<448x8xf32, #tpu.memory_space<vmem>> -> memref<128x8xf32, #tpu.memory_space<vmem>>
    %dma_start3A_584 = arith.constant 0 : i32
    %dma_start3A_585 = tpu.memref_slice %arg10[%dma_start3A_575, %dma_start3A_584] : memref<2x2048xi32, #tpu.memory_space<vmem>> -> memref<1x2048xi32, #tpu.memory_space<vmem>>
    %dma_start3A_586 = tpu.memref_squeeze %dma_start3A_585 : memref<1x2048xi32, #tpu.memory_space<vmem>> -> memref<2048xi32, #tpu.memory_space<vmem>>
    %dma_start3A_587 = arith.constant 0 : i32
    %dma_start3A_588 = tpu.memref_slice %dma_start3A_586[%dma_start3A_587] : memref<2048xi32, #tpu.memory_space<vmem>> -> memref<128xi32, #tpu.memory_space<vmem>>
    %dma_start3A_589 = arith.constant 0 : i32
    %dma_start3A_590 = arith.constant 0 : i32
    %dma_start3A_591 = tpu.memref_slice %arg3[%dma_start3A_589, %dma_start3A_590] : memref<20488x8xf32, #tpu.memory_space<hbm>> -> memref<20488x8xf32, #tpu.memory_space<hbm>>
    tpu.enqueue_indirect_dma source(%dma_start3A_591 : memref<20488x8xf32, #tpu.memory_space<hbm>>) target(%dma_start3A_583 : memref<128x8xf32, #tpu.memory_space<vmem>>) offsets(%dma_start3A_588 : memref<128xi32, #tpu.memory_space<vmem>>) semaphore(%arg13 : memref<!tpu.dma_semaphore, #tpu.memory_space<semaphore_mem>>)
    %dma_start3A_592 = arith.constant 0 : i32
    %dma_start3A_593 = arith.constant 2 : i32
    %dma_start3A_594 = arith.constant 0 : i32
    %dma_start3A_595 = arith.constant 0 : i32
    %dma_start3A_596 = tpu.memref_slice %arg11[%dma_start3A_593, %dma_start3A_594, %dma_start3A_595] : memref<8x448x8xf32, #tpu.memory_space<vmem>> -> memref<1x448x8xf32, #tpu.memory_space<vmem>>
    %dma_start3A_597 = tpu.memref_squeeze %dma_start3A_596 : memref<1x448x8xf32, #tpu.memory_space<vmem>> -> memref<448x8xf32, #tpu.memory_space<vmem>>
    %dma_start3A_598 = arith.constant 128 : i32
    %dma_start3A_599 = arith.constant 0 : i32
    %dma_start3A_600 = tpu.memref_slice %dma_start3A_597[%dma_start3A_598, %dma_start3A_599] : memref<448x8xf32, #tpu.memory_space<vmem>> -> memref<128x8xf32, #tpu.memory_space<vmem>>
    %dma_start3A_601 = arith.constant 0 : i32
    %dma_start3A_602 = tpu.memref_slice %arg10[%dma_start3A_592, %dma_start3A_601] : memref<2x2048xi32, #tpu.memory_space<vmem>> -> memref<1x2048xi32, #tpu.memory_space<vmem>>
    %dma_start3A_603 = tpu.memref_squeeze %dma_start3A_602 : memref<1x2048xi32, #tpu.memory_space<vmem>> -> memref<2048xi32, #tpu.memory_space<vmem>>
    %dma_start3A_604 = arith.constant 128 : i32
    %dma_start3A_605 = tpu.memref_slice %dma_start3A_603[%dma_start3A_604] : memref<2048xi32, #tpu.memory_space<vmem>> -> memref<128xi32, #tpu.memory_space<vmem>>
    %dma_start3A_606 = arith.constant 0 : i32
    %dma_start3A_607 = arith.constant 0 : i32
    %dma_start3A_608 = tpu.memref_slice %arg3[%dma_start3A_606, %dma_start3A_607] : memref<20488x8xf32, #tpu.memory_space<hbm>> -> memref<20488x8xf32, #tpu.memory_space<hbm>>
    tpu.enqueue_indirect_dma source(%dma_start3A_608 : memref<20488x8xf32, #tpu.memory_space<hbm>>) target(%dma_start3A_600 : memref<128x8xf32, #tpu.memory_space<vmem>>) offsets(%dma_start3A_605 : memref<128xi32, #tpu.memory_space<vmem>>) semaphore(%arg13 : memref<!tpu.dma_semaphore, #tpu.memory_space<semaphore_mem>>)
    %dma_start3A_609 = arith.constant 0 : i32
    %dma_start3A_610 = arith.constant 2 : i32
    %dma_start3A_611 = arith.constant 0 : i32
    %dma_start3A_612 = arith.constant 0 : i32
    %dma_start3A_613 = tpu.memref_slice %arg11[%dma_start3A_610, %dma_start3A_611, %dma_start3A_612] : memref<8x448x8xf32, #tpu.memory_space<vmem>> -> memref<1x448x8xf32, #tpu.memory_space<vmem>>
    %dma_start3A_614 = tpu.memref_squeeze %dma_start3A_613 : memref<1x448x8xf32, #tpu.memory_space<vmem>> -> memref<448x8xf32, #tpu.memory_space<vmem>>
    %dma_start3A_615 = arith.constant 256 : i32
    %dma_start3A_616 = arith.constant 0 : i32
    %dma_start3A_617 = tpu.memref_slice %dma_start3A_614[%dma_start3A_615, %dma_start3A_616] : memref<448x8xf32, #tpu.memory_space<vmem>> -> memref<128x8xf32, #tpu.memory_space<vmem>>
    %dma_start3A_618 = arith.constant 0 : i32
    %dma_start3A_619 = tpu.memref_slice %arg10[%dma_start3A_609, %dma_start3A_618] : memref<2x2048xi32, #tpu.memory_space<vmem>> -> memref<1x2048xi32, #tpu.memory_space<vmem>>
    %dma_start3A_620 = tpu.memref_squeeze %dma_start3A_619 : memref<1x2048xi32, #tpu.memory_space<vmem>> -> memref<2048xi32, #tpu.memory_space<vmem>>
    %dma_start3A_621 = arith.constant 256 : i32
    %dma_start3A_622 = tpu.memref_slice %dma_start3A_620[%dma_start3A_621] : memref<2048xi32, #tpu.memory_space<vmem>> -> memref<128xi32, #tpu.memory_space<vmem>>
    %dma_start3A_623 = arith.constant 0 : i32
    %dma_start3A_624 = arith.constant 0 : i32
    %dma_start3A_625 = tpu.memref_slice %arg3[%dma_start3A_623, %dma_start3A_624] : memref<20488x8xf32, #tpu.memory_space<hbm>> -> memref<20488x8xf32, #tpu.memory_space<hbm>>
    tpu.enqueue_indirect_dma source(%dma_start3A_625 : memref<20488x8xf32, #tpu.memory_space<hbm>>) target(%dma_start3A_617 : memref<128x8xf32, #tpu.memory_space<vmem>>) offsets(%dma_start3A_622 : memref<128xi32, #tpu.memory_space<vmem>>) semaphore(%arg13 : memref<!tpu.dma_semaphore, #tpu.memory_space<semaphore_mem>>)
    %dma_start3A_626 = arith.constant 0 : i32
    %dma_start3A_627 = arith.constant 2 : i32
    %dma_start3A_628 = arith.constant 0 : i32
    %dma_start3A_629 = arith.constant 0 : i32
    %dma_start3A_630 = tpu.memref_slice %arg11[%dma_start3A_627, %dma_start3A_628, %dma_start3A_629] : memref<8x448x8xf32, #tpu.memory_space<vmem>> -> memref<1x448x8xf32, #tpu.memory_space<vmem>>
    %dma_start3A_631 = tpu.memref_squeeze %dma_start3A_630 : memref<1x448x8xf32, #tpu.memory_space<vmem>> -> memref<448x8xf32, #tpu.memory_space<vmem>>
    %dma_start3A_632 = arith.constant 384 : i32
    %dma_start3A_633 = arith.constant 0 : i32
    %dma_start3A_634 = tpu.memref_slice %dma_start3A_631[%dma_start3A_632, %dma_start3A_633] : memref<448x8xf32, #tpu.memory_space<vmem>> -> memref<64x8xf32, #tpu.memory_space<vmem>>
    %dma_start3A_635 = arith.constant 0 : i32
    %dma_start3A_636 = tpu.memref_slice %arg10[%dma_start3A_626, %dma_start3A_635] : memref<2x2048xi32, #tpu.memory_space<vmem>> -> memref<1x2048xi32, #tpu.memory_space<vmem>>
    %dma_start3A_637 = tpu.memref_squeeze %dma_start3A_636 : memref<1x2048xi32, #tpu.memory_space<vmem>> -> memref<2048xi32, #tpu.memory_space<vmem>>
    %dma_start3A_638 = arith.constant 384 : i32
    %dma_start3A_639 = tpu.memref_slice %dma_start3A_637[%dma_start3A_638] : memref<2048xi32, #tpu.memory_space<vmem>> -> memref<64xi32, #tpu.memory_space<vmem>>
    %dma_start3A_640 = arith.constant 0 : i32
    %dma_start3A_641 = arith.constant 0 : i32
    %dma_start3A_642 = tpu.memref_slice %arg3[%dma_start3A_640, %dma_start3A_641] : memref<20488x8xf32, #tpu.memory_space<hbm>> -> memref<20488x8xf32, #tpu.memory_space<hbm>>
    tpu.enqueue_indirect_dma source(%dma_start3A_642 : memref<20488x8xf32, #tpu.memory_space<hbm>>) target(%dma_start3A_634 : memref<64x8xf32, #tpu.memory_space<vmem>>) offsets(%dma_start3A_639 : memref<64xi32, #tpu.memory_space<vmem>>) semaphore(%arg13 : memref<!tpu.dma_semaphore, #tpu.memory_space<semaphore_mem>>)
    %mul3A_643 = arith.constant 8 : i32
    %mul3A_644 = arith.muli %select_n3A_30, %mul3A_643 : i32
    %add3A_645 = arith.constant 3 : i32
    %add3A_646 = arith.addi %mul3A_644, %add3A_645 : i32
    %convert_element_type3A_647 = arith.sitofp %add3A_646 : i32 to f32
    %mul3A_648 = arith.constant 1.600000e+01 : f32
    %mul3A_649 = arith.mulf %convert_element_type3A_647, %mul3A_648 : f32
    %add3A_650 = arith.constant 5.000000e-01 : f32
    %add3A_651 = arith.addf %mul3A_649, %add3A_650 : f32
    %add3A_652 = arith.constant 1.500000e+01 : f32
    %add3A_653 = arith.addf %add3A_651, %add3A_652 : f32
    "tpu.trace_start"() <{level = 10 : i32, message = "bin_init"}> : () -> ()
    %scan3A_654 = arith.constant 1 : i32
    %scan3A_655 = arith.constant 0 : i32
    %scan3A_656 = arith.constant 0 : i32
    %scan3A_657 = arith.constant 28 : i32
    %scan3A_658 = arith.addi %scan3A_656, %scan3A_657 : i32
    %scan3A_659 = arith.constant 1 : i32
    %scan3A_660 = scf.for %scan3A_1731 = %scan3A_656 to %scan3A_658 step %scan3A_659 iter_args(%scan3A_1732 = %scan3A_655) -> (i32)  : i32 {
      %broadcast_in_dim3A_1733 = arith.constant 20480 : i32
      %broadcast_in_dim3A_1734 = vector.broadcast %broadcast_in_dim3A_1733 : i32 to vector<16xi32>
      %mul3A_1735 = arith.constant 16 : i32
      %mul3A_1736 = arith.muli %scan3A_1731, %mul3A_1735 : i32
      %swap3A_1737 = arith.constant 0 : i32
      %swap3A_1738 = tpu.memref_slice %arg10[%scan3A_654, %swap3A_1737] : memref<2x2048xi32, #tpu.memory_space<vmem>> -> memref<1x2048xi32, #tpu.memory_space<vmem>>
      %swap3A_1739 = tpu.memref_squeeze %swap3A_1738 : memref<1x2048xi32, #tpu.memory_space<vmem>> -> memref<2048xi32, #tpu.memory_space<vmem>>
      %swap3A_1740 = arith.index_cast %mul3A_1736 : i32 to index
      %swap3A_1741 = tpu.vector_load %swap3A_1739[%swap3A_1740] {strides = array<i32>} : memref<2048xi32, #tpu.memory_space<vmem>>, vector<16xi32>,
      tpu.vector_store %swap3A_1739[%swap3A_1740], %broadcast_in_dim3A_1734 {strides = array<i32>} : memref<2048xi32, #tpu.memory_space<vmem>>, vector<16xi32>,
      %scan3A_1742 = arith.constant 0 : i32
      scf.yield %scan3A_1742 : i32
    }
    %scan3A_661 = arith.constant 28 : i32
    %broadcast_in_dim3A_662 = arith.constant 0 : i32
    "tpu.trace_stop"() : () -> ()
    "tpu.trace_start"() <{level = 10 : i32, message = "bin_p2"}> : () -> ()
    %broadcast_in_dim3A_663 = vector.broadcast %broadcast_in_dim3A_662 : i32 to vector<16xi32>
    %while3A_664 = arith.constant 1 : i32
    %while3A_665 = arith.constant 0 : i32
    %while3A_666 = arith.subi %select_n3A_102, %while3A_665 : i32
    %while3A_667 = arith.addi %while3A_665, %while3A_666 : i32
    %while3A_668 = arith.constant 1 : i32
    %while3A_669 = arith.divsi %while3A_666, %while3A_668 : i32
    %while3A_670 = arith.muli %while3A_669, %while3A_668 : i32
    %while3A_671 = arith.addi %while3A_665, %while3A_670 : i32
    %while3A_672 = arith.constant 1 : i32
    %while3A_673 = scf.for %while3A_1731 = %while3A_665 to %while3A_671 step %while3A_672 iter_args(%while3A_1732 = %broadcast_in_dim3A_663) -> (vector<16xi32>)  : i32 {
      %mul3A_1733 = arith.constant 16 : i32
      %mul3A_1734 = arith.muli %while3A_1731, %mul3A_1733 : i32
      %get3A = arith.index_cast %mul3A_1734 : i32 to index
      %get3A_1735 = tpu.vector_load %arg9[%get3A] {strides = array<i32>} : memref<3104xi32, #tpu.memory_space<vmem>>, vector<16xi32>,
      %gather3A = tpu.vector_load_idx %arg6[%get3A_1735] : memref<20480xf32, #tpu.memory_space<vmem>>[vector<16xi32>], vector<16xf32>,
      %gather3A_1736 = tpu.vector_load_idx %arg7[%get3A_1735] : memref<20480xf32, #tpu.memory_space<vmem>>[vector<16xi32>], vector<16xf32>,
      %gather3A_1737 = tpu.vector_load_idx %arg8[%get3A_1735] : memref<20480xf32, #tpu.memory_space<vmem>>[vector<16xi32>], vector<16xf32>,
      %sub3A_1738 = vector.broadcast %add3A_651 : f32 to vector<16xf32>
      %sub3A_1739 = arith.subf %sub3A_1738, %gather3A : vector<16xf32>
      %sub3A_1740 = vector.broadcast %add3A_653 : f32 to vector<16xf32>
      %sub3A_1741 = arith.subf %gather3A, %sub3A_1740 : vector<16xf32>
      %max3A = arith.maximumf %sub3A_1739, %sub3A_1741 : vector<16xf32>
      %max3A_1742 = arith.constant 0.000000e+00 : f32
      %max3A_1743 = vector.broadcast %max3A_1742 : f32 to vector<16xf32>
      %max3A_1744 = arith.maximumf %max3A, %max3A_1743 : vector<16xf32>
      %sub3A_1745 = vector.broadcast %add3A_36 : f32 to vector<16xf32>
      %sub3A_1746 = arith.subf %sub3A_1745, %gather3A_1736 : vector<16xf32>
      %sub3A_1747 = vector.broadcast %add3A_38 : f32 to vector<16xf32>
      %sub3A_1748 = arith.subf %gather3A_1736, %sub3A_1747 : vector<16xf32>
      %max3A_1749 = arith.maximumf %sub3A_1746, %sub3A_1748 : vector<16xf32>
      %max3A_1750 = arith.constant 0.000000e+00 : f32
      %max3A_1751 = vector.broadcast %max3A_1750 : f32 to vector<16xf32>
      %max3A_1752 = arith.maximumf %max3A_1749, %max3A_1751 : vector<16xf32>
      %mul3A_1753 = arith.mulf %max3A_1744, %max3A_1744 : vector<16xf32>
      %mul3A_1754 = arith.mulf %max3A_1752, %max3A_1752 : vector<16xf32>
      %add3A_1755 = arith.addf %mul3A_1753, %mul3A_1754 : vector<16xf32>
      %le3A = arith.cmpf ole, %add3A_1755, %gather3A_1737 : vector<16xf32>
      %jit3A_1756 = arith.constant 1 : i32
      %jit3A_1757 = arith.constant 0 : i32
      %broadcast_in_dim3A_1758 = vector.broadcast %jit3A_1756 : i32 to vector<16xi32>
      %broadcast_in_dim3A_1759 = vector.broadcast %jit3A_1757 : i32 to vector<16xi32>
      %select_n3A_1760 = arith.select %le3A, %broadcast_in_dim3A_1758, %broadcast_in_dim3A_1759 : vector<16xi1>, vector<16xi32>
      %iota3A_1761 = tpu.iota {dimensions = array<i32: 0>} : vector<16xi32>
      %sub3A_1762 = arith.constant 1 : i32
      %sub3A_1763 = vector.broadcast %sub3A_1762 : i32 to vector<16xi32>
      %sub3A_1764 = arith.subi %iota3A_1761, %sub3A_1763 : vector<16xi32>
      %max3A_1765 = arith.constant 0 : i32
      %max3A_1766 = vector.broadcast %max3A_1765 : i32 to vector<16xi32>
      %max3A_1767 = arith.maxsi %sub3A_1764, %max3A_1766 : vector<16xi32>
      %broadcast_in_dim3A_1768 = vector.shape_cast %max3A_1767 : vector<16xi32> to vector<16x1xi32>
      %gather3A_1769 = vector.shape_cast %broadcast_in_dim3A_1768 : vector<16x1xi32> to vector<16xi32>
      %gather3A_1770 = tpu.dynamic_gather %select_n3A_1760[%gather3A_1769] in [0] : vector<16xi32>, vector<16xi32> -> vector<16xi32>
      %ge3A = arith.constant 1 : i32
      %ge3A_1771 = vector.broadcast %ge3A : i32 to vector<16xi32>
      %ge3A_1772 = arith.cmpi sge, %iota3A_1761, %ge3A_1771 : vector<16xi32>
      %jit3A_1773 = arith.constant 0 : i32
      %broadcast_in_dim3A_1774 = vector.broadcast %jit3A_1773 : i32 to vector<16xi32>
      %select_n3A_1775 = arith.select %ge3A_1772, %gather3A_1770, %broadcast_in_dim3A_1774 : vector<16xi1>, vector<16xi32>
      %add3A_1776 = arith.addi %select_n3A_1760, %select_n3A_1775 : vector<16xi32>
      %sub3A_1777 = arith.constant 2 : i32
      %sub3A_1778 = vector.broadcast %sub3A_1777 : i32 to vector<16xi32>
      %sub3A_1779 = arith.subi %iota3A_1761, %sub3A_1778 : vector<16xi32>
      %max3A_1780 = arith.constant 0 : i32
      %max3A_1781 = vector.broadcast %max3A_1780 : i32 to vector<16xi32>
      %max3A_1782 = arith.maxsi %sub3A_1779, %max3A_1781 : vector<16xi32>
      %broadcast_in_dim3A_1783 = vector.shape_cast %max3A_1782 : vector<16xi32> to vector<16x1xi32>
      %gather3A_1784 = vector.shape_cast %broadcast_in_dim3A_1783 : vector<16x1xi32> to vector<16xi32>
      %gather3A_1785 = tpu.dynamic_gather %add3A_1776[%gather3A_1784] in [0] : vector<16xi32>, vector<16xi32> -> vector<16xi32>
      %ge3A_1786 = arith.constant 2 : i32
      %ge3A_1787 = vector.broadcast %ge3A_1786 : i32 to vector<16xi32>
      %ge3A_1788 = arith.cmpi sge, %iota3A_1761, %ge3A_1787 : vector<16xi32>
      %jit3A_1789 = arith.constant 0 : i32
      %broadcast_in_dim3A_1790 = vector.broadcast %jit3A_1789 : i32 to vector<16xi32>
      %select_n3A_1791 = arith.select %ge3A_1788, %gather3A_1785, %broadcast_in_dim3A_1790 : vector<16xi1>, vector<16xi32>
      %add3A_1792 = arith.addi %add3A_1776, %select_n3A_1791 : vector<16xi32>
      %sub3A_1793 = arith.constant 4 : i32
      %sub3A_1794 = vector.broadcast %sub3A_1793 : i32 to vector<16xi32>
      %sub3A_1795 = arith.subi %iota3A_1761, %sub3A_1794 : vector<16xi32>
      %max3A_1796 = arith.constant 0 : i32
      %max3A_1797 = vector.broadcast %max3A_1796 : i32 to vector<16xi32>
      %max3A_1798 = arith.maxsi %sub3A_1795, %max3A_1797 : vector<16xi32>
      %broadcast_in_dim3A_1799 = vector.shape_cast %max3A_1798 : vector<16xi32> to vector<16x1xi32>
      %gather3A_1800 = vector.shape_cast %broadcast_in_dim3A_1799 : vector<16x1xi32> to vector<16xi32>
      %gather3A_1801 = tpu.dynamic_gather %add3A_1792[%gather3A_1800] in [0] : vector<16xi32>, vector<16xi32> -> vector<16xi32>
      %ge3A_1802 = arith.constant 4 : i32
      %ge3A_1803 = vector.broadcast %ge3A_1802 : i32 to vector<16xi32>
      %ge3A_1804 = arith.cmpi sge, %iota3A_1761, %ge3A_1803 : vector<16xi32>
      %jit3A_1805 = arith.constant 0 : i32
      %broadcast_in_dim3A_1806 = vector.broadcast %jit3A_1805 : i32 to vector<16xi32>
      %select_n3A_1807 = arith.select %ge3A_1804, %gather3A_1801, %broadcast_in_dim3A_1806 : vector<16xi1>, vector<16xi32>
      %add3A_1808 = arith.addi %add3A_1792, %select_n3A_1807 : vector<16xi32>
      %sub3A_1809 = arith.constant 8 : i32
      %sub3A_1810 = vector.broadcast %sub3A_1809 : i32 to vector<16xi32>
      %sub3A_1811 = arith.subi %iota3A_1761, %sub3A_1810 : vector<16xi32>
      %max3A_1812 = arith.constant 0 : i32
      %max3A_1813 = vector.broadcast %max3A_1812 : i32 to vector<16xi32>
      %max3A_1814 = arith.maxsi %sub3A_1811, %max3A_1813 : vector<16xi32>
      %broadcast_in_dim3A_1815 = vector.shape_cast %max3A_1814 : vector<16xi32> to vector<16x1xi32>
      %gather3A_1816 = vector.shape_cast %broadcast_in_dim3A_1815 : vector<16x1xi32> to vector<16xi32>
      %gather3A_1817 = tpu.dynamic_gather %add3A_1808[%gather3A_1816] in [0] : vector<16xi32>, vector<16xi32> -> vector<16xi32>
      %ge3A_1818 = arith.constant 8 : i32
      %ge3A_1819 = vector.broadcast %ge3A_1818 : i32 to vector<16xi32>
      %ge3A_1820 = arith.cmpi sge, %iota3A_1761, %ge3A_1819 : vector<16xi32>
      %jit3A_1821 = arith.constant 0 : i32
      %broadcast_in_dim3A_1822 = vector.broadcast %jit3A_1821 : i32 to vector<16xi32>
      %select_n3A_1823 = arith.select %ge3A_1820, %gather3A_1817, %broadcast_in_dim3A_1822 : vector<16xi1>, vector<16xi32>
      %add3A_1824 = arith.addi %add3A_1808, %select_n3A_1823 : vector<16xi32>
      %add3A_1825 = arith.addi %while3A_1732, %add3A_1824 : vector<16xi32>
      %sub3A_1826 = arith.constant 1 : i32
      %sub3A_1827 = vector.broadcast %sub3A_1826 : i32 to vector<16xi32>
      %sub3A_1828 = arith.subi %add3A_1825, %sub3A_1827 : vector<16xi32>
      %scatter3A = arith.constant 0 : i32
      %scatter3A_1829 = tpu.memref_slice %arg10[%while3A_664, %scatter3A] : memref<2x2048xi32, #tpu.memory_space<vmem>> -> memref<1x2048xi32, #tpu.memory_space<vmem>>
      %scatter3A_1830 = tpu.memref_squeeze %scatter3A_1829 : memref<1x2048xi32, #tpu.memory_space<vmem>> -> memref<2048xi32, #tpu.memory_space<vmem>>
      tpu.vector_store_idx %scatter3A_1830[%sub3A_1828], %get3A_1735 masked %le3A : memref<2048xi32, #tpu.memory_space<vmem>>[vector<16xi32>], vector<16xi32>, vector<16xi1>
      %broadcast_in_dim3A_1831 = vector.shape_cast %broadcast_in_dim3A_39 : vector<16xi32> to vector<16x1xi32>
      %gather3A_1832 = vector.shape_cast %broadcast_in_dim3A_1831 : vector<16x1xi32> to vector<16xi32>
      %gather3A_1833 = tpu.dynamic_gather %add3A_1824[%gather3A_1832] in [0] : vector<16xi32>, vector<16xi32> -> vector<16xi32>
      %add3A_1834 = arith.addi %while3A_1732, %gather3A_1833 : vector<16xi32>
      scf.yield %add3A_1834 : vector<16xi32>
    }
    %while3A_674 = arith.constant 1 : i32
    %while3A_675 = scf.for %while3A_1731 = %while3A_671 to %while3A_667 step %while3A_674 iter_args(%while3A_1732 = %while3A_673) -> (vector<16xi32>)  : i32 {
      %mul3A_1733 = arith.constant 16 : i32
      %mul3A_1734 = arith.muli %while3A_1731, %mul3A_1733 : i32
      %get3A = arith.index_cast %mul3A_1734 : i32 to index
      %get3A_1735 = tpu.vector_load %arg9[%get3A] {strides = array<i32>} : memref<3104xi32, #tpu.memory_space<vmem>>, vector<16xi32>,
      %gather3A = tpu.vector_load_idx %arg6[%get3A_1735] : memref<20480xf32, #tpu.memory_space<vmem>>[vector<16xi32>], vector<16xf32>,
      %gather3A_1736 = tpu.vector_load_idx %arg7[%get3A_1735] : memref<20480xf32, #tpu.memory_space<vmem>>[vector<16xi32>], vector<16xf32>,
      %gather3A_1737 = tpu.vector_load_idx %arg8[%get3A_1735] : memref<20480xf32, #tpu.memory_space<vmem>>[vector<16xi32>], vector<16xf32>,
      %sub3A_1738 = vector.broadcast %add3A_651 : f32 to vector<16xf32>
      %sub3A_1739 = arith.subf %sub3A_1738, %gather3A : vector<16xf32>
      %sub3A_1740 = vector.broadcast %add3A_653 : f32 to vector<16xf32>
      %sub3A_1741 = arith.subf %gather3A, %sub3A_1740 : vector<16xf32>
      %max3A = arith.maximumf %sub3A_1739, %sub3A_1741 : vector<16xf32>
      %max3A_1742 = arith.constant 0.000000e+00 : f32
      %max3A_1743 = vector.broadcast %max3A_1742 : f32 to vector<16xf32>
      %max3A_1744 = arith.maximumf %max3A, %max3A_1743 : vector<16xf32>
      %sub3A_1745 = vector.broadcast %add3A_36 : f32 to vector<16xf32>
      %sub3A_1746 = arith.subf %sub3A_1745, %gather3A_1736 : vector<16xf32>
      %sub3A_1747 = vector.broadcast %add3A_38 : f32 to vector<16xf32>
      %sub3A_1748 = arith.subf %gather3A_1736, %sub3A_1747 : vector<16xf32>
      %max3A_1749 = arith.maximumf %sub3A_1746, %sub3A_1748 : vector<16xf32>
      %max3A_1750 = arith.constant 0.000000e+00 : f32
      %max3A_1751 = vector.broadcast %max3A_1750 : f32 to vector<16xf32>
      %max3A_1752 = arith.maximumf %max3A_1749, %max3A_1751 : vector<16xf32>
      %mul3A_1753 = arith.mulf %max3A_1744, %max3A_1744 : vector<16xf32>
      %mul3A_1754 = arith.mulf %max3A_1752, %max3A_1752 : vector<16xf32>
      %add3A_1755 = arith.addf %mul3A_1753, %mul3A_1754 : vector<16xf32>
      %le3A = arith.cmpf ole, %add3A_1755, %gather3A_1737 : vector<16xf32>
      %jit3A_1756 = arith.constant 1 : i32
      %jit3A_1757 = arith.constant 0 : i32
      %broadcast_in_dim3A_1758 = vector.broadcast %jit3A_1756 : i32 to vector<16xi32>
      %broadcast_in_dim3A_1759 = vector.broadcast %jit3A_1757 : i32 to vector<16xi32>
      %select_n3A_1760 = arith.select %le3A, %broadcast_in_dim3A_1758, %broadcast_in_dim3A_1759 : vector<16xi1>, vector<16xi32>
      %iota3A_1761 = tpu.iota {dimensions = array<i32: 0>} : vector<16xi32>
      %sub3A_1762 = arith.constant 1 : i32
      %sub3A_1763 = vector.broadcast %sub3A_1762 : i32 to vector<16xi32>
      %sub3A_1764 = arith.subi %iota3A_1761, %sub3A_1763 : vector<16xi32>
      %max3A_1765 = arith.constant 0 : i32
      %max3A_1766 = vector.broadcast %max3A_1765 : i32 to vector<16xi32>
      %max3A_1767 = arith.maxsi %sub3A_1764, %max3A_1766 : vector<16xi32>
      %broadcast_in_dim3A_1768 = vector.shape_cast %max3A_1767 : vector<16xi32> to vector<16x1xi32>
      %gather3A_1769 = vector.shape_cast %broadcast_in_dim3A_1768 : vector<16x1xi32> to vector<16xi32>
      %gather3A_1770 = tpu.dynamic_gather %select_n3A_1760[%gather3A_1769] in [0] : vector<16xi32>, vector<16xi32> -> vector<16xi32>
      %ge3A = arith.constant 1 : i32
      %ge3A_1771 = vector.broadcast %ge3A : i32 to vector<16xi32>
      %ge3A_1772 = arith.cmpi sge, %iota3A_1761, %ge3A_1771 : vector<16xi32>
      %jit3A_1773 = arith.constant 0 : i32
      %broadcast_in_dim3A_1774 = vector.broadcast %jit3A_1773 : i32 to vector<16xi32>
      %select_n3A_1775 = arith.select %ge3A_1772, %gather3A_1770, %broadcast_in_dim3A_1774 : vector<16xi1>, vector<16xi32>
      %add3A_1776 = arith.addi %select_n3A_1760, %select_n3A_1775 : vector<16xi32>
      %sub3A_1777 = arith.constant 2 : i32
      %sub3A_1778 = vector.broadcast %sub3A_1777 : i32 to vector<16xi32>
      %sub3A_1779 = arith.subi %iota3A_1761, %sub3A_1778 : vector<16xi32>
      %max3A_1780 = arith.constant 0 : i32
      %max3A_1781 = vector.broadcast %max3A_1780 : i32 to vector<16xi32>
      %max3A_1782 = arith.maxsi %sub3A_1779, %max3A_1781 : vector<16xi32>
      %broadcast_in_dim3A_1783 = vector.shape_cast %max3A_1782 : vector<16xi32> to vector<16x1xi32>
      %gather3A_1784 = vector.shape_cast %broadcast_in_dim3A_1783 : vector<16x1xi32> to vector<16xi32>
      %gather3A_1785 = tpu.dynamic_gather %add3A_1776[%gather3A_1784] in [0] : vector<16xi32>, vector<16xi32> -> vector<16xi32>
      %ge3A_1786 = arith.constant 2 : i32
      %ge3A_1787 = vector.broadcast %ge3A_1786 : i32 to vector<16xi32>
      %ge3A_1788 = arith.cmpi sge, %iota3A_1761, %ge3A_1787 : vector<16xi32>
      %jit3A_1789 = arith.constant 0 : i32
      %broadcast_in_dim3A_1790 = vector.broadcast %jit3A_1789 : i32 to vector<16xi32>
      %select_n3A_1791 = arith.select %ge3A_1788, %gather3A_1785, %broadcast_in_dim3A_1790 : vector<16xi1>, vector<16xi32>
      %add3A_1792 = arith.addi %add3A_1776, %select_n3A_1791 : vector<16xi32>
      %sub3A_1793 = arith.constant 4 : i32
      %sub3A_1794 = vector.broadcast %sub3A_1793 : i32 to vector<16xi32>
      %sub3A_1795 = arith.subi %iota3A_1761, %sub3A_1794 : vector<16xi32>
      %max3A_1796 = arith.constant 0 : i32
      %max3A_1797 = vector.broadcast %max3A_1796 : i32 to vector<16xi32>
      %max3A_1798 = arith.maxsi %sub3A_1795, %max3A_1797 : vector<16xi32>
      %broadcast_in_dim3A_1799 = vector.shape_cast %max3A_1798 : vector<16xi32> to vector<16x1xi32>
      %gather3A_1800 = vector.shape_cast %broadcast_in_dim3A_1799 : vector<16x1xi32> to vector<16xi32>
      %gather3A_1801 = tpu.dynamic_gather %add3A_1792[%gather3A_1800] in [0] : vector<16xi32>, vector<16xi32> -> vector<16xi32>
      %ge3A_1802 = arith.constant 4 : i32
      %ge3A_1803 = vector.broadcast %ge3A_1802 : i32 to vector<16xi32>
      %ge3A_1804 = arith.cmpi sge, %iota3A_1761, %ge3A_1803 : vector<16xi32>
      %jit3A_1805 = arith.constant 0 : i32
      %broadcast_in_dim3A_1806 = vector.broadcast %jit3A_1805 : i32 to vector<16xi32>
      %select_n3A_1807 = arith.select %ge3A_1804, %gather3A_1801, %broadcast_in_dim3A_1806 : vector<16xi1>, vector<16xi32>
      %add3A_1808 = arith.addi %add3A_1792, %select_n3A_1807 : vector<16xi32>
      %sub3A_1809 = arith.constant 8 : i32
      %sub3A_1810 = vector.broadcast %sub3A_1809 : i32 to vector<16xi32>
      %sub3A_1811 = arith.subi %iota3A_1761, %sub3A_1810 : vector<16xi32>
      %max3A_1812 = arith.constant 0 : i32
      %max3A_1813 = vector.broadcast %max3A_1812 : i32 to vector<16xi32>
      %max3A_1814 = arith.maxsi %sub3A_1811, %max3A_1813 : vector<16xi32>
      %broadcast_in_dim3A_1815 = vector.shape_cast %max3A_1814 : vector<16xi32> to vector<16x1xi32>
      %gather3A_1816 = vector.shape_cast %broadcast_in_dim3A_1815 : vector<16x1xi32> to vector<16xi32>
      %gather3A_1817 = tpu.dynamic_gather %add3A_1808[%gather3A_1816] in [0] : vector<16xi32>, vector<16xi32> -> vector<16xi32>
      %ge3A_1818 = arith.constant 8 : i32
      %ge3A_1819 = vector.broadcast %ge3A_1818 : i32 to vector<16xi32>
      %ge3A_1820 = arith.cmpi sge, %iota3A_1761, %ge3A_1819 : vector<16xi32>
      %jit3A_1821 = arith.constant 0 : i32
      %broadcast_in_dim3A_1822 = vector.broadcast %jit3A_1821 : i32 to vector<16xi32>
      %select_n3A_1823 = arith.select %ge3A_1820, %gather3A_1817, %broadcast_in_dim3A_1822 : vector<16xi1>, vector<16xi32>
      %add3A_1824 = arith.addi %add3A_1808, %select_n3A_1823 : vector<16xi32>
      %add3A_1825 = arith.addi %while3A_1732, %add3A_1824 : vector<16xi32>
      %sub3A_1826 = arith.constant 1 : i32
      %sub3A_1827 = vector.broadcast %sub3A_1826 : i32 to vector<16xi32>
      %sub3A_1828 = arith.subi %add3A_1825, %sub3A_1827 : vector<16xi32>
      %scatter3A = arith.constant 0 : i32
      %scatter3A_1829 = tpu.memref_slice %arg10[%while3A_664, %scatter3A] : memref<2x2048xi32, #tpu.memory_space<vmem>> -> memref<1x2048xi32, #tpu.memory_space<vmem>>
      %scatter3A_1830 = tpu.memref_squeeze %scatter3A_1829 : memref<1x2048xi32, #tpu.memory_space<vmem>> -> memref<2048xi32, #tpu.memory_space<vmem>>
      tpu.vector_store_idx %scatter3A_1830[%sub3A_1828], %get3A_1735 masked %le3A : memref<2048xi32, #tpu.memory_space<vmem>>[vector<16xi32>], vector<16xi32>, vector<16xi1>
      %broadcast_in_dim3A_1831 = vector.shape_cast %broadcast_in_dim3A_39 : vector<16xi32> to vector<16x1xi32>
      %gather3A_1832 = vector.shape_cast %broadcast_in_dim3A_1831 : vector<16x1xi32> to vector<16xi32>
      %gather3A_1833 = tpu.dynamic_gather %add3A_1824[%gather3A_1832] in [0] : vector<16xi32>, vector<16xi32> -> vector<16xi32>
      %add3A_1834 = arith.addi %while3A_1732, %gather3A_1833 : vector<16xi32>
      scf.yield %add3A_1834 : vector<16xi32>
    }
    "tpu.trace_stop"() : () -> ()
    %iota3A_676 = tpu.iota {dimensions = array<i32: 0>} : vector<16xi32>
    %eq3A_677 = arith.constant 3 : i32
    %eq3A_678 = vector.broadcast %eq3A_677 : i32 to vector<16xi32>
    %eq3A_679 = arith.cmpi eq, %iota3A_676, %eq3A_678 : vector<16xi32>
    %reduce_sum3A_680 = arith.constant true
    %reduce_sum3A_681 = vector.broadcast %reduce_sum3A_680 : i1 to vector<16xi1>
    %reduce_sum3A_682 = tpu.scan <sum>, %while3A_675 masked %reduce_sum3A_681 : vector<16xi32>, vector<16xi1> -> vector<16xi32>
    %reduce_sum3A_683 = vector.extract %reduce_sum3A_682[15] : i32 from vector<16xi32>
    %jit3A_684 = arith.constant 16 : i32
    %div3A_685 = arith.divsi %reduce_sum3A_683, %jit3A_684 : i32
    %sign3A_686 = arith.constant 0 : i32
    %sign3A_687 = arith.cmpi sgt, %reduce_sum3A_683, %sign3A_686 : i32
    %sign3A_688 = arith.extui %sign3A_687 : i1 to i32
    %sign3A_689 = arith.constant 0 : i32
    %sign3A_690 = arith.cmpi slt, %reduce_sum3A_683, %sign3A_689 : i32
    %sign3A_691 = arith.extui %sign3A_690 : i1 to i32
    %sign3A_692 = arith.subi %sign3A_688, %sign3A_691 : i32
    %sign3A_693 = arith.constant 0 : i32
    %sign3A_694 = arith.cmpi sgt, %jit3A_684, %sign3A_693 : i32
    %sign3A_695 = arith.extui %sign3A_694 : i1 to i32
    %sign3A_696 = arith.constant 0 : i32
    %sign3A_697 = arith.cmpi slt, %jit3A_684, %sign3A_696 : i32
    %sign3A_698 = arith.extui %sign3A_697 : i1 to i32
    %sign3A_699 = arith.subi %sign3A_695, %sign3A_698 : i32
    %ne3A_700 = arith.cmpi ne, %sign3A_692, %sign3A_699 : i32
    %rem3A_701 = arith.remsi %reduce_sum3A_683, %jit3A_684 : i32
    %ne3A_702 = arith.constant 0 : i32
    %ne3A_703 = arith.cmpi ne, %rem3A_701, %ne3A_702 : i32
    %and3A_704 = arith.andi %ne3A_700, %ne3A_703 : i1
    %sub3A_705 = arith.constant 1 : i32
    %sub3A_706 = arith.subi %div3A_685, %sub3A_705 : i32
    %select_n3A_707 = arith.select %and3A_704, %sub3A_706, %div3A_685 : i32
    %broadcast_in_dim3A_708 = vector.broadcast %select_n3A_707 : i32 to vector<16xi32>
    %select_n3A_709 = arith.select %eq3A_679, %broadcast_in_dim3A_708, %select_n3A_506 : vector<16xi1>, vector<16xi32>
    %dma_wait3A_710 = arith.constant 0 : i32
    %dma_wait3A_711 = arith.constant 2 : i32
    %dma_wait3A_712 = arith.constant 0 : i32
    %dma_wait3A_713 = arith.constant 0 : i32
    %dma_wait3A_714 = tpu.memref_slice %arg11[%dma_wait3A_711, %dma_wait3A_712, %dma_wait3A_713] : memref<8x448x8xf32, #tpu.memory_space<vmem>> -> memref<1x448x8xf32, #tpu.memory_space<vmem>>
    %dma_wait3A_715 = tpu.memref_squeeze %dma_wait3A_714 : memref<1x448x8xf32, #tpu.memory_space<vmem>> -> memref<448x8xf32, #tpu.memory_space<vmem>>
    %dma_wait3A_716 = arith.constant 0 : i32
    %dma_wait3A_717 = arith.constant 0 : i32
    %dma_wait3A_718 = tpu.memref_slice %dma_wait3A_715[%dma_wait3A_716, %dma_wait3A_717] : memref<448x8xf32, #tpu.memory_space<vmem>> -> memref<128x8xf32, #tpu.memory_space<vmem>>
    %dma_wait3A_719 = arith.constant 0 : i32
    %dma_wait3A_720 = tpu.memref_slice %arg10[%dma_wait3A_710, %dma_wait3A_719] : memref<2x2048xi32, #tpu.memory_space<vmem>> -> memref<1x2048xi32, #tpu.memory_space<vmem>>
    %dma_wait3A_721 = tpu.memref_squeeze %dma_wait3A_720 : memref<1x2048xi32, #tpu.memory_space<vmem>> -> memref<2048xi32, #tpu.memory_space<vmem>>
    %dma_wait3A_722 = arith.constant 0 : i32
    %dma_wait3A_723 = tpu.memref_slice %dma_wait3A_721[%dma_wait3A_722] : memref<2048xi32, #tpu.memory_space<vmem>> -> memref<128xi32, #tpu.memory_space<vmem>>
    %dma_wait3A_724 = arith.constant 0 : i32
    %dma_wait3A_725 = arith.constant 0 : i32
    %dma_wait3A_726 = tpu.memref_slice %arg3[%dma_wait3A_724, %dma_wait3A_725] : memref<20488x8xf32, #tpu.memory_space<hbm>> -> memref<20488x8xf32, #tpu.memory_space<hbm>>
    tpu.wait_indirect_dma semaphore(%arg13 : memref<!tpu.dma_semaphore, #tpu.memory_space<semaphore_mem>>) src(%dma_wait3A_726 : memref<20488x8xf32, #tpu.memory_space<hbm>>) dst(%dma_wait3A_718 : memref<128x8xf32, #tpu.memory_space<vmem>>)
    %dma_wait3A_727 = arith.constant 0 : i32
    %dma_wait3A_728 = arith.constant 2 : i32
    %dma_wait3A_729 = arith.constant 0 : i32
    %dma_wait3A_730 = arith.constant 0 : i32
    %dma_wait3A_731 = tpu.memref_slice %arg11[%dma_wait3A_728, %dma_wait3A_729, %dma_wait3A_730] : memref<8x448x8xf32, #tpu.memory_space<vmem>> -> memref<1x448x8xf32, #tpu.memory_space<vmem>>
    %dma_wait3A_732 = tpu.memref_squeeze %dma_wait3A_731 : memref<1x448x8xf32, #tpu.memory_space<vmem>> -> memref<448x8xf32, #tpu.memory_space<vmem>>
    %dma_wait3A_733 = arith.constant 128 : i32
    %dma_wait3A_734 = arith.constant 0 : i32
    %dma_wait3A_735 = tpu.memref_slice %dma_wait3A_732[%dma_wait3A_733, %dma_wait3A_734] : memref<448x8xf32, #tpu.memory_space<vmem>> -> memref<128x8xf32, #tpu.memory_space<vmem>>
    %dma_wait3A_736 = arith.constant 0 : i32
    %dma_wait3A_737 = tpu.memref_slice %arg10[%dma_wait3A_727, %dma_wait3A_736] : memref<2x2048xi32, #tpu.memory_space<vmem>> -> memref<1x2048xi32, #tpu.memory_space<vmem>>
    %dma_wait3A_738 = tpu.memref_squeeze %dma_wait3A_737 : memref<1x2048xi32, #tpu.memory_space<vmem>> -> memref<2048xi32, #tpu.memory_space<vmem>>
    %dma_wait3A_739 = arith.constant 0 : i32
    %dma_wait3A_740 = tpu.memref_slice %dma_wait3A_738[%dma_wait3A_739] : memref<2048xi32, #tpu.memory_space<vmem>> -> memref<128xi32, #tpu.memory_space<vmem>>
    %dma_wait3A_741 = arith.constant 0 : i32
    %dma_wait3A_742 = arith.constant 0 : i32
    %dma_wait3A_743 = tpu.memref_slice %arg3[%dma_wait3A_741, %dma_wait3A_742] : memref<20488x8xf32, #tpu.memory_space<hbm>> -> memref<20488x8xf32, #tpu.memory_space<hbm>>
    tpu.wait_indirect_dma semaphore(%arg13 : memref<!tpu.dma_semaphore, #tpu.memory_space<semaphore_mem>>) src(%dma_wait3A_743 : memref<20488x8xf32, #tpu.memory_space<hbm>>) dst(%dma_wait3A_735 : memref<128x8xf32, #tpu.memory_space<vmem>>)
    %dma_wait3A_744 = arith.constant 0 : i32
    %dma_wait3A_745 = arith.constant 2 : i32
    %dma_wait3A_746 = arith.constant 0 : i32
    %dma_wait3A_747 = arith.constant 0 : i32
    %dma_wait3A_748 = tpu.memref_slice %arg11[%dma_wait3A_745, %dma_wait3A_746, %dma_wait3A_747] : memref<8x448x8xf32, #tpu.memory_space<vmem>> -> memref<1x448x8xf32, #tpu.memory_space<vmem>>
    %dma_wait3A_749 = tpu.memref_squeeze %dma_wait3A_748 : memref<1x448x8xf32, #tpu.memory_space<vmem>> -> memref<448x8xf32, #tpu.memory_space<vmem>>
    %dma_wait3A_750 = arith.constant 256 : i32
    %dma_wait3A_751 = arith.constant 0 : i32
    %dma_wait3A_752 = tpu.memref_slice %dma_wait3A_749[%dma_wait3A_750, %dma_wait3A_751] : memref<448x8xf32, #tpu.memory_space<vmem>> -> memref<128x8xf32, #tpu.memory_space<vmem>>
    %dma_wait3A_753 = arith.constant 0 : i32
    %dma_wait3A_754 = tpu.memref_slice %arg10[%dma_wait3A_744, %dma_wait3A_753] : memref<2x2048xi32, #tpu.memory_space<vmem>> -> memref<1x2048xi32, #tpu.memory_space<vmem>>
    %dma_wait3A_755 = tpu.memref_squeeze %dma_wait3A_754 : memref<1x2048xi32, #tpu.memory_space<vmem>> -> memref<2048xi32, #tpu.memory_space<vmem>>
    %dma_wait3A_756 = arith.constant 0 : i32
    %dma_wait3A_757 = tpu.memref_slice %dma_wait3A_755[%dma_wait3A_756] : memref<2048xi32, #tpu.memory_space<vmem>> -> memref<128xi32, #tpu.memory_space<vmem>>
    %dma_wait3A_758 = arith.constant 0 : i32
    %dma_wait3A_759 = arith.constant 0 : i32
    %dma_wait3A_760 = tpu.memref_slice %arg3[%dma_wait3A_758, %dma_wait3A_759] : memref<20488x8xf32, #tpu.memory_space<hbm>> -> memref<20488x8xf32, #tpu.memory_space<hbm>>
    tpu.wait_indirect_dma semaphore(%arg13 : memref<!tpu.dma_semaphore, #tpu.memory_space<semaphore_mem>>) src(%dma_wait3A_760 : memref<20488x8xf32, #tpu.memory_space<hbm>>) dst(%dma_wait3A_752 : memref<128x8xf32, #tpu.memory_space<vmem>>)
    %dma_wait3A_761 = arith.constant 0 : i32
    %dma_wait3A_762 = arith.constant 2 : i32
    %dma_wait3A_763 = arith.constant 0 : i32
    %dma_wait3A_764 = arith.constant 0 : i32
    %dma_wait3A_765 = tpu.memref_slice %arg11[%dma_wait3A_762, %dma_wait3A_763, %dma_wait3A_764] : memref<8x448x8xf32, #tpu.memory_space<vmem>> -> memref<1x448x8xf32, #tpu.memory_space<vmem>>
    %dma_wait3A_766 = tpu.memref_squeeze %dma_wait3A_765 : memref<1x448x8xf32, #tpu.memory_space<vmem>> -> memref<448x8xf32, #tpu.memory_space<vmem>>
    %dma_wait3A_767 = arith.constant 384 : i32
    %dma_wait3A_768 = arith.constant 0 : i32
    %dma_wait3A_769 = tpu.memref_slice %dma_wait3A_766[%dma_wait3A_767, %dma_wait3A_768] : memref<448x8xf32, #tpu.memory_space<vmem>> -> memref<64x8xf32, #tpu.memory_space<vmem>>
    %dma_wait3A_770 = arith.constant 0 : i32
    %dma_wait3A_771 = tpu.memref_slice %arg10[%dma_wait3A_761, %dma_wait3A_770] : memref<2x2048xi32, #tpu.memory_space<vmem>> -> memref<1x2048xi32, #tpu.memory_space<vmem>>
    %dma_wait3A_772 = tpu.memref_squeeze %dma_wait3A_771 : memref<1x2048xi32, #tpu.memory_space<vmem>> -> memref<2048xi32, #tpu.memory_space<vmem>>
    %dma_wait3A_773 = arith.constant 0 : i32
    %dma_wait3A_774 = tpu.memref_slice %dma_wait3A_772[%dma_wait3A_773] : memref<2048xi32, #tpu.memory_space<vmem>> -> memref<64xi32, #tpu.memory_space<vmem>>
    %dma_wait3A_775 = arith.constant 0 : i32
    %dma_wait3A_776 = arith.constant 0 : i32
    %dma_wait3A_777 = tpu.memref_slice %arg3[%dma_wait3A_775, %dma_wait3A_776] : memref<20488x8xf32, #tpu.memory_space<hbm>> -> memref<20488x8xf32, #tpu.memory_space<hbm>>
    tpu.wait_indirect_dma semaphore(%arg13 : memref<!tpu.dma_semaphore, #tpu.memory_space<semaphore_mem>>) src(%dma_wait3A_777 : memref<20488x8xf32, #tpu.memory_space<hbm>>) dst(%dma_wait3A_769 : memref<64x8xf32, #tpu.memory_space<vmem>>)
    %dma_start3A_778 = arith.constant 1 : i32
    %dma_start3A_779 = arith.constant 3 : i32
    %dma_start3A_780 = arith.constant 0 : i32
    %dma_start3A_781 = arith.constant 0 : i32
    %dma_start3A_782 = tpu.memref_slice %arg11[%dma_start3A_779, %dma_start3A_780, %dma_start3A_781] : memref<8x448x8xf32, #tpu.memory_space<vmem>> -> memref<1x448x8xf32, #tpu.memory_space<vmem>>
    %dma_start3A_783 = tpu.memref_squeeze %dma_start3A_782 : memref<1x448x8xf32, #tpu.memory_space<vmem>> -> memref<448x8xf32, #tpu.memory_space<vmem>>
    %dma_start3A_784 = arith.constant 0 : i32
    %dma_start3A_785 = arith.constant 0 : i32
    %dma_start3A_786 = tpu.memref_slice %dma_start3A_783[%dma_start3A_784, %dma_start3A_785] : memref<448x8xf32, #tpu.memory_space<vmem>> -> memref<128x8xf32, #tpu.memory_space<vmem>>
    %dma_start3A_787 = arith.constant 0 : i32
    %dma_start3A_788 = tpu.memref_slice %arg10[%dma_start3A_778, %dma_start3A_787] : memref<2x2048xi32, #tpu.memory_space<vmem>> -> memref<1x2048xi32, #tpu.memory_space<vmem>>
    %dma_start3A_789 = tpu.memref_squeeze %dma_start3A_788 : memref<1x2048xi32, #tpu.memory_space<vmem>> -> memref<2048xi32, #tpu.memory_space<vmem>>
    %dma_start3A_790 = arith.constant 0 : i32
    %dma_start3A_791 = tpu.memref_slice %dma_start3A_789[%dma_start3A_790] : memref<2048xi32, #tpu.memory_space<vmem>> -> memref<128xi32, #tpu.memory_space<vmem>>
    %dma_start3A_792 = arith.constant 0 : i32
    %dma_start3A_793 = arith.constant 0 : i32
    %dma_start3A_794 = tpu.memref_slice %arg3[%dma_start3A_792, %dma_start3A_793] : memref<20488x8xf32, #tpu.memory_space<hbm>> -> memref<20488x8xf32, #tpu.memory_space<hbm>>
    tpu.enqueue_indirect_dma source(%dma_start3A_794 : memref<20488x8xf32, #tpu.memory_space<hbm>>) target(%dma_start3A_786 : memref<128x8xf32, #tpu.memory_space<vmem>>) offsets(%dma_start3A_791 : memref<128xi32, #tpu.memory_space<vmem>>) semaphore(%arg13 : memref<!tpu.dma_semaphore, #tpu.memory_space<semaphore_mem>>)
    %dma_start3A_795 = arith.constant 1 : i32
    %dma_start3A_796 = arith.constant 3 : i32
    %dma_start3A_797 = arith.constant 0 : i32
    %dma_start3A_798 = arith.constant 0 : i32
    %dma_start3A_799 = tpu.memref_slice %arg11[%dma_start3A_796, %dma_start3A_797, %dma_start3A_798] : memref<8x448x8xf32, #tpu.memory_space<vmem>> -> memref<1x448x8xf32, #tpu.memory_space<vmem>>
    %dma_start3A_800 = tpu.memref_squeeze %dma_start3A_799 : memref<1x448x8xf32, #tpu.memory_space<vmem>> -> memref<448x8xf32, #tpu.memory_space<vmem>>
    %dma_start3A_801 = arith.constant 128 : i32
    %dma_start3A_802 = arith.constant 0 : i32
    %dma_start3A_803 = tpu.memref_slice %dma_start3A_800[%dma_start3A_801, %dma_start3A_802] : memref<448x8xf32, #tpu.memory_space<vmem>> -> memref<128x8xf32, #tpu.memory_space<vmem>>
    %dma_start3A_804 = arith.constant 0 : i32
    %dma_start3A_805 = tpu.memref_slice %arg10[%dma_start3A_795, %dma_start3A_804] : memref<2x2048xi32, #tpu.memory_space<vmem>> -> memref<1x2048xi32, #tpu.memory_space<vmem>>
    %dma_start3A_806 = tpu.memref_squeeze %dma_start3A_805 : memref<1x2048xi32, #tpu.memory_space<vmem>> -> memref<2048xi32, #tpu.memory_space<vmem>>
    %dma_start3A_807 = arith.constant 128 : i32
    %dma_start3A_808 = tpu.memref_slice %dma_start3A_806[%dma_start3A_807] : memref<2048xi32, #tpu.memory_space<vmem>> -> memref<128xi32, #tpu.memory_space<vmem>>
    %dma_start3A_809 = arith.constant 0 : i32
    %dma_start3A_810 = arith.constant 0 : i32
    %dma_start3A_811 = tpu.memref_slice %arg3[%dma_start3A_809, %dma_start3A_810] : memref<20488x8xf32, #tpu.memory_space<hbm>> -> memref<20488x8xf32, #tpu.memory_space<hbm>>
    tpu.enqueue_indirect_dma source(%dma_start3A_811 : memref<20488x8xf32, #tpu.memory_space<hbm>>) target(%dma_start3A_803 : memref<128x8xf32, #tpu.memory_space<vmem>>) offsets(%dma_start3A_808 : memref<128xi32, #tpu.memory_space<vmem>>) semaphore(%arg13 : memref<!tpu.dma_semaphore, #tpu.memory_space<semaphore_mem>>)
    %dma_start3A_812 = arith.constant 1 : i32
    %dma_start3A_813 = arith.constant 3 : i32
    %dma_start3A_814 = arith.constant 0 : i32
    %dma_start3A_815 = arith.constant 0 : i32
    %dma_start3A_816 = tpu.memref_slice %arg11[%dma_start3A_813, %dma_start3A_814, %dma_start3A_815] : memref<8x448x8xf32, #tpu.memory_space<vmem>> -> memref<1x448x8xf32, #tpu.memory_space<vmem>>
    %dma_start3A_817 = tpu.memref_squeeze %dma_start3A_816 : memref<1x448x8xf32, #tpu.memory_space<vmem>> -> memref<448x8xf32, #tpu.memory_space<vmem>>
    %dma_start3A_818 = arith.constant 256 : i32
    %dma_start3A_819 = arith.constant 0 : i32
    %dma_start3A_820 = tpu.memref_slice %dma_start3A_817[%dma_start3A_818, %dma_start3A_819] : memref<448x8xf32, #tpu.memory_space<vmem>> -> memref<128x8xf32, #tpu.memory_space<vmem>>
    %dma_start3A_821 = arith.constant 0 : i32
    %dma_start3A_822 = tpu.memref_slice %arg10[%dma_start3A_812, %dma_start3A_821] : memref<2x2048xi32, #tpu.memory_space<vmem>> -> memref<1x2048xi32, #tpu.memory_space<vmem>>
    %dma_start3A_823 = tpu.memref_squeeze %dma_start3A_822 : memref<1x2048xi32, #tpu.memory_space<vmem>> -> memref<2048xi32, #tpu.memory_space<vmem>>
    %dma_start3A_824 = arith.constant 256 : i32
    %dma_start3A_825 = tpu.memref_slice %dma_start3A_823[%dma_start3A_824] : memref<2048xi32, #tpu.memory_space<vmem>> -> memref<128xi32, #tpu.memory_space<vmem>>
    %dma_start3A_826 = arith.constant 0 : i32
    %dma_start3A_827 = arith.constant 0 : i32
    %dma_start3A_828 = tpu.memref_slice %arg3[%dma_start3A_826, %dma_start3A_827] : memref<20488x8xf32, #tpu.memory_space<hbm>> -> memref<20488x8xf32, #tpu.memory_space<hbm>>
    tpu.enqueue_indirect_dma source(%dma_start3A_828 : memref<20488x8xf32, #tpu.memory_space<hbm>>) target(%dma_start3A_820 : memref<128x8xf32, #tpu.memory_space<vmem>>) offsets(%dma_start3A_825 : memref<128xi32, #tpu.memory_space<vmem>>) semaphore(%arg13 : memref<!tpu.dma_semaphore, #tpu.memory_space<semaphore_mem>>)
    %dma_start3A_829 = arith.constant 1 : i32
    %dma_start3A_830 = arith.constant 3 : i32
    %dma_start3A_831 = arith.constant 0 : i32
    %dma_start3A_832 = arith.constant 0 : i32
    %dma_start3A_833 = tpu.memref_slice %arg11[%dma_start3A_830, %dma_start3A_831, %dma_start3A_832] : memref<8x448x8xf32, #tpu.memory_space<vmem>> -> memref<1x448x8xf32, #tpu.memory_space<vmem>>
    %dma_start3A_834 = tpu.memref_squeeze %dma_start3A_833 : memref<1x448x8xf32, #tpu.memory_space<vmem>> -> memref<448x8xf32, #tpu.memory_space<vmem>>
    %dma_start3A_835 = arith.constant 384 : i32
    %dma_start3A_836 = arith.constant 0 : i32
    %dma_start3A_837 = tpu.memref_slice %dma_start3A_834[%dma_start3A_835, %dma_start3A_836] : memref<448x8xf32, #tpu.memory_space<vmem>> -> memref<64x8xf32, #tpu.memory_space<vmem>>
    %dma_start3A_838 = arith.constant 0 : i32
    %dma_start3A_839 = tpu.memref_slice %arg10[%dma_start3A_829, %dma_start3A_838] : memref<2x2048xi32, #tpu.memory_space<vmem>> -> memref<1x2048xi32, #tpu.memory_space<vmem>>
    %dma_start3A_840 = tpu.memref_squeeze %dma_start3A_839 : memref<1x2048xi32, #tpu.memory_space<vmem>> -> memref<2048xi32, #tpu.memory_space<vmem>>
    %dma_start3A_841 = arith.constant 384 : i32
    %dma_start3A_842 = tpu.memref_slice %dma_start3A_840[%dma_start3A_841] : memref<2048xi32, #tpu.memory_space<vmem>> -> memref<64xi32, #tpu.memory_space<vmem>>
    %dma_start3A_843 = arith.constant 0 : i32
    %dma_start3A_844 = arith.constant 0 : i32
    %dma_start3A_845 = tpu.memref_slice %arg3[%dma_start3A_843, %dma_start3A_844] : memref<20488x8xf32, #tpu.memory_space<hbm>> -> memref<20488x8xf32, #tpu.memory_space<hbm>>
    tpu.enqueue_indirect_dma source(%dma_start3A_845 : memref<20488x8xf32, #tpu.memory_space<hbm>>) target(%dma_start3A_837 : memref<64x8xf32, #tpu.memory_space<vmem>>) offsets(%dma_start3A_842 : memref<64xi32, #tpu.memory_space<vmem>>) semaphore(%arg13 : memref<!tpu.dma_semaphore, #tpu.memory_space<semaphore_mem>>)
    %mul3A_846 = arith.constant 8 : i32
    %mul3A_847 = arith.muli %select_n3A_30, %mul3A_846 : i32
    %add3A_848 = arith.constant 4 : i32
    %add3A_849 = arith.addi %mul3A_847, %add3A_848 : i32
    %convert_element_type3A_850 = arith.sitofp %add3A_849 : i32 to f32
    %mul3A_851 = arith.constant 1.600000e+01 : f32
    %mul3A_852 = arith.mulf %convert_element_type3A_850, %mul3A_851 : f32
    %add3A_853 = arith.constant 5.000000e-01 : f32
    %add3A_854 = arith.addf %mul3A_852, %add3A_853 : f32
    %add3A_855 = arith.constant 1.500000e+01 : f32
    %add3A_856 = arith.addf %add3A_854, %add3A_855 : f32
    "tpu.trace_start"() <{level = 10 : i32, message = "bin_init"}> : () -> ()
    %scan3A_857 = arith.constant 0 : i32
    %scan3A_858 = arith.constant 0 : i32
    %scan3A_859 = arith.constant 0 : i32
    %scan3A_860 = arith.constant 28 : i32
    %scan3A_861 = arith.addi %scan3A_859, %scan3A_860 : i32
    %scan3A_862 = arith.constant 1 : i32
    %scan3A_863 = scf.for %scan3A_1731 = %scan3A_859 to %scan3A_861 step %scan3A_862 iter_args(%scan3A_1732 = %scan3A_858) -> (i32)  : i32 {
      %broadcast_in_dim3A_1733 = arith.constant 20480 : i32
      %broadcast_in_dim3A_1734 = vector.broadcast %broadcast_in_dim3A_1733 : i32 to vector<16xi32>
      %mul3A_1735 = arith.constant 16 : i32
      %mul3A_1736 = arith.muli %scan3A_1731, %mul3A_1735 : i32
      %swap3A_1737 = arith.constant 0 : i32
      %swap3A_1738 = tpu.memref_slice %arg10[%scan3A_857, %swap3A_1737] : memref<2x2048xi32, #tpu.memory_space<vmem>> -> memref<1x2048xi32, #tpu.memory_space<vmem>>
      %swap3A_1739 = tpu.memref_squeeze %swap3A_1738 : memref<1x2048xi32, #tpu.memory_space<vmem>> -> memref<2048xi32, #tpu.memory_space<vmem>>
      %swap3A_1740 = arith.index_cast %mul3A_1736 : i32 to index
      %swap3A_1741 = tpu.vector_load %swap3A_1739[%swap3A_1740] {strides = array<i32>} : memref<2048xi32, #tpu.memory_space<vmem>>, vector<16xi32>,
      tpu.vector_store %swap3A_1739[%swap3A_1740], %broadcast_in_dim3A_1734 {strides = array<i32>} : memref<2048xi32, #tpu.memory_space<vmem>>, vector<16xi32>,
      %scan3A_1742 = arith.constant 0 : i32
      scf.yield %scan3A_1742 : i32
    }
    %scan3A_864 = arith.constant 28 : i32
    %broadcast_in_dim3A_865 = arith.constant 0 : i32
    "tpu.trace_stop"() : () -> ()
    "tpu.trace_start"() <{level = 10 : i32, message = "bin_p2"}> : () -> ()
    %broadcast_in_dim3A_866 = vector.broadcast %broadcast_in_dim3A_865 : i32 to vector<16xi32>
    %while3A_867 = arith.constant 0 : i32
    %while3A_868 = arith.constant 0 : i32
    %while3A_869 = arith.subi %select_n3A_102, %while3A_868 : i32
    %while3A_870 = arith.addi %while3A_868, %while3A_869 : i32
    %while3A_871 = arith.constant 1 : i32
    %while3A_872 = arith.divsi %while3A_869, %while3A_871 : i32
    %while3A_873 = arith.muli %while3A_872, %while3A_871 : i32
    %while3A_874 = arith.addi %while3A_868, %while3A_873 : i32
    %while3A_875 = arith.constant 1 : i32
    %while3A_876 = scf.for %while3A_1731 = %while3A_868 to %while3A_874 step %while3A_875 iter_args(%while3A_1732 = %broadcast_in_dim3A_866) -> (vector<16xi32>)  : i32 {
      %mul3A_1733 = arith.constant 16 : i32
      %mul3A_1734 = arith.muli %while3A_1731, %mul3A_1733 : i32
      %get3A = arith.index_cast %mul3A_1734 : i32 to index
      %get3A_1735 = tpu.vector_load %arg9[%get3A] {strides = array<i32>} : memref<3104xi32, #tpu.memory_space<vmem>>, vector<16xi32>,
      %gather3A = tpu.vector_load_idx %arg6[%get3A_1735] : memref<20480xf32, #tpu.memory_space<vmem>>[vector<16xi32>], vector<16xf32>,
      %gather3A_1736 = tpu.vector_load_idx %arg7[%get3A_1735] : memref<20480xf32, #tpu.memory_space<vmem>>[vector<16xi32>], vector<16xf32>,
      %gather3A_1737 = tpu.vector_load_idx %arg8[%get3A_1735] : memref<20480xf32, #tpu.memory_space<vmem>>[vector<16xi32>], vector<16xf32>,
      %sub3A_1738 = vector.broadcast %add3A_854 : f32 to vector<16xf32>
      %sub3A_1739 = arith.subf %sub3A_1738, %gather3A : vector<16xf32>
      %sub3A_1740 = vector.broadcast %add3A_856 : f32 to vector<16xf32>
      %sub3A_1741 = arith.subf %gather3A, %sub3A_1740 : vector<16xf32>
      %max3A = arith.maximumf %sub3A_1739, %sub3A_1741 : vector<16xf32>
      %max3A_1742 = arith.constant 0.000000e+00 : f32
      %max3A_1743 = vector.broadcast %max3A_1742 : f32 to vector<16xf32>
      %max3A_1744 = arith.maximumf %max3A, %max3A_1743 : vector<16xf32>
      %sub3A_1745 = vector.broadcast %add3A_36 : f32 to vector<16xf32>
      %sub3A_1746 = arith.subf %sub3A_1745, %gather3A_1736 : vector<16xf32>
      %sub3A_1747 = vector.broadcast %add3A_38 : f32 to vector<16xf32>
      %sub3A_1748 = arith.subf %gather3A_1736, %sub3A_1747 : vector<16xf32>
      %max3A_1749 = arith.maximumf %sub3A_1746, %sub3A_1748 : vector<16xf32>
      %max3A_1750 = arith.constant 0.000000e+00 : f32
      %max3A_1751 = vector.broadcast %max3A_1750 : f32 to vector<16xf32>
      %max3A_1752 = arith.maximumf %max3A_1749, %max3A_1751 : vector<16xf32>
      %mul3A_1753 = arith.mulf %max3A_1744, %max3A_1744 : vector<16xf32>
      %mul3A_1754 = arith.mulf %max3A_1752, %max3A_1752 : vector<16xf32>
      %add3A_1755 = arith.addf %mul3A_1753, %mul3A_1754 : vector<16xf32>
      %le3A = arith.cmpf ole, %add3A_1755, %gather3A_1737 : vector<16xf32>
      %jit3A_1756 = arith.constant 1 : i32
      %jit3A_1757 = arith.constant 0 : i32
      %broadcast_in_dim3A_1758 = vector.broadcast %jit3A_1756 : i32 to vector<16xi32>
      %broadcast_in_dim3A_1759 = vector.broadcast %jit3A_1757 : i32 to vector<16xi32>
      %select_n3A_1760 = arith.select %le3A, %broadcast_in_dim3A_1758, %broadcast_in_dim3A_1759 : vector<16xi1>, vector<16xi32>
      %iota3A_1761 = tpu.iota {dimensions = array<i32: 0>} : vector<16xi32>
      %sub3A_1762 = arith.constant 1 : i32
      %sub3A_1763 = vector.broadcast %sub3A_1762 : i32 to vector<16xi32>
      %sub3A_1764 = arith.subi %iota3A_1761, %sub3A_1763 : vector<16xi32>
      %max3A_1765 = arith.constant 0 : i32
      %max3A_1766 = vector.broadcast %max3A_1765 : i32 to vector<16xi32>
      %max3A_1767 = arith.maxsi %sub3A_1764, %max3A_1766 : vector<16xi32>
      %broadcast_in_dim3A_1768 = vector.shape_cast %max3A_1767 : vector<16xi32> to vector<16x1xi32>
      %gather3A_1769 = vector.shape_cast %broadcast_in_dim3A_1768 : vector<16x1xi32> to vector<16xi32>
      %gather3A_1770 = tpu.dynamic_gather %select_n3A_1760[%gather3A_1769] in [0] : vector<16xi32>, vector<16xi32> -> vector<16xi32>
      %ge3A = arith.constant 1 : i32
      %ge3A_1771 = vector.broadcast %ge3A : i32 to vector<16xi32>
      %ge3A_1772 = arith.cmpi sge, %iota3A_1761, %ge3A_1771 : vector<16xi32>
      %jit3A_1773 = arith.constant 0 : i32
      %broadcast_in_dim3A_1774 = vector.broadcast %jit3A_1773 : i32 to vector<16xi32>
      %select_n3A_1775 = arith.select %ge3A_1772, %gather3A_1770, %broadcast_in_dim3A_1774 : vector<16xi1>, vector<16xi32>
      %add3A_1776 = arith.addi %select_n3A_1760, %select_n3A_1775 : vector<16xi32>
      %sub3A_1777 = arith.constant 2 : i32
      %sub3A_1778 = vector.broadcast %sub3A_1777 : i32 to vector<16xi32>
      %sub3A_1779 = arith.subi %iota3A_1761, %sub3A_1778 : vector<16xi32>
      %max3A_1780 = arith.constant 0 : i32
      %max3A_1781 = vector.broadcast %max3A_1780 : i32 to vector<16xi32>
      %max3A_1782 = arith.maxsi %sub3A_1779, %max3A_1781 : vector<16xi32>
      %broadcast_in_dim3A_1783 = vector.shape_cast %max3A_1782 : vector<16xi32> to vector<16x1xi32>
      %gather3A_1784 = vector.shape_cast %broadcast_in_dim3A_1783 : vector<16x1xi32> to vector<16xi32>
      %gather3A_1785 = tpu.dynamic_gather %add3A_1776[%gather3A_1784] in [0] : vector<16xi32>, vector<16xi32> -> vector<16xi32>
      %ge3A_1786 = arith.constant 2 : i32
      %ge3A_1787 = vector.broadcast %ge3A_1786 : i32 to vector<16xi32>
      %ge3A_1788 = arith.cmpi sge, %iota3A_1761, %ge3A_1787 : vector<16xi32>
      %jit3A_1789 = arith.constant 0 : i32
      %broadcast_in_dim3A_1790 = vector.broadcast %jit3A_1789 : i32 to vector<16xi32>
      %select_n3A_1791 = arith.select %ge3A_1788, %gather3A_1785, %broadcast_in_dim3A_1790 : vector<16xi1>, vector<16xi32>
      %add3A_1792 = arith.addi %add3A_1776, %select_n3A_1791 : vector<16xi32>
      %sub3A_1793 = arith.constant 4 : i32
      %sub3A_1794 = vector.broadcast %sub3A_1793 : i32 to vector<16xi32>
      %sub3A_1795 = arith.subi %iota3A_1761, %sub3A_1794 : vector<16xi32>
      %max3A_1796 = arith.constant 0 : i32
      %max3A_1797 = vector.broadcast %max3A_1796 : i32 to vector<16xi32>
      %max3A_1798 = arith.maxsi %sub3A_1795, %max3A_1797 : vector<16xi32>
      %broadcast_in_dim3A_1799 = vector.shape_cast %max3A_1798 : vector<16xi32> to vector<16x1xi32>
      %gather3A_1800 = vector.shape_cast %broadcast_in_dim3A_1799 : vector<16x1xi32> to vector<16xi32>
      %gather3A_1801 = tpu.dynamic_gather %add3A_1792[%gather3A_1800] in [0] : vector<16xi32>, vector<16xi32> -> vector<16xi32>
      %ge3A_1802 = arith.constant 4 : i32
      %ge3A_1803 = vector.broadcast %ge3A_1802 : i32 to vector<16xi32>
      %ge3A_1804 = arith.cmpi sge, %iota3A_1761, %ge3A_1803 : vector<16xi32>
      %jit3A_1805 = arith.constant 0 : i32
      %broadcast_in_dim3A_1806 = vector.broadcast %jit3A_1805 : i32 to vector<16xi32>
      %select_n3A_1807 = arith.select %ge3A_1804, %gather3A_1801, %broadcast_in_dim3A_1806 : vector<16xi1>, vector<16xi32>
      %add3A_1808 = arith.addi %add3A_1792, %select_n3A_1807 : vector<16xi32>
      %sub3A_1809 = arith.constant 8 : i32
      %sub3A_1810 = vector.broadcast %sub3A_1809 : i32 to vector<16xi32>
      %sub3A_1811 = arith.subi %iota3A_1761, %sub3A_1810 : vector<16xi32>
      %max3A_1812 = arith.constant 0 : i32
      %max3A_1813 = vector.broadcast %max3A_1812 : i32 to vector<16xi32>
      %max3A_1814 = arith.maxsi %sub3A_1811, %max3A_1813 : vector<16xi32>
      %broadcast_in_dim3A_1815 = vector.shape_cast %max3A_1814 : vector<16xi32> to vector<16x1xi32>
      %gather3A_1816 = vector.shape_cast %broadcast_in_dim3A_1815 : vector<16x1xi32> to vector<16xi32>
      %gather3A_1817 = tpu.dynamic_gather %add3A_1808[%gather3A_1816] in [0] : vector<16xi32>, vector<16xi32> -> vector<16xi32>
      %ge3A_1818 = arith.constant 8 : i32
      %ge3A_1819 = vector.broadcast %ge3A_1818 : i32 to vector<16xi32>
      %ge3A_1820 = arith.cmpi sge, %iota3A_1761, %ge3A_1819 : vector<16xi32>
      %jit3A_1821 = arith.constant 0 : i32
      %broadcast_in_dim3A_1822 = vector.broadcast %jit3A_1821 : i32 to vector<16xi32>
      %select_n3A_1823 = arith.select %ge3A_1820, %gather3A_1817, %broadcast_in_dim3A_1822 : vector<16xi1>, vector<16xi32>
      %add3A_1824 = arith.addi %add3A_1808, %select_n3A_1823 : vector<16xi32>
      %add3A_1825 = arith.addi %while3A_1732, %add3A_1824 : vector<16xi32>
      %sub3A_1826 = arith.constant 1 : i32
      %sub3A_1827 = vector.broadcast %sub3A_1826 : i32 to vector<16xi32>
      %sub3A_1828 = arith.subi %add3A_1825, %sub3A_1827 : vector<16xi32>
      %scatter3A = arith.constant 0 : i32
      %scatter3A_1829 = tpu.memref_slice %arg10[%while3A_867, %scatter3A] : memref<2x2048xi32, #tpu.memory_space<vmem>> -> memref<1x2048xi32, #tpu.memory_space<vmem>>
      %scatter3A_1830 = tpu.memref_squeeze %scatter3A_1829 : memref<1x2048xi32, #tpu.memory_space<vmem>> -> memref<2048xi32, #tpu.memory_space<vmem>>
      tpu.vector_store_idx %scatter3A_1830[%sub3A_1828], %get3A_1735 masked %le3A : memref<2048xi32, #tpu.memory_space<vmem>>[vector<16xi32>], vector<16xi32>, vector<16xi1>
      %broadcast_in_dim3A_1831 = vector.shape_cast %broadcast_in_dim3A_39 : vector<16xi32> to vector<16x1xi32>
      %gather3A_1832 = vector.shape_cast %broadcast_in_dim3A_1831 : vector<16x1xi32> to vector<16xi32>
      %gather3A_1833 = tpu.dynamic_gather %add3A_1824[%gather3A_1832] in [0] : vector<16xi32>, vector<16xi32> -> vector<16xi32>
      %add3A_1834 = arith.addi %while3A_1732, %gather3A_1833 : vector<16xi32>
      scf.yield %add3A_1834 : vector<16xi32>
    }
    %while3A_877 = arith.constant 1 : i32
    %while3A_878 = scf.for %while3A_1731 = %while3A_874 to %while3A_870 step %while3A_877 iter_args(%while3A_1732 = %while3A_876) -> (vector<16xi32>)  : i32 {
      %mul3A_1733 = arith.constant 16 : i32
      %mul3A_1734 = arith.muli %while3A_1731, %mul3A_1733 : i32
      %get3A = arith.index_cast %mul3A_1734 : i32 to index
      %get3A_1735 = tpu.vector_load %arg9[%get3A] {strides = array<i32>} : memref<3104xi32, #tpu.memory_space<vmem>>, vector<16xi32>,
      %gather3A = tpu.vector_load_idx %arg6[%get3A_1735] : memref<20480xf32, #tpu.memory_space<vmem>>[vector<16xi32>], vector<16xf32>,
      %gather3A_1736 = tpu.vector_load_idx %arg7[%get3A_1735] : memref<20480xf32, #tpu.memory_space<vmem>>[vector<16xi32>], vector<16xf32>,
      %gather3A_1737 = tpu.vector_load_idx %arg8[%get3A_1735] : memref<20480xf32, #tpu.memory_space<vmem>>[vector<16xi32>], vector<16xf32>,
      %sub3A_1738 = vector.broadcast %add3A_854 : f32 to vector<16xf32>
      %sub3A_1739 = arith.subf %sub3A_1738, %gather3A : vector<16xf32>
      %sub3A_1740 = vector.broadcast %add3A_856 : f32 to vector<16xf32>
      %sub3A_1741 = arith.subf %gather3A, %sub3A_1740 : vector<16xf32>
      %max3A = arith.maximumf %sub3A_1739, %sub3A_1741 : vector<16xf32>
      %max3A_1742 = arith.constant 0.000000e+00 : f32
      %max3A_1743 = vector.broadcast %max3A_1742 : f32 to vector<16xf32>
      %max3A_1744 = arith.maximumf %max3A, %max3A_1743 : vector<16xf32>
      %sub3A_1745 = vector.broadcast %add3A_36 : f32 to vector<16xf32>
      %sub3A_1746 = arith.subf %sub3A_1745, %gather3A_1736 : vector<16xf32>
      %sub3A_1747 = vector.broadcast %add3A_38 : f32 to vector<16xf32>
      %sub3A_1748 = arith.subf %gather3A_1736, %sub3A_1747 : vector<16xf32>
      %max3A_1749 = arith.maximumf %sub3A_1746, %sub3A_1748 : vector<16xf32>
      %max3A_1750 = arith.constant 0.000000e+00 : f32
      %max3A_1751 = vector.broadcast %max3A_1750 : f32 to vector<16xf32>
      %max3A_1752 = arith.maximumf %max3A_1749, %max3A_1751 : vector<16xf32>
      %mul3A_1753 = arith.mulf %max3A_1744, %max3A_1744 : vector<16xf32>
      %mul3A_1754 = arith.mulf %max3A_1752, %max3A_1752 : vector<16xf32>
      %add3A_1755 = arith.addf %mul3A_1753, %mul3A_1754 : vector<16xf32>
      %le3A = arith.cmpf ole, %add3A_1755, %gather3A_1737 : vector<16xf32>
      %jit3A_1756 = arith.constant 1 : i32
      %jit3A_1757 = arith.constant 0 : i32
      %broadcast_in_dim3A_1758 = vector.broadcast %jit3A_1756 : i32 to vector<16xi32>
      %broadcast_in_dim3A_1759 = vector.broadcast %jit3A_1757 : i32 to vector<16xi32>
      %select_n3A_1760 = arith.select %le3A, %broadcast_in_dim3A_1758, %broadcast_in_dim3A_1759 : vector<16xi1>, vector<16xi32>
      %iota3A_1761 = tpu.iota {dimensions = array<i32: 0>} : vector<16xi32>
      %sub3A_1762 = arith.constant 1 : i32
      %sub3A_1763 = vector.broadcast %sub3A_1762 : i32 to vector<16xi32>
      %sub3A_1764 = arith.subi %iota3A_1761, %sub3A_1763 : vector<16xi32>
      %max3A_1765 = arith.constant 0 : i32
      %max3A_1766 = vector.broadcast %max3A_1765 : i32 to vector<16xi32>
      %max3A_1767 = arith.maxsi %sub3A_1764, %max3A_1766 : vector<16xi32>
      %broadcast_in_dim3A_1768 = vector.shape_cast %max3A_1767 : vector<16xi32> to vector<16x1xi32>
      %gather3A_1769 = vector.shape_cast %broadcast_in_dim3A_1768 : vector<16x1xi32> to vector<16xi32>
      %gather3A_1770 = tpu.dynamic_gather %select_n3A_1760[%gather3A_1769] in [0] : vector<16xi32>, vector<16xi32> -> vector<16xi32>
      %ge3A = arith.constant 1 : i32
      %ge3A_1771 = vector.broadcast %ge3A : i32 to vector<16xi32>
      %ge3A_1772 = arith.cmpi sge, %iota3A_1761, %ge3A_1771 : vector<16xi32>
      %jit3A_1773 = arith.constant 0 : i32
      %broadcast_in_dim3A_1774 = vector.broadcast %jit3A_1773 : i32 to vector<16xi32>
      %select_n3A_1775 = arith.select %ge3A_1772, %gather3A_1770, %broadcast_in_dim3A_1774 : vector<16xi1>, vector<16xi32>
      %add3A_1776 = arith.addi %select_n3A_1760, %select_n3A_1775 : vector<16xi32>
      %sub3A_1777 = arith.constant 2 : i32
      %sub3A_1778 = vector.broadcast %sub3A_1777 : i32 to vector<16xi32>
      %sub3A_1779 = arith.subi %iota3A_1761, %sub3A_1778 : vector<16xi32>
      %max3A_1780 = arith.constant 0 : i32
      %max3A_1781 = vector.broadcast %max3A_1780 : i32 to vector<16xi32>
      %max3A_1782 = arith.maxsi %sub3A_1779, %max3A_1781 : vector<16xi32>
      %broadcast_in_dim3A_1783 = vector.shape_cast %max3A_1782 : vector<16xi32> to vector<16x1xi32>
      %gather3A_1784 = vector.shape_cast %broadcast_in_dim3A_1783 : vector<16x1xi32> to vector<16xi32>
      %gather3A_1785 = tpu.dynamic_gather %add3A_1776[%gather3A_1784] in [0] : vector<16xi32>, vector<16xi32> -> vector<16xi32>
      %ge3A_1786 = arith.constant 2 : i32
      %ge3A_1787 = vector.broadcast %ge3A_1786 : i32 to vector<16xi32>
      %ge3A_1788 = arith.cmpi sge, %iota3A_1761, %ge3A_1787 : vector<16xi32>
      %jit3A_1789 = arith.constant 0 : i32
      %broadcast_in_dim3A_1790 = vector.broadcast %jit3A_1789 : i32 to vector<16xi32>
      %select_n3A_1791 = arith.select %ge3A_1788, %gather3A_1785, %broadcast_in_dim3A_1790 : vector<16xi1>, vector<16xi32>
      %add3A_1792 = arith.addi %add3A_1776, %select_n3A_1791 : vector<16xi32>
      %sub3A_1793 = arith.constant 4 : i32
      %sub3A_1794 = vector.broadcast %sub3A_1793 : i32 to vector<16xi32>
      %sub3A_1795 = arith.subi %iota3A_1761, %sub3A_1794 : vector<16xi32>
      %max3A_1796 = arith.constant 0 : i32
      %max3A_1797 = vector.broadcast %max3A_1796 : i32 to vector<16xi32>
      %max3A_1798 = arith.maxsi %sub3A_1795, %max3A_1797 : vector<16xi32>
      %broadcast_in_dim3A_1799 = vector.shape_cast %max3A_1798 : vector<16xi32> to vector<16x1xi32>
      %gather3A_1800 = vector.shape_cast %broadcast_in_dim3A_1799 : vector<16x1xi32> to vector<16xi32>
      %gather3A_1801 = tpu.dynamic_gather %add3A_1792[%gather3A_1800] in [0] : vector<16xi32>, vector<16xi32> -> vector<16xi32>
      %ge3A_1802 = arith.constant 4 : i32
      %ge3A_1803 = vector.broadcast %ge3A_1802 : i32 to vector<16xi32>
      %ge3A_1804 = arith.cmpi sge, %iota3A_1761, %ge3A_1803 : vector<16xi32>
      %jit3A_1805 = arith.constant 0 : i32
      %broadcast_in_dim3A_1806 = vector.broadcast %jit3A_1805 : i32 to vector<16xi32>
      %select_n3A_1807 = arith.select %ge3A_1804, %gather3A_1801, %broadcast_in_dim3A_1806 : vector<16xi1>, vector<16xi32>
      %add3A_1808 = arith.addi %add3A_1792, %select_n3A_1807 : vector<16xi32>
      %sub3A_1809 = arith.constant 8 : i32
      %sub3A_1810 = vector.broadcast %sub3A_1809 : i32 to vector<16xi32>
      %sub3A_1811 = arith.subi %iota3A_1761, %sub3A_1810 : vector<16xi32>
      %max3A_1812 = arith.constant 0 : i32
      %max3A_1813 = vector.broadcast %max3A_1812 : i32 to vector<16xi32>
      %max3A_1814 = arith.maxsi %sub3A_1811, %max3A_1813 : vector<16xi32>
      %broadcast_in_dim3A_1815 = vector.shape_cast %max3A_1814 : vector<16xi32> to vector<16x1xi32>
      %gather3A_1816 = vector.shape_cast %broadcast_in_dim3A_1815 : vector<16x1xi32> to vector<16xi32>
      %gather3A_1817 = tpu.dynamic_gather %add3A_1808[%gather3A_1816] in [0] : vector<16xi32>, vector<16xi32> -> vector<16xi32>
      %ge3A_1818 = arith.constant 8 : i32
      %ge3A_1819 = vector.broadcast %ge3A_1818 : i32 to vector<16xi32>
      %ge3A_1820 = arith.cmpi sge, %iota3A_1761, %ge3A_1819 : vector<16xi32>
      %jit3A_1821 = arith.constant 0 : i32
      %broadcast_in_dim3A_1822 = vector.broadcast %jit3A_1821 : i32 to vector<16xi32>
      %select_n3A_1823 = arith.select %ge3A_1820, %gather3A_1817, %broadcast_in_dim3A_1822 : vector<16xi1>, vector<16xi32>
      %add3A_1824 = arith.addi %add3A_1808, %select_n3A_1823 : vector<16xi32>
      %add3A_1825 = arith.addi %while3A_1732, %add3A_1824 : vector<16xi32>
      %sub3A_1826 = arith.constant 1 : i32
      %sub3A_1827 = vector.broadcast %sub3A_1826 : i32 to vector<16xi32>
      %sub3A_1828 = arith.subi %add3A_1825, %sub3A_1827 : vector<16xi32>
      %scatter3A = arith.constant 0 : i32
      %scatter3A_1829 = tpu.memref_slice %arg10[%while3A_867, %scatter3A] : memref<2x2048xi32, #tpu.memory_space<vmem>> -> memref<1x2048xi32, #tpu.memory_space<vmem>>
      %scatter3A_1830 = tpu.memref_squeeze %scatter3A_1829 : memref<1x2048xi32, #tpu.memory_space<vmem>> -> memref<2048xi32, #tpu.memory_space<vmem>>
      tpu.vector_store_idx %scatter3A_1830[%sub3A_1828], %get3A_1735 masked %le3A : memref<2048xi32, #tpu.memory_space<vmem>>[vector<16xi32>], vector<16xi32>, vector<16xi1>
      %broadcast_in_dim3A_1831 = vector.shape_cast %broadcast_in_dim3A_39 : vector<16xi32> to vector<16x1xi32>
      %gather3A_1832 = vector.shape_cast %broadcast_in_dim3A_1831 : vector<16x1xi32> to vector<16xi32>
      %gather3A_1833 = tpu.dynamic_gather %add3A_1824[%gather3A_1832] in [0] : vector<16xi32>, vector<16xi32> -> vector<16xi32>
      %add3A_1834 = arith.addi %while3A_1732, %gather3A_1833 : vector<16xi32>
      scf.yield %add3A_1834 : vector<16xi32>
    }
    "tpu.trace_stop"() : () -> ()
    %iota3A_879 = tpu.iota {dimensions = array<i32: 0>} : vector<16xi32>
    %eq3A_880 = arith.constant 4 : i32
    %eq3A_881 = vector.broadcast %eq3A_880 : i32 to vector<16xi32>
    %eq3A_882 = arith.cmpi eq, %iota3A_879, %eq3A_881 : vector<16xi32>
    %reduce_sum3A_883 = arith.constant true
    %reduce_sum3A_884 = vector.broadcast %reduce_sum3A_883 : i1 to vector<16xi1>
    %reduce_sum3A_885 = tpu.scan <sum>, %while3A_878 masked %reduce_sum3A_884 : vector<16xi32>, vector<16xi1> -> vector<16xi32>
    %reduce_sum3A_886 = vector.extract %reduce_sum3A_885[15] : i32 from vector<16xi32>
    %jit3A_887 = arith.constant 16 : i32
    %div3A_888 = arith.divsi %reduce_sum3A_886, %jit3A_887 : i32
    %sign3A_889 = arith.constant 0 : i32
    %sign3A_890 = arith.cmpi sgt, %reduce_sum3A_886, %sign3A_889 : i32
    %sign3A_891 = arith.extui %sign3A_890 : i1 to i32
    %sign3A_892 = arith.constant 0 : i32
    %sign3A_893 = arith.cmpi slt, %reduce_sum3A_886, %sign3A_892 : i32
    %sign3A_894 = arith.extui %sign3A_893 : i1 to i32
    %sign3A_895 = arith.subi %sign3A_891, %sign3A_894 : i32
    %sign3A_896 = arith.constant 0 : i32
    %sign3A_897 = arith.cmpi sgt, %jit3A_887, %sign3A_896 : i32
    %sign3A_898 = arith.extui %sign3A_897 : i1 to i32
    %sign3A_899 = arith.constant 0 : i32
    %sign3A_900 = arith.cmpi slt, %jit3A_887, %sign3A_899 : i32
    %sign3A_901 = arith.extui %sign3A_900 : i1 to i32
    %sign3A_902 = arith.subi %sign3A_898, %sign3A_901 : i32
    %ne3A_903 = arith.cmpi ne, %sign3A_895, %sign3A_902 : i32
    %rem3A_904 = arith.remsi %reduce_sum3A_886, %jit3A_887 : i32
    %ne3A_905 = arith.constant 0 : i32
    %ne3A_906 = arith.cmpi ne, %rem3A_904, %ne3A_905 : i32
    %and3A_907 = arith.andi %ne3A_903, %ne3A_906 : i1
    %sub3A_908 = arith.constant 1 : i32
    %sub3A_909 = arith.subi %div3A_888, %sub3A_908 : i32
    %select_n3A_910 = arith.select %and3A_907, %sub3A_909, %div3A_888 : i32
    %broadcast_in_dim3A_911 = vector.broadcast %select_n3A_910 : i32 to vector<16xi32>
    %select_n3A_912 = arith.select %eq3A_882, %broadcast_in_dim3A_911, %select_n3A_709 : vector<16xi1>, vector<16xi32>
    %dma_wait3A_913 = arith.constant 1 : i32
    %dma_wait3A_914 = arith.constant 3 : i32
    %dma_wait3A_915 = arith.constant 0 : i32
    %dma_wait3A_916 = arith.constant 0 : i32
    %dma_wait3A_917 = tpu.memref_slice %arg11[%dma_wait3A_914, %dma_wait3A_915, %dma_wait3A_916] : memref<8x448x8xf32, #tpu.memory_space<vmem>> -> memref<1x448x8xf32, #tpu.memory_space<vmem>>
    %dma_wait3A_918 = tpu.memref_squeeze %dma_wait3A_917 : memref<1x448x8xf32, #tpu.memory_space<vmem>> -> memref<448x8xf32, #tpu.memory_space<vmem>>
    %dma_wait3A_919 = arith.constant 0 : i32
    %dma_wait3A_920 = arith.constant 0 : i32
    %dma_wait3A_921 = tpu.memref_slice %dma_wait3A_918[%dma_wait3A_919, %dma_wait3A_920] : memref<448x8xf32, #tpu.memory_space<vmem>> -> memref<128x8xf32, #tpu.memory_space<vmem>>
    %dma_wait3A_922 = arith.constant 0 : i32
    %dma_wait3A_923 = tpu.memref_slice %arg10[%dma_wait3A_913, %dma_wait3A_922] : memref<2x2048xi32, #tpu.memory_space<vmem>> -> memref<1x2048xi32, #tpu.memory_space<vmem>>
    %dma_wait3A_924 = tpu.memref_squeeze %dma_wait3A_923 : memref<1x2048xi32, #tpu.memory_space<vmem>> -> memref<2048xi32, #tpu.memory_space<vmem>>
    %dma_wait3A_925 = arith.constant 0 : i32
    %dma_wait3A_926 = tpu.memref_slice %dma_wait3A_924[%dma_wait3A_925] : memref<2048xi32, #tpu.memory_space<vmem>> -> memref<128xi32, #tpu.memory_space<vmem>>
    %dma_wait3A_927 = arith.constant 0 : i32
    %dma_wait3A_928 = arith.constant 0 : i32
    %dma_wait3A_929 = tpu.memref_slice %arg3[%dma_wait3A_927, %dma_wait3A_928] : memref<20488x8xf32, #tpu.memory_space<hbm>> -> memref<20488x8xf32, #tpu.memory_space<hbm>>
    tpu.wait_indirect_dma semaphore(%arg13 : memref<!tpu.dma_semaphore, #tpu.memory_space<semaphore_mem>>) src(%dma_wait3A_929 : memref<20488x8xf32, #tpu.memory_space<hbm>>) dst(%dma_wait3A_921 : memref<128x8xf32, #tpu.memory_space<vmem>>)
    %dma_wait3A_930 = arith.constant 1 : i32
    %dma_wait3A_931 = arith.constant 3 : i32
    %dma_wait3A_932 = arith.constant 0 : i32
    %dma_wait3A_933 = arith.constant 0 : i32
    %dma_wait3A_934 = tpu.memref_slice %arg11[%dma_wait3A_931, %dma_wait3A_932, %dma_wait3A_933] : memref<8x448x8xf32, #tpu.memory_space<vmem>> -> memref<1x448x8xf32, #tpu.memory_space<vmem>>
    %dma_wait3A_935 = tpu.memref_squeeze %dma_wait3A_934 : memref<1x448x8xf32, #tpu.memory_space<vmem>> -> memref<448x8xf32, #tpu.memory_space<vmem>>
    %dma_wait3A_936 = arith.constant 128 : i32
    %dma_wait3A_937 = arith.constant 0 : i32
    %dma_wait3A_938 = tpu.memref_slice %dma_wait3A_935[%dma_wait3A_936, %dma_wait3A_937] : memref<448x8xf32, #tpu.memory_space<vmem>> -> memref<128x8xf32, #tpu.memory_space<vmem>>
    %dma_wait3A_939 = arith.constant 0 : i32
    %dma_wait3A_940 = tpu.memref_slice %arg10[%dma_wait3A_930, %dma_wait3A_939] : memref<2x2048xi32, #tpu.memory_space<vmem>> -> memref<1x2048xi32, #tpu.memory_space<vmem>>
    %dma_wait3A_941 = tpu.memref_squeeze %dma_wait3A_940 : memref<1x2048xi32, #tpu.memory_space<vmem>> -> memref<2048xi32, #tpu.memory_space<vmem>>
    %dma_wait3A_942 = arith.constant 0 : i32
    %dma_wait3A_943 = tpu.memref_slice %dma_wait3A_941[%dma_wait3A_942] : memref<2048xi32, #tpu.memory_space<vmem>> -> memref<128xi32, #tpu.memory_space<vmem>>
    %dma_wait3A_944 = arith.constant 0 : i32
    %dma_wait3A_945 = arith.constant 0 : i32
    %dma_wait3A_946 = tpu.memref_slice %arg3[%dma_wait3A_944, %dma_wait3A_945] : memref<20488x8xf32, #tpu.memory_space<hbm>> -> memref<20488x8xf32, #tpu.memory_space<hbm>>
    tpu.wait_indirect_dma semaphore(%arg13 : memref<!tpu.dma_semaphore, #tpu.memory_space<semaphore_mem>>) src(%dma_wait3A_946 : memref<20488x8xf32, #tpu.memory_space<hbm>>) dst(%dma_wait3A_938 : memref<128x8xf32, #tpu.memory_space<vmem>>)
    %dma_wait3A_947 = arith.constant 1 : i32
    %dma_wait3A_948 = arith.constant 3 : i32
    %dma_wait3A_949 = arith.constant 0 : i32
    %dma_wait3A_950 = arith.constant 0 : i32
    %dma_wait3A_951 = tpu.memref_slice %arg11[%dma_wait3A_948, %dma_wait3A_949, %dma_wait3A_950] : memref<8x448x8xf32, #tpu.memory_space<vmem>> -> memref<1x448x8xf32, #tpu.memory_space<vmem>>
    %dma_wait3A_952 = tpu.memref_squeeze %dma_wait3A_951 : memref<1x448x8xf32, #tpu.memory_space<vmem>> -> memref<448x8xf32, #tpu.memory_space<vmem>>
    %dma_wait3A_953 = arith.constant 256 : i32
    %dma_wait3A_954 = arith.constant 0 : i32
    %dma_wait3A_955 = tpu.memref_slice %dma_wait3A_952[%dma_wait3A_953, %dma_wait3A_954] : memref<448x8xf32, #tpu.memory_space<vmem>> -> memref<128x8xf32, #tpu.memory_space<vmem>>
    %dma_wait3A_956 = arith.constant 0 : i32
    %dma_wait3A_957 = tpu.memref_slice %arg10[%dma_wait3A_947, %dma_wait3A_956] : memref<2x2048xi32, #tpu.memory_space<vmem>> -> memref<1x2048xi32, #tpu.memory_space<vmem>>
    %dma_wait3A_958 = tpu.memref_squeeze %dma_wait3A_957 : memref<1x2048xi32, #tpu.memory_space<vmem>> -> memref<2048xi32, #tpu.memory_space<vmem>>
    %dma_wait3A_959 = arith.constant 0 : i32
    %dma_wait3A_960 = tpu.memref_slice %dma_wait3A_958[%dma_wait3A_959] : memref<2048xi32, #tpu.memory_space<vmem>> -> memref<128xi32, #tpu.memory_space<vmem>>
    %dma_wait3A_961 = arith.constant 0 : i32
    %dma_wait3A_962 = arith.constant 0 : i32
    %dma_wait3A_963 = tpu.memref_slice %arg3[%dma_wait3A_961, %dma_wait3A_962] : memref<20488x8xf32, #tpu.memory_space<hbm>> -> memref<20488x8xf32, #tpu.memory_space<hbm>>
    tpu.wait_indirect_dma semaphore(%arg13 : memref<!tpu.dma_semaphore, #tpu.memory_space<semaphore_mem>>) src(%dma_wait3A_963 : memref<20488x8xf32, #tpu.memory_space<hbm>>) dst(%dma_wait3A_955 : memref<128x8xf32, #tpu.memory_space<vmem>>)
    %dma_wait3A_964 = arith.constant 1 : i32
    %dma_wait3A_965 = arith.constant 3 : i32
    %dma_wait3A_966 = arith.constant 0 : i32
    %dma_wait3A_967 = arith.constant 0 : i32
    %dma_wait3A_968 = tpu.memref_slice %arg11[%dma_wait3A_965, %dma_wait3A_966, %dma_wait3A_967] : memref<8x448x8xf32, #tpu.memory_space<vmem>> -> memref<1x448x8xf32, #tpu.memory_space<vmem>>
    %dma_wait3A_969 = tpu.memref_squeeze %dma_wait3A_968 : memref<1x448x8xf32, #tpu.memory_space<vmem>> -> memref<448x8xf32, #tpu.memory_space<vmem>>
    %dma_wait3A_970 = arith.constant 384 : i32
    %dma_wait3A_971 = arith.constant 0 : i32
    %dma_wait3A_972 = tpu.memref_slice %dma_wait3A_969[%dma_wait3A_970, %dma_wait3A_971] : memref<448x8xf32, #tpu.memory_space<vmem>> -> memref<64x8xf32, #tpu.memory_space<vmem>>
    %dma_wait3A_973 = arith.constant 0 : i32
    %dma_wait3A_974 = tpu.memref_slice %arg10[%dma_wait3A_964, %dma_wait3A_973] : memref<2x2048xi32, #tpu.memory_space<vmem>> -> memref<1x2048xi32, #tpu.memory_space<vmem>>
    %dma_wait3A_975 = tpu.memref_squeeze %dma_wait3A_974 : memref<1x2048xi32, #tpu.memory_space<vmem>> -> memref<2048xi32, #tpu.memory_space<vmem>>
    %dma_wait3A_976 = arith.constant 0 : i32
    %dma_wait3A_977 = tpu.memref_slice %dma_wait3A_975[%dma_wait3A_976] : memref<2048xi32, #tpu.memory_space<vmem>> -> memref<64xi32, #tpu.memory_space<vmem>>
    %dma_wait3A_978 = arith.constant 0 : i32
    %dma_wait3A_979 = arith.constant 0 : i32
    %dma_wait3A_980 = tpu.memref_slice %arg3[%dma_wait3A_978, %dma_wait3A_979] : memref<20488x8xf32, #tpu.memory_space<hbm>> -> memref<20488x8xf32, #tpu.memory_space<hbm>>
    tpu.wait_indirect_dma semaphore(%arg13 : memref<!tpu.dma_semaphore, #tpu.memory_space<semaphore_mem>>) src(%dma_wait3A_980 : memref<20488x8xf32, #tpu.memory_space<hbm>>) dst(%dma_wait3A_972 : memref<64x8xf32, #tpu.memory_space<vmem>>)
    %dma_start3A_981 = arith.constant 0 : i32
    %dma_start3A_982 = arith.constant 4 : i32
    %dma_start3A_983 = arith.constant 0 : i32
    %dma_start3A_984 = arith.constant 0 : i32
    %dma_start3A_985 = tpu.memref_slice %arg11[%dma_start3A_982, %dma_start3A_983, %dma_start3A_984] : memref<8x448x8xf32, #tpu.memory_space<vmem>> -> memref<1x448x8xf32, #tpu.memory_space<vmem>>
    %dma_start3A_986 = tpu.memref_squeeze %dma_start3A_985 : memref<1x448x8xf32, #tpu.memory_space<vmem>> -> memref<448x8xf32, #tpu.memory_space<vmem>>
    %dma_start3A_987 = arith.constant 0 : i32
    %dma_start3A_988 = arith.constant 0 : i32
    %dma_start3A_989 = tpu.memref_slice %dma_start3A_986[%dma_start3A_987, %dma_start3A_988] : memref<448x8xf32, #tpu.memory_space<vmem>> -> memref<128x8xf32, #tpu.memory_space<vmem>>
    %dma_start3A_990 = arith.constant 0 : i32
    %dma_start3A_991 = tpu.memref_slice %arg10[%dma_start3A_981, %dma_start3A_990] : memref<2x2048xi32, #tpu.memory_space<vmem>> -> memref<1x2048xi32, #tpu.memory_space<vmem>>
    %dma_start3A_992 = tpu.memref_squeeze %dma_start3A_991 : memref<1x2048xi32, #tpu.memory_space<vmem>> -> memref<2048xi32, #tpu.memory_space<vmem>>
    %dma_start3A_993 = arith.constant 0 : i32
    %dma_start3A_994 = tpu.memref_slice %dma_start3A_992[%dma_start3A_993] : memref<2048xi32, #tpu.memory_space<vmem>> -> memref<128xi32, #tpu.memory_space<vmem>>
    %dma_start3A_995 = arith.constant 0 : i32
    %dma_start3A_996 = arith.constant 0 : i32
    %dma_start3A_997 = tpu.memref_slice %arg3[%dma_start3A_995, %dma_start3A_996] : memref<20488x8xf32, #tpu.memory_space<hbm>> -> memref<20488x8xf32, #tpu.memory_space<hbm>>
    tpu.enqueue_indirect_dma source(%dma_start3A_997 : memref<20488x8xf32, #tpu.memory_space<hbm>>) target(%dma_start3A_989 : memref<128x8xf32, #tpu.memory_space<vmem>>) offsets(%dma_start3A_994 : memref<128xi32, #tpu.memory_space<vmem>>) semaphore(%arg13 : memref<!tpu.dma_semaphore, #tpu.memory_space<semaphore_mem>>)
    %dma_start3A_998 = arith.constant 0 : i32
    %dma_start3A_999 = arith.constant 4 : i32
    %dma_start3A_1000 = arith.constant 0 : i32
    %dma_start3A_1001 = arith.constant 0 : i32
    %dma_start3A_1002 = tpu.memref_slice %arg11[%dma_start3A_999, %dma_start3A_1000, %dma_start3A_1001] : memref<8x448x8xf32, #tpu.memory_space<vmem>> -> memref<1x448x8xf32, #tpu.memory_space<vmem>>
    %dma_start3A_1003 = tpu.memref_squeeze %dma_start3A_1002 : memref<1x448x8xf32, #tpu.memory_space<vmem>> -> memref<448x8xf32, #tpu.memory_space<vmem>>
    %dma_start3A_1004 = arith.constant 128 : i32
    %dma_start3A_1005 = arith.constant 0 : i32
    %dma_start3A_1006 = tpu.memref_slice %dma_start3A_1003[%dma_start3A_1004, %dma_start3A_1005] : memref<448x8xf32, #tpu.memory_space<vmem>> -> memref<128x8xf32, #tpu.memory_space<vmem>>
    %dma_start3A_1007 = arith.constant 0 : i32
    %dma_start3A_1008 = tpu.memref_slice %arg10[%dma_start3A_998, %dma_start3A_1007] : memref<2x2048xi32, #tpu.memory_space<vmem>> -> memref<1x2048xi32, #tpu.memory_space<vmem>>
    %dma_start3A_1009 = tpu.memref_squeeze %dma_start3A_1008 : memref<1x2048xi32, #tpu.memory_space<vmem>> -> memref<2048xi32, #tpu.memory_space<vmem>>
    %dma_start3A_1010 = arith.constant 128 : i32
    %dma_start3A_1011 = tpu.memref_slice %dma_start3A_1009[%dma_start3A_1010] : memref<2048xi32, #tpu.memory_space<vmem>> -> memref<128xi32, #tpu.memory_space<vmem>>
    %dma_start3A_1012 = arith.constant 0 : i32
    %dma_start3A_1013 = arith.constant 0 : i32
    %dma_start3A_1014 = tpu.memref_slice %arg3[%dma_start3A_1012, %dma_start3A_1013] : memref<20488x8xf32, #tpu.memory_space<hbm>> -> memref<20488x8xf32, #tpu.memory_space<hbm>>
    tpu.enqueue_indirect_dma source(%dma_start3A_1014 : memref<20488x8xf32, #tpu.memory_space<hbm>>) target(%dma_start3A_1006 : memref<128x8xf32, #tpu.memory_space<vmem>>) offsets(%dma_start3A_1011 : memref<128xi32, #tpu.memory_space<vmem>>) semaphore(%arg13 : memref<!tpu.dma_semaphore, #tpu.memory_space<semaphore_mem>>)
    %dma_start3A_1015 = arith.constant 0 : i32
    %dma_start3A_1016 = arith.constant 4 : i32
    %dma_start3A_1017 = arith.constant 0 : i32
    %dma_start3A_1018 = arith.constant 0 : i32
    %dma_start3A_1019 = tpu.memref_slice %arg11[%dma_start3A_1016, %dma_start3A_1017, %dma_start3A_1018] : memref<8x448x8xf32, #tpu.memory_space<vmem>> -> memref<1x448x8xf32, #tpu.memory_space<vmem>>
    %dma_start3A_1020 = tpu.memref_squeeze %dma_start3A_1019 : memref<1x448x8xf32, #tpu.memory_space<vmem>> -> memref<448x8xf32, #tpu.memory_space<vmem>>
    %dma_start3A_1021 = arith.constant 256 : i32
    %dma_start3A_1022 = arith.constant 0 : i32
    %dma_start3A_1023 = tpu.memref_slice %dma_start3A_1020[%dma_start3A_1021, %dma_start3A_1022] : memref<448x8xf32, #tpu.memory_space<vmem>> -> memref<128x8xf32, #tpu.memory_space<vmem>>
    %dma_start3A_1024 = arith.constant 0 : i32
    %dma_start3A_1025 = tpu.memref_slice %arg10[%dma_start3A_1015, %dma_start3A_1024] : memref<2x2048xi32, #tpu.memory_space<vmem>> -> memref<1x2048xi32, #tpu.memory_space<vmem>>
    %dma_start3A_1026 = tpu.memref_squeeze %dma_start3A_1025 : memref<1x2048xi32, #tpu.memory_space<vmem>> -> memref<2048xi32, #tpu.memory_space<vmem>>
    %dma_start3A_1027 = arith.constant 256 : i32
    %dma_start3A_1028 = tpu.memref_slice %dma_start3A_1026[%dma_start3A_1027] : memref<2048xi32, #tpu.memory_space<vmem>> -> memref<128xi32, #tpu.memory_space<vmem>>
    %dma_start3A_1029 = arith.constant 0 : i32
    %dma_start3A_1030 = arith.constant 0 : i32
    %dma_start3A_1031 = tpu.memref_slice %arg3[%dma_start3A_1029, %dma_start3A_1030] : memref<20488x8xf32, #tpu.memory_space<hbm>> -> memref<20488x8xf32, #tpu.memory_space<hbm>>
    tpu.enqueue_indirect_dma source(%dma_start3A_1031 : memref<20488x8xf32, #tpu.memory_space<hbm>>) target(%dma_start3A_1023 : memref<128x8xf32, #tpu.memory_space<vmem>>) offsets(%dma_start3A_1028 : memref<128xi32, #tpu.memory_space<vmem>>) semaphore(%arg13 : memref<!tpu.dma_semaphore, #tpu.memory_space<semaphore_mem>>)
    %dma_start3A_1032 = arith.constant 0 : i32
    %dma_start3A_1033 = arith.constant 4 : i32
    %dma_start3A_1034 = arith.constant 0 : i32
    %dma_start3A_1035 = arith.constant 0 : i32
    %dma_start3A_1036 = tpu.memref_slice %arg11[%dma_start3A_1033, %dma_start3A_1034, %dma_start3A_1035] : memref<8x448x8xf32, #tpu.memory_space<vmem>> -> memref<1x448x8xf32, #tpu.memory_space<vmem>>
    %dma_start3A_1037 = tpu.memref_squeeze %dma_start3A_1036 : memref<1x448x8xf32, #tpu.memory_space<vmem>> -> memref<448x8xf32, #tpu.memory_space<vmem>>
    %dma_start3A_1038 = arith.constant 384 : i32
    %dma_start3A_1039 = arith.constant 0 : i32
    %dma_start3A_1040 = tpu.memref_slice %dma_start3A_1037[%dma_start3A_1038, %dma_start3A_1039] : memref<448x8xf32, #tpu.memory_space<vmem>> -> memref<64x8xf32, #tpu.memory_space<vmem>>
    %dma_start3A_1041 = arith.constant 0 : i32
    %dma_start3A_1042 = tpu.memref_slice %arg10[%dma_start3A_1032, %dma_start3A_1041] : memref<2x2048xi32, #tpu.memory_space<vmem>> -> memref<1x2048xi32, #tpu.memory_space<vmem>>
    %dma_start3A_1043 = tpu.memref_squeeze %dma_start3A_1042 : memref<1x2048xi32, #tpu.memory_space<vmem>> -> memref<2048xi32, #tpu.memory_space<vmem>>
    %dma_start3A_1044 = arith.constant 384 : i32
    %dma_start3A_1045 = tpu.memref_slice %dma_start3A_1043[%dma_start3A_1044] : memref<2048xi32, #tpu.memory_space<vmem>> -> memref<64xi32, #tpu.memory_space<vmem>>
    %dma_start3A_1046 = arith.constant 0 : i32
    %dma_start3A_1047 = arith.constant 0 : i32
    %dma_start3A_1048 = tpu.memref_slice %arg3[%dma_start3A_1046, %dma_start3A_1047] : memref<20488x8xf32, #tpu.memory_space<hbm>> -> memref<20488x8xf32, #tpu.memory_space<hbm>>
    tpu.enqueue_indirect_dma source(%dma_start3A_1048 : memref<20488x8xf32, #tpu.memory_space<hbm>>) target(%dma_start3A_1040 : memref<64x8xf32, #tpu.memory_space<vmem>>) offsets(%dma_start3A_1045 : memref<64xi32, #tpu.memory_space<vmem>>) semaphore(%arg13 : memref<!tpu.dma_semaphore, #tpu.memory_space<semaphore_mem>>)
    %mul3A_1049 = arith.constant 8 : i32
    %mul3A_1050 = arith.muli %select_n3A_30, %mul3A_1049 : i32
    %add3A_1051 = arith.constant 5 : i32
    %add3A_1052 = arith.addi %mul3A_1050, %add3A_1051 : i32
    %convert_element_type3A_1053 = arith.sitofp %add3A_1052 : i32 to f32
    %mul3A_1054 = arith.constant 1.600000e+01 : f32
    %mul3A_1055 = arith.mulf %convert_element_type3A_1053, %mul3A_1054 : f32
    %add3A_1056 = arith.constant 5.000000e-01 : f32
    %add3A_1057 = arith.addf %mul3A_1055, %add3A_1056 : f32
    %add3A_1058 = arith.constant 1.500000e+01 : f32
    %add3A_1059 = arith.addf %add3A_1057, %add3A_1058 : f32
    "tpu.trace_start"() <{level = 10 : i32, message = "bin_init"}> : () -> ()
    %scan3A_1060 = arith.constant 1 : i32
    %scan3A_1061 = arith.constant 0 : i32
    %scan3A_1062 = arith.constant 0 : i32
    %scan3A_1063 = arith.constant 28 : i32
    %scan3A_1064 = arith.addi %scan3A_1062, %scan3A_1063 : i32
    %scan3A_1065 = arith.constant 1 : i32
    %scan3A_1066 = scf.for %scan3A_1731 = %scan3A_1062 to %scan3A_1064 step %scan3A_1065 iter_args(%scan3A_1732 = %scan3A_1061) -> (i32)  : i32 {
      %broadcast_in_dim3A_1733 = arith.constant 20480 : i32
      %broadcast_in_dim3A_1734 = vector.broadcast %broadcast_in_dim3A_1733 : i32 to vector<16xi32>
      %mul3A_1735 = arith.constant 16 : i32
      %mul3A_1736 = arith.muli %scan3A_1731, %mul3A_1735 : i32
      %swap3A_1737 = arith.constant 0 : i32
      %swap3A_1738 = tpu.memref_slice %arg10[%scan3A_1060, %swap3A_1737] : memref<2x2048xi32, #tpu.memory_space<vmem>> -> memref<1x2048xi32, #tpu.memory_space<vmem>>
      %swap3A_1739 = tpu.memref_squeeze %swap3A_1738 : memref<1x2048xi32, #tpu.memory_space<vmem>> -> memref<2048xi32, #tpu.memory_space<vmem>>
      %swap3A_1740 = arith.index_cast %mul3A_1736 : i32 to index
      %swap3A_1741 = tpu.vector_load %swap3A_1739[%swap3A_1740] {strides = array<i32>} : memref<2048xi32, #tpu.memory_space<vmem>>, vector<16xi32>,
      tpu.vector_store %swap3A_1739[%swap3A_1740], %broadcast_in_dim3A_1734 {strides = array<i32>} : memref<2048xi32, #tpu.memory_space<vmem>>, vector<16xi32>,
      %scan3A_1742 = arith.constant 0 : i32
      scf.yield %scan3A_1742 : i32
    }
    %scan3A_1067 = arith.constant 28 : i32
    %broadcast_in_dim3A_1068 = arith.constant 0 : i32
    "tpu.trace_stop"() : () -> ()
    "tpu.trace_start"() <{level = 10 : i32, message = "bin_p2"}> : () -> ()
    %broadcast_in_dim3A_1069 = vector.broadcast %broadcast_in_dim3A_1068 : i32 to vector<16xi32>
    %while3A_1070 = arith.constant 1 : i32
    %while3A_1071 = arith.constant 0 : i32
    %while3A_1072 = arith.subi %select_n3A_102, %while3A_1071 : i32
    %while3A_1073 = arith.addi %while3A_1071, %while3A_1072 : i32
    %while3A_1074 = arith.constant 1 : i32
    %while3A_1075 = arith.divsi %while3A_1072, %while3A_1074 : i32
    %while3A_1076 = arith.muli %while3A_1075, %while3A_1074 : i32
    %while3A_1077 = arith.addi %while3A_1071, %while3A_1076 : i32
    %while3A_1078 = arith.constant 1 : i32
    %while3A_1079 = scf.for %while3A_1731 = %while3A_1071 to %while3A_1077 step %while3A_1078 iter_args(%while3A_1732 = %broadcast_in_dim3A_1069) -> (vector<16xi32>)  : i32 {
      %mul3A_1733 = arith.constant 16 : i32
      %mul3A_1734 = arith.muli %while3A_1731, %mul3A_1733 : i32
      %get3A = arith.index_cast %mul3A_1734 : i32 to index
      %get3A_1735 = tpu.vector_load %arg9[%get3A] {strides = array<i32>} : memref<3104xi32, #tpu.memory_space<vmem>>, vector<16xi32>,
      %gather3A = tpu.vector_load_idx %arg6[%get3A_1735] : memref<20480xf32, #tpu.memory_space<vmem>>[vector<16xi32>], vector<16xf32>,
      %gather3A_1736 = tpu.vector_load_idx %arg7[%get3A_1735] : memref<20480xf32, #tpu.memory_space<vmem>>[vector<16xi32>], vector<16xf32>,
      %gather3A_1737 = tpu.vector_load_idx %arg8[%get3A_1735] : memref<20480xf32, #tpu.memory_space<vmem>>[vector<16xi32>], vector<16xf32>,
      %sub3A_1738 = vector.broadcast %add3A_1057 : f32 to vector<16xf32>
      %sub3A_1739 = arith.subf %sub3A_1738, %gather3A : vector<16xf32>
      %sub3A_1740 = vector.broadcast %add3A_1059 : f32 to vector<16xf32>
      %sub3A_1741 = arith.subf %gather3A, %sub3A_1740 : vector<16xf32>
      %max3A = arith.maximumf %sub3A_1739, %sub3A_1741 : vector<16xf32>
      %max3A_1742 = arith.constant 0.000000e+00 : f32
      %max3A_1743 = vector.broadcast %max3A_1742 : f32 to vector<16xf32>
      %max3A_1744 = arith.maximumf %max3A, %max3A_1743 : vector<16xf32>
      %sub3A_1745 = vector.broadcast %add3A_36 : f32 to vector<16xf32>
      %sub3A_1746 = arith.subf %sub3A_1745, %gather3A_1736 : vector<16xf32>
      %sub3A_1747 = vector.broadcast %add3A_38 : f32 to vector<16xf32>
      %sub3A_1748 = arith.subf %gather3A_1736, %sub3A_1747 : vector<16xf32>
      %max3A_1749 = arith.maximumf %sub3A_1746, %sub3A_1748 : vector<16xf32>
      %max3A_1750 = arith.constant 0.000000e+00 : f32
      %max3A_1751 = vector.broadcast %max3A_1750 : f32 to vector<16xf32>
      %max3A_1752 = arith.maximumf %max3A_1749, %max3A_1751 : vector<16xf32>
      %mul3A_1753 = arith.mulf %max3A_1744, %max3A_1744 : vector<16xf32>
      %mul3A_1754 = arith.mulf %max3A_1752, %max3A_1752 : vector<16xf32>
      %add3A_1755 = arith.addf %mul3A_1753, %mul3A_1754 : vector<16xf32>
      %le3A = arith.cmpf ole, %add3A_1755, %gather3A_1737 : vector<16xf32>
      %jit3A_1756 = arith.constant 1 : i32
      %jit3A_1757 = arith.constant 0 : i32
      %broadcast_in_dim3A_1758 = vector.broadcast %jit3A_1756 : i32 to vector<16xi32>
      %broadcast_in_dim3A_1759 = vector.broadcast %jit3A_1757 : i32 to vector<16xi32>
      %select_n3A_1760 = arith.select %le3A, %broadcast_in_dim3A_1758, %broadcast_in_dim3A_1759 : vector<16xi1>, vector<16xi32>
      %iota3A_1761 = tpu.iota {dimensions = array<i32: 0>} : vector<16xi32>
      %sub3A_1762 = arith.constant 1 : i32
      %sub3A_1763 = vector.broadcast %sub3A_1762 : i32 to vector<16xi32>
      %sub3A_1764 = arith.subi %iota3A_1761, %sub3A_1763 : vector<16xi32>
      %max3A_1765 = arith.constant 0 : i32
      %max3A_1766 = vector.broadcast %max3A_1765 : i32 to vector<16xi32>
      %max3A_1767 = arith.maxsi %sub3A_1764, %max3A_1766 : vector<16xi32>
      %broadcast_in_dim3A_1768 = vector.shape_cast %max3A_1767 : vector<16xi32> to vector<16x1xi32>
      %gather3A_1769 = vector.shape_cast %broadcast_in_dim3A_1768 : vector<16x1xi32> to vector<16xi32>
      %gather3A_1770 = tpu.dynamic_gather %select_n3A_1760[%gather3A_1769] in [0] : vector<16xi32>, vector<16xi32> -> vector<16xi32>
      %ge3A = arith.constant 1 : i32
      %ge3A_1771 = vector.broadcast %ge3A : i32 to vector<16xi32>
      %ge3A_1772 = arith.cmpi sge, %iota3A_1761, %ge3A_1771 : vector<16xi32>
      %jit3A_1773 = arith.constant 0 : i32
      %broadcast_in_dim3A_1774 = vector.broadcast %jit3A_1773 : i32 to vector<16xi32>
      %select_n3A_1775 = arith.select %ge3A_1772, %gather3A_1770, %broadcast_in_dim3A_1774 : vector<16xi1>, vector<16xi32>
      %add3A_1776 = arith.addi %select_n3A_1760, %select_n3A_1775 : vector<16xi32>
      %sub3A_1777 = arith.constant 2 : i32
      %sub3A_1778 = vector.broadcast %sub3A_1777 : i32 to vector<16xi32>
      %sub3A_1779 = arith.subi %iota3A_1761, %sub3A_1778 : vector<16xi32>
      %max3A_1780 = arith.constant 0 : i32
      %max3A_1781 = vector.broadcast %max3A_1780 : i32 to vector<16xi32>
      %max3A_1782 = arith.maxsi %sub3A_1779, %max3A_1781 : vector<16xi32>
      %broadcast_in_dim3A_1783 = vector.shape_cast %max3A_1782 : vector<16xi32> to vector<16x1xi32>
      %gather3A_1784 = vector.shape_cast %broadcast_in_dim3A_1783 : vector<16x1xi32> to vector<16xi32>
      %gather3A_1785 = tpu.dynamic_gather %add3A_1776[%gather3A_1784] in [0] : vector<16xi32>, vector<16xi32> -> vector<16xi32>
      %ge3A_1786 = arith.constant 2 : i32
      %ge3A_1787 = vector.broadcast %ge3A_1786 : i32 to vector<16xi32>
      %ge3A_1788 = arith.cmpi sge, %iota3A_1761, %ge3A_1787 : vector<16xi32>
      %jit3A_1789 = arith.constant 0 : i32
      %broadcast_in_dim3A_1790 = vector.broadcast %jit3A_1789 : i32 to vector<16xi32>
      %select_n3A_1791 = arith.select %ge3A_1788, %gather3A_1785, %broadcast_in_dim3A_1790 : vector<16xi1>, vector<16xi32>
      %add3A_1792 = arith.addi %add3A_1776, %select_n3A_1791 : vector<16xi32>
      %sub3A_1793 = arith.constant 4 : i32
      %sub3A_1794 = vector.broadcast %sub3A_1793 : i32 to vector<16xi32>
      %sub3A_1795 = arith.subi %iota3A_1761, %sub3A_1794 : vector<16xi32>
      %max3A_1796 = arith.constant 0 : i32
      %max3A_1797 = vector.broadcast %max3A_1796 : i32 to vector<16xi32>
      %max3A_1798 = arith.maxsi %sub3A_1795, %max3A_1797 : vector<16xi32>
      %broadcast_in_dim3A_1799 = vector.shape_cast %max3A_1798 : vector<16xi32> to vector<16x1xi32>
      %gather3A_1800 = vector.shape_cast %broadcast_in_dim3A_1799 : vector<16x1xi32> to vector<16xi32>
      %gather3A_1801 = tpu.dynamic_gather %add3A_1792[%gather3A_1800] in [0] : vector<16xi32>, vector<16xi32> -> vector<16xi32>
      %ge3A_1802 = arith.constant 4 : i32
      %ge3A_1803 = vector.broadcast %ge3A_1802 : i32 to vector<16xi32>
      %ge3A_1804 = arith.cmpi sge, %iota3A_1761, %ge3A_1803 : vector<16xi32>
      %jit3A_1805 = arith.constant 0 : i32
      %broadcast_in_dim3A_1806 = vector.broadcast %jit3A_1805 : i32 to vector<16xi32>
      %select_n3A_1807 = arith.select %ge3A_1804, %gather3A_1801, %broadcast_in_dim3A_1806 : vector<16xi1>, vector<16xi32>
      %add3A_1808 = arith.addi %add3A_1792, %select_n3A_1807 : vector<16xi32>
      %sub3A_1809 = arith.constant 8 : i32
      %sub3A_1810 = vector.broadcast %sub3A_1809 : i32 to vector<16xi32>
      %sub3A_1811 = arith.subi %iota3A_1761, %sub3A_1810 : vector<16xi32>
      %max3A_1812 = arith.constant 0 : i32
      %max3A_1813 = vector.broadcast %max3A_1812 : i32 to vector<16xi32>
      %max3A_1814 = arith.maxsi %sub3A_1811, %max3A_1813 : vector<16xi32>
      %broadcast_in_dim3A_1815 = vector.shape_cast %max3A_1814 : vector<16xi32> to vector<16x1xi32>
      %gather3A_1816 = vector.shape_cast %broadcast_in_dim3A_1815 : vector<16x1xi32> to vector<16xi32>
      %gather3A_1817 = tpu.dynamic_gather %add3A_1808[%gather3A_1816] in [0] : vector<16xi32>, vector<16xi32> -> vector<16xi32>
      %ge3A_1818 = arith.constant 8 : i32
      %ge3A_1819 = vector.broadcast %ge3A_1818 : i32 to vector<16xi32>
      %ge3A_1820 = arith.cmpi sge, %iota3A_1761, %ge3A_1819 : vector<16xi32>
      %jit3A_1821 = arith.constant 0 : i32
      %broadcast_in_dim3A_1822 = vector.broadcast %jit3A_1821 : i32 to vector<16xi32>
      %select_n3A_1823 = arith.select %ge3A_1820, %gather3A_1817, %broadcast_in_dim3A_1822 : vector<16xi1>, vector<16xi32>
      %add3A_1824 = arith.addi %add3A_1808, %select_n3A_1823 : vector<16xi32>
      %add3A_1825 = arith.addi %while3A_1732, %add3A_1824 : vector<16xi32>
      %sub3A_1826 = arith.constant 1 : i32
      %sub3A_1827 = vector.broadcast %sub3A_1826 : i32 to vector<16xi32>
      %sub3A_1828 = arith.subi %add3A_1825, %sub3A_1827 : vector<16xi32>
      %scatter3A = arith.constant 0 : i32
      %scatter3A_1829 = tpu.memref_slice %arg10[%while3A_1070, %scatter3A] : memref<2x2048xi32, #tpu.memory_space<vmem>> -> memref<1x2048xi32, #tpu.memory_space<vmem>>
      %scatter3A_1830 = tpu.memref_squeeze %scatter3A_1829 : memref<1x2048xi32, #tpu.memory_space<vmem>> -> memref<2048xi32, #tpu.memory_space<vmem>>
      tpu.vector_store_idx %scatter3A_1830[%sub3A_1828], %get3A_1735 masked %le3A : memref<2048xi32, #tpu.memory_space<vmem>>[vector<16xi32>], vector<16xi32>, vector<16xi1>
      %broadcast_in_dim3A_1831 = vector.shape_cast %broadcast_in_dim3A_39 : vector<16xi32> to vector<16x1xi32>
      %gather3A_1832 = vector.shape_cast %broadcast_in_dim3A_1831 : vector<16x1xi32> to vector<16xi32>
      %gather3A_1833 = tpu.dynamic_gather %add3A_1824[%gather3A_1832] in [0] : vector<16xi32>, vector<16xi32> -> vector<16xi32>
      %add3A_1834 = arith.addi %while3A_1732, %gather3A_1833 : vector<16xi32>
      scf.yield %add3A_1834 : vector<16xi32>
    }
    %while3A_1080 = arith.constant 1 : i32
    %while3A_1081 = scf.for %while3A_1731 = %while3A_1077 to %while3A_1073 step %while3A_1080 iter_args(%while3A_1732 = %while3A_1079) -> (vector<16xi32>)  : i32 {
      %mul3A_1733 = arith.constant 16 : i32
      %mul3A_1734 = arith.muli %while3A_1731, %mul3A_1733 : i32
      %get3A = arith.index_cast %mul3A_1734 : i32 to index
      %get3A_1735 = tpu.vector_load %arg9[%get3A] {strides = array<i32>} : memref<3104xi32, #tpu.memory_space<vmem>>, vector<16xi32>,
      %gather3A = tpu.vector_load_idx %arg6[%get3A_1735] : memref<20480xf32, #tpu.memory_space<vmem>>[vector<16xi32>], vector<16xf32>,
      %gather3A_1736 = tpu.vector_load_idx %arg7[%get3A_1735] : memref<20480xf32, #tpu.memory_space<vmem>>[vector<16xi32>], vector<16xf32>,
      %gather3A_1737 = tpu.vector_load_idx %arg8[%get3A_1735] : memref<20480xf32, #tpu.memory_space<vmem>>[vector<16xi32>], vector<16xf32>,
      %sub3A_1738 = vector.broadcast %add3A_1057 : f32 to vector<16xf32>
      %sub3A_1739 = arith.subf %sub3A_1738, %gather3A : vector<16xf32>
      %sub3A_1740 = vector.broadcast %add3A_1059 : f32 to vector<16xf32>
      %sub3A_1741 = arith.subf %gather3A, %sub3A_1740 : vector<16xf32>
      %max3A = arith.maximumf %sub3A_1739, %sub3A_1741 : vector<16xf32>
      %max3A_1742 = arith.constant 0.000000e+00 : f32
      %max3A_1743 = vector.broadcast %max3A_1742 : f32 to vector<16xf32>
      %max3A_1744 = arith.maximumf %max3A, %max3A_1743 : vector<16xf32>
      %sub3A_1745 = vector.broadcast %add3A_36 : f32 to vector<16xf32>
      %sub3A_1746 = arith.subf %sub3A_1745, %gather3A_1736 : vector<16xf32>
      %sub3A_1747 = vector.broadcast %add3A_38 : f32 to vector<16xf32>
      %sub3A_1748 = arith.subf %gather3A_1736, %sub3A_1747 : vector<16xf32>
      %max3A_1749 = arith.maximumf %sub3A_1746, %sub3A_1748 : vector<16xf32>
      %max3A_1750 = arith.constant 0.000000e+00 : f32
      %max3A_1751 = vector.broadcast %max3A_1750 : f32 to vector<16xf32>
      %max3A_1752 = arith.maximumf %max3A_1749, %max3A_1751 : vector<16xf32>
      %mul3A_1753 = arith.mulf %max3A_1744, %max3A_1744 : vector<16xf32>
      %mul3A_1754 = arith.mulf %max3A_1752, %max3A_1752 : vector<16xf32>
      %add3A_1755 = arith.addf %mul3A_1753, %mul3A_1754 : vector<16xf32>
      %le3A = arith.cmpf ole, %add3A_1755, %gather3A_1737 : vector<16xf32>
      %jit3A_1756 = arith.constant 1 : i32
      %jit3A_1757 = arith.constant 0 : i32
      %broadcast_in_dim3A_1758 = vector.broadcast %jit3A_1756 : i32 to vector<16xi32>
      %broadcast_in_dim3A_1759 = vector.broadcast %jit3A_1757 : i32 to vector<16xi32>
      %select_n3A_1760 = arith.select %le3A, %broadcast_in_dim3A_1758, %broadcast_in_dim3A_1759 : vector<16xi1>, vector<16xi32>
      %iota3A_1761 = tpu.iota {dimensions = array<i32: 0>} : vector<16xi32>
      %sub3A_1762 = arith.constant 1 : i32
      %sub3A_1763 = vector.broadcast %sub3A_1762 : i32 to vector<16xi32>
      %sub3A_1764 = arith.subi %iota3A_1761, %sub3A_1763 : vector<16xi32>
      %max3A_1765 = arith.constant 0 : i32
      %max3A_1766 = vector.broadcast %max3A_1765 : i32 to vector<16xi32>
      %max3A_1767 = arith.maxsi %sub3A_1764, %max3A_1766 : vector<16xi32>
      %broadcast_in_dim3A_1768 = vector.shape_cast %max3A_1767 : vector<16xi32> to vector<16x1xi32>
      %gather3A_1769 = vector.shape_cast %broadcast_in_dim3A_1768 : vector<16x1xi32> to vector<16xi32>
      %gather3A_1770 = tpu.dynamic_gather %select_n3A_1760[%gather3A_1769] in [0] : vector<16xi32>, vector<16xi32> -> vector<16xi32>
      %ge3A = arith.constant 1 : i32
      %ge3A_1771 = vector.broadcast %ge3A : i32 to vector<16xi32>
      %ge3A_1772 = arith.cmpi sge, %iota3A_1761, %ge3A_1771 : vector<16xi32>
      %jit3A_1773 = arith.constant 0 : i32
      %broadcast_in_dim3A_1774 = vector.broadcast %jit3A_1773 : i32 to vector<16xi32>
      %select_n3A_1775 = arith.select %ge3A_1772, %gather3A_1770, %broadcast_in_dim3A_1774 : vector<16xi1>, vector<16xi32>
      %add3A_1776 = arith.addi %select_n3A_1760, %select_n3A_1775 : vector<16xi32>
      %sub3A_1777 = arith.constant 2 : i32
      %sub3A_1778 = vector.broadcast %sub3A_1777 : i32 to vector<16xi32>
      %sub3A_1779 = arith.subi %iota3A_1761, %sub3A_1778 : vector<16xi32>
      %max3A_1780 = arith.constant 0 : i32
      %max3A_1781 = vector.broadcast %max3A_1780 : i32 to vector<16xi32>
      %max3A_1782 = arith.maxsi %sub3A_1779, %max3A_1781 : vector<16xi32>
      %broadcast_in_dim3A_1783 = vector.shape_cast %max3A_1782 : vector<16xi32> to vector<16x1xi32>
      %gather3A_1784 = vector.shape_cast %broadcast_in_dim3A_1783 : vector<16x1xi32> to vector<16xi32>
      %gather3A_1785 = tpu.dynamic_gather %add3A_1776[%gather3A_1784] in [0] : vector<16xi32>, vector<16xi32> -> vector<16xi32>
      %ge3A_1786 = arith.constant 2 : i32
      %ge3A_1787 = vector.broadcast %ge3A_1786 : i32 to vector<16xi32>
      %ge3A_1788 = arith.cmpi sge, %iota3A_1761, %ge3A_1787 : vector<16xi32>
      %jit3A_1789 = arith.constant 0 : i32
      %broadcast_in_dim3A_1790 = vector.broadcast %jit3A_1789 : i32 to vector<16xi32>
      %select_n3A_1791 = arith.select %ge3A_1788, %gather3A_1785, %broadcast_in_dim3A_1790 : vector<16xi1>, vector<16xi32>
      %add3A_1792 = arith.addi %add3A_1776, %select_n3A_1791 : vector<16xi32>
      %sub3A_1793 = arith.constant 4 : i32
      %sub3A_1794 = vector.broadcast %sub3A_1793 : i32 to vector<16xi32>
      %sub3A_1795 = arith.subi %iota3A_1761, %sub3A_1794 : vector<16xi32>
      %max3A_1796 = arith.constant 0 : i32
      %max3A_1797 = vector.broadcast %max3A_1796 : i32 to vector<16xi32>
      %max3A_1798 = arith.maxsi %sub3A_1795, %max3A_1797 : vector<16xi32>
      %broadcast_in_dim3A_1799 = vector.shape_cast %max3A_1798 : vector<16xi32> to vector<16x1xi32>
      %gather3A_1800 = vector.shape_cast %broadcast_in_dim3A_1799 : vector<16x1xi32> to vector<16xi32>
      %gather3A_1801 = tpu.dynamic_gather %add3A_1792[%gather3A_1800] in [0] : vector<16xi32>, vector<16xi32> -> vector<16xi32>
      %ge3A_1802 = arith.constant 4 : i32
      %ge3A_1803 = vector.broadcast %ge3A_1802 : i32 to vector<16xi32>
      %ge3A_1804 = arith.cmpi sge, %iota3A_1761, %ge3A_1803 : vector<16xi32>
      %jit3A_1805 = arith.constant 0 : i32
      %broadcast_in_dim3A_1806 = vector.broadcast %jit3A_1805 : i32 to vector<16xi32>
      %select_n3A_1807 = arith.select %ge3A_1804, %gather3A_1801, %broadcast_in_dim3A_1806 : vector<16xi1>, vector<16xi32>
      %add3A_1808 = arith.addi %add3A_1792, %select_n3A_1807 : vector<16xi32>
      %sub3A_1809 = arith.constant 8 : i32
      %sub3A_1810 = vector.broadcast %sub3A_1809 : i32 to vector<16xi32>
      %sub3A_1811 = arith.subi %iota3A_1761, %sub3A_1810 : vector<16xi32>
      %max3A_1812 = arith.constant 0 : i32
      %max3A_1813 = vector.broadcast %max3A_1812 : i32 to vector<16xi32>
      %max3A_1814 = arith.maxsi %sub3A_1811, %max3A_1813 : vector<16xi32>
      %broadcast_in_dim3A_1815 = vector.shape_cast %max3A_1814 : vector<16xi32> to vector<16x1xi32>
      %gather3A_1816 = vector.shape_cast %broadcast_in_dim3A_1815 : vector<16x1xi32> to vector<16xi32>
      %gather3A_1817 = tpu.dynamic_gather %add3A_1808[%gather3A_1816] in [0] : vector<16xi32>, vector<16xi32> -> vector<16xi32>
      %ge3A_1818 = arith.constant 8 : i32
      %ge3A_1819 = vector.broadcast %ge3A_1818 : i32 to vector<16xi32>
      %ge3A_1820 = arith.cmpi sge, %iota3A_1761, %ge3A_1819 : vector<16xi32>
      %jit3A_1821 = arith.constant 0 : i32
      %broadcast_in_dim3A_1822 = vector.broadcast %jit3A_1821 : i32 to vector<16xi32>
      %select_n3A_1823 = arith.select %ge3A_1820, %gather3A_1817, %broadcast_in_dim3A_1822 : vector<16xi1>, vector<16xi32>
      %add3A_1824 = arith.addi %add3A_1808, %select_n3A_1823 : vector<16xi32>
      %add3A_1825 = arith.addi %while3A_1732, %add3A_1824 : vector<16xi32>
      %sub3A_1826 = arith.constant 1 : i32
      %sub3A_1827 = vector.broadcast %sub3A_1826 : i32 to vector<16xi32>
      %sub3A_1828 = arith.subi %add3A_1825, %sub3A_1827 : vector<16xi32>
      %scatter3A = arith.constant 0 : i32
      %scatter3A_1829 = tpu.memref_slice %arg10[%while3A_1070, %scatter3A] : memref<2x2048xi32, #tpu.memory_space<vmem>> -> memref<1x2048xi32, #tpu.memory_space<vmem>>
      %scatter3A_1830 = tpu.memref_squeeze %scatter3A_1829 : memref<1x2048xi32, #tpu.memory_space<vmem>> -> memref<2048xi32, #tpu.memory_space<vmem>>
      tpu.vector_store_idx %scatter3A_1830[%sub3A_1828], %get3A_1735 masked %le3A : memref<2048xi32, #tpu.memory_space<vmem>>[vector<16xi32>], vector<16xi32>, vector<16xi1>
      %broadcast_in_dim3A_1831 = vector.shape_cast %broadcast_in_dim3A_39 : vector<16xi32> to vector<16x1xi32>
      %gather3A_1832 = vector.shape_cast %broadcast_in_dim3A_1831 : vector<16x1xi32> to vector<16xi32>
      %gather3A_1833 = tpu.dynamic_gather %add3A_1824[%gather3A_1832] in [0] : vector<16xi32>, vector<16xi32> -> vector<16xi32>
      %add3A_1834 = arith.addi %while3A_1732, %gather3A_1833 : vector<16xi32>
      scf.yield %add3A_1834 : vector<16xi32>
    }
    "tpu.trace_stop"() : () -> ()
    %iota3A_1082 = tpu.iota {dimensions = array<i32: 0>} : vector<16xi32>
    %eq3A_1083 = arith.constant 5 : i32
    %eq3A_1084 = vector.broadcast %eq3A_1083 : i32 to vector<16xi32>
    %eq3A_1085 = arith.cmpi eq, %iota3A_1082, %eq3A_1084 : vector<16xi32>
    %reduce_sum3A_1086 = arith.constant true
    %reduce_sum3A_1087 = vector.broadcast %reduce_sum3A_1086 : i1 to vector<16xi1>
    %reduce_sum3A_1088 = tpu.scan <sum>, %while3A_1081 masked %reduce_sum3A_1087 : vector<16xi32>, vector<16xi1> -> vector<16xi32>
    %reduce_sum3A_1089 = vector.extract %reduce_sum3A_1088[15] : i32 from vector<16xi32>
    %jit3A_1090 = arith.constant 16 : i32
    %div3A_1091 = arith.divsi %reduce_sum3A_1089, %jit3A_1090 : i32
    %sign3A_1092 = arith.constant 0 : i32
    %sign3A_1093 = arith.cmpi sgt, %reduce_sum3A_1089, %sign3A_1092 : i32
    %sign3A_1094 = arith.extui %sign3A_1093 : i1 to i32
    %sign3A_1095 = arith.constant 0 : i32
    %sign3A_1096 = arith.cmpi slt, %reduce_sum3A_1089, %sign3A_1095 : i32
    %sign3A_1097 = arith.extui %sign3A_1096 : i1 to i32
    %sign3A_1098 = arith.subi %sign3A_1094, %sign3A_1097 : i32
    %sign3A_1099 = arith.constant 0 : i32
    %sign3A_1100 = arith.cmpi sgt, %jit3A_1090, %sign3A_1099 : i32
    %sign3A_1101 = arith.extui %sign3A_1100 : i1 to i32
    %sign3A_1102 = arith.constant 0 : i32
    %sign3A_1103 = arith.cmpi slt, %jit3A_1090, %sign3A_1102 : i32
    %sign3A_1104 = arith.extui %sign3A_1103 : i1 to i32
    %sign3A_1105 = arith.subi %sign3A_1101, %sign3A_1104 : i32
    %ne3A_1106 = arith.cmpi ne, %sign3A_1098, %sign3A_1105 : i32
    %rem3A_1107 = arith.remsi %reduce_sum3A_1089, %jit3A_1090 : i32
    %ne3A_1108 = arith.constant 0 : i32
    %ne3A_1109 = arith.cmpi ne, %rem3A_1107, %ne3A_1108 : i32
    %and3A_1110 = arith.andi %ne3A_1106, %ne3A_1109 : i1
    %sub3A_1111 = arith.constant 1 : i32
    %sub3A_1112 = arith.subi %div3A_1091, %sub3A_1111 : i32
    %select_n3A_1113 = arith.select %and3A_1110, %sub3A_1112, %div3A_1091 : i32
    %broadcast_in_dim3A_1114 = vector.broadcast %select_n3A_1113 : i32 to vector<16xi32>
    %select_n3A_1115 = arith.select %eq3A_1085, %broadcast_in_dim3A_1114, %select_n3A_912 : vector<16xi1>, vector<16xi32>
    %dma_wait3A_1116 = arith.constant 0 : i32
    %dma_wait3A_1117 = arith.constant 4 : i32
    %dma_wait3A_1118 = arith.constant 0 : i32
    %dma_wait3A_1119 = arith.constant 0 : i32
    %dma_wait3A_1120 = tpu.memref_slice %arg11[%dma_wait3A_1117, %dma_wait3A_1118, %dma_wait3A_1119] : memref<8x448x8xf32, #tpu.memory_space<vmem>> -> memref<1x448x8xf32, #tpu.memory_space<vmem>>
    %dma_wait3A_1121 = tpu.memref_squeeze %dma_wait3A_1120 : memref<1x448x8xf32, #tpu.memory_space<vmem>> -> memref<448x8xf32, #tpu.memory_space<vmem>>
    %dma_wait3A_1122 = arith.constant 0 : i32
    %dma_wait3A_1123 = arith.constant 0 : i32
    %dma_wait3A_1124 = tpu.memref_slice %dma_wait3A_1121[%dma_wait3A_1122, %dma_wait3A_1123] : memref<448x8xf32, #tpu.memory_space<vmem>> -> memref<128x8xf32, #tpu.memory_space<vmem>>
    %dma_wait3A_1125 = arith.constant 0 : i32
    %dma_wait3A_1126 = tpu.memref_slice %arg10[%dma_wait3A_1116, %dma_wait3A_1125] : memref<2x2048xi32, #tpu.memory_space<vmem>> -> memref<1x2048xi32, #tpu.memory_space<vmem>>
    %dma_wait3A_1127 = tpu.memref_squeeze %dma_wait3A_1126 : memref<1x2048xi32, #tpu.memory_space<vmem>> -> memref<2048xi32, #tpu.memory_space<vmem>>
    %dma_wait3A_1128 = arith.constant 0 : i32
    %dma_wait3A_1129 = tpu.memref_slice %dma_wait3A_1127[%dma_wait3A_1128] : memref<2048xi32, #tpu.memory_space<vmem>> -> memref<128xi32, #tpu.memory_space<vmem>>
    %dma_wait3A_1130 = arith.constant 0 : i32
    %dma_wait3A_1131 = arith.constant 0 : i32
    %dma_wait3A_1132 = tpu.memref_slice %arg3[%dma_wait3A_1130, %dma_wait3A_1131] : memref<20488x8xf32, #tpu.memory_space<hbm>> -> memref<20488x8xf32, #tpu.memory_space<hbm>>
    tpu.wait_indirect_dma semaphore(%arg13 : memref<!tpu.dma_semaphore, #tpu.memory_space<semaphore_mem>>) src(%dma_wait3A_1132 : memref<20488x8xf32, #tpu.memory_space<hbm>>) dst(%dma_wait3A_1124 : memref<128x8xf32, #tpu.memory_space<vmem>>)
    %dma_wait3A_1133 = arith.constant 0 : i32
    %dma_wait3A_1134 = arith.constant 4 : i32
    %dma_wait3A_1135 = arith.constant 0 : i32
    %dma_wait3A_1136 = arith.constant 0 : i32
    %dma_wait3A_1137 = tpu.memref_slice %arg11[%dma_wait3A_1134, %dma_wait3A_1135, %dma_wait3A_1136] : memref<8x448x8xf32, #tpu.memory_space<vmem>> -> memref<1x448x8xf32, #tpu.memory_space<vmem>>
    %dma_wait3A_1138 = tpu.memref_squeeze %dma_wait3A_1137 : memref<1x448x8xf32, #tpu.memory_space<vmem>> -> memref<448x8xf32, #tpu.memory_space<vmem>>
    %dma_wait3A_1139 = arith.constant 128 : i32
    %dma_wait3A_1140 = arith.constant 0 : i32
    %dma_wait3A_1141 = tpu.memref_slice %dma_wait3A_1138[%dma_wait3A_1139, %dma_wait3A_1140] : memref<448x8xf32, #tpu.memory_space<vmem>> -> memref<128x8xf32, #tpu.memory_space<vmem>>
    %dma_wait3A_1142 = arith.constant 0 : i32
    %dma_wait3A_1143 = tpu.memref_slice %arg10[%dma_wait3A_1133, %dma_wait3A_1142] : memref<2x2048xi32, #tpu.memory_space<vmem>> -> memref<1x2048xi32, #tpu.memory_space<vmem>>
    %dma_wait3A_1144 = tpu.memref_squeeze %dma_wait3A_1143 : memref<1x2048xi32, #tpu.memory_space<vmem>> -> memref<2048xi32, #tpu.memory_space<vmem>>
    %dma_wait3A_1145 = arith.constant 0 : i32
    %dma_wait3A_1146 = tpu.memref_slice %dma_wait3A_1144[%dma_wait3A_1145] : memref<2048xi32, #tpu.memory_space<vmem>> -> memref<128xi32, #tpu.memory_space<vmem>>
    %dma_wait3A_1147 = arith.constant 0 : i32
    %dma_wait3A_1148 = arith.constant 0 : i32
    %dma_wait3A_1149 = tpu.memref_slice %arg3[%dma_wait3A_1147, %dma_wait3A_1148] : memref<20488x8xf32, #tpu.memory_space<hbm>> -> memref<20488x8xf32, #tpu.memory_space<hbm>>
    tpu.wait_indirect_dma semaphore(%arg13 : memref<!tpu.dma_semaphore, #tpu.memory_space<semaphore_mem>>) src(%dma_wait3A_1149 : memref<20488x8xf32, #tpu.memory_space<hbm>>) dst(%dma_wait3A_1141 : memref<128x8xf32, #tpu.memory_space<vmem>>)
    %dma_wait3A_1150 = arith.constant 0 : i32
    %dma_wait3A_1151 = arith.constant 4 : i32
    %dma_wait3A_1152 = arith.constant 0 : i32
    %dma_wait3A_1153 = arith.constant 0 : i32
    %dma_wait3A_1154 = tpu.memref_slice %arg11[%dma_wait3A_1151, %dma_wait3A_1152, %dma_wait3A_1153] : memref<8x448x8xf32, #tpu.memory_space<vmem>> -> memref<1x448x8xf32, #tpu.memory_space<vmem>>
    %dma_wait3A_1155 = tpu.memref_squeeze %dma_wait3A_1154 : memref<1x448x8xf32, #tpu.memory_space<vmem>> -> memref<448x8xf32, #tpu.memory_space<vmem>>
    %dma_wait3A_1156 = arith.constant 256 : i32
    %dma_wait3A_1157 = arith.constant 0 : i32
    %dma_wait3A_1158 = tpu.memref_slice %dma_wait3A_1155[%dma_wait3A_1156, %dma_wait3A_1157] : memref<448x8xf32, #tpu.memory_space<vmem>> -> memref<128x8xf32, #tpu.memory_space<vmem>>
    %dma_wait3A_1159 = arith.constant 0 : i32
    %dma_wait3A_1160 = tpu.memref_slice %arg10[%dma_wait3A_1150, %dma_wait3A_1159] : memref<2x2048xi32, #tpu.memory_space<vmem>> -> memref<1x2048xi32, #tpu.memory_space<vmem>>
    %dma_wait3A_1161 = tpu.memref_squeeze %dma_wait3A_1160 : memref<1x2048xi32, #tpu.memory_space<vmem>> -> memref<2048xi32, #tpu.memory_space<vmem>>
    %dma_wait3A_1162 = arith.constant 0 : i32
    %dma_wait3A_1163 = tpu.memref_slice %dma_wait3A_1161[%dma_wait3A_1162] : memref<2048xi32, #tpu.memory_space<vmem>> -> memref<128xi32, #tpu.memory_space<vmem>>
    %dma_wait3A_1164 = arith.constant 0 : i32
    %dma_wait3A_1165 = arith.constant 0 : i32
    %dma_wait3A_1166 = tpu.memref_slice %arg3[%dma_wait3A_1164, %dma_wait3A_1165] : memref<20488x8xf32, #tpu.memory_space<hbm>> -> memref<20488x8xf32, #tpu.memory_space<hbm>>
    tpu.wait_indirect_dma semaphore(%arg13 : memref<!tpu.dma_semaphore, #tpu.memory_space<semaphore_mem>>) src(%dma_wait3A_1166 : memref<20488x8xf32, #tpu.memory_space<hbm>>) dst(%dma_wait3A_1158 : memref<128x8xf32, #tpu.memory_space<vmem>>)
    %dma_wait3A_1167 = arith.constant 0 : i32
    %dma_wait3A_1168 = arith.constant 4 : i32
    %dma_wait3A_1169 = arith.constant 0 : i32
    %dma_wait3A_1170 = arith.constant 0 : i32
    %dma_wait3A_1171 = tpu.memref_slice %arg11[%dma_wait3A_1168, %dma_wait3A_1169, %dma_wait3A_1170] : memref<8x448x8xf32, #tpu.memory_space<vmem>> -> memref<1x448x8xf32, #tpu.memory_space<vmem>>
    %dma_wait3A_1172 = tpu.memref_squeeze %dma_wait3A_1171 : memref<1x448x8xf32, #tpu.memory_space<vmem>> -> memref<448x8xf32, #tpu.memory_space<vmem>>
    %dma_wait3A_1173 = arith.constant 384 : i32
    %dma_wait3A_1174 = arith.constant 0 : i32
    %dma_wait3A_1175 = tpu.memref_slice %dma_wait3A_1172[%dma_wait3A_1173, %dma_wait3A_1174] : memref<448x8xf32, #tpu.memory_space<vmem>> -> memref<64x8xf32, #tpu.memory_space<vmem>>
    %dma_wait3A_1176 = arith.constant 0 : i32
    %dma_wait3A_1177 = tpu.memref_slice %arg10[%dma_wait3A_1167, %dma_wait3A_1176] : memref<2x2048xi32, #tpu.memory_space<vmem>> -> memref<1x2048xi32, #tpu.memory_space<vmem>>
    %dma_wait3A_1178 = tpu.memref_squeeze %dma_wait3A_1177 : memref<1x2048xi32, #tpu.memory_space<vmem>> -> memref<2048xi32, #tpu.memory_space<vmem>>
    %dma_wait3A_1179 = arith.constant 0 : i32
    %dma_wait3A_1180 = tpu.memref_slice %dma_wait3A_1178[%dma_wait3A_1179] : memref<2048xi32, #tpu.memory_space<vmem>> -> memref<64xi32, #tpu.memory_space<vmem>>
    %dma_wait3A_1181 = arith.constant 0 : i32
    %dma_wait3A_1182 = arith.constant 0 : i32
    %dma_wait3A_1183 = tpu.memref_slice %arg3[%dma_wait3A_1181, %dma_wait3A_1182] : memref<20488x8xf32, #tpu.memory_space<hbm>> -> memref<20488x8xf32, #tpu.memory_space<hbm>>
    tpu.wait_indirect_dma semaphore(%arg13 : memref<!tpu.dma_semaphore, #tpu.memory_space<semaphore_mem>>) src(%dma_wait3A_1183 : memref<20488x8xf32, #tpu.memory_space<hbm>>) dst(%dma_wait3A_1175 : memref<64x8xf32, #tpu.memory_space<vmem>>)
    %dma_start3A_1184 = arith.constant 1 : i32
    %dma_start3A_1185 = arith.constant 5 : i32
    %dma_start3A_1186 = arith.constant 0 : i32
    %dma_start3A_1187 = arith.constant 0 : i32
    %dma_start3A_1188 = tpu.memref_slice %arg11[%dma_start3A_1185, %dma_start3A_1186, %dma_start3A_1187] : memref<8x448x8xf32, #tpu.memory_space<vmem>> -> memref<1x448x8xf32, #tpu.memory_space<vmem>>
    %dma_start3A_1189 = tpu.memref_squeeze %dma_start3A_1188 : memref<1x448x8xf32, #tpu.memory_space<vmem>> -> memref<448x8xf32, #tpu.memory_space<vmem>>
    %dma_start3A_1190 = arith.constant 0 : i32
    %dma_start3A_1191 = arith.constant 0 : i32
    %dma_start3A_1192 = tpu.memref_slice %dma_start3A_1189[%dma_start3A_1190, %dma_start3A_1191] : memref<448x8xf32, #tpu.memory_space<vmem>> -> memref<128x8xf32, #tpu.memory_space<vmem>>
    %dma_start3A_1193 = arith.constant 0 : i32
    %dma_start3A_1194 = tpu.memref_slice %arg10[%dma_start3A_1184, %dma_start3A_1193] : memref<2x2048xi32, #tpu.memory_space<vmem>> -> memref<1x2048xi32, #tpu.memory_space<vmem>>
    %dma_start3A_1195 = tpu.memref_squeeze %dma_start3A_1194 : memref<1x2048xi32, #tpu.memory_space<vmem>> -> memref<2048xi32, #tpu.memory_space<vmem>>
    %dma_start3A_1196 = arith.constant 0 : i32
    %dma_start3A_1197 = tpu.memref_slice %dma_start3A_1195[%dma_start3A_1196] : memref<2048xi32, #tpu.memory_space<vmem>> -> memref<128xi32, #tpu.memory_space<vmem>>
    %dma_start3A_1198 = arith.constant 0 : i32
    %dma_start3A_1199 = arith.constant 0 : i32
    %dma_start3A_1200 = tpu.memref_slice %arg3[%dma_start3A_1198, %dma_start3A_1199] : memref<20488x8xf32, #tpu.memory_space<hbm>> -> memref<20488x8xf32, #tpu.memory_space<hbm>>
    tpu.enqueue_indirect_dma source(%dma_start3A_1200 : memref<20488x8xf32, #tpu.memory_space<hbm>>) target(%dma_start3A_1192 : memref<128x8xf32, #tpu.memory_space<vmem>>) offsets(%dma_start3A_1197 : memref<128xi32, #tpu.memory_space<vmem>>) semaphore(%arg13 : memref<!tpu.dma_semaphore, #tpu.memory_space<semaphore_mem>>)
    %dma_start3A_1201 = arith.constant 1 : i32
    %dma_start3A_1202 = arith.constant 5 : i32
    %dma_start3A_1203 = arith.constant 0 : i32
    %dma_start3A_1204 = arith.constant 0 : i32
    %dma_start3A_1205 = tpu.memref_slice %arg11[%dma_start3A_1202, %dma_start3A_1203, %dma_start3A_1204] : memref<8x448x8xf32, #tpu.memory_space<vmem>> -> memref<1x448x8xf32, #tpu.memory_space<vmem>>
    %dma_start3A_1206 = tpu.memref_squeeze %dma_start3A_1205 : memref<1x448x8xf32, #tpu.memory_space<vmem>> -> memref<448x8xf32, #tpu.memory_space<vmem>>
    %dma_start3A_1207 = arith.constant 128 : i32
    %dma_start3A_1208 = arith.constant 0 : i32
    %dma_start3A_1209 = tpu.memref_slice %dma_start3A_1206[%dma_start3A_1207, %dma_start3A_1208] : memref<448x8xf32, #tpu.memory_space<vmem>> -> memref<128x8xf32, #tpu.memory_space<vmem>>
    %dma_start3A_1210 = arith.constant 0 : i32
    %dma_start3A_1211 = tpu.memref_slice %arg10[%dma_start3A_1201, %dma_start3A_1210] : memref<2x2048xi32, #tpu.memory_space<vmem>> -> memref<1x2048xi32, #tpu.memory_space<vmem>>
    %dma_start3A_1212 = tpu.memref_squeeze %dma_start3A_1211 : memref<1x2048xi32, #tpu.memory_space<vmem>> -> memref<2048xi32, #tpu.memory_space<vmem>>
    %dma_start3A_1213 = arith.constant 128 : i32
    %dma_start3A_1214 = tpu.memref_slice %dma_start3A_1212[%dma_start3A_1213] : memref<2048xi32, #tpu.memory_space<vmem>> -> memref<128xi32, #tpu.memory_space<vmem>>
    %dma_start3A_1215 = arith.constant 0 : i32
    %dma_start3A_1216 = arith.constant 0 : i32
    %dma_start3A_1217 = tpu.memref_slice %arg3[%dma_start3A_1215, %dma_start3A_1216] : memref<20488x8xf32, #tpu.memory_space<hbm>> -> memref<20488x8xf32, #tpu.memory_space<hbm>>
    tpu.enqueue_indirect_dma source(%dma_start3A_1217 : memref<20488x8xf32, #tpu.memory_space<hbm>>) target(%dma_start3A_1209 : memref<128x8xf32, #tpu.memory_space<vmem>>) offsets(%dma_start3A_1214 : memref<128xi32, #tpu.memory_space<vmem>>) semaphore(%arg13 : memref<!tpu.dma_semaphore, #tpu.memory_space<semaphore_mem>>)
    %dma_start3A_1218 = arith.constant 1 : i32
    %dma_start3A_1219 = arith.constant 5 : i32
    %dma_start3A_1220 = arith.constant 0 : i32
    %dma_start3A_1221 = arith.constant 0 : i32
    %dma_start3A_1222 = tpu.memref_slice %arg11[%dma_start3A_1219, %dma_start3A_1220, %dma_start3A_1221] : memref<8x448x8xf32, #tpu.memory_space<vmem>> -> memref<1x448x8xf32, #tpu.memory_space<vmem>>
    %dma_start3A_1223 = tpu.memref_squeeze %dma_start3A_1222 : memref<1x448x8xf32, #tpu.memory_space<vmem>> -> memref<448x8xf32, #tpu.memory_space<vmem>>
    %dma_start3A_1224 = arith.constant 256 : i32
    %dma_start3A_1225 = arith.constant 0 : i32
    %dma_start3A_1226 = tpu.memref_slice %dma_start3A_1223[%dma_start3A_1224, %dma_start3A_1225] : memref<448x8xf32, #tpu.memory_space<vmem>> -> memref<128x8xf32, #tpu.memory_space<vmem>>
    %dma_start3A_1227 = arith.constant 0 : i32
    %dma_start3A_1228 = tpu.memref_slice %arg10[%dma_start3A_1218, %dma_start3A_1227] : memref<2x2048xi32, #tpu.memory_space<vmem>> -> memref<1x2048xi32, #tpu.memory_space<vmem>>
    %dma_start3A_1229 = tpu.memref_squeeze %dma_start3A_1228 : memref<1x2048xi32, #tpu.memory_space<vmem>> -> memref<2048xi32, #tpu.memory_space<vmem>>
    %dma_start3A_1230 = arith.constant 256 : i32
    %dma_start3A_1231 = tpu.memref_slice %dma_start3A_1229[%dma_start3A_1230] : memref<2048xi32, #tpu.memory_space<vmem>> -> memref<128xi32, #tpu.memory_space<vmem>>
    %dma_start3A_1232 = arith.constant 0 : i32
    %dma_start3A_1233 = arith.constant 0 : i32
    %dma_start3A_1234 = tpu.memref_slice %arg3[%dma_start3A_1232, %dma_start3A_1233] : memref<20488x8xf32, #tpu.memory_space<hbm>> -> memref<20488x8xf32, #tpu.memory_space<hbm>>
    tpu.enqueue_indirect_dma source(%dma_start3A_1234 : memref<20488x8xf32, #tpu.memory_space<hbm>>) target(%dma_start3A_1226 : memref<128x8xf32, #tpu.memory_space<vmem>>) offsets(%dma_start3A_1231 : memref<128xi32, #tpu.memory_space<vmem>>) semaphore(%arg13 : memref<!tpu.dma_semaphore, #tpu.memory_space<semaphore_mem>>)
    %dma_start3A_1235 = arith.constant 1 : i32
    %dma_start3A_1236 = arith.constant 5 : i32
    %dma_start3A_1237 = arith.constant 0 : i32
    %dma_start3A_1238 = arith.constant 0 : i32
    %dma_start3A_1239 = tpu.memref_slice %arg11[%dma_start3A_1236, %dma_start3A_1237, %dma_start3A_1238] : memref<8x448x8xf32, #tpu.memory_space<vmem>> -> memref<1x448x8xf32, #tpu.memory_space<vmem>>
    %dma_start3A_1240 = tpu.memref_squeeze %dma_start3A_1239 : memref<1x448x8xf32, #tpu.memory_space<vmem>> -> memref<448x8xf32, #tpu.memory_space<vmem>>
    %dma_start3A_1241 = arith.constant 384 : i32
    %dma_start3A_1242 = arith.constant 0 : i32
    %dma_start3A_1243 = tpu.memref_slice %dma_start3A_1240[%dma_start3A_1241, %dma_start3A_1242] : memref<448x8xf32, #tpu.memory_space<vmem>> -> memref<64x8xf32, #tpu.memory_space<vmem>>
    %dma_start3A_1244 = arith.constant 0 : i32
    %dma_start3A_1245 = tpu.memref_slice %arg10[%dma_start3A_1235, %dma_start3A_1244] : memref<2x2048xi32, #tpu.memory_space<vmem>> -> memref<1x2048xi32, #tpu.memory_space<vmem>>
    %dma_start3A_1246 = tpu.memref_squeeze %dma_start3A_1245 : memref<1x2048xi32, #tpu.memory_space<vmem>> -> memref<2048xi32, #tpu.memory_space<vmem>>
    %dma_start3A_1247 = arith.constant 384 : i32
    %dma_start3A_1248 = tpu.memref_slice %dma_start3A_1246[%dma_start3A_1247] : memref<2048xi32, #tpu.memory_space<vmem>> -> memref<64xi32, #tpu.memory_space<vmem>>
    %dma_start3A_1249 = arith.constant 0 : i32
    %dma_start3A_1250 = arith.constant 0 : i32
    %dma_start3A_1251 = tpu.memref_slice %arg3[%dma_start3A_1249, %dma_start3A_1250] : memref<20488x8xf32, #tpu.memory_space<hbm>> -> memref<20488x8xf32, #tpu.memory_space<hbm>>
    tpu.enqueue_indirect_dma source(%dma_start3A_1251 : memref<20488x8xf32, #tpu.memory_space<hbm>>) target(%dma_start3A_1243 : memref<64x8xf32, #tpu.memory_space<vmem>>) offsets(%dma_start3A_1248 : memref<64xi32, #tpu.memory_space<vmem>>) semaphore(%arg13 : memref<!tpu.dma_semaphore, #tpu.memory_space<semaphore_mem>>)
    %mul3A_1252 = arith.constant 8 : i32
    %mul3A_1253 = arith.muli %select_n3A_30, %mul3A_1252 : i32
    %add3A_1254 = arith.constant 6 : i32
    %add3A_1255 = arith.addi %mul3A_1253, %add3A_1254 : i32
    %convert_element_type3A_1256 = arith.sitofp %add3A_1255 : i32 to f32
    %mul3A_1257 = arith.constant 1.600000e+01 : f32
    %mul3A_1258 = arith.mulf %convert_element_type3A_1256, %mul3A_1257 : f32
    %add3A_1259 = arith.constant 5.000000e-01 : f32
    %add3A_1260 = arith.addf %mul3A_1258, %add3A_1259 : f32
    %add3A_1261 = arith.constant 1.500000e+01 : f32
    %add3A_1262 = arith.addf %add3A_1260, %add3A_1261 : f32
    "tpu.trace_start"() <{level = 10 : i32, message = "bin_init"}> : () -> ()
    %scan3A_1263 = arith.constant 0 : i32
    %scan3A_1264 = arith.constant 0 : i32
    %scan3A_1265 = arith.constant 0 : i32
    %scan3A_1266 = arith.constant 28 : i32
    %scan3A_1267 = arith.addi %scan3A_1265, %scan3A_1266 : i32
    %scan3A_1268 = arith.constant 1 : i32
    %scan3A_1269 = scf.for %scan3A_1731 = %scan3A_1265 to %scan3A_1267 step %scan3A_1268 iter_args(%scan3A_1732 = %scan3A_1264) -> (i32)  : i32 {
      %broadcast_in_dim3A_1733 = arith.constant 20480 : i32
      %broadcast_in_dim3A_1734 = vector.broadcast %broadcast_in_dim3A_1733 : i32 to vector<16xi32>
      %mul3A_1735 = arith.constant 16 : i32
      %mul3A_1736 = arith.muli %scan3A_1731, %mul3A_1735 : i32
      %swap3A_1737 = arith.constant 0 : i32
      %swap3A_1738 = tpu.memref_slice %arg10[%scan3A_1263, %swap3A_1737] : memref<2x2048xi32, #tpu.memory_space<vmem>> -> memref<1x2048xi32, #tpu.memory_space<vmem>>
      %swap3A_1739 = tpu.memref_squeeze %swap3A_1738 : memref<1x2048xi32, #tpu.memory_space<vmem>> -> memref<2048xi32, #tpu.memory_space<vmem>>
      %swap3A_1740 = arith.index_cast %mul3A_1736 : i32 to index
      %swap3A_1741 = tpu.vector_load %swap3A_1739[%swap3A_1740] {strides = array<i32>} : memref<2048xi32, #tpu.memory_space<vmem>>, vector<16xi32>,
      tpu.vector_store %swap3A_1739[%swap3A_1740], %broadcast_in_dim3A_1734 {strides = array<i32>} : memref<2048xi32, #tpu.memory_space<vmem>>, vector<16xi32>,
      %scan3A_1742 = arith.constant 0 : i32
      scf.yield %scan3A_1742 : i32
    }
    %scan3A_1270 = arith.constant 28 : i32
    %broadcast_in_dim3A_1271 = arith.constant 0 : i32
    "tpu.trace_stop"() : () -> ()
    "tpu.trace_start"() <{level = 10 : i32, message = "bin_p2"}> : () -> ()
    %broadcast_in_dim3A_1272 = vector.broadcast %broadcast_in_dim3A_1271 : i32 to vector<16xi32>
    %while3A_1273 = arith.constant 0 : i32
    %while3A_1274 = arith.constant 0 : i32
    %while3A_1275 = arith.subi %select_n3A_102, %while3A_1274 : i32
    %while3A_1276 = arith.addi %while3A_1274, %while3A_1275 : i32
    %while3A_1277 = arith.constant 1 : i32
    %while3A_1278 = arith.divsi %while3A_1275, %while3A_1277 : i32
    %while3A_1279 = arith.muli %while3A_1278, %while3A_1277 : i32
    %while3A_1280 = arith.addi %while3A_1274, %while3A_1279 : i32
    %while3A_1281 = arith.constant 1 : i32
    %while3A_1282 = scf.for %while3A_1731 = %while3A_1274 to %while3A_1280 step %while3A_1281 iter_args(%while3A_1732 = %broadcast_in_dim3A_1272) -> (vector<16xi32>)  : i32 {
      %mul3A_1733 = arith.constant 16 : i32
      %mul3A_1734 = arith.muli %while3A_1731, %mul3A_1733 : i32
      %get3A = arith.index_cast %mul3A_1734 : i32 to index
      %get3A_1735 = tpu.vector_load %arg9[%get3A] {strides = array<i32>} : memref<3104xi32, #tpu.memory_space<vmem>>, vector<16xi32>,
      %gather3A = tpu.vector_load_idx %arg6[%get3A_1735] : memref<20480xf32, #tpu.memory_space<vmem>>[vector<16xi32>], vector<16xf32>,
      %gather3A_1736 = tpu.vector_load_idx %arg7[%get3A_1735] : memref<20480xf32, #tpu.memory_space<vmem>>[vector<16xi32>], vector<16xf32>,
      %gather3A_1737 = tpu.vector_load_idx %arg8[%get3A_1735] : memref<20480xf32, #tpu.memory_space<vmem>>[vector<16xi32>], vector<16xf32>,
      %sub3A_1738 = vector.broadcast %add3A_1260 : f32 to vector<16xf32>
      %sub3A_1739 = arith.subf %sub3A_1738, %gather3A : vector<16xf32>
      %sub3A_1740 = vector.broadcast %add3A_1262 : f32 to vector<16xf32>
      %sub3A_1741 = arith.subf %gather3A, %sub3A_1740 : vector<16xf32>
      %max3A = arith.maximumf %sub3A_1739, %sub3A_1741 : vector<16xf32>
      %max3A_1742 = arith.constant 0.000000e+00 : f32
      %max3A_1743 = vector.broadcast %max3A_1742 : f32 to vector<16xf32>
      %max3A_1744 = arith.maximumf %max3A, %max3A_1743 : vector<16xf32>
      %sub3A_1745 = vector.broadcast %add3A_36 : f32 to vector<16xf32>
      %sub3A_1746 = arith.subf %sub3A_1745, %gather3A_1736 : vector<16xf32>
      %sub3A_1747 = vector.broadcast %add3A_38 : f32 to vector<16xf32>
      %sub3A_1748 = arith.subf %gather3A_1736, %sub3A_1747 : vector<16xf32>
      %max3A_1749 = arith.maximumf %sub3A_1746, %sub3A_1748 : vector<16xf32>
      %max3A_1750 = arith.constant 0.000000e+00 : f32
      %max3A_1751 = vector.broadcast %max3A_1750 : f32 to vector<16xf32>
      %max3A_1752 = arith.maximumf %max3A_1749, %max3A_1751 : vector<16xf32>
      %mul3A_1753 = arith.mulf %max3A_1744, %max3A_1744 : vector<16xf32>
      %mul3A_1754 = arith.mulf %max3A_1752, %max3A_1752 : vector<16xf32>
      %add3A_1755 = arith.addf %mul3A_1753, %mul3A_1754 : vector<16xf32>
      %le3A = arith.cmpf ole, %add3A_1755, %gather3A_1737 : vector<16xf32>
      %jit3A_1756 = arith.constant 1 : i32
      %jit3A_1757 = arith.constant 0 : i32
      %broadcast_in_dim3A_1758 = vector.broadcast %jit3A_1756 : i32 to vector<16xi32>
      %broadcast_in_dim3A_1759 = vector.broadcast %jit3A_1757 : i32 to vector<16xi32>
      %select_n3A_1760 = arith.select %le3A, %broadcast_in_dim3A_1758, %broadcast_in_dim3A_1759 : vector<16xi1>, vector<16xi32>
      %iota3A_1761 = tpu.iota {dimensions = array<i32: 0>} : vector<16xi32>
      %sub3A_1762 = arith.constant 1 : i32
      %sub3A_1763 = vector.broadcast %sub3A_1762 : i32 to vector<16xi32>
      %sub3A_1764 = arith.subi %iota3A_1761, %sub3A_1763 : vector<16xi32>
      %max3A_1765 = arith.constant 0 : i32
      %max3A_1766 = vector.broadcast %max3A_1765 : i32 to vector<16xi32>
      %max3A_1767 = arith.maxsi %sub3A_1764, %max3A_1766 : vector<16xi32>
      %broadcast_in_dim3A_1768 = vector.shape_cast %max3A_1767 : vector<16xi32> to vector<16x1xi32>
      %gather3A_1769 = vector.shape_cast %broadcast_in_dim3A_1768 : vector<16x1xi32> to vector<16xi32>
      %gather3A_1770 = tpu.dynamic_gather %select_n3A_1760[%gather3A_1769] in [0] : vector<16xi32>, vector<16xi32> -> vector<16xi32>
      %ge3A = arith.constant 1 : i32
      %ge3A_1771 = vector.broadcast %ge3A : i32 to vector<16xi32>
      %ge3A_1772 = arith.cmpi sge, %iota3A_1761, %ge3A_1771 : vector<16xi32>
      %jit3A_1773 = arith.constant 0 : i32
      %broadcast_in_dim3A_1774 = vector.broadcast %jit3A_1773 : i32 to vector<16xi32>
      %select_n3A_1775 = arith.select %ge3A_1772, %gather3A_1770, %broadcast_in_dim3A_1774 : vector<16xi1>, vector<16xi32>
      %add3A_1776 = arith.addi %select_n3A_1760, %select_n3A_1775 : vector<16xi32>
      %sub3A_1777 = arith.constant 2 : i32
      %sub3A_1778 = vector.broadcast %sub3A_1777 : i32 to vector<16xi32>
      %sub3A_1779 = arith.subi %iota3A_1761, %sub3A_1778 : vector<16xi32>
      %max3A_1780 = arith.constant 0 : i32
      %max3A_1781 = vector.broadcast %max3A_1780 : i32 to vector<16xi32>
      %max3A_1782 = arith.maxsi %sub3A_1779, %max3A_1781 : vector<16xi32>
      %broadcast_in_dim3A_1783 = vector.shape_cast %max3A_1782 : vector<16xi32> to vector<16x1xi32>
      %gather3A_1784 = vector.shape_cast %broadcast_in_dim3A_1783 : vector<16x1xi32> to vector<16xi32>
      %gather3A_1785 = tpu.dynamic_gather %add3A_1776[%gather3A_1784] in [0] : vector<16xi32>, vector<16xi32> -> vector<16xi32>
      %ge3A_1786 = arith.constant 2 : i32
      %ge3A_1787 = vector.broadcast %ge3A_1786 : i32 to vector<16xi32>
      %ge3A_1788 = arith.cmpi sge, %iota3A_1761, %ge3A_1787 : vector<16xi32>
      %jit3A_1789 = arith.constant 0 : i32
      %broadcast_in_dim3A_1790 = vector.broadcast %jit3A_1789 : i32 to vector<16xi32>
      %select_n3A_1791 = arith.select %ge3A_1788, %gather3A_1785, %broadcast_in_dim3A_1790 : vector<16xi1>, vector<16xi32>
      %add3A_1792 = arith.addi %add3A_1776, %select_n3A_1791 : vector<16xi32>
      %sub3A_1793 = arith.constant 4 : i32
      %sub3A_1794 = vector.broadcast %sub3A_1793 : i32 to vector<16xi32>
      %sub3A_1795 = arith.subi %iota3A_1761, %sub3A_1794 : vector<16xi32>
      %max3A_1796 = arith.constant 0 : i32
      %max3A_1797 = vector.broadcast %max3A_1796 : i32 to vector<16xi32>
      %max3A_1798 = arith.maxsi %sub3A_1795, %max3A_1797 : vector<16xi32>
      %broadcast_in_dim3A_1799 = vector.shape_cast %max3A_1798 : vector<16xi32> to vector<16x1xi32>
      %gather3A_1800 = vector.shape_cast %broadcast_in_dim3A_1799 : vector<16x1xi32> to vector<16xi32>
      %gather3A_1801 = tpu.dynamic_gather %add3A_1792[%gather3A_1800] in [0] : vector<16xi32>, vector<16xi32> -> vector<16xi32>
      %ge3A_1802 = arith.constant 4 : i32
      %ge3A_1803 = vector.broadcast %ge3A_1802 : i32 to vector<16xi32>
      %ge3A_1804 = arith.cmpi sge, %iota3A_1761, %ge3A_1803 : vector<16xi32>
      %jit3A_1805 = arith.constant 0 : i32
      %broadcast_in_dim3A_1806 = vector.broadcast %jit3A_1805 : i32 to vector<16xi32>
      %select_n3A_1807 = arith.select %ge3A_1804, %gather3A_1801, %broadcast_in_dim3A_1806 : vector<16xi1>, vector<16xi32>
      %add3A_1808 = arith.addi %add3A_1792, %select_n3A_1807 : vector<16xi32>
      %sub3A_1809 = arith.constant 8 : i32
      %sub3A_1810 = vector.broadcast %sub3A_1809 : i32 to vector<16xi32>
      %sub3A_1811 = arith.subi %iota3A_1761, %sub3A_1810 : vector<16xi32>
      %max3A_1812 = arith.constant 0 : i32
      %max3A_1813 = vector.broadcast %max3A_1812 : i32 to vector<16xi32>
      %max3A_1814 = arith.maxsi %sub3A_1811, %max3A_1813 : vector<16xi32>
      %broadcast_in_dim3A_1815 = vector.shape_cast %max3A_1814 : vector<16xi32> to vector<16x1xi32>
      %gather3A_1816 = vector.shape_cast %broadcast_in_dim3A_1815 : vector<16x1xi32> to vector<16xi32>
      %gather3A_1817 = tpu.dynamic_gather %add3A_1808[%gather3A_1816] in [0] : vector<16xi32>, vector<16xi32> -> vector<16xi32>
      %ge3A_1818 = arith.constant 8 : i32
      %ge3A_1819 = vector.broadcast %ge3A_1818 : i32 to vector<16xi32>
      %ge3A_1820 = arith.cmpi sge, %iota3A_1761, %ge3A_1819 : vector<16xi32>
      %jit3A_1821 = arith.constant 0 : i32
      %broadcast_in_dim3A_1822 = vector.broadcast %jit3A_1821 : i32 to vector<16xi32>
      %select_n3A_1823 = arith.select %ge3A_1820, %gather3A_1817, %broadcast_in_dim3A_1822 : vector<16xi1>, vector<16xi32>
      %add3A_1824 = arith.addi %add3A_1808, %select_n3A_1823 : vector<16xi32>
      %add3A_1825 = arith.addi %while3A_1732, %add3A_1824 : vector<16xi32>
      %sub3A_1826 = arith.constant 1 : i32
      %sub3A_1827 = vector.broadcast %sub3A_1826 : i32 to vector<16xi32>
      %sub3A_1828 = arith.subi %add3A_1825, %sub3A_1827 : vector<16xi32>
      %scatter3A = arith.constant 0 : i32
      %scatter3A_1829 = tpu.memref_slice %arg10[%while3A_1273, %scatter3A] : memref<2x2048xi32, #tpu.memory_space<vmem>> -> memref<1x2048xi32, #tpu.memory_space<vmem>>
      %scatter3A_1830 = tpu.memref_squeeze %scatter3A_1829 : memref<1x2048xi32, #tpu.memory_space<vmem>> -> memref<2048xi32, #tpu.memory_space<vmem>>
      tpu.vector_store_idx %scatter3A_1830[%sub3A_1828], %get3A_1735 masked %le3A : memref<2048xi32, #tpu.memory_space<vmem>>[vector<16xi32>], vector<16xi32>, vector<16xi1>
      %broadcast_in_dim3A_1831 = vector.shape_cast %broadcast_in_dim3A_39 : vector<16xi32> to vector<16x1xi32>
      %gather3A_1832 = vector.shape_cast %broadcast_in_dim3A_1831 : vector<16x1xi32> to vector<16xi32>
      %gather3A_1833 = tpu.dynamic_gather %add3A_1824[%gather3A_1832] in [0] : vector<16xi32>, vector<16xi32> -> vector<16xi32>
      %add3A_1834 = arith.addi %while3A_1732, %gather3A_1833 : vector<16xi32>
      scf.yield %add3A_1834 : vector<16xi32>
    }
    %while3A_1283 = arith.constant 1 : i32
    %while3A_1284 = scf.for %while3A_1731 = %while3A_1280 to %while3A_1276 step %while3A_1283 iter_args(%while3A_1732 = %while3A_1282) -> (vector<16xi32>)  : i32 {
      %mul3A_1733 = arith.constant 16 : i32
      %mul3A_1734 = arith.muli %while3A_1731, %mul3A_1733 : i32
      %get3A = arith.index_cast %mul3A_1734 : i32 to index
      %get3A_1735 = tpu.vector_load %arg9[%get3A] {strides = array<i32>} : memref<3104xi32, #tpu.memory_space<vmem>>, vector<16xi32>,
      %gather3A = tpu.vector_load_idx %arg6[%get3A_1735] : memref<20480xf32, #tpu.memory_space<vmem>>[vector<16xi32>], vector<16xf32>,
      %gather3A_1736 = tpu.vector_load_idx %arg7[%get3A_1735] : memref<20480xf32, #tpu.memory_space<vmem>>[vector<16xi32>], vector<16xf32>,
      %gather3A_1737 = tpu.vector_load_idx %arg8[%get3A_1735] : memref<20480xf32, #tpu.memory_space<vmem>>[vector<16xi32>], vector<16xf32>,
      %sub3A_1738 = vector.broadcast %add3A_1260 : f32 to vector<16xf32>
      %sub3A_1739 = arith.subf %sub3A_1738, %gather3A : vector<16xf32>
      %sub3A_1740 = vector.broadcast %add3A_1262 : f32 to vector<16xf32>
      %sub3A_1741 = arith.subf %gather3A, %sub3A_1740 : vector<16xf32>
      %max3A = arith.maximumf %sub3A_1739, %sub3A_1741 : vector<16xf32>
      %max3A_1742 = arith.constant 0.000000e+00 : f32
      %max3A_1743 = vector.broadcast %max3A_1742 : f32 to vector<16xf32>
      %max3A_1744 = arith.maximumf %max3A, %max3A_1743 : vector<16xf32>
      %sub3A_1745 = vector.broadcast %add3A_36 : f32 to vector<16xf32>
      %sub3A_1746 = arith.subf %sub3A_1745, %gather3A_1736 : vector<16xf32>
      %sub3A_1747 = vector.broadcast %add3A_38 : f32 to vector<16xf32>
      %sub3A_1748 = arith.subf %gather3A_1736, %sub3A_1747 : vector<16xf32>
      %max3A_1749 = arith.maximumf %sub3A_1746, %sub3A_1748 : vector<16xf32>
      %max3A_1750 = arith.constant 0.000000e+00 : f32
      %max3A_1751 = vector.broadcast %max3A_1750 : f32 to vector<16xf32>
      %max3A_1752 = arith.maximumf %max3A_1749, %max3A_1751 : vector<16xf32>
      %mul3A_1753 = arith.mulf %max3A_1744, %max3A_1744 : vector<16xf32>
      %mul3A_1754 = arith.mulf %max3A_1752, %max3A_1752 : vector<16xf32>
      %add3A_1755 = arith.addf %mul3A_1753, %mul3A_1754 : vector<16xf32>
      %le3A = arith.cmpf ole, %add3A_1755, %gather3A_1737 : vector<16xf32>
      %jit3A_1756 = arith.constant 1 : i32
      %jit3A_1757 = arith.constant 0 : i32
      %broadcast_in_dim3A_1758 = vector.broadcast %jit3A_1756 : i32 to vector<16xi32>
      %broadcast_in_dim3A_1759 = vector.broadcast %jit3A_1757 : i32 to vector<16xi32>
      %select_n3A_1760 = arith.select %le3A, %broadcast_in_dim3A_1758, %broadcast_in_dim3A_1759 : vector<16xi1>, vector<16xi32>
      %iota3A_1761 = tpu.iota {dimensions = array<i32: 0>} : vector<16xi32>
      %sub3A_1762 = arith.constant 1 : i32
      %sub3A_1763 = vector.broadcast %sub3A_1762 : i32 to vector<16xi32>
      %sub3A_1764 = arith.subi %iota3A_1761, %sub3A_1763 : vector<16xi32>
      %max3A_1765 = arith.constant 0 : i32
      %max3A_1766 = vector.broadcast %max3A_1765 : i32 to vector<16xi32>
      %max3A_1767 = arith.maxsi %sub3A_1764, %max3A_1766 : vector<16xi32>
      %broadcast_in_dim3A_1768 = vector.shape_cast %max3A_1767 : vector<16xi32> to vector<16x1xi32>
      %gather3A_1769 = vector.shape_cast %broadcast_in_dim3A_1768 : vector<16x1xi32> to vector<16xi32>
      %gather3A_1770 = tpu.dynamic_gather %select_n3A_1760[%gather3A_1769] in [0] : vector<16xi32>, vector<16xi32> -> vector<16xi32>
      %ge3A = arith.constant 1 : i32
      %ge3A_1771 = vector.broadcast %ge3A : i32 to vector<16xi32>
      %ge3A_1772 = arith.cmpi sge, %iota3A_1761, %ge3A_1771 : vector<16xi32>
      %jit3A_1773 = arith.constant 0 : i32
      %broadcast_in_dim3A_1774 = vector.broadcast %jit3A_1773 : i32 to vector<16xi32>
      %select_n3A_1775 = arith.select %ge3A_1772, %gather3A_1770, %broadcast_in_dim3A_1774 : vector<16xi1>, vector<16xi32>
      %add3A_1776 = arith.addi %select_n3A_1760, %select_n3A_1775 : vector<16xi32>
      %sub3A_1777 = arith.constant 2 : i32
      %sub3A_1778 = vector.broadcast %sub3A_1777 : i32 to vector<16xi32>
      %sub3A_1779 = arith.subi %iota3A_1761, %sub3A_1778 : vector<16xi32>
      %max3A_1780 = arith.constant 0 : i32
      %max3A_1781 = vector.broadcast %max3A_1780 : i32 to vector<16xi32>
      %max3A_1782 = arith.maxsi %sub3A_1779, %max3A_1781 : vector<16xi32>
      %broadcast_in_dim3A_1783 = vector.shape_cast %max3A_1782 : vector<16xi32> to vector<16x1xi32>
      %gather3A_1784 = vector.shape_cast %broadcast_in_dim3A_1783 : vector<16x1xi32> to vector<16xi32>
      %gather3A_1785 = tpu.dynamic_gather %add3A_1776[%gather3A_1784] in [0] : vector<16xi32>, vector<16xi32> -> vector<16xi32>
      %ge3A_1786 = arith.constant 2 : i32
      %ge3A_1787 = vector.broadcast %ge3A_1786 : i32 to vector<16xi32>
      %ge3A_1788 = arith.cmpi sge, %iota3A_1761, %ge3A_1787 : vector<16xi32>
      %jit3A_1789 = arith.constant 0 : i32
      %broadcast_in_dim3A_1790 = vector.broadcast %jit3A_1789 : i32 to vector<16xi32>
      %select_n3A_1791 = arith.select %ge3A_1788, %gather3A_1785, %broadcast_in_dim3A_1790 : vector<16xi1>, vector<16xi32>
      %add3A_1792 = arith.addi %add3A_1776, %select_n3A_1791 : vector<16xi32>
      %sub3A_1793 = arith.constant 4 : i32
      %sub3A_1794 = vector.broadcast %sub3A_1793 : i32 to vector<16xi32>
      %sub3A_1795 = arith.subi %iota3A_1761, %sub3A_1794 : vector<16xi32>
      %max3A_1796 = arith.constant 0 : i32
      %max3A_1797 = vector.broadcast %max3A_1796 : i32 to vector<16xi32>
      %max3A_1798 = arith.maxsi %sub3A_1795, %max3A_1797 : vector<16xi32>
      %broadcast_in_dim3A_1799 = vector.shape_cast %max3A_1798 : vector<16xi32> to vector<16x1xi32>
      %gather3A_1800 = vector.shape_cast %broadcast_in_dim3A_1799 : vector<16x1xi32> to vector<16xi32>
      %gather3A_1801 = tpu.dynamic_gather %add3A_1792[%gather3A_1800] in [0] : vector<16xi32>, vector<16xi32> -> vector<16xi32>
      %ge3A_1802 = arith.constant 4 : i32
      %ge3A_1803 = vector.broadcast %ge3A_1802 : i32 to vector<16xi32>
      %ge3A_1804 = arith.cmpi sge, %iota3A_1761, %ge3A_1803 : vector<16xi32>
      %jit3A_1805 = arith.constant 0 : i32
      %broadcast_in_dim3A_1806 = vector.broadcast %jit3A_1805 : i32 to vector<16xi32>
      %select_n3A_1807 = arith.select %ge3A_1804, %gather3A_1801, %broadcast_in_dim3A_1806 : vector<16xi1>, vector<16xi32>
      %add3A_1808 = arith.addi %add3A_1792, %select_n3A_1807 : vector<16xi32>
      %sub3A_1809 = arith.constant 8 : i32
      %sub3A_1810 = vector.broadcast %sub3A_1809 : i32 to vector<16xi32>
      %sub3A_1811 = arith.subi %iota3A_1761, %sub3A_1810 : vector<16xi32>
      %max3A_1812 = arith.constant 0 : i32
      %max3A_1813 = vector.broadcast %max3A_1812 : i32 to vector<16xi32>
      %max3A_1814 = arith.maxsi %sub3A_1811, %max3A_1813 : vector<16xi32>
      %broadcast_in_dim3A_1815 = vector.shape_cast %max3A_1814 : vector<16xi32> to vector<16x1xi32>
      %gather3A_1816 = vector.shape_cast %broadcast_in_dim3A_1815 : vector<16x1xi32> to vector<16xi32>
      %gather3A_1817 = tpu.dynamic_gather %add3A_1808[%gather3A_1816] in [0] : vector<16xi32>, vector<16xi32> -> vector<16xi32>
      %ge3A_1818 = arith.constant 8 : i32
      %ge3A_1819 = vector.broadcast %ge3A_1818 : i32 to vector<16xi32>
      %ge3A_1820 = arith.cmpi sge, %iota3A_1761, %ge3A_1819 : vector<16xi32>
      %jit3A_1821 = arith.constant 0 : i32
      %broadcast_in_dim3A_1822 = vector.broadcast %jit3A_1821 : i32 to vector<16xi32>
      %select_n3A_1823 = arith.select %ge3A_1820, %gather3A_1817, %broadcast_in_dim3A_1822 : vector<16xi1>, vector<16xi32>
      %add3A_1824 = arith.addi %add3A_1808, %select_n3A_1823 : vector<16xi32>
      %add3A_1825 = arith.addi %while3A_1732, %add3A_1824 : vector<16xi32>
      %sub3A_1826 = arith.constant 1 : i32
      %sub3A_1827 = vector.broadcast %sub3A_1826 : i32 to vector<16xi32>
      %sub3A_1828 = arith.subi %add3A_1825, %sub3A_1827 : vector<16xi32>
      %scatter3A = arith.constant 0 : i32
      %scatter3A_1829 = tpu.memref_slice %arg10[%while3A_1273, %scatter3A] : memref<2x2048xi32, #tpu.memory_space<vmem>> -> memref<1x2048xi32, #tpu.memory_space<vmem>>
      %scatter3A_1830 = tpu.memref_squeeze %scatter3A_1829 : memref<1x2048xi32, #tpu.memory_space<vmem>> -> memref<2048xi32, #tpu.memory_space<vmem>>
      tpu.vector_store_idx %scatter3A_1830[%sub3A_1828], %get3A_1735 masked %le3A : memref<2048xi32, #tpu.memory_space<vmem>>[vector<16xi32>], vector<16xi32>, vector<16xi1>
      %broadcast_in_dim3A_1831 = vector.shape_cast %broadcast_in_dim3A_39 : vector<16xi32> to vector<16x1xi32>
      %gather3A_1832 = vector.shape_cast %broadcast_in_dim3A_1831 : vector<16x1xi32> to vector<16xi32>
      %gather3A_1833 = tpu.dynamic_gather %add3A_1824[%gather3A_1832] in [0] : vector<16xi32>, vector<16xi32> -> vector<16xi32>
      %add3A_1834 = arith.addi %while3A_1732, %gather3A_1833 : vector<16xi32>
      scf.yield %add3A_1834 : vector<16xi32>
    }
    "tpu.trace_stop"() : () -> ()
    %iota3A_1285 = tpu.iota {dimensions = array<i32: 0>} : vector<16xi32>
    %eq3A_1286 = arith.constant 6 : i32
    %eq3A_1287 = vector.broadcast %eq3A_1286 : i32 to vector<16xi32>
    %eq3A_1288 = arith.cmpi eq, %iota3A_1285, %eq3A_1287 : vector<16xi32>
    %reduce_sum3A_1289 = arith.constant true
    %reduce_sum3A_1290 = vector.broadcast %reduce_sum3A_1289 : i1 to vector<16xi1>
    %reduce_sum3A_1291 = tpu.scan <sum>, %while3A_1284 masked %reduce_sum3A_1290 : vector<16xi32>, vector<16xi1> -> vector<16xi32>
    %reduce_sum3A_1292 = vector.extract %reduce_sum3A_1291[15] : i32 from vector<16xi32>
    %jit3A_1293 = arith.constant 16 : i32
    %div3A_1294 = arith.divsi %reduce_sum3A_1292, %jit3A_1293 : i32
    %sign3A_1295 = arith.constant 0 : i32
    %sign3A_1296 = arith.cmpi sgt, %reduce_sum3A_1292, %sign3A_1295 : i32
    %sign3A_1297 = arith.extui %sign3A_1296 : i1 to i32
    %sign3A_1298 = arith.constant 0 : i32
    %sign3A_1299 = arith.cmpi slt, %reduce_sum3A_1292, %sign3A_1298 : i32
    %sign3A_1300 = arith.extui %sign3A_1299 : i1 to i32
    %sign3A_1301 = arith.subi %sign3A_1297, %sign3A_1300 : i32
    %sign3A_1302 = arith.constant 0 : i32
    %sign3A_1303 = arith.cmpi sgt, %jit3A_1293, %sign3A_1302 : i32
    %sign3A_1304 = arith.extui %sign3A_1303 : i1 to i32
    %sign3A_1305 = arith.constant 0 : i32
    %sign3A_1306 = arith.cmpi slt, %jit3A_1293, %sign3A_1305 : i32
    %sign3A_1307 = arith.extui %sign3A_1306 : i1 to i32
    %sign3A_1308 = arith.subi %sign3A_1304, %sign3A_1307 : i32
    %ne3A_1309 = arith.cmpi ne, %sign3A_1301, %sign3A_1308 : i32
    %rem3A_1310 = arith.remsi %reduce_sum3A_1292, %jit3A_1293 : i32
    %ne3A_1311 = arith.constant 0 : i32
    %ne3A_1312 = arith.cmpi ne, %rem3A_1310, %ne3A_1311 : i32
    %and3A_1313 = arith.andi %ne3A_1309, %ne3A_1312 : i1
    %sub3A_1314 = arith.constant 1 : i32
    %sub3A_1315 = arith.subi %div3A_1294, %sub3A_1314 : i32
    %select_n3A_1316 = arith.select %and3A_1313, %sub3A_1315, %div3A_1294 : i32
    %broadcast_in_dim3A_1317 = vector.broadcast %select_n3A_1316 : i32 to vector<16xi32>
    %select_n3A_1318 = arith.select %eq3A_1288, %broadcast_in_dim3A_1317, %select_n3A_1115 : vector<16xi1>, vector<16xi32>
    %dma_wait3A_1319 = arith.constant 1 : i32
    %dma_wait3A_1320 = arith.constant 5 : i32
    %dma_wait3A_1321 = arith.constant 0 : i32
    %dma_wait3A_1322 = arith.constant 0 : i32
    %dma_wait3A_1323 = tpu.memref_slice %arg11[%dma_wait3A_1320, %dma_wait3A_1321, %dma_wait3A_1322] : memref<8x448x8xf32, #tpu.memory_space<vmem>> -> memref<1x448x8xf32, #tpu.memory_space<vmem>>
    %dma_wait3A_1324 = tpu.memref_squeeze %dma_wait3A_1323 : memref<1x448x8xf32, #tpu.memory_space<vmem>> -> memref<448x8xf32, #tpu.memory_space<vmem>>
    %dma_wait3A_1325 = arith.constant 0 : i32
    %dma_wait3A_1326 = arith.constant 0 : i32
    %dma_wait3A_1327 = tpu.memref_slice %dma_wait3A_1324[%dma_wait3A_1325, %dma_wait3A_1326] : memref<448x8xf32, #tpu.memory_space<vmem>> -> memref<128x8xf32, #tpu.memory_space<vmem>>
    %dma_wait3A_1328 = arith.constant 0 : i32
    %dma_wait3A_1329 = tpu.memref_slice %arg10[%dma_wait3A_1319, %dma_wait3A_1328] : memref<2x2048xi32, #tpu.memory_space<vmem>> -> memref<1x2048xi32, #tpu.memory_space<vmem>>
    %dma_wait3A_1330 = tpu.memref_squeeze %dma_wait3A_1329 : memref<1x2048xi32, #tpu.memory_space<vmem>> -> memref<2048xi32, #tpu.memory_space<vmem>>
    %dma_wait3A_1331 = arith.constant 0 : i32
    %dma_wait3A_1332 = tpu.memref_slice %dma_wait3A_1330[%dma_wait3A_1331] : memref<2048xi32, #tpu.memory_space<vmem>> -> memref<128xi32, #tpu.memory_space<vmem>>
    %dma_wait3A_1333 = arith.constant 0 : i32
    %dma_wait3A_1334 = arith.constant 0 : i32
    %dma_wait3A_1335 = tpu.memref_slice %arg3[%dma_wait3A_1333, %dma_wait3A_1334] : memref<20488x8xf32, #tpu.memory_space<hbm>> -> memref<20488x8xf32, #tpu.memory_space<hbm>>
    tpu.wait_indirect_dma semaphore(%arg13 : memref<!tpu.dma_semaphore, #tpu.memory_space<semaphore_mem>>) src(%dma_wait3A_1335 : memref<20488x8xf32, #tpu.memory_space<hbm>>) dst(%dma_wait3A_1327 : memref<128x8xf32, #tpu.memory_space<vmem>>)
    %dma_wait3A_1336 = arith.constant 1 : i32
    %dma_wait3A_1337 = arith.constant 5 : i32
    %dma_wait3A_1338 = arith.constant 0 : i32
    %dma_wait3A_1339 = arith.constant 0 : i32
    %dma_wait3A_1340 = tpu.memref_slice %arg11[%dma_wait3A_1337, %dma_wait3A_1338, %dma_wait3A_1339] : memref<8x448x8xf32, #tpu.memory_space<vmem>> -> memref<1x448x8xf32, #tpu.memory_space<vmem>>
    %dma_wait3A_1341 = tpu.memref_squeeze %dma_wait3A_1340 : memref<1x448x8xf32, #tpu.memory_space<vmem>> -> memref<448x8xf32, #tpu.memory_space<vmem>>
    %dma_wait3A_1342 = arith.constant 128 : i32
    %dma_wait3A_1343 = arith.constant 0 : i32
    %dma_wait3A_1344 = tpu.memref_slice %dma_wait3A_1341[%dma_wait3A_1342, %dma_wait3A_1343] : memref<448x8xf32, #tpu.memory_space<vmem>> -> memref<128x8xf32, #tpu.memory_space<vmem>>
    %dma_wait3A_1345 = arith.constant 0 : i32
    %dma_wait3A_1346 = tpu.memref_slice %arg10[%dma_wait3A_1336, %dma_wait3A_1345] : memref<2x2048xi32, #tpu.memory_space<vmem>> -> memref<1x2048xi32, #tpu.memory_space<vmem>>
    %dma_wait3A_1347 = tpu.memref_squeeze %dma_wait3A_1346 : memref<1x2048xi32, #tpu.memory_space<vmem>> -> memref<2048xi32, #tpu.memory_space<vmem>>
    %dma_wait3A_1348 = arith.constant 0 : i32
    %dma_wait3A_1349 = tpu.memref_slice %dma_wait3A_1347[%dma_wait3A_1348] : memref<2048xi32, #tpu.memory_space<vmem>> -> memref<128xi32, #tpu.memory_space<vmem>>
    %dma_wait3A_1350 = arith.constant 0 : i32
    %dma_wait3A_1351 = arith.constant 0 : i32
    %dma_wait3A_1352 = tpu.memref_slice %arg3[%dma_wait3A_1350, %dma_wait3A_1351] : memref<20488x8xf32, #tpu.memory_space<hbm>> -> memref<20488x8xf32, #tpu.memory_space<hbm>>
    tpu.wait_indirect_dma semaphore(%arg13 : memref<!tpu.dma_semaphore, #tpu.memory_space<semaphore_mem>>) src(%dma_wait3A_1352 : memref<20488x8xf32, #tpu.memory_space<hbm>>) dst(%dma_wait3A_1344 : memref<128x8xf32, #tpu.memory_space<vmem>>)
    %dma_wait3A_1353 = arith.constant 1 : i32
    %dma_wait3A_1354 = arith.constant 5 : i32
    %dma_wait3A_1355 = arith.constant 0 : i32
    %dma_wait3A_1356 = arith.constant 0 : i32
    %dma_wait3A_1357 = tpu.memref_slice %arg11[%dma_wait3A_1354, %dma_wait3A_1355, %dma_wait3A_1356] : memref<8x448x8xf32, #tpu.memory_space<vmem>> -> memref<1x448x8xf32, #tpu.memory_space<vmem>>
    %dma_wait3A_1358 = tpu.memref_squeeze %dma_wait3A_1357 : memref<1x448x8xf32, #tpu.memory_space<vmem>> -> memref<448x8xf32, #tpu.memory_space<vmem>>
    %dma_wait3A_1359 = arith.constant 256 : i32
    %dma_wait3A_1360 = arith.constant 0 : i32
    %dma_wait3A_1361 = tpu.memref_slice %dma_wait3A_1358[%dma_wait3A_1359, %dma_wait3A_1360] : memref<448x8xf32, #tpu.memory_space<vmem>> -> memref<128x8xf32, #tpu.memory_space<vmem>>
    %dma_wait3A_1362 = arith.constant 0 : i32
    %dma_wait3A_1363 = tpu.memref_slice %arg10[%dma_wait3A_1353, %dma_wait3A_1362] : memref<2x2048xi32, #tpu.memory_space<vmem>> -> memref<1x2048xi32, #tpu.memory_space<vmem>>
    %dma_wait3A_1364 = tpu.memref_squeeze %dma_wait3A_1363 : memref<1x2048xi32, #tpu.memory_space<vmem>> -> memref<2048xi32, #tpu.memory_space<vmem>>
    %dma_wait3A_1365 = arith.constant 0 : i32
    %dma_wait3A_1366 = tpu.memref_slice %dma_wait3A_1364[%dma_wait3A_1365] : memref<2048xi32, #tpu.memory_space<vmem>> -> memref<128xi32, #tpu.memory_space<vmem>>
    %dma_wait3A_1367 = arith.constant 0 : i32
    %dma_wait3A_1368 = arith.constant 0 : i32
    %dma_wait3A_1369 = tpu.memref_slice %arg3[%dma_wait3A_1367, %dma_wait3A_1368] : memref<20488x8xf32, #tpu.memory_space<hbm>> -> memref<20488x8xf32, #tpu.memory_space<hbm>>
    tpu.wait_indirect_dma semaphore(%arg13 : memref<!tpu.dma_semaphore, #tpu.memory_space<semaphore_mem>>) src(%dma_wait3A_1369 : memref<20488x8xf32, #tpu.memory_space<hbm>>) dst(%dma_wait3A_1361 : memref<128x8xf32, #tpu.memory_space<vmem>>)
    %dma_wait3A_1370 = arith.constant 1 : i32
    %dma_wait3A_1371 = arith.constant 5 : i32
    %dma_wait3A_1372 = arith.constant 0 : i32
    %dma_wait3A_1373 = arith.constant 0 : i32
    %dma_wait3A_1374 = tpu.memref_slice %arg11[%dma_wait3A_1371, %dma_wait3A_1372, %dma_wait3A_1373] : memref<8x448x8xf32, #tpu.memory_space<vmem>> -> memref<1x448x8xf32, #tpu.memory_space<vmem>>
    %dma_wait3A_1375 = tpu.memref_squeeze %dma_wait3A_1374 : memref<1x448x8xf32, #tpu.memory_space<vmem>> -> memref<448x8xf32, #tpu.memory_space<vmem>>
    %dma_wait3A_1376 = arith.constant 384 : i32
    %dma_wait3A_1377 = arith.constant 0 : i32
    %dma_wait3A_1378 = tpu.memref_slice %dma_wait3A_1375[%dma_wait3A_1376, %dma_wait3A_1377] : memref<448x8xf32, #tpu.memory_space<vmem>> -> memref<64x8xf32, #tpu.memory_space<vmem>>
    %dma_wait3A_1379 = arith.constant 0 : i32
    %dma_wait3A_1380 = tpu.memref_slice %arg10[%dma_wait3A_1370, %dma_wait3A_1379] : memref<2x2048xi32, #tpu.memory_space<vmem>> -> memref<1x2048xi32, #tpu.memory_space<vmem>>
    %dma_wait3A_1381 = tpu.memref_squeeze %dma_wait3A_1380 : memref<1x2048xi32, #tpu.memory_space<vmem>> -> memref<2048xi32, #tpu.memory_space<vmem>>
    %dma_wait3A_1382 = arith.constant 0 : i32
    %dma_wait3A_1383 = tpu.memref_slice %dma_wait3A_1381[%dma_wait3A_1382] : memref<2048xi32, #tpu.memory_space<vmem>> -> memref<64xi32, #tpu.memory_space<vmem>>
    %dma_wait3A_1384 = arith.constant 0 : i32
    %dma_wait3A_1385 = arith.constant 0 : i32
    %dma_wait3A_1386 = tpu.memref_slice %arg3[%dma_wait3A_1384, %dma_wait3A_1385] : memref<20488x8xf32, #tpu.memory_space<hbm>> -> memref<20488x8xf32, #tpu.memory_space<hbm>>
    tpu.wait_indirect_dma semaphore(%arg13 : memref<!tpu.dma_semaphore, #tpu.memory_space<semaphore_mem>>) src(%dma_wait3A_1386 : memref<20488x8xf32, #tpu.memory_space<hbm>>) dst(%dma_wait3A_1378 : memref<64x8xf32, #tpu.memory_space<vmem>>)
    %dma_start3A_1387 = arith.constant 0 : i32
    %dma_start3A_1388 = arith.constant 6 : i32
    %dma_start3A_1389 = arith.constant 0 : i32
    %dma_start3A_1390 = arith.constant 0 : i32
    %dma_start3A_1391 = tpu.memref_slice %arg11[%dma_start3A_1388, %dma_start3A_1389, %dma_start3A_1390] : memref<8x448x8xf32, #tpu.memory_space<vmem>> -> memref<1x448x8xf32, #tpu.memory_space<vmem>>
    %dma_start3A_1392 = tpu.memref_squeeze %dma_start3A_1391 : memref<1x448x8xf32, #tpu.memory_space<vmem>> -> memref<448x8xf32, #tpu.memory_space<vmem>>
    %dma_start3A_1393 = arith.constant 0 : i32
    %dma_start3A_1394 = arith.constant 0 : i32
    %dma_start3A_1395 = tpu.memref_slice %dma_start3A_1392[%dma_start3A_1393, %dma_start3A_1394] : memref<448x8xf32, #tpu.memory_space<vmem>> -> memref<128x8xf32, #tpu.memory_space<vmem>>
    %dma_start3A_1396 = arith.constant 0 : i32
    %dma_start3A_1397 = tpu.memref_slice %arg10[%dma_start3A_1387, %dma_start3A_1396] : memref<2x2048xi32, #tpu.memory_space<vmem>> -> memref<1x2048xi32, #tpu.memory_space<vmem>>
    %dma_start3A_1398 = tpu.memref_squeeze %dma_start3A_1397 : memref<1x2048xi32, #tpu.memory_space<vmem>> -> memref<2048xi32, #tpu.memory_space<vmem>>
    %dma_start3A_1399 = arith.constant 0 : i32
    %dma_start3A_1400 = tpu.memref_slice %dma_start3A_1398[%dma_start3A_1399] : memref<2048xi32, #tpu.memory_space<vmem>> -> memref<128xi32, #tpu.memory_space<vmem>>
    %dma_start3A_1401 = arith.constant 0 : i32
    %dma_start3A_1402 = arith.constant 0 : i32
    %dma_start3A_1403 = tpu.memref_slice %arg3[%dma_start3A_1401, %dma_start3A_1402] : memref<20488x8xf32, #tpu.memory_space<hbm>> -> memref<20488x8xf32, #tpu.memory_space<hbm>>
    tpu.enqueue_indirect_dma source(%dma_start3A_1403 : memref<20488x8xf32, #tpu.memory_space<hbm>>) target(%dma_start3A_1395 : memref<128x8xf32, #tpu.memory_space<vmem>>) offsets(%dma_start3A_1400 : memref<128xi32, #tpu.memory_space<vmem>>) semaphore(%arg13 : memref<!tpu.dma_semaphore, #tpu.memory_space<semaphore_mem>>)
    %dma_start3A_1404 = arith.constant 0 : i32
    %dma_start3A_1405 = arith.constant 6 : i32
    %dma_start3A_1406 = arith.constant 0 : i32
    %dma_start3A_1407 = arith.constant 0 : i32
    %dma_start3A_1408 = tpu.memref_slice %arg11[%dma_start3A_1405, %dma_start3A_1406, %dma_start3A_1407] : memref<8x448x8xf32, #tpu.memory_space<vmem>> -> memref<1x448x8xf32, #tpu.memory_space<vmem>>
    %dma_start3A_1409 = tpu.memref_squeeze %dma_start3A_1408 : memref<1x448x8xf32, #tpu.memory_space<vmem>> -> memref<448x8xf32, #tpu.memory_space<vmem>>
    %dma_start3A_1410 = arith.constant 128 : i32
    %dma_start3A_1411 = arith.constant 0 : i32
    %dma_start3A_1412 = tpu.memref_slice %dma_start3A_1409[%dma_start3A_1410, %dma_start3A_1411] : memref<448x8xf32, #tpu.memory_space<vmem>> -> memref<128x8xf32, #tpu.memory_space<vmem>>
    %dma_start3A_1413 = arith.constant 0 : i32
    %dma_start3A_1414 = tpu.memref_slice %arg10[%dma_start3A_1404, %dma_start3A_1413] : memref<2x2048xi32, #tpu.memory_space<vmem>> -> memref<1x2048xi32, #tpu.memory_space<vmem>>
    %dma_start3A_1415 = tpu.memref_squeeze %dma_start3A_1414 : memref<1x2048xi32, #tpu.memory_space<vmem>> -> memref<2048xi32, #tpu.memory_space<vmem>>
    %dma_start3A_1416 = arith.constant 128 : i32
    %dma_start3A_1417 = tpu.memref_slice %dma_start3A_1415[%dma_start3A_1416] : memref<2048xi32, #tpu.memory_space<vmem>> -> memref<128xi32, #tpu.memory_space<vmem>>
    %dma_start3A_1418 = arith.constant 0 : i32
    %dma_start3A_1419 = arith.constant 0 : i32
    %dma_start3A_1420 = tpu.memref_slice %arg3[%dma_start3A_1418, %dma_start3A_1419] : memref<20488x8xf32, #tpu.memory_space<hbm>> -> memref<20488x8xf32, #tpu.memory_space<hbm>>
    tpu.enqueue_indirect_dma source(%dma_start3A_1420 : memref<20488x8xf32, #tpu.memory_space<hbm>>) target(%dma_start3A_1412 : memref<128x8xf32, #tpu.memory_space<vmem>>) offsets(%dma_start3A_1417 : memref<128xi32, #tpu.memory_space<vmem>>) semaphore(%arg13 : memref<!tpu.dma_semaphore, #tpu.memory_space<semaphore_mem>>)
    %dma_start3A_1421 = arith.constant 0 : i32
    %dma_start3A_1422 = arith.constant 6 : i32
    %dma_start3A_1423 = arith.constant 0 : i32
    %dma_start3A_1424 = arith.constant 0 : i32
    %dma_start3A_1425 = tpu.memref_slice %arg11[%dma_start3A_1422, %dma_start3A_1423, %dma_start3A_1424] : memref<8x448x8xf32, #tpu.memory_space<vmem>> -> memref<1x448x8xf32, #tpu.memory_space<vmem>>
    %dma_start3A_1426 = tpu.memref_squeeze %dma_start3A_1425 : memref<1x448x8xf32, #tpu.memory_space<vmem>> -> memref<448x8xf32, #tpu.memory_space<vmem>>
    %dma_start3A_1427 = arith.constant 256 : i32
    %dma_start3A_1428 = arith.constant 0 : i32
    %dma_start3A_1429 = tpu.memref_slice %dma_start3A_1426[%dma_start3A_1427, %dma_start3A_1428] : memref<448x8xf32, #tpu.memory_space<vmem>> -> memref<128x8xf32, #tpu.memory_space<vmem>>
    %dma_start3A_1430 = arith.constant 0 : i32
    %dma_start3A_1431 = tpu.memref_slice %arg10[%dma_start3A_1421, %dma_start3A_1430] : memref<2x2048xi32, #tpu.memory_space<vmem>> -> memref<1x2048xi32, #tpu.memory_space<vmem>>
    %dma_start3A_1432 = tpu.memref_squeeze %dma_start3A_1431 : memref<1x2048xi32, #tpu.memory_space<vmem>> -> memref<2048xi32, #tpu.memory_space<vmem>>
    %dma_start3A_1433 = arith.constant 256 : i32
    %dma_start3A_1434 = tpu.memref_slice %dma_start3A_1432[%dma_start3A_1433] : memref<2048xi32, #tpu.memory_space<vmem>> -> memref<128xi32, #tpu.memory_space<vmem>>
    %dma_start3A_1435 = arith.constant 0 : i32
    %dma_start3A_1436 = arith.constant 0 : i32
    %dma_start3A_1437 = tpu.memref_slice %arg3[%dma_start3A_1435, %dma_start3A_1436] : memref<20488x8xf32, #tpu.memory_space<hbm>> -> memref<20488x8xf32, #tpu.memory_space<hbm>>
    tpu.enqueue_indirect_dma source(%dma_start3A_1437 : memref<20488x8xf32, #tpu.memory_space<hbm>>) target(%dma_start3A_1429 : memref<128x8xf32, #tpu.memory_space<vmem>>) offsets(%dma_start3A_1434 : memref<128xi32, #tpu.memory_space<vmem>>) semaphore(%arg13 : memref<!tpu.dma_semaphore, #tpu.memory_space<semaphore_mem>>)
    %dma_start3A_1438 = arith.constant 0 : i32
    %dma_start3A_1439 = arith.constant 6 : i32
    %dma_start3A_1440 = arith.constant 0 : i32
    %dma_start3A_1441 = arith.constant 0 : i32
    %dma_start3A_1442 = tpu.memref_slice %arg11[%dma_start3A_1439, %dma_start3A_1440, %dma_start3A_1441] : memref<8x448x8xf32, #tpu.memory_space<vmem>> -> memref<1x448x8xf32, #tpu.memory_space<vmem>>
    %dma_start3A_1443 = tpu.memref_squeeze %dma_start3A_1442 : memref<1x448x8xf32, #tpu.memory_space<vmem>> -> memref<448x8xf32, #tpu.memory_space<vmem>>
    %dma_start3A_1444 = arith.constant 384 : i32
    %dma_start3A_1445 = arith.constant 0 : i32
    %dma_start3A_1446 = tpu.memref_slice %dma_start3A_1443[%dma_start3A_1444, %dma_start3A_1445] : memref<448x8xf32, #tpu.memory_space<vmem>> -> memref<64x8xf32, #tpu.memory_space<vmem>>
    %dma_start3A_1447 = arith.constant 0 : i32
    %dma_start3A_1448 = tpu.memref_slice %arg10[%dma_start3A_1438, %dma_start3A_1447] : memref<2x2048xi32, #tpu.memory_space<vmem>> -> memref<1x2048xi32, #tpu.memory_space<vmem>>
    %dma_start3A_1449 = tpu.memref_squeeze %dma_start3A_1448 : memref<1x2048xi32, #tpu.memory_space<vmem>> -> memref<2048xi32, #tpu.memory_space<vmem>>
    %dma_start3A_1450 = arith.constant 384 : i32
    %dma_start3A_1451 = tpu.memref_slice %dma_start3A_1449[%dma_start3A_1450] : memref<2048xi32, #tpu.memory_space<vmem>> -> memref<64xi32, #tpu.memory_space<vmem>>
    %dma_start3A_1452 = arith.constant 0 : i32
    %dma_start3A_1453 = arith.constant 0 : i32
    %dma_start3A_1454 = tpu.memref_slice %arg3[%dma_start3A_1452, %dma_start3A_1453] : memref<20488x8xf32, #tpu.memory_space<hbm>> -> memref<20488x8xf32, #tpu.memory_space<hbm>>
    tpu.enqueue_indirect_dma source(%dma_start3A_1454 : memref<20488x8xf32, #tpu.memory_space<hbm>>) target(%dma_start3A_1446 : memref<64x8xf32, #tpu.memory_space<vmem>>) offsets(%dma_start3A_1451 : memref<64xi32, #tpu.memory_space<vmem>>) semaphore(%arg13 : memref<!tpu.dma_semaphore, #tpu.memory_space<semaphore_mem>>)
    %mul3A_1455 = arith.constant 8 : i32
    %mul3A_1456 = arith.muli %select_n3A_30, %mul3A_1455 : i32
    %add3A_1457 = arith.constant 7 : i32
    %add3A_1458 = arith.addi %mul3A_1456, %add3A_1457 : i32
    %convert_element_type3A_1459 = arith.sitofp %add3A_1458 : i32 to f32
    %mul3A_1460 = arith.constant 1.600000e+01 : f32
    %mul3A_1461 = arith.mulf %convert_element_type3A_1459, %mul3A_1460 : f32
    %add3A_1462 = arith.constant 5.000000e-01 : f32
    %add3A_1463 = arith.addf %mul3A_1461, %add3A_1462 : f32
    %add3A_1464 = arith.constant 1.500000e+01 : f32
    %add3A_1465 = arith.addf %add3A_1463, %add3A_1464 : f32
    "tpu.trace_start"() <{level = 10 : i32, message = "bin_init"}> : () -> ()
    %scan3A_1466 = arith.constant 1 : i32
    %scan3A_1467 = arith.constant 0 : i32
    %scan3A_1468 = arith.constant 0 : i32
    %scan3A_1469 = arith.constant 28 : i32
    %scan3A_1470 = arith.addi %scan3A_1468, %scan3A_1469 : i32
    %scan3A_1471 = arith.constant 1 : i32
    %scan3A_1472 = scf.for %scan3A_1731 = %scan3A_1468 to %scan3A_1470 step %scan3A_1471 iter_args(%scan3A_1732 = %scan3A_1467) -> (i32)  : i32 {
      %broadcast_in_dim3A_1733 = arith.constant 20480 : i32
      %broadcast_in_dim3A_1734 = vector.broadcast %broadcast_in_dim3A_1733 : i32 to vector<16xi32>
      %mul3A_1735 = arith.constant 16 : i32
      %mul3A_1736 = arith.muli %scan3A_1731, %mul3A_1735 : i32
      %swap3A_1737 = arith.constant 0 : i32
      %swap3A_1738 = tpu.memref_slice %arg10[%scan3A_1466, %swap3A_1737] : memref<2x2048xi32, #tpu.memory_space<vmem>> -> memref<1x2048xi32, #tpu.memory_space<vmem>>
      %swap3A_1739 = tpu.memref_squeeze %swap3A_1738 : memref<1x2048xi32, #tpu.memory_space<vmem>> -> memref<2048xi32, #tpu.memory_space<vmem>>
      %swap3A_1740 = arith.index_cast %mul3A_1736 : i32 to index
      %swap3A_1741 = tpu.vector_load %swap3A_1739[%swap3A_1740] {strides = array<i32>} : memref<2048xi32, #tpu.memory_space<vmem>>, vector<16xi32>,
      tpu.vector_store %swap3A_1739[%swap3A_1740], %broadcast_in_dim3A_1734 {strides = array<i32>} : memref<2048xi32, #tpu.memory_space<vmem>>, vector<16xi32>,
      %scan3A_1742 = arith.constant 0 : i32
      scf.yield %scan3A_1742 : i32
    }
    %scan3A_1473 = arith.constant 28 : i32
    %broadcast_in_dim3A_1474 = arith.constant 0 : i32
    "tpu.trace_stop"() : () -> ()
    "tpu.trace_start"() <{level = 10 : i32, message = "bin_p2"}> : () -> ()
    %broadcast_in_dim3A_1475 = vector.broadcast %broadcast_in_dim3A_1474 : i32 to vector<16xi32>
    %while3A_1476 = arith.constant 1 : i32
    %while3A_1477 = arith.constant 0 : i32
    %while3A_1478 = arith.subi %select_n3A_102, %while3A_1477 : i32
    %while3A_1479 = arith.addi %while3A_1477, %while3A_1478 : i32
    %while3A_1480 = arith.constant 1 : i32
    %while3A_1481 = arith.divsi %while3A_1478, %while3A_1480 : i32
    %while3A_1482 = arith.muli %while3A_1481, %while3A_1480 : i32
    %while3A_1483 = arith.addi %while3A_1477, %while3A_1482 : i32
    %while3A_1484 = arith.constant 1 : i32
    %while3A_1485 = scf.for %while3A_1731 = %while3A_1477 to %while3A_1483 step %while3A_1484 iter_args(%while3A_1732 = %broadcast_in_dim3A_1475) -> (vector<16xi32>)  : i32 {
      %mul3A_1733 = arith.constant 16 : i32
      %mul3A_1734 = arith.muli %while3A_1731, %mul3A_1733 : i32
      %get3A = arith.index_cast %mul3A_1734 : i32 to index
      %get3A_1735 = tpu.vector_load %arg9[%get3A] {strides = array<i32>} : memref<3104xi32, #tpu.memory_space<vmem>>, vector<16xi32>,
      %gather3A = tpu.vector_load_idx %arg6[%get3A_1735] : memref<20480xf32, #tpu.memory_space<vmem>>[vector<16xi32>], vector<16xf32>,
      %gather3A_1736 = tpu.vector_load_idx %arg7[%get3A_1735] : memref<20480xf32, #tpu.memory_space<vmem>>[vector<16xi32>], vector<16xf32>,
      %gather3A_1737 = tpu.vector_load_idx %arg8[%get3A_1735] : memref<20480xf32, #tpu.memory_space<vmem>>[vector<16xi32>], vector<16xf32>,
      %sub3A_1738 = vector.broadcast %add3A_1463 : f32 to vector<16xf32>
      %sub3A_1739 = arith.subf %sub3A_1738, %gather3A : vector<16xf32>
      %sub3A_1740 = vector.broadcast %add3A_1465 : f32 to vector<16xf32>
      %sub3A_1741 = arith.subf %gather3A, %sub3A_1740 : vector<16xf32>
      %max3A = arith.maximumf %sub3A_1739, %sub3A_1741 : vector<16xf32>
      %max3A_1742 = arith.constant 0.000000e+00 : f32
      %max3A_1743 = vector.broadcast %max3A_1742 : f32 to vector<16xf32>
      %max3A_1744 = arith.maximumf %max3A, %max3A_1743 : vector<16xf32>
      %sub3A_1745 = vector.broadcast %add3A_36 : f32 to vector<16xf32>
      %sub3A_1746 = arith.subf %sub3A_1745, %gather3A_1736 : vector<16xf32>
      %sub3A_1747 = vector.broadcast %add3A_38 : f32 to vector<16xf32>
      %sub3A_1748 = arith.subf %gather3A_1736, %sub3A_1747 : vector<16xf32>
      %max3A_1749 = arith.maximumf %sub3A_1746, %sub3A_1748 : vector<16xf32>
      %max3A_1750 = arith.constant 0.000000e+00 : f32
      %max3A_1751 = vector.broadcast %max3A_1750 : f32 to vector<16xf32>
      %max3A_1752 = arith.maximumf %max3A_1749, %max3A_1751 : vector<16xf32>
      %mul3A_1753 = arith.mulf %max3A_1744, %max3A_1744 : vector<16xf32>
      %mul3A_1754 = arith.mulf %max3A_1752, %max3A_1752 : vector<16xf32>
      %add3A_1755 = arith.addf %mul3A_1753, %mul3A_1754 : vector<16xf32>
      %le3A = arith.cmpf ole, %add3A_1755, %gather3A_1737 : vector<16xf32>
      %jit3A_1756 = arith.constant 1 : i32
      %jit3A_1757 = arith.constant 0 : i32
      %broadcast_in_dim3A_1758 = vector.broadcast %jit3A_1756 : i32 to vector<16xi32>
      %broadcast_in_dim3A_1759 = vector.broadcast %jit3A_1757 : i32 to vector<16xi32>
      %select_n3A_1760 = arith.select %le3A, %broadcast_in_dim3A_1758, %broadcast_in_dim3A_1759 : vector<16xi1>, vector<16xi32>
      %iota3A_1761 = tpu.iota {dimensions = array<i32: 0>} : vector<16xi32>
      %sub3A_1762 = arith.constant 1 : i32
      %sub3A_1763 = vector.broadcast %sub3A_1762 : i32 to vector<16xi32>
      %sub3A_1764 = arith.subi %iota3A_1761, %sub3A_1763 : vector<16xi32>
      %max3A_1765 = arith.constant 0 : i32
      %max3A_1766 = vector.broadcast %max3A_1765 : i32 to vector<16xi32>
      %max3A_1767 = arith.maxsi %sub3A_1764, %max3A_1766 : vector<16xi32>
      %broadcast_in_dim3A_1768 = vector.shape_cast %max3A_1767 : vector<16xi32> to vector<16x1xi32>
      %gather3A_1769 = vector.shape_cast %broadcast_in_dim3A_1768 : vector<16x1xi32> to vector<16xi32>
      %gather3A_1770 = tpu.dynamic_gather %select_n3A_1760[%gather3A_1769] in [0] : vector<16xi32>, vector<16xi32> -> vector<16xi32>
      %ge3A = arith.constant 1 : i32
      %ge3A_1771 = vector.broadcast %ge3A : i32 to vector<16xi32>
      %ge3A_1772 = arith.cmpi sge, %iota3A_1761, %ge3A_1771 : vector<16xi32>
      %jit3A_1773 = arith.constant 0 : i32
      %broadcast_in_dim3A_1774 = vector.broadcast %jit3A_1773 : i32 to vector<16xi32>
      %select_n3A_1775 = arith.select %ge3A_1772, %gather3A_1770, %broadcast_in_dim3A_1774 : vector<16xi1>, vector<16xi32>
      %add3A_1776 = arith.addi %select_n3A_1760, %select_n3A_1775 : vector<16xi32>
      %sub3A_1777 = arith.constant 2 : i32
      %sub3A_1778 = vector.broadcast %sub3A_1777 : i32 to vector<16xi32>
      %sub3A_1779 = arith.subi %iota3A_1761, %sub3A_1778 : vector<16xi32>
      %max3A_1780 = arith.constant 0 : i32
      %max3A_1781 = vector.broadcast %max3A_1780 : i32 to vector<16xi32>
      %max3A_1782 = arith.maxsi %sub3A_1779, %max3A_1781 : vector<16xi32>
      %broadcast_in_dim3A_1783 = vector.shape_cast %max3A_1782 : vector<16xi32> to vector<16x1xi32>
      %gather3A_1784 = vector.shape_cast %broadcast_in_dim3A_1783 : vector<16x1xi32> to vector<16xi32>
      %gather3A_1785 = tpu.dynamic_gather %add3A_1776[%gather3A_1784] in [0] : vector<16xi32>, vector<16xi32> -> vector<16xi32>
      %ge3A_1786 = arith.constant 2 : i32
      %ge3A_1787 = vector.broadcast %ge3A_1786 : i32 to vector<16xi32>
      %ge3A_1788 = arith.cmpi sge, %iota3A_1761, %ge3A_1787 : vector<16xi32>
      %jit3A_1789 = arith.constant 0 : i32
      %broadcast_in_dim3A_1790 = vector.broadcast %jit3A_1789 : i32 to vector<16xi32>
      %select_n3A_1791 = arith.select %ge3A_1788, %gather3A_1785, %broadcast_in_dim3A_1790 : vector<16xi1>, vector<16xi32>
      %add3A_1792 = arith.addi %add3A_1776, %select_n3A_1791 : vector<16xi32>
      %sub3A_1793 = arith.constant 4 : i32
      %sub3A_1794 = vector.broadcast %sub3A_1793 : i32 to vector<16xi32>
      %sub3A_1795 = arith.subi %iota3A_1761, %sub3A_1794 : vector<16xi32>
      %max3A_1796 = arith.constant 0 : i32
      %max3A_1797 = vector.broadcast %max3A_1796 : i32 to vector<16xi32>
      %max3A_1798 = arith.maxsi %sub3A_1795, %max3A_1797 : vector<16xi32>
      %broadcast_in_dim3A_1799 = vector.shape_cast %max3A_1798 : vector<16xi32> to vector<16x1xi32>
      %gather3A_1800 = vector.shape_cast %broadcast_in_dim3A_1799 : vector<16x1xi32> to vector<16xi32>
      %gather3A_1801 = tpu.dynamic_gather %add3A_1792[%gather3A_1800] in [0] : vector<16xi32>, vector<16xi32> -> vector<16xi32>
      %ge3A_1802 = arith.constant 4 : i32
      %ge3A_1803 = vector.broadcast %ge3A_1802 : i32 to vector<16xi32>
      %ge3A_1804 = arith.cmpi sge, %iota3A_1761, %ge3A_1803 : vector<16xi32>
      %jit3A_1805 = arith.constant 0 : i32
      %broadcast_in_dim3A_1806 = vector.broadcast %jit3A_1805 : i32 to vector<16xi32>
      %select_n3A_1807 = arith.select %ge3A_1804, %gather3A_1801, %broadcast_in_dim3A_1806 : vector<16xi1>, vector<16xi32>
      %add3A_1808 = arith.addi %add3A_1792, %select_n3A_1807 : vector<16xi32>
      %sub3A_1809 = arith.constant 8 : i32
      %sub3A_1810 = vector.broadcast %sub3A_1809 : i32 to vector<16xi32>
      %sub3A_1811 = arith.subi %iota3A_1761, %sub3A_1810 : vector<16xi32>
      %max3A_1812 = arith.constant 0 : i32
      %max3A_1813 = vector.broadcast %max3A_1812 : i32 to vector<16xi32>
      %max3A_1814 = arith.maxsi %sub3A_1811, %max3A_1813 : vector<16xi32>
      %broadcast_in_dim3A_1815 = vector.shape_cast %max3A_1814 : vector<16xi32> to vector<16x1xi32>
      %gather3A_1816 = vector.shape_cast %broadcast_in_dim3A_1815 : vector<16x1xi32> to vector<16xi32>
      %gather3A_1817 = tpu.dynamic_gather %add3A_1808[%gather3A_1816] in [0] : vector<16xi32>, vector<16xi32> -> vector<16xi32>
      %ge3A_1818 = arith.constant 8 : i32
      %ge3A_1819 = vector.broadcast %ge3A_1818 : i32 to vector<16xi32>
      %ge3A_1820 = arith.cmpi sge, %iota3A_1761, %ge3A_1819 : vector<16xi32>
      %jit3A_1821 = arith.constant 0 : i32
      %broadcast_in_dim3A_1822 = vector.broadcast %jit3A_1821 : i32 to vector<16xi32>
      %select_n3A_1823 = arith.select %ge3A_1820, %gather3A_1817, %broadcast_in_dim3A_1822 : vector<16xi1>, vector<16xi32>
      %add3A_1824 = arith.addi %add3A_1808, %select_n3A_1823 : vector<16xi32>
      %add3A_1825 = arith.addi %while3A_1732, %add3A_1824 : vector<16xi32>
      %sub3A_1826 = arith.constant 1 : i32
      %sub3A_1827 = vector.broadcast %sub3A_1826 : i32 to vector<16xi32>
      %sub3A_1828 = arith.subi %add3A_1825, %sub3A_1827 : vector<16xi32>
      %scatter3A = arith.constant 0 : i32
      %scatter3A_1829 = tpu.memref_slice %arg10[%while3A_1476, %scatter3A] : memref<2x2048xi32, #tpu.memory_space<vmem>> -> memref<1x2048xi32, #tpu.memory_space<vmem>>
      %scatter3A_1830 = tpu.memref_squeeze %scatter3A_1829 : memref<1x2048xi32, #tpu.memory_space<vmem>> -> memref<2048xi32, #tpu.memory_space<vmem>>
      tpu.vector_store_idx %scatter3A_1830[%sub3A_1828], %get3A_1735 masked %le3A : memref<2048xi32, #tpu.memory_space<vmem>>[vector<16xi32>], vector<16xi32>, vector<16xi1>
      %broadcast_in_dim3A_1831 = vector.shape_cast %broadcast_in_dim3A_39 : vector<16xi32> to vector<16x1xi32>
      %gather3A_1832 = vector.shape_cast %broadcast_in_dim3A_1831 : vector<16x1xi32> to vector<16xi32>
      %gather3A_1833 = tpu.dynamic_gather %add3A_1824[%gather3A_1832] in [0] : vector<16xi32>, vector<16xi32> -> vector<16xi32>
      %add3A_1834 = arith.addi %while3A_1732, %gather3A_1833 : vector<16xi32>
      scf.yield %add3A_1834 : vector<16xi32>
    }
    %while3A_1486 = arith.constant 1 : i32
    %while3A_1487 = scf.for %while3A_1731 = %while3A_1483 to %while3A_1479 step %while3A_1486 iter_args(%while3A_1732 = %while3A_1485) -> (vector<16xi32>)  : i32 {
      %mul3A_1733 = arith.constant 16 : i32
      %mul3A_1734 = arith.muli %while3A_1731, %mul3A_1733 : i32
      %get3A = arith.index_cast %mul3A_1734 : i32 to index
      %get3A_1735 = tpu.vector_load %arg9[%get3A] {strides = array<i32>} : memref<3104xi32, #tpu.memory_space<vmem>>, vector<16xi32>,
      %gather3A = tpu.vector_load_idx %arg6[%get3A_1735] : memref<20480xf32, #tpu.memory_space<vmem>>[vector<16xi32>], vector<16xf32>,
      %gather3A_1736 = tpu.vector_load_idx %arg7[%get3A_1735] : memref<20480xf32, #tpu.memory_space<vmem>>[vector<16xi32>], vector<16xf32>,
      %gather3A_1737 = tpu.vector_load_idx %arg8[%get3A_1735] : memref<20480xf32, #tpu.memory_space<vmem>>[vector<16xi32>], vector<16xf32>,
      %sub3A_1738 = vector.broadcast %add3A_1463 : f32 to vector<16xf32>
      %sub3A_1739 = arith.subf %sub3A_1738, %gather3A : vector<16xf32>
      %sub3A_1740 = vector.broadcast %add3A_1465 : f32 to vector<16xf32>
      %sub3A_1741 = arith.subf %gather3A, %sub3A_1740 : vector<16xf32>
      %max3A = arith.maximumf %sub3A_1739, %sub3A_1741 : vector<16xf32>
      %max3A_1742 = arith.constant 0.000000e+00 : f32
      %max3A_1743 = vector.broadcast %max3A_1742 : f32 to vector<16xf32>
      %max3A_1744 = arith.maximumf %max3A, %max3A_1743 : vector<16xf32>
      %sub3A_1745 = vector.broadcast %add3A_36 : f32 to vector<16xf32>
      %sub3A_1746 = arith.subf %sub3A_1745, %gather3A_1736 : vector<16xf32>
      %sub3A_1747 = vector.broadcast %add3A_38 : f32 to vector<16xf32>
      %sub3A_1748 = arith.subf %gather3A_1736, %sub3A_1747 : vector<16xf32>
      %max3A_1749 = arith.maximumf %sub3A_1746, %sub3A_1748 : vector<16xf32>
      %max3A_1750 = arith.constant 0.000000e+00 : f32
      %max3A_1751 = vector.broadcast %max3A_1750 : f32 to vector<16xf32>
      %max3A_1752 = arith.maximumf %max3A_1749, %max3A_1751 : vector<16xf32>
      %mul3A_1753 = arith.mulf %max3A_1744, %max3A_1744 : vector<16xf32>
      %mul3A_1754 = arith.mulf %max3A_1752, %max3A_1752 : vector<16xf32>
      %add3A_1755 = arith.addf %mul3A_1753, %mul3A_1754 : vector<16xf32>
      %le3A = arith.cmpf ole, %add3A_1755, %gather3A_1737 : vector<16xf32>
      %jit3A_1756 = arith.constant 1 : i32
      %jit3A_1757 = arith.constant 0 : i32
      %broadcast_in_dim3A_1758 = vector.broadcast %jit3A_1756 : i32 to vector<16xi32>
      %broadcast_in_dim3A_1759 = vector.broadcast %jit3A_1757 : i32 to vector<16xi32>
      %select_n3A_1760 = arith.select %le3A, %broadcast_in_dim3A_1758, %broadcast_in_dim3A_1759 : vector<16xi1>, vector<16xi32>
      %iota3A_1761 = tpu.iota {dimensions = array<i32: 0>} : vector<16xi32>
      %sub3A_1762 = arith.constant 1 : i32
      %sub3A_1763 = vector.broadcast %sub3A_1762 : i32 to vector<16xi32>
      %sub3A_1764 = arith.subi %iota3A_1761, %sub3A_1763 : vector<16xi32>
      %max3A_1765 = arith.constant 0 : i32
      %max3A_1766 = vector.broadcast %max3A_1765 : i32 to vector<16xi32>
      %max3A_1767 = arith.maxsi %sub3A_1764, %max3A_1766 : vector<16xi32>
      %broadcast_in_dim3A_1768 = vector.shape_cast %max3A_1767 : vector<16xi32> to vector<16x1xi32>
      %gather3A_1769 = vector.shape_cast %broadcast_in_dim3A_1768 : vector<16x1xi32> to vector<16xi32>
      %gather3A_1770 = tpu.dynamic_gather %select_n3A_1760[%gather3A_1769] in [0] : vector<16xi32>, vector<16xi32> -> vector<16xi32>
      %ge3A = arith.constant 1 : i32
      %ge3A_1771 = vector.broadcast %ge3A : i32 to vector<16xi32>
      %ge3A_1772 = arith.cmpi sge, %iota3A_1761, %ge3A_1771 : vector<16xi32>
      %jit3A_1773 = arith.constant 0 : i32
      %broadcast_in_dim3A_1774 = vector.broadcast %jit3A_1773 : i32 to vector<16xi32>
      %select_n3A_1775 = arith.select %ge3A_1772, %gather3A_1770, %broadcast_in_dim3A_1774 : vector<16xi1>, vector<16xi32>
      %add3A_1776 = arith.addi %select_n3A_1760, %select_n3A_1775 : vector<16xi32>
      %sub3A_1777 = arith.constant 2 : i32
      %sub3A_1778 = vector.broadcast %sub3A_1777 : i32 to vector<16xi32>
      %sub3A_1779 = arith.subi %iota3A_1761, %sub3A_1778 : vector<16xi32>
      %max3A_1780 = arith.constant 0 : i32
      %max3A_1781 = vector.broadcast %max3A_1780 : i32 to vector<16xi32>
      %max3A_1782 = arith.maxsi %sub3A_1779, %max3A_1781 : vector<16xi32>
      %broadcast_in_dim3A_1783 = vector.shape_cast %max3A_1782 : vector<16xi32> to vector<16x1xi32>
      %gather3A_1784 = vector.shape_cast %broadcast_in_dim3A_1783 : vector<16x1xi32> to vector<16xi32>
      %gather3A_1785 = tpu.dynamic_gather %add3A_1776[%gather3A_1784] in [0] : vector<16xi32>, vector<16xi32> -> vector<16xi32>
      %ge3A_1786 = arith.constant 2 : i32
      %ge3A_1787 = vector.broadcast %ge3A_1786 : i32 to vector<16xi32>
      %ge3A_1788 = arith.cmpi sge, %iota3A_1761, %ge3A_1787 : vector<16xi32>
      %jit3A_1789 = arith.constant 0 : i32
      %broadcast_in_dim3A_1790 = vector.broadcast %jit3A_1789 : i32 to vector<16xi32>
      %select_n3A_1791 = arith.select %ge3A_1788, %gather3A_1785, %broadcast_in_dim3A_1790 : vector<16xi1>, vector<16xi32>
      %add3A_1792 = arith.addi %add3A_1776, %select_n3A_1791 : vector<16xi32>
      %sub3A_1793 = arith.constant 4 : i32
      %sub3A_1794 = vector.broadcast %sub3A_1793 : i32 to vector<16xi32>
      %sub3A_1795 = arith.subi %iota3A_1761, %sub3A_1794 : vector<16xi32>
      %max3A_1796 = arith.constant 0 : i32
      %max3A_1797 = vector.broadcast %max3A_1796 : i32 to vector<16xi32>
      %max3A_1798 = arith.maxsi %sub3A_1795, %max3A_1797 : vector<16xi32>
      %broadcast_in_dim3A_1799 = vector.shape_cast %max3A_1798 : vector<16xi32> to vector<16x1xi32>
      %gather3A_1800 = vector.shape_cast %broadcast_in_dim3A_1799 : vector<16x1xi32> to vector<16xi32>
      %gather3A_1801 = tpu.dynamic_gather %add3A_1792[%gather3A_1800] in [0] : vector<16xi32>, vector<16xi32> -> vector<16xi32>
      %ge3A_1802 = arith.constant 4 : i32
      %ge3A_1803 = vector.broadcast %ge3A_1802 : i32 to vector<16xi32>
      %ge3A_1804 = arith.cmpi sge, %iota3A_1761, %ge3A_1803 : vector<16xi32>
      %jit3A_1805 = arith.constant 0 : i32
      %broadcast_in_dim3A_1806 = vector.broadcast %jit3A_1805 : i32 to vector<16xi32>
      %select_n3A_1807 = arith.select %ge3A_1804, %gather3A_1801, %broadcast_in_dim3A_1806 : vector<16xi1>, vector<16xi32>
      %add3A_1808 = arith.addi %add3A_1792, %select_n3A_1807 : vector<16xi32>
      %sub3A_1809 = arith.constant 8 : i32
      %sub3A_1810 = vector.broadcast %sub3A_1809 : i32 to vector<16xi32>
      %sub3A_1811 = arith.subi %iota3A_1761, %sub3A_1810 : vector<16xi32>
      %max3A_1812 = arith.constant 0 : i32
      %max3A_1813 = vector.broadcast %max3A_1812 : i32 to vector<16xi32>
      %max3A_1814 = arith.maxsi %sub3A_1811, %max3A_1813 : vector<16xi32>
      %broadcast_in_dim3A_1815 = vector.shape_cast %max3A_1814 : vector<16xi32> to vector<16x1xi32>
      %gather3A_1816 = vector.shape_cast %broadcast_in_dim3A_1815 : vector<16x1xi32> to vector<16xi32>
      %gather3A_1817 = tpu.dynamic_gather %add3A_1808[%gather3A_1816] in [0] : vector<16xi32>, vector<16xi32> -> vector<16xi32>
      %ge3A_1818 = arith.constant 8 : i32
      %ge3A_1819 = vector.broadcast %ge3A_1818 : i32 to vector<16xi32>
      %ge3A_1820 = arith.cmpi sge, %iota3A_1761, %ge3A_1819 : vector<16xi32>
      %jit3A_1821 = arith.constant 0 : i32
      %broadcast_in_dim3A_1822 = vector.broadcast %jit3A_1821 : i32 to vector<16xi32>
      %select_n3A_1823 = arith.select %ge3A_1820, %gather3A_1817, %broadcast_in_dim3A_1822 : vector<16xi1>, vector<16xi32>
      %add3A_1824 = arith.addi %add3A_1808, %select_n3A_1823 : vector<16xi32>
      %add3A_1825 = arith.addi %while3A_1732, %add3A_1824 : vector<16xi32>
      %sub3A_1826 = arith.constant 1 : i32
      %sub3A_1827 = vector.broadcast %sub3A_1826 : i32 to vector<16xi32>
      %sub3A_1828 = arith.subi %add3A_1825, %sub3A_1827 : vector<16xi32>
      %scatter3A = arith.constant 0 : i32
      %scatter3A_1829 = tpu.memref_slice %arg10[%while3A_1476, %scatter3A] : memref<2x2048xi32, #tpu.memory_space<vmem>> -> memref<1x2048xi32, #tpu.memory_space<vmem>>
      %scatter3A_1830 = tpu.memref_squeeze %scatter3A_1829 : memref<1x2048xi32, #tpu.memory_space<vmem>> -> memref<2048xi32, #tpu.memory_space<vmem>>
      tpu.vector_store_idx %scatter3A_1830[%sub3A_1828], %get3A_1735 masked %le3A : memref<2048xi32, #tpu.memory_space<vmem>>[vector<16xi32>], vector<16xi32>, vector<16xi1>
      %broadcast_in_dim3A_1831 = vector.shape_cast %broadcast_in_dim3A_39 : vector<16xi32> to vector<16x1xi32>
      %gather3A_1832 = vector.shape_cast %broadcast_in_dim3A_1831 : vector<16x1xi32> to vector<16xi32>
      %gather3A_1833 = tpu.dynamic_gather %add3A_1824[%gather3A_1832] in [0] : vector<16xi32>, vector<16xi32> -> vector<16xi32>
      %add3A_1834 = arith.addi %while3A_1732, %gather3A_1833 : vector<16xi32>
      scf.yield %add3A_1834 : vector<16xi32>
    }
    "tpu.trace_stop"() : () -> ()
    %iota3A_1488 = tpu.iota {dimensions = array<i32: 0>} : vector<16xi32>
    %eq3A_1489 = arith.constant 7 : i32
    %eq3A_1490 = vector.broadcast %eq3A_1489 : i32 to vector<16xi32>
    %eq3A_1491 = arith.cmpi eq, %iota3A_1488, %eq3A_1490 : vector<16xi32>
    %reduce_sum3A_1492 = arith.constant true
    %reduce_sum3A_1493 = vector.broadcast %reduce_sum3A_1492 : i1 to vector<16xi1>
    %reduce_sum3A_1494 = tpu.scan <sum>, %while3A_1487 masked %reduce_sum3A_1493 : vector<16xi32>, vector<16xi1> -> vector<16xi32>
    %reduce_sum3A_1495 = vector.extract %reduce_sum3A_1494[15] : i32 from vector<16xi32>
    %jit3A_1496 = arith.constant 16 : i32
    %div3A_1497 = arith.divsi %reduce_sum3A_1495, %jit3A_1496 : i32
    %sign3A_1498 = arith.constant 0 : i32
    %sign3A_1499 = arith.cmpi sgt, %reduce_sum3A_1495, %sign3A_1498 : i32
    %sign3A_1500 = arith.extui %sign3A_1499 : i1 to i32
    %sign3A_1501 = arith.constant 0 : i32
    %sign3A_1502 = arith.cmpi slt, %reduce_sum3A_1495, %sign3A_1501 : i32
    %sign3A_1503 = arith.extui %sign3A_1502 : i1 to i32
    %sign3A_1504 = arith.subi %sign3A_1500, %sign3A_1503 : i32
    %sign3A_1505 = arith.constant 0 : i32
    %sign3A_1506 = arith.cmpi sgt, %jit3A_1496, %sign3A_1505 : i32
    %sign3A_1507 = arith.extui %sign3A_1506 : i1 to i32
    %sign3A_1508 = arith.constant 0 : i32
    %sign3A_1509 = arith.cmpi slt, %jit3A_1496, %sign3A_1508 : i32
    %sign3A_1510 = arith.extui %sign3A_1509 : i1 to i32
    %sign3A_1511 = arith.subi %sign3A_1507, %sign3A_1510 : i32
    %ne3A_1512 = arith.cmpi ne, %sign3A_1504, %sign3A_1511 : i32
    %rem3A_1513 = arith.remsi %reduce_sum3A_1495, %jit3A_1496 : i32
    %ne3A_1514 = arith.constant 0 : i32
    %ne3A_1515 = arith.cmpi ne, %rem3A_1513, %ne3A_1514 : i32
    %and3A_1516 = arith.andi %ne3A_1512, %ne3A_1515 : i1
    %sub3A_1517 = arith.constant 1 : i32
    %sub3A_1518 = arith.subi %div3A_1497, %sub3A_1517 : i32
    %select_n3A_1519 = arith.select %and3A_1516, %sub3A_1518, %div3A_1497 : i32
    %broadcast_in_dim3A_1520 = vector.broadcast %select_n3A_1519 : i32 to vector<16xi32>
    %select_n3A_1521 = arith.select %eq3A_1491, %broadcast_in_dim3A_1520, %select_n3A_1318 : vector<16xi1>, vector<16xi32>
    %dma_wait3A_1522 = arith.constant 0 : i32
    %dma_wait3A_1523 = arith.constant 6 : i32
    %dma_wait3A_1524 = arith.constant 0 : i32
    %dma_wait3A_1525 = arith.constant 0 : i32
    %dma_wait3A_1526 = tpu.memref_slice %arg11[%dma_wait3A_1523, %dma_wait3A_1524, %dma_wait3A_1525] : memref<8x448x8xf32, #tpu.memory_space<vmem>> -> memref<1x448x8xf32, #tpu.memory_space<vmem>>
    %dma_wait3A_1527 = tpu.memref_squeeze %dma_wait3A_1526 : memref<1x448x8xf32, #tpu.memory_space<vmem>> -> memref<448x8xf32, #tpu.memory_space<vmem>>
    %dma_wait3A_1528 = arith.constant 0 : i32
    %dma_wait3A_1529 = arith.constant 0 : i32
    %dma_wait3A_1530 = tpu.memref_slice %dma_wait3A_1527[%dma_wait3A_1528, %dma_wait3A_1529] : memref<448x8xf32, #tpu.memory_space<vmem>> -> memref<128x8xf32, #tpu.memory_space<vmem>>
    %dma_wait3A_1531 = arith.constant 0 : i32
    %dma_wait3A_1532 = tpu.memref_slice %arg10[%dma_wait3A_1522, %dma_wait3A_1531] : memref<2x2048xi32, #tpu.memory_space<vmem>> -> memref<1x2048xi32, #tpu.memory_space<vmem>>
    %dma_wait3A_1533 = tpu.memref_squeeze %dma_wait3A_1532 : memref<1x2048xi32, #tpu.memory_space<vmem>> -> memref<2048xi32, #tpu.memory_space<vmem>>
    %dma_wait3A_1534 = arith.constant 0 : i32
    %dma_wait3A_1535 = tpu.memref_slice %dma_wait3A_1533[%dma_wait3A_1534] : memref<2048xi32, #tpu.memory_space<vmem>> -> memref<128xi32, #tpu.memory_space<vmem>>
    %dma_wait3A_1536 = arith.constant 0 : i32
    %dma_wait3A_1537 = arith.constant 0 : i32
    %dma_wait3A_1538 = tpu.memref_slice %arg3[%dma_wait3A_1536, %dma_wait3A_1537] : memref<20488x8xf32, #tpu.memory_space<hbm>> -> memref<20488x8xf32, #tpu.memory_space<hbm>>
    tpu.wait_indirect_dma semaphore(%arg13 : memref<!tpu.dma_semaphore, #tpu.memory_space<semaphore_mem>>) src(%dma_wait3A_1538 : memref<20488x8xf32, #tpu.memory_space<hbm>>) dst(%dma_wait3A_1530 : memref<128x8xf32, #tpu.memory_space<vmem>>)
    %dma_wait3A_1539 = arith.constant 0 : i32
    %dma_wait3A_1540 = arith.constant 6 : i32
    %dma_wait3A_1541 = arith.constant 0 : i32
    %dma_wait3A_1542 = arith.constant 0 : i32
    %dma_wait3A_1543 = tpu.memref_slice %arg11[%dma_wait3A_1540, %dma_wait3A_1541, %dma_wait3A_1542] : memref<8x448x8xf32, #tpu.memory_space<vmem>> -> memref<1x448x8xf32, #tpu.memory_space<vmem>>
    %dma_wait3A_1544 = tpu.memref_squeeze %dma_wait3A_1543 : memref<1x448x8xf32, #tpu.memory_space<vmem>> -> memref<448x8xf32, #tpu.memory_space<vmem>>
    %dma_wait3A_1545 = arith.constant 128 : i32
    %dma_wait3A_1546 = arith.constant 0 : i32
    %dma_wait3A_1547 = tpu.memref_slice %dma_wait3A_1544[%dma_wait3A_1545, %dma_wait3A_1546] : memref<448x8xf32, #tpu.memory_space<vmem>> -> memref<128x8xf32, #tpu.memory_space<vmem>>
    %dma_wait3A_1548 = arith.constant 0 : i32
    %dma_wait3A_1549 = tpu.memref_slice %arg10[%dma_wait3A_1539, %dma_wait3A_1548] : memref<2x2048xi32, #tpu.memory_space<vmem>> -> memref<1x2048xi32, #tpu.memory_space<vmem>>
    %dma_wait3A_1550 = tpu.memref_squeeze %dma_wait3A_1549 : memref<1x2048xi32, #tpu.memory_space<vmem>> -> memref<2048xi32, #tpu.memory_space<vmem>>
    %dma_wait3A_1551 = arith.constant 0 : i32
    %dma_wait3A_1552 = tpu.memref_slice %dma_wait3A_1550[%dma_wait3A_1551] : memref<2048xi32, #tpu.memory_space<vmem>> -> memref<128xi32, #tpu.memory_space<vmem>>
    %dma_wait3A_1553 = arith.constant 0 : i32
    %dma_wait3A_1554 = arith.constant 0 : i32
    %dma_wait3A_1555 = tpu.memref_slice %arg3[%dma_wait3A_1553, %dma_wait3A_1554] : memref<20488x8xf32, #tpu.memory_space<hbm>> -> memref<20488x8xf32, #tpu.memory_space<hbm>>
    tpu.wait_indirect_dma semaphore(%arg13 : memref<!tpu.dma_semaphore, #tpu.memory_space<semaphore_mem>>) src(%dma_wait3A_1555 : memref<20488x8xf32, #tpu.memory_space<hbm>>) dst(%dma_wait3A_1547 : memref<128x8xf32, #tpu.memory_space<vmem>>)
    %dma_wait3A_1556 = arith.constant 0 : i32
    %dma_wait3A_1557 = arith.constant 6 : i32
    %dma_wait3A_1558 = arith.constant 0 : i32
    %dma_wait3A_1559 = arith.constant 0 : i32
    %dma_wait3A_1560 = tpu.memref_slice %arg11[%dma_wait3A_1557, %dma_wait3A_1558, %dma_wait3A_1559] : memref<8x448x8xf32, #tpu.memory_space<vmem>> -> memref<1x448x8xf32, #tpu.memory_space<vmem>>
    %dma_wait3A_1561 = tpu.memref_squeeze %dma_wait3A_1560 : memref<1x448x8xf32, #tpu.memory_space<vmem>> -> memref<448x8xf32, #tpu.memory_space<vmem>>
    %dma_wait3A_1562 = arith.constant 256 : i32
    %dma_wait3A_1563 = arith.constant 0 : i32
    %dma_wait3A_1564 = tpu.memref_slice %dma_wait3A_1561[%dma_wait3A_1562, %dma_wait3A_1563] : memref<448x8xf32, #tpu.memory_space<vmem>> -> memref<128x8xf32, #tpu.memory_space<vmem>>
    %dma_wait3A_1565 = arith.constant 0 : i32
    %dma_wait3A_1566 = tpu.memref_slice %arg10[%dma_wait3A_1556, %dma_wait3A_1565] : memref<2x2048xi32, #tpu.memory_space<vmem>> -> memref<1x2048xi32, #tpu.memory_space<vmem>>
    %dma_wait3A_1567 = tpu.memref_squeeze %dma_wait3A_1566 : memref<1x2048xi32, #tpu.memory_space<vmem>> -> memref<2048xi32, #tpu.memory_space<vmem>>
    %dma_wait3A_1568 = arith.constant 0 : i32
    %dma_wait3A_1569 = tpu.memref_slice %dma_wait3A_1567[%dma_wait3A_1568] : memref<2048xi32, #tpu.memory_space<vmem>> -> memref<128xi32, #tpu.memory_space<vmem>>
    %dma_wait3A_1570 = arith.constant 0 : i32
    %dma_wait3A_1571 = arith.constant 0 : i32
    %dma_wait3A_1572 = tpu.memref_slice %arg3[%dma_wait3A_1570, %dma_wait3A_1571] : memref<20488x8xf32, #tpu.memory_space<hbm>> -> memref<20488x8xf32, #tpu.memory_space<hbm>>
    tpu.wait_indirect_dma semaphore(%arg13 : memref<!tpu.dma_semaphore, #tpu.memory_space<semaphore_mem>>) src(%dma_wait3A_1572 : memref<20488x8xf32, #tpu.memory_space<hbm>>) dst(%dma_wait3A_1564 : memref<128x8xf32, #tpu.memory_space<vmem>>)
    %dma_wait3A_1573 = arith.constant 0 : i32
    %dma_wait3A_1574 = arith.constant 6 : i32
    %dma_wait3A_1575 = arith.constant 0 : i32
    %dma_wait3A_1576 = arith.constant 0 : i32
    %dma_wait3A_1577 = tpu.memref_slice %arg11[%dma_wait3A_1574, %dma_wait3A_1575, %dma_wait3A_1576] : memref<8x448x8xf32, #tpu.memory_space<vmem>> -> memref<1x448x8xf32, #tpu.memory_space<vmem>>
    %dma_wait3A_1578 = tpu.memref_squeeze %dma_wait3A_1577 : memref<1x448x8xf32, #tpu.memory_space<vmem>> -> memref<448x8xf32, #tpu.memory_space<vmem>>
    %dma_wait3A_1579 = arith.constant 384 : i32
    %dma_wait3A_1580 = arith.constant 0 : i32
    %dma_wait3A_1581 = tpu.memref_slice %dma_wait3A_1578[%dma_wait3A_1579, %dma_wait3A_1580] : memref<448x8xf32, #tpu.memory_space<vmem>> -> memref<64x8xf32, #tpu.memory_space<vmem>>
    %dma_wait3A_1582 = arith.constant 0 : i32
    %dma_wait3A_1583 = tpu.memref_slice %arg10[%dma_wait3A_1573, %dma_wait3A_1582] : memref<2x2048xi32, #tpu.memory_space<vmem>> -> memref<1x2048xi32, #tpu.memory_space<vmem>>
    %dma_wait3A_1584 = tpu.memref_squeeze %dma_wait3A_1583 : memref<1x2048xi32, #tpu.memory_space<vmem>> -> memref<2048xi32, #tpu.memory_space<vmem>>
    %dma_wait3A_1585 = arith.constant 0 : i32
    %dma_wait3A_1586 = tpu.memref_slice %dma_wait3A_1584[%dma_wait3A_1585] : memref<2048xi32, #tpu.memory_space<vmem>> -> memref<64xi32, #tpu.memory_space<vmem>>
    %dma_wait3A_1587 = arith.constant 0 : i32
    %dma_wait3A_1588 = arith.constant 0 : i32
    %dma_wait3A_1589 = tpu.memref_slice %arg3[%dma_wait3A_1587, %dma_wait3A_1588] : memref<20488x8xf32, #tpu.memory_space<hbm>> -> memref<20488x8xf32, #tpu.memory_space<hbm>>
    tpu.wait_indirect_dma semaphore(%arg13 : memref<!tpu.dma_semaphore, #tpu.memory_space<semaphore_mem>>) src(%dma_wait3A_1589 : memref<20488x8xf32, #tpu.memory_space<hbm>>) dst(%dma_wait3A_1581 : memref<64x8xf32, #tpu.memory_space<vmem>>)
    %dma_start3A_1590 = arith.constant 1 : i32
    %dma_start3A_1591 = arith.constant 7 : i32
    %dma_start3A_1592 = arith.constant 0 : i32
    %dma_start3A_1593 = arith.constant 0 : i32
    %dma_start3A_1594 = tpu.memref_slice %arg11[%dma_start3A_1591, %dma_start3A_1592, %dma_start3A_1593] : memref<8x448x8xf32, #tpu.memory_space<vmem>> -> memref<1x448x8xf32, #tpu.memory_space<vmem>>
    %dma_start3A_1595 = tpu.memref_squeeze %dma_start3A_1594 : memref<1x448x8xf32, #tpu.memory_space<vmem>> -> memref<448x8xf32, #tpu.memory_space<vmem>>
    %dma_start3A_1596 = arith.constant 0 : i32
    %dma_start3A_1597 = arith.constant 0 : i32
    %dma_start3A_1598 = tpu.memref_slice %dma_start3A_1595[%dma_start3A_1596, %dma_start3A_1597] : memref<448x8xf32, #tpu.memory_space<vmem>> -> memref<128x8xf32, #tpu.memory_space<vmem>>
    %dma_start3A_1599 = arith.constant 0 : i32
    %dma_start3A_1600 = tpu.memref_slice %arg10[%dma_start3A_1590, %dma_start3A_1599] : memref<2x2048xi32, #tpu.memory_space<vmem>> -> memref<1x2048xi32, #tpu.memory_space<vmem>>
    %dma_start3A_1601 = tpu.memref_squeeze %dma_start3A_1600 : memref<1x2048xi32, #tpu.memory_space<vmem>> -> memref<2048xi32, #tpu.memory_space<vmem>>
    %dma_start3A_1602 = arith.constant 0 : i32
    %dma_start3A_1603 = tpu.memref_slice %dma_start3A_1601[%dma_start3A_1602] : memref<2048xi32, #tpu.memory_space<vmem>> -> memref<128xi32, #tpu.memory_space<vmem>>
    %dma_start3A_1604 = arith.constant 0 : i32
    %dma_start3A_1605 = arith.constant 0 : i32
    %dma_start3A_1606 = tpu.memref_slice %arg3[%dma_start3A_1604, %dma_start3A_1605] : memref<20488x8xf32, #tpu.memory_space<hbm>> -> memref<20488x8xf32, #tpu.memory_space<hbm>>
    tpu.enqueue_indirect_dma source(%dma_start3A_1606 : memref<20488x8xf32, #tpu.memory_space<hbm>>) target(%dma_start3A_1598 : memref<128x8xf32, #tpu.memory_space<vmem>>) offsets(%dma_start3A_1603 : memref<128xi32, #tpu.memory_space<vmem>>) semaphore(%arg13 : memref<!tpu.dma_semaphore, #tpu.memory_space<semaphore_mem>>)
    %dma_start3A_1607 = arith.constant 1 : i32
    %dma_start3A_1608 = arith.constant 7 : i32
    %dma_start3A_1609 = arith.constant 0 : i32
    %dma_start3A_1610 = arith.constant 0 : i32
    %dma_start3A_1611 = tpu.memref_slice %arg11[%dma_start3A_1608, %dma_start3A_1609, %dma_start3A_1610] : memref<8x448x8xf32, #tpu.memory_space<vmem>> -> memref<1x448x8xf32, #tpu.memory_space<vmem>>
    %dma_start3A_1612 = tpu.memref_squeeze %dma_start3A_1611 : memref<1x448x8xf32, #tpu.memory_space<vmem>> -> memref<448x8xf32, #tpu.memory_space<vmem>>
    %dma_start3A_1613 = arith.constant 128 : i32
    %dma_start3A_1614 = arith.constant 0 : i32
    %dma_start3A_1615 = tpu.memref_slice %dma_start3A_1612[%dma_start3A_1613, %dma_start3A_1614] : memref<448x8xf32, #tpu.memory_space<vmem>> -> memref<128x8xf32, #tpu.memory_space<vmem>>
    %dma_start3A_1616 = arith.constant 0 : i32
    %dma_start3A_1617 = tpu.memref_slice %arg10[%dma_start3A_1607, %dma_start3A_1616] : memref<2x2048xi32, #tpu.memory_space<vmem>> -> memref<1x2048xi32, #tpu.memory_space<vmem>>
    %dma_start3A_1618 = tpu.memref_squeeze %dma_start3A_1617 : memref<1x2048xi32, #tpu.memory_space<vmem>> -> memref<2048xi32, #tpu.memory_space<vmem>>
    %dma_start3A_1619 = arith.constant 128 : i32
    %dma_start3A_1620 = tpu.memref_slice %dma_start3A_1618[%dma_start3A_1619] : memref<2048xi32, #tpu.memory_space<vmem>> -> memref<128xi32, #tpu.memory_space<vmem>>
    %dma_start3A_1621 = arith.constant 0 : i32
    %dma_start3A_1622 = arith.constant 0 : i32
    %dma_start3A_1623 = tpu.memref_slice %arg3[%dma_start3A_1621, %dma_start3A_1622] : memref<20488x8xf32, #tpu.memory_space<hbm>> -> memref<20488x8xf32, #tpu.memory_space<hbm>>
    tpu.enqueue_indirect_dma source(%dma_start3A_1623 : memref<20488x8xf32, #tpu.memory_space<hbm>>) target(%dma_start3A_1615 : memref<128x8xf32, #tpu.memory_space<vmem>>) offsets(%dma_start3A_1620 : memref<128xi32, #tpu.memory_space<vmem>>) semaphore(%arg13 : memref<!tpu.dma_semaphore, #tpu.memory_space<semaphore_mem>>)
    %dma_start3A_1624 = arith.constant 1 : i32
    %dma_start3A_1625 = arith.constant 7 : i32
    %dma_start3A_1626 = arith.constant 0 : i32
    %dma_start3A_1627 = arith.constant 0 : i32
    %dma_start3A_1628 = tpu.memref_slice %arg11[%dma_start3A_1625, %dma_start3A_1626, %dma_start3A_1627] : memref<8x448x8xf32, #tpu.memory_space<vmem>> -> memref<1x448x8xf32, #tpu.memory_space<vmem>>
    %dma_start3A_1629 = tpu.memref_squeeze %dma_start3A_1628 : memref<1x448x8xf32, #tpu.memory_space<vmem>> -> memref<448x8xf32, #tpu.memory_space<vmem>>
    %dma_start3A_1630 = arith.constant 256 : i32
    %dma_start3A_1631 = arith.constant 0 : i32
    %dma_start3A_1632 = tpu.memref_slice %dma_start3A_1629[%dma_start3A_1630, %dma_start3A_1631] : memref<448x8xf32, #tpu.memory_space<vmem>> -> memref<128x8xf32, #tpu.memory_space<vmem>>
    %dma_start3A_1633 = arith.constant 0 : i32
    %dma_start3A_1634 = tpu.memref_slice %arg10[%dma_start3A_1624, %dma_start3A_1633] : memref<2x2048xi32, #tpu.memory_space<vmem>> -> memref<1x2048xi32, #tpu.memory_space<vmem>>
    %dma_start3A_1635 = tpu.memref_squeeze %dma_start3A_1634 : memref<1x2048xi32, #tpu.memory_space<vmem>> -> memref<2048xi32, #tpu.memory_space<vmem>>
    %dma_start3A_1636 = arith.constant 256 : i32
    %dma_start3A_1637 = tpu.memref_slice %dma_start3A_1635[%dma_start3A_1636] : memref<2048xi32, #tpu.memory_space<vmem>> -> memref<128xi32, #tpu.memory_space<vmem>>
    %dma_start3A_1638 = arith.constant 0 : i32
    %dma_start3A_1639 = arith.constant 0 : i32
    %dma_start3A_1640 = tpu.memref_slice %arg3[%dma_start3A_1638, %dma_start3A_1639] : memref<20488x8xf32, #tpu.memory_space<hbm>> -> memref<20488x8xf32, #tpu.memory_space<hbm>>
    tpu.enqueue_indirect_dma source(%dma_start3A_1640 : memref<20488x8xf32, #tpu.memory_space<hbm>>) target(%dma_start3A_1632 : memref<128x8xf32, #tpu.memory_space<vmem>>) offsets(%dma_start3A_1637 : memref<128xi32, #tpu.memory_space<vmem>>) semaphore(%arg13 : memref<!tpu.dma_semaphore, #tpu.memory_space<semaphore_mem>>)
    %dma_start3A_1641 = arith.constant 1 : i32
    %dma_start3A_1642 = arith.constant 7 : i32
    %dma_start3A_1643 = arith.constant 0 : i32
    %dma_start3A_1644 = arith.constant 0 : i32
    %dma_start3A_1645 = tpu.memref_slice %arg11[%dma_start3A_1642, %dma_start3A_1643, %dma_start3A_1644] : memref<8x448x8xf32, #tpu.memory_space<vmem>> -> memref<1x448x8xf32, #tpu.memory_space<vmem>>
    %dma_start3A_1646 = tpu.memref_squeeze %dma_start3A_1645 : memref<1x448x8xf32, #tpu.memory_space<vmem>> -> memref<448x8xf32, #tpu.memory_space<vmem>>
    %dma_start3A_1647 = arith.constant 384 : i32
    %dma_start3A_1648 = arith.constant 0 : i32
    %dma_start3A_1649 = tpu.memref_slice %dma_start3A_1646[%dma_start3A_1647, %dma_start3A_1648] : memref<448x8xf32, #tpu.memory_space<vmem>> -> memref<64x8xf32, #tpu.memory_space<vmem>>
    %dma_start3A_1650 = arith.constant 0 : i32
    %dma_start3A_1651 = tpu.memref_slice %arg10[%dma_start3A_1641, %dma_start3A_1650] : memref<2x2048xi32, #tpu.memory_space<vmem>> -> memref<1x2048xi32, #tpu.memory_space<vmem>>
    %dma_start3A_1652 = tpu.memref_squeeze %dma_start3A_1651 : memref<1x2048xi32, #tpu.memory_space<vmem>> -> memref<2048xi32, #tpu.memory_space<vmem>>
    %dma_start3A_1653 = arith.constant 384 : i32
    %dma_start3A_1654 = tpu.memref_slice %dma_start3A_1652[%dma_start3A_1653] : memref<2048xi32, #tpu.memory_space<vmem>> -> memref<64xi32, #tpu.memory_space<vmem>>
    %dma_start3A_1655 = arith.constant 0 : i32
    %dma_start3A_1656 = arith.constant 0 : i32
    %dma_start3A_1657 = tpu.memref_slice %arg3[%dma_start3A_1655, %dma_start3A_1656] : memref<20488x8xf32, #tpu.memory_space<hbm>> -> memref<20488x8xf32, #tpu.memory_space<hbm>>
    tpu.enqueue_indirect_dma source(%dma_start3A_1657 : memref<20488x8xf32, #tpu.memory_space<hbm>>) target(%dma_start3A_1649 : memref<64x8xf32, #tpu.memory_space<vmem>>) offsets(%dma_start3A_1654 : memref<64xi32, #tpu.memory_space<vmem>>) semaphore(%arg13 : memref<!tpu.dma_semaphore, #tpu.memory_space<semaphore_mem>>)
    %dma_wait3A_1658 = arith.constant 1 : i32
    %dma_wait3A_1659 = arith.constant 7 : i32
    %dma_wait3A_1660 = arith.constant 0 : i32
    %dma_wait3A_1661 = arith.constant 0 : i32
    %dma_wait3A_1662 = tpu.memref_slice %arg11[%dma_wait3A_1659, %dma_wait3A_1660, %dma_wait3A_1661] : memref<8x448x8xf32, #tpu.memory_space<vmem>> -> memref<1x448x8xf32, #tpu.memory_space<vmem>>
    %dma_wait3A_1663 = tpu.memref_squeeze %dma_wait3A_1662 : memref<1x448x8xf32, #tpu.memory_space<vmem>> -> memref<448x8xf32, #tpu.memory_space<vmem>>
    %dma_wait3A_1664 = arith.constant 0 : i32
    %dma_wait3A_1665 = arith.constant 0 : i32
    %dma_wait3A_1666 = tpu.memref_slice %dma_wait3A_1663[%dma_wait3A_1664, %dma_wait3A_1665] : memref<448x8xf32, #tpu.memory_space<vmem>> -> memref<128x8xf32, #tpu.memory_space<vmem>>
    %dma_wait3A_1667 = arith.constant 0 : i32
    %dma_wait3A_1668 = tpu.memref_slice %arg10[%dma_wait3A_1658, %dma_wait3A_1667] : memref<2x2048xi32, #tpu.memory_space<vmem>> -> memref<1x2048xi32, #tpu.memory_space<vmem>>
    %dma_wait3A_1669 = tpu.memref_squeeze %dma_wait3A_1668 : memref<1x2048xi32, #tpu.memory_space<vmem>> -> memref<2048xi32, #tpu.memory_space<vmem>>
    %dma_wait3A_1670 = arith.constant 0 : i32
    %dma_wait3A_1671 = tpu.memref_slice %dma_wait3A_1669[%dma_wait3A_1670] : memref<2048xi32, #tpu.memory_space<vmem>> -> memref<128xi32, #tpu.memory_space<vmem>>
    %dma_wait3A_1672 = arith.constant 0 : i32
    %dma_wait3A_1673 = arith.constant 0 : i32
    %dma_wait3A_1674 = tpu.memref_slice %arg3[%dma_wait3A_1672, %dma_wait3A_1673] : memref<20488x8xf32, #tpu.memory_space<hbm>> -> memref<20488x8xf32, #tpu.memory_space<hbm>>
    tpu.wait_indirect_dma semaphore(%arg13 : memref<!tpu.dma_semaphore, #tpu.memory_space<semaphore_mem>>) src(%dma_wait3A_1674 : memref<20488x8xf32, #tpu.memory_space<hbm>>) dst(%dma_wait3A_1666 : memref<128x8xf32, #tpu.memory_space<vmem>>)
    %dma_wait3A_1675 = arith.constant 1 : i32
    %dma_wait3A_1676 = arith.constant 7 : i32
    %dma_wait3A_1677 = arith.constant 0 : i32
    %dma_wait3A_1678 = arith.constant 0 : i32
    %dma_wait3A_1679 = tpu.memref_slice %arg11[%dma_wait3A_1676, %dma_wait3A_1677, %dma_wait3A_1678] : memref<8x448x8xf32, #tpu.memory_space<vmem>> -> memref<1x448x8xf32, #tpu.memory_space<vmem>>
    %dma_wait3A_1680 = tpu.memref_squeeze %dma_wait3A_1679 : memref<1x448x8xf32, #tpu.memory_space<vmem>> -> memref<448x8xf32, #tpu.memory_space<vmem>>
    %dma_wait3A_1681 = arith.constant 128 : i32
    %dma_wait3A_1682 = arith.constant 0 : i32
    %dma_wait3A_1683 = tpu.memref_slice %dma_wait3A_1680[%dma_wait3A_1681, %dma_wait3A_1682] : memref<448x8xf32, #tpu.memory_space<vmem>> -> memref<128x8xf32, #tpu.memory_space<vmem>>
    %dma_wait3A_1684 = arith.constant 0 : i32
    %dma_wait3A_1685 = tpu.memref_slice %arg10[%dma_wait3A_1675, %dma_wait3A_1684] : memref<2x2048xi32, #tpu.memory_space<vmem>> -> memref<1x2048xi32, #tpu.memory_space<vmem>>
    %dma_wait3A_1686 = tpu.memref_squeeze %dma_wait3A_1685 : memref<1x2048xi32, #tpu.memory_space<vmem>> -> memref<2048xi32, #tpu.memory_space<vmem>>
    %dma_wait3A_1687 = arith.constant 0 : i32
    %dma_wait3A_1688 = tpu.memref_slice %dma_wait3A_1686[%dma_wait3A_1687] : memref<2048xi32, #tpu.memory_space<vmem>> -> memref<128xi32, #tpu.memory_space<vmem>>
    %dma_wait3A_1689 = arith.constant 0 : i32
    %dma_wait3A_1690 = arith.constant 0 : i32
    %dma_wait3A_1691 = tpu.memref_slice %arg3[%dma_wait3A_1689, %dma_wait3A_1690] : memref<20488x8xf32, #tpu.memory_space<hbm>> -> memref<20488x8xf32, #tpu.memory_space<hbm>>
    tpu.wait_indirect_dma semaphore(%arg13 : memref<!tpu.dma_semaphore, #tpu.memory_space<semaphore_mem>>) src(%dma_wait3A_1691 : memref<20488x8xf32, #tpu.memory_space<hbm>>) dst(%dma_wait3A_1683 : memref<128x8xf32, #tpu.memory_space<vmem>>)
    %dma_wait3A_1692 = arith.constant 1 : i32
    %dma_wait3A_1693 = arith.constant 7 : i32
    %dma_wait3A_1694 = arith.constant 0 : i32
    %dma_wait3A_1695 = arith.constant 0 : i32
    %dma_wait3A_1696 = tpu.memref_slice %arg11[%dma_wait3A_1693, %dma_wait3A_1694, %dma_wait3A_1695] : memref<8x448x8xf32, #tpu.memory_space<vmem>> -> memref<1x448x8xf32, #tpu.memory_space<vmem>>
    %dma_wait3A_1697 = tpu.memref_squeeze %dma_wait3A_1696 : memref<1x448x8xf32, #tpu.memory_space<vmem>> -> memref<448x8xf32, #tpu.memory_space<vmem>>
    %dma_wait3A_1698 = arith.constant 256 : i32
    %dma_wait3A_1699 = arith.constant 0 : i32
    %dma_wait3A_1700 = tpu.memref_slice %dma_wait3A_1697[%dma_wait3A_1698, %dma_wait3A_1699] : memref<448x8xf32, #tpu.memory_space<vmem>> -> memref<128x8xf32, #tpu.memory_space<vmem>>
    %dma_wait3A_1701 = arith.constant 0 : i32
    %dma_wait3A_1702 = tpu.memref_slice %arg10[%dma_wait3A_1692, %dma_wait3A_1701] : memref<2x2048xi32, #tpu.memory_space<vmem>> -> memref<1x2048xi32, #tpu.memory_space<vmem>>
    %dma_wait3A_1703 = tpu.memref_squeeze %dma_wait3A_1702 : memref<1x2048xi32, #tpu.memory_space<vmem>> -> memref<2048xi32, #tpu.memory_space<vmem>>
    %dma_wait3A_1704 = arith.constant 0 : i32
    %dma_wait3A_1705 = tpu.memref_slice %dma_wait3A_1703[%dma_wait3A_1704] : memref<2048xi32, #tpu.memory_space<vmem>> -> memref<128xi32, #tpu.memory_space<vmem>>
    %dma_wait3A_1706 = arith.constant 0 : i32
    %dma_wait3A_1707 = arith.constant 0 : i32
    %dma_wait3A_1708 = tpu.memref_slice %arg3[%dma_wait3A_1706, %dma_wait3A_1707] : memref<20488x8xf32, #tpu.memory_space<hbm>> -> memref<20488x8xf32, #tpu.memory_space<hbm>>
    tpu.wait_indirect_dma semaphore(%arg13 : memref<!tpu.dma_semaphore, #tpu.memory_space<semaphore_mem>>) src(%dma_wait3A_1708 : memref<20488x8xf32, #tpu.memory_space<hbm>>) dst(%dma_wait3A_1700 : memref<128x8xf32, #tpu.memory_space<vmem>>)
    %dma_wait3A_1709 = arith.constant 1 : i32
    %dma_wait3A_1710 = arith.constant 7 : i32
    %dma_wait3A_1711 = arith.constant 0 : i32
    %dma_wait3A_1712 = arith.constant 0 : i32
    %dma_wait3A_1713 = tpu.memref_slice %arg11[%dma_wait3A_1710, %dma_wait3A_1711, %dma_wait3A_1712] : memref<8x448x8xf32, #tpu.memory_space<vmem>> -> memref<1x448x8xf32, #tpu.memory_space<vmem>>
    %dma_wait3A_1714 = tpu.memref_squeeze %dma_wait3A_1713 : memref<1x448x8xf32, #tpu.memory_space<vmem>> -> memref<448x8xf32, #tpu.memory_space<vmem>>
    %dma_wait3A_1715 = arith.constant 384 : i32
    %dma_wait3A_1716 = arith.constant 0 : i32
    %dma_wait3A_1717 = tpu.memref_slice %dma_wait3A_1714[%dma_wait3A_1715, %dma_wait3A_1716] : memref<448x8xf32, #tpu.memory_space<vmem>> -> memref<64x8xf32, #tpu.memory_space<vmem>>
    %dma_wait3A_1718 = arith.constant 0 : i32
    %dma_wait3A_1719 = tpu.memref_slice %arg10[%dma_wait3A_1709, %dma_wait3A_1718] : memref<2x2048xi32, #tpu.memory_space<vmem>> -> memref<1x2048xi32, #tpu.memory_space<vmem>>
    %dma_wait3A_1720 = tpu.memref_squeeze %dma_wait3A_1719 : memref<1x2048xi32, #tpu.memory_space<vmem>> -> memref<2048xi32, #tpu.memory_space<vmem>>
    %dma_wait3A_1721 = arith.constant 0 : i32
    %dma_wait3A_1722 = tpu.memref_slice %dma_wait3A_1720[%dma_wait3A_1721] : memref<2048xi32, #tpu.memory_space<vmem>> -> memref<64xi32, #tpu.memory_space<vmem>>
    %dma_wait3A_1723 = arith.constant 0 : i32
    %dma_wait3A_1724 = arith.constant 0 : i32
    %dma_wait3A_1725 = tpu.memref_slice %arg3[%dma_wait3A_1723, %dma_wait3A_1724] : memref<20488x8xf32, #tpu.memory_space<hbm>> -> memref<20488x8xf32, #tpu.memory_space<hbm>>
    tpu.wait_indirect_dma semaphore(%arg13 : memref<!tpu.dma_semaphore, #tpu.memory_space<semaphore_mem>>) src(%dma_wait3A_1725 : memref<20488x8xf32, #tpu.memory_space<hbm>>) dst(%dma_wait3A_1717 : memref<64x8xf32, #tpu.memory_space<vmem>>)
    "tpu.trace_start"() <{level = 10 : i32, message = "bin_out_write"}> : () -> ()
    %mul3A_1726 = arith.constant 8 : i32
    %mul3A_1727 = arith.muli %add3A, %mul3A_1726 : i32
    "tpu.region"() ({
      %run_scoped3A_1731 = tpu.sem_alloc : memref<!tpu.dma_semaphore, #tpu.memory_space<semaphore_mem>>
      %dma_start3A_1732 = arith.constant 0 : i32
      %dma_start3A_1733 = arith.constant 0 : i32
      %dma_start3A_1734 = tpu.memref_slice %arg4[%mul3A_1727, %dma_start3A_1732, %dma_start3A_1733] : memref<256x448x8xf32, #tpu.memory_space<hbm>> -> memref<8x448x8xf32, #tpu.memory_space<hbm>>
      %dma_start3A_1735 = arith.constant 0 : i32
      %dma_start3A_1736 = arith.constant 0 : i32
      %dma_start3A_1737 = tpu.memref_slice %arg4[%mul3A_1727, %dma_start3A_1735, %dma_start3A_1736] : memref<256x448x8xf32, #tpu.memory_space<hbm>> -> memref<8x448x8xf32, #tpu.memory_space<hbm>>
      tpu.enqueue_dma source(%arg11 : memref<8x448x8xf32, #tpu.memory_space<vmem>>) target(%dma_start3A_1737 : memref<8x448x8xf32, #tpu.memory_space<hbm>>) target_semaphore(%run_scoped3A_1731 : memref<!tpu.dma_semaphore, #tpu.memory_space<semaphore_mem>>)
      %dma_wait3A_1738 = arith.constant 0 : i32
      %dma_wait3A_1739 = arith.constant 0 : i32
      %dma_wait3A_1740 = tpu.memref_slice %arg4[%mul3A_1727, %dma_wait3A_1738, %dma_wait3A_1739] : memref<256x448x8xf32, #tpu.memory_space<hbm>> -> memref<8x448x8xf32, #tpu.memory_space<hbm>>
      %dma_wait3A_1741 = arith.constant 0 : i32
      %dma_wait3A_1742 = arith.constant 0 : i32
      %dma_wait3A_1743 = tpu.memref_slice %arg4[%mul3A_1727, %dma_wait3A_1741, %dma_wait3A_1742] : memref<256x448x8xf32, #tpu.memory_space<hbm>> -> memref<8x448x8xf32, #tpu.memory_space<hbm>>
      tpu.wait_dma2 semaphore(%run_scoped3A_1731 : memref<!tpu.dma_semaphore, #tpu.memory_space<semaphore_mem>>) src(%arg11 : memref<8x448x8xf32, #tpu.memory_space<vmem>>) dst(%dma_wait3A_1743 : memref<8x448x8xf32, #tpu.memory_space<hbm>>)
      tpu.yield
    }) : () -> ()
    "tpu.trace_stop"() : () -> ()
    %swap3A = arith.constant 0 : index
    %swap3A_1728 = tpu.vector_load %arg12[%swap3A] {strides = array<i32>} : memref<16xi32, #tpu.memory_space<vmem>>, vector<16xi32>,
    tpu.vector_store %arg12[%swap3A], %select_n3A_1521 {strides = array<i32>} : memref<16xi32, #tpu.memory_space<vmem>>, vector<16xi32>,
    %mul3A_1729 = arith.constant 8 : i32
    %mul3A_1730 = arith.muli %add3A, %mul3A_1729 : i32
    "tpu.region"() ({
      %run_scoped3A_1731 = tpu.sem_alloc : memref<!tpu.dma_semaphore, #tpu.memory_space<semaphore_mem>>
      %dma_start3A_1732 = arith.constant 0 : i32
      %dma_start3A_1733 = tpu.memref_slice %arg12[%dma_start3A_1732] : memref<16xi32, #tpu.memory_space<vmem>> -> memref<8xi32, #tpu.memory_space<vmem>>
      %dma_start3A_1734 = tpu.memref_slice %arg5[%mul3A_1730] : memref<256xi32, #tpu.memory_space<hbm>> -> memref<8xi32, #tpu.memory_space<hbm>>
      %dma_start3A_1735 = tpu.memref_slice %arg5[%mul3A_1730] : memref<256xi32, #tpu.memory_space<hbm>> -> memref<8xi32, #tpu.memory_space<hbm>>
      %dma_start3A_1736 = arith.constant 0 : i32
      %dma_start3A_1737 = tpu.memref_slice %arg12[%dma_start3A_1736] : memref<16xi32, #tpu.memory_space<vmem>> -> memref<8xi32, #tpu.memory_space<vmem>>
      tpu.enqueue_dma source(%dma_start3A_1737 : memref<8xi32, #tpu.memory_space<vmem>>) target(%dma_start3A_1735 : memref<8xi32, #tpu.memory_space<hbm>>) target_semaphore(%run_scoped3A_1731 : memref<!tpu.dma_semaphore, #tpu.memory_space<semaphore_mem>>)
      %dma_wait3A_1738 = arith.constant 0 : i32
      %dma_wait3A_1739 = tpu.memref_slice %arg12[%dma_wait3A_1738] : memref<16xi32, #tpu.memory_space<vmem>> -> memref<8xi32, #tpu.memory_space<vmem>>
      %dma_wait3A_1740 = tpu.memref_slice %arg5[%mul3A_1730] : memref<256xi32, #tpu.memory_space<hbm>> -> memref<8xi32, #tpu.memory_space<hbm>>
      %dma_wait3A_1741 = tpu.memref_slice %arg5[%mul3A_1730] : memref<256xi32, #tpu.memory_space<hbm>> -> memref<8xi32, #tpu.memory_space<hbm>>
      %dma_wait3A_1742 = arith.constant 0 : i32
      %dma_wait3A_1743 = tpu.memref_slice %arg12[%dma_wait3A_1742] : memref<16xi32, #tpu.memory_space<vmem>> -> memref<8xi32, #tpu.memory_space<vmem>>
      tpu.wait_dma2 semaphore(%run_scoped3A_1731 : memref<!tpu.dma_semaphore, #tpu.memory_space<semaphore_mem>>) src(%dma_wait3A_1743 : memref<8xi32, #tpu.memory_space<vmem>>) dst(%dma_wait3A_1741 : memref<8xi32, #tpu.memory_space<hbm>>)
      tpu.yield
    }) : () -> ()
    return
  }
}

module attributes {stable_mosaic.version = 14 : i64} {
  func.func @_proj_kernel(%arg0: i32, %arg1: memref<2x2048xf32, #tpu.memory_space<vmem>>, %arg2: memref<3x2048xf32, #tpu.memory_space<vmem>>, %arg3: memref<3x2048xf32, #tpu.memory_space<vmem>>, %arg4: memref<1x2048xf32, #tpu.memory_space<vmem>>, %arg5: memref<16x2048xf32, #tpu.memory_space<vmem>>) attributes {dimension_semantics = [#tpu.dimension_semantics<arbitrary>], iteration_bounds = array<i64: 10>, scalar_prefetch = 0 : i64, scratch_operands = 0 : i64, tpu.core_type = #tpu.core_type<tc>, window_params = [{transform_indices = @transform_0, window_bounds = array<i64: 2, 2048>}, {transform_indices = @transform_1, window_bounds = array<i64: 3, 2048>}, {transform_indices = @transform_2, window_bounds = array<i64: 3, 2048>}, {transform_indices = @transform_3, window_bounds = array<i64: 1, 2048>}, {transform_indices = @transform_4, window_bounds = array<i64: 16, 2048>}]} {
    %get3A = arith.constant 0 : index
    %get3A_0 = arith.constant 0 : index
    %get3A_1 = vector.load %arg1[%get3A, %get3A_0] : memref<2x2048xf32, #tpu.memory_space<vmem>>, vector<1x2048xf32>
    %tanh3A = math.tanh %get3A_1 : vector<1x2048xf32>
    %get3A_2 = arith.constant 1 : index
    %get3A_3 = arith.constant 0 : index
    %get3A_4 = vector.load %arg1[%get3A_2, %get3A_3] : memref<2x2048xf32, #tpu.memory_space<vmem>>, vector<1x2048xf32>
    %tanh3A_5 = math.tanh %get3A_4 : vector<1x2048xf32>
    %add3A = arith.constant 1.000000e+00 : f32
    %add3A_6 = vector.broadcast %add3A : f32 to vector<1x2048xf32>
    %add3A_7 = arith.addf %tanh3A, %add3A_6 : vector<1x2048xf32>
    %mul3A = arith.constant 5.000000e-01 : f32
    %mul3A_8 = vector.broadcast %mul3A : f32 to vector<1x2048xf32>
    %mul3A_9 = arith.mulf %mul3A_8, %add3A_7 : vector<1x2048xf32>
    %mul3A_10 = arith.constant 2.560000e+02 : f32
    %mul3A_11 = vector.broadcast %mul3A_10 : f32 to vector<1x2048xf32>
    %mul3A_12 = arith.mulf %mul3A_9, %mul3A_11 : vector<1x2048xf32>
    %add3A_13 = arith.constant 1.000000e+00 : f32
    %add3A_14 = vector.broadcast %add3A_13 : f32 to vector<1x2048xf32>
    %add3A_15 = arith.addf %tanh3A_5, %add3A_14 : vector<1x2048xf32>
    %mul3A_16 = arith.constant 5.000000e-01 : f32
    %mul3A_17 = vector.broadcast %mul3A_16 : f32 to vector<1x2048xf32>
    %mul3A_18 = arith.mulf %mul3A_17, %add3A_15 : vector<1x2048xf32>
    %mul3A_19 = arith.constant 2.560000e+02 : f32
    %mul3A_20 = vector.broadcast %mul3A_19 : f32 to vector<1x2048xf32>
    %mul3A_21 = arith.mulf %mul3A_18, %mul3A_20 : vector<1x2048xf32>
    %get3A_22 = arith.constant 0 : index
    %get3A_23 = arith.constant 0 : index
    %get3A_24 = vector.load %arg2[%get3A_22, %get3A_23] : memref<3x2048xf32, #tpu.memory_space<vmem>>, vector<1x2048xf32>
    %add3A_25 = arith.constant 5.000000e-01 : f32
    %add3A_26 = vector.broadcast %add3A_25 : f32 to vector<1x2048xf32>
    %add3A_27 = arith.addf %get3A_24, %add3A_26 : vector<1x2048xf32>
    %get3A_28 = arith.constant 1 : index
    %get3A_29 = arith.constant 0 : index
    %get3A_30 = vector.load %arg2[%get3A_28, %get3A_29] : memref<3x2048xf32, #tpu.memory_space<vmem>>, vector<1x2048xf32>
    %get3A_31 = arith.constant 2 : index
    %get3A_32 = arith.constant 0 : index
    %get3A_33 = vector.load %arg2[%get3A_31, %get3A_32] : memref<3x2048xf32, #tpu.memory_space<vmem>>, vector<1x2048xf32>
    %add3A_34 = arith.constant 5.000000e-01 : f32
    %add3A_35 = vector.broadcast %add3A_34 : f32 to vector<1x2048xf32>
    %add3A_36 = arith.addf %get3A_33, %add3A_35 : vector<1x2048xf32>
    %mul3A_37 = arith.mulf %add3A_27, %add3A_27 : vector<1x2048xf32>
    %mul3A_38 = arith.mulf %add3A_27, %get3A_30 : vector<1x2048xf32>
    %mul3A_39 = arith.mulf %get3A_30, %get3A_30 : vector<1x2048xf32>
    %mul3A_40 = arith.mulf %add3A_36, %add3A_36 : vector<1x2048xf32>
    %add3A_41 = arith.addf %mul3A_39, %mul3A_40 : vector<1x2048xf32>
    %mul3A_42 = arith.mulf %mul3A_37, %add3A_41 : vector<1x2048xf32>
    %mul3A_43 = arith.mulf %mul3A_38, %mul3A_38 : vector<1x2048xf32>
    %sub3A = arith.subf %mul3A_42, %mul3A_43 : vector<1x2048xf32>
    %div3A = arith.constant 1.000000e+00 : f32
    %div3A_44 = vector.broadcast %div3A : f32 to vector<1x2048xf32>
    %div3A_45 = arith.divf %div3A_44, %sub3A : vector<1x2048xf32>
    %mul3A_46 = arith.constant 5.000000e-01 : f32
    %mul3A_47 = vector.broadcast %mul3A_46 : f32 to vector<1x2048xf32>
    %mul3A_48 = arith.mulf %mul3A_47, %add3A_41 : vector<1x2048xf32>
    %mul3A_49 = arith.mulf %mul3A_48, %div3A_45 : vector<1x2048xf32>
    %neg3A = arith.constant 0.000000e+00 : f32
    %neg3A_50 = vector.broadcast %neg3A : f32 to vector<1x2048xf32>
    %neg3A_51 = arith.subf %neg3A_50, %mul3A_38 : vector<1x2048xf32>
    %mul3A_52 = arith.mulf %neg3A_51, %div3A_45 : vector<1x2048xf32>
    %mul3A_53 = arith.constant 5.000000e-01 : f32
    %mul3A_54 = vector.broadcast %mul3A_53 : f32 to vector<1x2048xf32>
    %mul3A_55 = arith.mulf %mul3A_54, %mul3A_37 : vector<1x2048xf32>
    %mul3A_56 = arith.mulf %mul3A_55, %div3A_45 : vector<1x2048xf32>
    %mul3A_57 = arith.constant 2048 : i32
    %mul3A_58 = arith.muli %arg0, %mul3A_57 : i32
    %iota3A = tpu.iota {dimensions = array<i32: 1>} : vector<1x2048xi32>
    %add3A_59 = vector.broadcast %mul3A_58 : i32 to vector<1x2048xi32>
    %add3A_60 = arith.addi %add3A_59, %iota3A : vector<1x2048xi32>
    %lt3A = arith.constant 20000 : i32
    %lt3A_61 = vector.broadcast %lt3A : i32 to vector<1x2048xi32>
    %lt3A_62 = arith.cmpi slt, %add3A_60, %lt3A_61 : vector<1x2048xi32>
    %add3A_63 = arith.addf %mul3A_37, %add3A_41 : vector<1x2048xf32>
    %mul3A_64 = arith.constant 2.400000e+01 : f32
    %mul3A_65 = vector.broadcast %mul3A_64 : f32 to vector<1x2048xf32>
    %mul3A_66 = arith.mulf %mul3A_65, %add3A_63 : vector<1x2048xf32>
    %jit3A = arith.constant -1.000000e+00 : f32
    %broadcast_in_dim3A = vector.broadcast %jit3A : f32 to vector<1x2048xf32>
    %select_n3A = arith.select %lt3A_62, %mul3A_66, %broadcast_in_dim3A : vector<1x2048xi1>, vector<1x2048xf32>
    %get3A_67 = arith.constant 0 : index
    %get3A_68 = arith.constant 0 : index
    %get3A_69 = vector.load %arg3[%get3A_67, %get3A_68] : memref<3x2048xf32, #tpu.memory_space<vmem>>, vector<3x2048xf32>
    %get3A_70 = arith.constant 0 : index
    %get3A_71 = arith.constant 0 : index
    %get3A_72 = vector.load %arg4[%get3A_70, %get3A_71] : memref<1x2048xf32, #tpu.memory_space<vmem>>, vector<1x2048xf32>
    %mul3A_73 = vector.broadcast %get3A_72 : vector<1x2048xf32> to vector<3x2048xf32>
    %mul3A_74 = arith.mulf %get3A_69, %mul3A_73 : vector<3x2048xf32>
    %broadcast_in_dim3A_75 = arith.constant 0.000000e+00 : f32
    %broadcast_in_dim3A_76 = vector.broadcast %broadcast_in_dim3A_75 : f32 to vector<1x2048xf32>
    %slice3A = vector.extract_strided_slice %mul3A_74 {offsets = [0, 0], sizes = [1, 2048], strides = [1, 1]} : vector<3x2048xf32> to vector<1x2048xf32>
    %slice3A_77 = vector.extract_strided_slice %mul3A_74 {offsets = [1, 0], sizes = [1, 2048], strides = [1, 1]} : vector<3x2048xf32> to vector<1x2048xf32>
    %slice3A_78 = vector.extract_strided_slice %mul3A_74 {offsets = [2, 0], sizes = [1, 2048], strides = [1, 1]} : vector<3x2048xf32> to vector<1x2048xf32>
    %concatenate3A = tpu.concatenate %mul3A_12, %mul3A_21, %mul3A_49, %mul3A_52, %mul3A_56, %slice3A, %slice3A_77, %slice3A_78, %select_n3A, %broadcast_in_dim3A_76, %broadcast_in_dim3A_76, %broadcast_in_dim3A_76, %broadcast_in_dim3A_76, %broadcast_in_dim3A_76, %broadcast_in_dim3A_76, %broadcast_in_dim3A_76 in 0 : vector<1x2048xf32>, vector<1x2048xf32>, vector<1x2048xf32>, vector<1x2048xf32>, vector<1x2048xf32>, vector<1x2048xf32>, vector<1x2048xf32>, vector<1x2048xf32>, vector<1x2048xf32>, vector<1x2048xf32>, vector<1x2048xf32>, vector<1x2048xf32>, vector<1x2048xf32>, vector<1x2048xf32>, vector<1x2048xf32>, vector<1x2048xf32> -> vector<16x2048xf32>
    %swap3A = arith.constant 0 : index
    %swap3A_79 = arith.constant 0 : index
    %swap3A_80 = vector.load %arg5[%swap3A, %swap3A_79] : memref<16x2048xf32, #tpu.memory_space<vmem>>, vector<16x2048xf32>
    tpu.vector_store %arg5[%swap3A, %swap3A_79], %concatenate3A {strides = array<i32>} : memref<16x2048xf32, #tpu.memory_space<vmem>>, vector<16x2048xf32>,
    return
  }
  func.func @transform_0(%arg0: i32) -> (i32, i32) {
    %c0_i32 = arith.constant 0 : i32
    %c0_i32_0 = arith.constant 0 : i32
    return %c0_i32, %arg0 : i32, i32
  }
  func.func @transform_1(%arg0: i32) -> (i32, i32) {
    %c0_i32 = arith.constant 0 : i32
    %c0_i32_0 = arith.constant 0 : i32
    return %c0_i32, %arg0 : i32, i32
  }
  func.func @transform_2(%arg0: i32) -> (i32, i32) {
    %c0_i32 = arith.constant 0 : i32
    %c0_i32_0 = arith.constant 0 : i32
    return %c0_i32, %arg0 : i32, i32
  }
  func.func @transform_3(%arg0: i32) -> (i32, i32) {
    %c0_i32 = arith.constant 0 : i32
    %c0_i32_0 = arith.constant 0 : i32
    return %c0_i32, %arg0 : i32, i32
  }
  func.func @transform_4(%arg0: i32) -> (i32, i32) {
    %c0_i32 = arith.constant 0 : i32
    %c0_i32_0 = arith.constant 0 : i32
    return %c0_i32, %arg0 : i32, i32
  }
}

module attributes {stable_mosaic.version = 14 : i64} {
  func.func @_raster_kernel(%arg0: i32, %arg1: memref<1x448x8xf32, #tpu.memory_space<vmem>>, %arg2: memref<1x3x256xf32, #tpu.memory_space<vmem>>) attributes {dimension_semantics = [#tpu.dimension_semantics<arbitrary>], iteration_bounds = array<i64: 256>, scalar_prefetch = 0 : i64, scratch_operands = 0 : i64, tpu.core_type = #tpu.core_type<tc>, window_params = [{transform_indices = @transform_0, window_bounds = array<i64: 1, 448, 8>}, {transform_indices = @transform_1, window_bounds = array<i64: 1, 3, 256>}]} {
    %jit3A = arith.constant 16 : i32
    %div3A = arith.divsi %arg0, %jit3A : i32
    %sign3A = arith.constant 0 : i32
    %sign3A_0 = arith.cmpi sgt, %arg0, %sign3A : i32
    %sign3A_1 = arith.extui %sign3A_0 : i1 to i32
    %sign3A_2 = arith.constant 0 : i32
    %sign3A_3 = arith.cmpi slt, %arg0, %sign3A_2 : i32
    %sign3A_4 = arith.extui %sign3A_3 : i1 to i32
    %sign3A_5 = arith.subi %sign3A_1, %sign3A_4 : i32
    %sign3A_6 = arith.constant 0 : i32
    %sign3A_7 = arith.cmpi sgt, %jit3A, %sign3A_6 : i32
    %sign3A_8 = arith.extui %sign3A_7 : i1 to i32
    %sign3A_9 = arith.constant 0 : i32
    %sign3A_10 = arith.cmpi slt, %jit3A, %sign3A_9 : i32
    %sign3A_11 = arith.extui %sign3A_10 : i1 to i32
    %sign3A_12 = arith.subi %sign3A_8, %sign3A_11 : i32
    %ne3A = arith.cmpi ne, %sign3A_5, %sign3A_12 : i32
    %rem3A = arith.remsi %arg0, %jit3A : i32
    %ne3A_13 = arith.constant 0 : i32
    %ne3A_14 = arith.cmpi ne, %rem3A, %ne3A_13 : i32
    %and3A = arith.andi %ne3A, %ne3A_14 : i1
    %sub3A = arith.constant 1 : i32
    %sub3A_15 = arith.subi %div3A, %sub3A : i32
    %select_n3A = arith.select %and3A, %sub3A_15, %div3A : i32
    %jit3A_16 = arith.constant 16 : i32
    %eq3A = arith.constant 0 : i32
    %eq3A_17 = arith.cmpi eq, %jit3A_16, %eq3A : i32
    %jit3A_18 = arith.constant 1 : i32
    %select_n3A_19 = arith.select %eq3A_17, %jit3A_18, %jit3A_16 : i32
    %rem3A_20 = arith.remsi %arg0, %select_n3A_19 : i32
    %ne3A_21 = arith.constant 0 : i32
    %ne3A_22 = arith.cmpi ne, %rem3A_20, %ne3A_21 : i32
    %lt3A = arith.constant 0 : i32
    %lt3A_23 = arith.cmpi slt, %rem3A_20, %lt3A : i32
    %lt3A_24 = arith.constant 0 : i32
    %lt3A_25 = arith.cmpi slt, %select_n3A_19, %lt3A_24 : i32
    %ne3A_26 = arith.xori %lt3A_23, %lt3A_25 : i1
    %and3A_27 = arith.andi %ne3A_26, %ne3A_22 : i1
    %add3A = arith.addi %rem3A_20, %select_n3A_19 : i32
    %select_n3A_28 = arith.select %and3A_27, %add3A, %rem3A_20 : i32
    %get3A = arith.constant 0 : index
    %get3A_29 = arith.constant 0 : index
    %get3A_30 = arith.constant 0 : index
    %get3A_31 = vector.load %arg1[%get3A, %get3A_29, %get3A_30] : memref<1x448x8xf32, #tpu.memory_space<vmem>>, vector<1x448x8xf32>
    %get3A_32 = vector.shape_cast %get3A_31 : vector<1x448x8xf32> to vector<448x8xf32>
    %slice3A = vector.extract_strided_slice %get3A_32 {offsets = [0, 0], sizes = [448, 1], strides = [1, 1]} : vector<448x8xf32> to vector<448x1xf32>
    %slice3A_33 = vector.extract_strided_slice %get3A_32 {offsets = [0, 1], sizes = [448, 1], strides = [1, 1]} : vector<448x8xf32> to vector<448x1xf32>
    %slice3A_34 = vector.extract_strided_slice %get3A_32 {offsets = [0, 2], sizes = [448, 1], strides = [1, 1]} : vector<448x8xf32> to vector<448x1xf32>
    %slice3A_35 = vector.extract_strided_slice %get3A_32 {offsets = [0, 3], sizes = [448, 1], strides = [1, 1]} : vector<448x8xf32> to vector<448x1xf32>
    %slice3A_36 = vector.extract_strided_slice %get3A_32 {offsets = [0, 4], sizes = [448, 1], strides = [1, 1]} : vector<448x8xf32> to vector<448x1xf32>
    %iota3A = tpu.iota {dimensions = array<i32: 1>} : vector<448x256xi32>
    %mul3A = arith.constant 16 : i32
    %mul3A_37 = arith.muli %select_n3A_28, %mul3A : i32
    %and3A_38 = arith.constant 15 : i32
    %and3A_39 = vector.broadcast %and3A_38 : i32 to vector<448x256xi32>
    %and3A_40 = arith.andi %iota3A, %and3A_39 : vector<448x256xi32>
    %add3A_41 = vector.broadcast %mul3A_37 : i32 to vector<448x256xi32>
    %add3A_42 = arith.addi %add3A_41, %and3A_40 : vector<448x256xi32>
    %convert_element_type3A = arith.sitofp %add3A_42 : vector<448x256xi32> to vector<448x256xf32>
    %add3A_43 = arith.constant 5.000000e-01 : f32
    %add3A_44 = vector.broadcast %add3A_43 : f32 to vector<448x256xf32>
    %add3A_45 = arith.addf %convert_element_type3A, %add3A_44 : vector<448x256xf32>
    %mul3A_46 = arith.constant 16 : i32
    %mul3A_47 = arith.muli %select_n3A, %mul3A_46 : i32
    %shift_right_arithmetic3A = arith.constant 4 : i32
    %shift_right_arithmetic3A_48 = vector.broadcast %shift_right_arithmetic3A : i32 to vector<448x256xi32>
    %shift_right_arithmetic3A_49 = arith.shrsi %iota3A, %shift_right_arithmetic3A_48 : vector<448x256xi32>
    %add3A_50 = vector.broadcast %mul3A_47 : i32 to vector<448x256xi32>
    %add3A_51 = arith.addi %add3A_50, %shift_right_arithmetic3A_49 : vector<448x256xi32>
    %convert_element_type3A_52 = arith.sitofp %add3A_51 : vector<448x256xi32> to vector<448x256xf32>
    %add3A_53 = arith.constant 5.000000e-01 : f32
    %add3A_54 = vector.broadcast %add3A_53 : f32 to vector<448x256xf32>
    %add3A_55 = arith.addf %convert_element_type3A_52, %add3A_54 : vector<448x256xf32>
    %sub3A_56 = vector.broadcast %slice3A : vector<448x1xf32> to vector<448x256xf32>
    %sub3A_57 = arith.subf %add3A_45, %sub3A_56 : vector<448x256xf32>
    %sub3A_58 = vector.broadcast %slice3A_33 : vector<448x1xf32> to vector<448x256xf32>
    %sub3A_59 = arith.subf %add3A_55, %sub3A_58 : vector<448x256xf32>
    %mul3A_60 = vector.broadcast %slice3A_34 : vector<448x1xf32> to vector<448x256xf32>
    %mul3A_61 = arith.mulf %mul3A_60, %sub3A_57 : vector<448x256xf32>
    %mul3A_62 = vector.broadcast %slice3A_35 : vector<448x1xf32> to vector<448x256xf32>
    %mul3A_63 = arith.mulf %mul3A_62, %sub3A_59 : vector<448x256xf32>
    %add3A_64 = arith.addf %mul3A_61, %mul3A_63 : vector<448x256xf32>
    %mul3A_65 = arith.mulf %sub3A_57, %add3A_64 : vector<448x256xf32>
    %mul3A_66 = vector.broadcast %slice3A_36 : vector<448x1xf32> to vector<448x256xf32>
    %mul3A_67 = arith.mulf %mul3A_66, %sub3A_59 : vector<448x256xf32>
    %mul3A_68 = arith.mulf %mul3A_67, %sub3A_59 : vector<448x256xf32>
    %add3A_69 = arith.addf %mul3A_65, %mul3A_68 : vector<448x256xf32>
    %neg3A = arith.constant 0.000000e+00 : f32
    %neg3A_70 = vector.broadcast %neg3A : f32 to vector<448x256xf32>
    %neg3A_71 = arith.subf %neg3A_70, %add3A_69 : vector<448x256xf32>
    %exp3A = math.exp %neg3A_71 : vector<448x256xf32>
    %slice3A_72 = vector.extract_strided_slice %get3A_32 {offsets = [0, 5], sizes = [448, 3], strides = [1, 1]} : vector<448x8xf32> to vector<448x3xf32>
    %transpose3A = tpu.transpose %slice3A_72, [1, 0] : vector<448x3xf32> -> vector<3x448xf32>
    %dot_general3A = arith.constant dense<0.000000e+00> : vector<3x256xf32>
    %dot_general3A_73 = tpu.matmul %transpose3A, %exp3A, %dot_general3A {dimension_numbers = #tpu.dot_dimension_numbers<[1], [0], [0], [1], [0, 0, 1, 1], [], []>, transpose_lhs_hint = false} : vector<3x448xf32>, vector<448x256xf32>, vector<3x256xf32> -> vector<3x256xf32>
    %jit3A_74 = arith.constant 0.000000e+00 : f32
    %jit3A_75 = arith.constant 1.000000e+00 : f32
    %max3A = vector.broadcast %jit3A_74 : f32 to vector<3x256xf32>
    %max3A_76 = arith.maximumf %max3A, %dot_general3A_73 : vector<3x256xf32>
    %min3A = vector.broadcast %jit3A_75 : f32 to vector<3x256xf32>
    %min3A_77 = arith.minimumf %min3A, %max3A_76 : vector<3x256xf32>
    %swap3A = arith.constant 0 : index
    %swap3A_78 = arith.constant 0 : index
    %swap3A_79 = arith.constant 0 : index
    %swap3A_80 = vector.load %arg2[%swap3A, %swap3A_78, %swap3A_79] : memref<1x3x256xf32, #tpu.memory_space<vmem>>, vector<1x3x256xf32>
    %swap3A_81 = vector.shape_cast %swap3A_80 : vector<1x3x256xf32> to vector<3x256xf32>
    %swap3A_82 = vector.shape_cast %min3A_77 : vector<3x256xf32> to vector<1x3x256xf32>
    tpu.vector_store %arg2[%swap3A, %swap3A_78, %swap3A_79], %swap3A_82 {strides = array<i32>} : memref<1x3x256xf32, #tpu.memory_space<vmem>>, vector<1x3x256xf32>,
    return
  }
  func.func @transform_0(%arg0: i32) -> (i32, i32, i32) {
    %c0_i32 = arith.constant 0 : i32
    %c0_i32_0 = arith.constant 0 : i32
    %c0_i32_1 = arith.constant 0 : i32
    return %arg0, %c0_i32, %c0_i32_0 : i32, i32, i32
  }
  func.func @transform_1(%arg0: i32) -> (i32, i32, i32) {
    %c0_i32 = arith.constant 0 : i32
    %c0_i32_0 = arith.constant 0 : i32
    %c0_i32_1 = arith.constant 0 : i32
    return %arg0, %c0_i32, %c0_i32_0 : i32, i32, i32
  }
}

</mosaic_0001>

<sc_bundles>
// kernel: kernel.5.cloned.1.call-start
scs
__scs_entry_jumppad:
0x0: {  	(pc) =	sbr.rel $0x88, $3  }
0x1: {  	(tag) =	ssettag $0x0;
	lr =	simm.s32 $0x1  }
0x2: {  	[smem:$0x3F9D] =	sst lr;
	_ =	strace $0xD0000000  }
0x3: {  	_ = 	snop  }
0x4: {  	_ = 	snop  }
0x5: {  	_ = 	snop  }
0x6: {  	_ = 	snop  }
0x7: {  	_ = 	snop  }
__scs_overlays_trampoline_lowered:
0x8: {  	[smem:$0x3FAC] =	sst s0  }
0x9: {  	[smem:$0x3FAD] =	sst s1  }
0xa: {  	[smem:$0x3FAE] =	sst s2  }
0xb: {  	[smem:$0x3FAF] =	sst s3  }
0xc: {  	[smem:$0x3FB0] =	sst s4  }
0xd: {  	[smem:$0x3FB1] =	sst s5  }
0xe: {  	[smem:$0x3FB2] =	sst s6  }
0xf: {  	[smem:$0x3FB3] =	sst s7  }
0x10: {  	[smem:$0x3FB4] =	sst s8  }
0x11: {  	[smem:$0x3FB5] =	sst s9;
	s0 =	simm.s32 @!p0 $0x0  }
0x12: {  	s1 =	sld [smem:$0x3F9B];
	s0 =	simm.s32 @p0 $0x1  }
0x13: {  	[smem:$0x3FB6] =	sst s0;
	s0 =	simm.s32 @!p1 $0x0  }
0x14: {  	s2 =	sld [smem:$0x3F9A];
	s0 =	simm.s32 @p1 $0x1  }
0x15: {  	[smem:$0x3FB7] =	sst s0;
	s0 =	simm.s32 @!p2 $0x0  }
0x16: {  	s3 =	sld [smem:$0x3FDB];
	s0 =	simm.s32 @p2 $0x1  }
0x17: {  	s4 =	simm.s32 $0x1BF5;
	[smem:$0x3FB9] =	sst s0  }
0x18: {  	s0 =	sld [smem:$0x3F9C];
	_ =	swait.ge [sflag:s4], $0x0  }
0x19: {  	s7 =	sld [smem:$0x3F9D]  }
0x1a: {  	s8 =	sadd.s32 $0xFFFFE003, lr  }
0x1b: {  	s9 =	sadd.s32 $0xFFFFFEF7, lr;
	s5 =	simm.s32 $0xFFFFFFFF;
	p2 =	slt.u32 s8, $0xFFFFF086  }
0x1c: {  	p1 =	slt.u32 s9, $0xF7A;
	s5 =	simm.s32 @!p2 $0x0  }
0x1d: {  	s5 =	simm.s32 @p1 $0x1;
	p0 =	seq.s32 s7, s2  }
0x1e: {  	s7 =	smul.u32 @!p0 $0xF7A, s2;
	p2 =	seq.s32 @!p0 s5, $0x0  }
0x1f: {  	s9 =	smul.u32 $0xF7A, s1;
	s8 =	simm.s32 @!p0 $0x1BF5;
	p2 =	por !p2, p0  }
0x20: {  	[sflag:s8] =	ssyncset.s32 @!p0 $0xFFFFF086;
	s6 =	sadd.s32 @!p0 s3, s7;
	s7 =	simm.s32 @!p0 $0x108  }
0x21: {  	s3 =	sadd.s32 s3, s9;
	s6 =	sadd.s32 @!p0 $0x88, s6;
	s7 =	simm.s32 @p2 $0x1082  }
0x22: {  	[simem:s7], [sflag:s8] =	dma.local @!p0 [hbm:s6], $0xF7A  }
0x23: {  	s9 =	sor.u32 $0xD0000000, s2;
	s6 =	simm.s32 $0x108;
	_ =	swait.ge @!p0 [sflag:s8], $0x0  }
0x24: {  	s3 =	sadd.s32 $0x88, s3;
	s6 =	simm.s32 @!p1 $0x1082;
	[sflag:s4] =	ssyncset.s32 $0xFFFFF086  }
0x25: {  	[simem:s6], [sflag:s4] =	dma.local [hbm:s3], $0xF7A  }
0x26: {  	[smem:$0x3F9D] =	sst s1;
	(tag) =	ssettag s2;
	_ =	strace s9  }
0x27: {  	s1 =	sld [smem:$0x3FAD]  }
0x28: {  	s2 =	sld [smem:$0x3FAE]  }
0x29: {  	s4 =	sld [smem:$0x3FB0]  }
0x2a: {  	p0 =	seq.s32 s5, $0x0;
	s5 =	sld [smem:$0x3FB1]  }
0x2b: {  	s6 =	sld [smem:$0x3FB2]  }
0x2c: {  	s7 =	sld [smem:$0x3FB3]  }
0x2d: {  	s3 =	simm.s32 $0x108;
	s8 =	sld [smem:$0x3FB4]  }
0x2e: {  	s3 =	simm.s32 @!p0 $0x1082;
	s9 =	sld [smem:$0x3FB5]  }
0x2f: {  	lr =	sadd.s32 s0, s3;
	s0 =	sld [smem:$0x3FAC]  }
0x30: {  	s3 =	sld [smem:$0x3FAF]  }
0x31: {  	[smem:$0x3FB8] =	sst s10  }
0x32: {  	s10 =	sld [smem:$0x3FB6];
	_ =	sdelay $0x3  }
0x33: {  	p0 =	seq.s32 s10, $0x1;
	s10 =	sld [smem:$0x3FB8];
	_ =	sdelay $0x3  }
0x34: {  	[smem:$0x3FB8] =	sst s10  }
0x35: {  	s10 =	sld [smem:$0x3FB7];
	_ =	sdelay $0x3  }
0x36: {  	p1 =	seq.s32 s10, $0x1;
	s10 =	sld [smem:$0x3FB8];
	_ =	sdelay $0x3  }
0x37: {  	[smem:$0x3FB8] =	sst s10  }
0x38: {  	s10 =	sld [smem:$0x3FB9]  }
0x39: {  	_ = 	snop;
	(pc) =	sbr.ind lr, $3  }
0x3a: {  	_ = 	snop  }
0x3b: {  	_ = 	snop  }
0x3c: {  	p2 =	seq.s32 s10, $0x1;
	s10 =	sld [smem:$0x3FB8]  }
0x3d: {  	_ =	shalt  }
0x3e: {  	_ =	shalt  }
0x3f: {  	_ =	shalt  }
0x40: {  	_ =	shalt  }
0x41: {  	_ =	shalt  }
0x42: {  	_ =	shalt  }
0x43: {  	_ =	shalt  }
0x44: {  	_ =	shalt  }
0x45: {  	_ =	shalt  }
0x46: {  	_ =	shalt  }
0x47: {  	_ =	shalt  }
0x48: {  	_ =	shalt  }
0x49: {  	_ =	shalt  }
0x4a: {  	_ =	shalt  }
0x4b: {  	_ =	shalt  }
0x4c: {  	_ =	shalt  }
0x4d: {  	_ =	shalt  }
0x4e: {  	_ =	shalt  }
0x4f: {  	_ =	shalt  }
0x50: {  	_ =	shalt  }
0x51: {  	_ =	shalt  }
0x52: {  	_ =	shalt  }
0x53: {  	_ =	shalt  }
0x54: {  	_ =	shalt  }
0x55: {  	_ =	shalt  }
0x56: {  	_ =	shalt  }
0x57: {  	_ =	shalt  }
0x58: {  	_ =	shalt  }
0x59: {  	_ =	shalt  }
0x5a: {  	_ =	shalt  }
0x5b: {  	_ =	shalt  }
0x5c: {  	_ =	shalt  }
0x5d: {  	_ =	shalt  }
0x5e: {  	_ =	shalt  }
0x5f: {  	_ =	shalt  }
0x60: {  	_ =	shalt  }
0x61: {  	_ =	shalt  }
0x62: {  	_ =	shalt  }
0x63: {  	_ =	shalt  }
0x64: {  	_ =	shalt  }
0x65: {  	_ =	shalt  }
0x66: {  	_ =	shalt  }
0x67: {  	_ =	shalt  }
0x68: {  	_ =	shalt  }
0x69: {  	_ =	shalt  }
0x6a: {  	_ =	shalt  }
0x6b: {  	_ =	shalt  }
0x6c: {  	_ =	shalt  }
0x6d: {  	_ =	shalt  }
0x6e: {  	_ =	shalt  }
0x6f: {  	_ =	shalt  }
0x70: {  	_ =	shalt  }
0x71: {  	_ =	shalt  }
0x72: {  	_ =	shalt  }
0x73: {  	_ =	shalt  }
0x74: {  	_ =	shalt  }
0x75: {  	_ =	shalt  }
0x76: {  	_ =	shalt  }
0x77: {  	_ =	shalt  }
0x78: {  	_ =	shalt  }
0x79: {  	_ =	shalt  }
0x7a: {  	_ =	shalt  }
0x7b: {  	_ =	shalt  }
0x7c: {  	_ =	shalt  }
0x7d: {  	_ =	shalt  }
0x7e: {  	_ =	shalt  }
0x7f: {  	_ =	shalt  }
0x80: {  	_ =	shalt  }
0x81: {  	_ =	shalt  }
0x82: {  	_ =	shalt  }
0x83: {  	_ =	shalt  }
0x84: {  	_ =	shalt  }
0x85: {  	_ =	shalt  }
0x86: {  	_ =	shalt  }
0x87: {  	_ =	shalt  }
.Lfunc_end0:
.L_simem_size_0:
called_computation_lowered:
.L_overlay_start_0:
0x88: {  	s2 =	sld [smem:$0x3FD9]  }
0x89: {  	s3 =	sld [smem:$0x3FFE];
	_ =	sdelay $0x1  }
0x8a: {  	s1 =	srdreg.scid  }
0x8b: {  	s0 =	sand.u32 $0x1, s1  }
0x8c: {  	s17 =	sshll.u32 s0, $0xA;
	s2 =	sadd.s32 s3, s2  }
0x8d: {  	s2 =	sadd.s32 s2, s17  }
0x8e: {  	[smem:$0x3FC4] =	sst s2  }
0x8f: {  	_ = 	snop  }
0x90: {  	s2 =	sld [smem:$0x3FD0];
	(tm) =	ssettm $0x1  }
0x91: {  	s18 =	sld [smem:$0x3FFB];
	_ =	sdelay $0x3  }
0x92: {  	_ =	strace s18  }
0x93: {  	s3 =	sld [smem:$0x3FFC];
	_ =	sdelay $0x3  }
0x94: {  	_ =	strace s3  }
0x95: {  	s3 =	sld [smem:$0x3FFD];
	_ =	sdelay $0x3  }
0x96: {  	_ =	strace s3  }
0x97: {  	_ =	strace $0x8FFFFFFF  }
0x98: {  	s19 =	sld [smem:$0x3FDB];
	_ =	sdelay $0x1  }
0x99: {  	s4 =	simm.s32 $_scs_section_size  }
0x9a: {  	s5 =	simm.s32 $_size__tile_overlayer_lowered;
	s6 =	simm.s32 $_tile_overlayer_lowered  }
0x9b: {  	s22 =	simm.s32 $0x1BFF;
	s21 =	sshll.u32 s6, $0x1;
	s3 =	sadd.s32 s4, s19  }
0x9c: {  	s7 =	simm.s32 $0x0;
	s20 =	sshll.u32 s5, $0x1;
	s5 =	sadd.s32 s21, s3  }
0x9d: {  	[timem:s7], [sflag:s22] =	dma.local [hbm:s5], s20  }
0x9e: {  	_ =	swait.ge [sflag:s22], s20  }
0x9f: {  	s4 =	ssub.s32 $0x0, s20;
	[sflag:s22] =	ssyncset.done $0x0  }
0xa0: {  	[sflag:s22] =	ssyncadd.s32 s4;
	_ =	sdelay $0x1  }
0xa1: {  	s23 =	simm.s32 $0x1B8B  }
0xa2: {  	_ =	swait.ge [sflag:s23], $0x1  }
0xa3: {  	[sflag:s23] =	ssyncset.done $0x0  }
0xa4: {  	s25 =	simm.s32 $0x1B8E;
	s24 =	sld [smem:$0x3FFE];
	[sflag:s23] =	ssyncadd.s32 $0xFFFFFFFF  }
0xa5: {  	s26 =	simm.s32 $execute0_lowered;
	[smem:$0x3FD2] =	sst s25  }
0xa6: {  	s5 =	sshll.u32 s26, $0x1;
	_ =	strace $0x80000046;
	[dreg:$0x1] =	wrdreg $0xFFFFFFFF  }
0xa7: {  	s28 =	simm.s32 $_size_execute0_lowered;
	s3 =	sadd.s32 s3, s5;
	[dreg:$0x0] =	wrdreg $0x0  }
0xa8: {  	s5 =	sshll.u32 s28, $0x1;
	[dreg:$0x2] =	wrdreg s3  }
0xa9: {  	[dreg:$0x3] =	wrdreg s5  }
0xaa: {  	[dreg:$0x4] =	wrdreg $0xC0  }
0xab: {  	_ =	task [dreg:s7], $0x5FFFF  }
0xac: {  	[dreg:$0x1] =	wrdreg $0xFFFFFFFF  }
0xad: {  	[dreg:$0x0] =	wrdreg $0x60  }
0xae: {  	[dreg:$0x2] =	wrdreg s24  }
0xaf: {  	[dreg:$0x3] =	wrdreg s2  }
0xb0: {  	[dreg:$0x4] =	wrdreg $0x9  }
0xb1: {  	_ =	task.clear_ibuf [dreg:s7], $0x5FFFF;
	_ =	strace $0x90000046  }
0xb2: {  	s29 =	simm.s32 $0x9;
	_ =	strace $0x8000005B  }
0xb3: {  	_ =	swait.ge [sflag:s29], $0x1  }
0xb4: {  	[sflag:s29] =	ssyncadd.s32 $0xFFFFFFFF  }
0xb5: {  	_ =	strace $0x9000005B  }
0xb6: {  	_ =	sfence  }
0xb7: {  	s30 =	sld [smem:$0x0];
	_ =	sdelay $0x2  }
0xb8: {  	s31 =	sshll.u32 s1, $0xD;
	s1 =	sshrl.u32 s1, $0x2  }
0xb9: {  	s3 =	sand.u32 $0x4000, s31;
	s1 =	sadd.s32 s1, s30  }
0xba: {  	s0 =	sor.u32 s3, s0;
	s1 =	sshll.u32 s1, $0x11  }
0xbb: {  	s0 =	sor.u32 s1, s0  }
0xbc: {  	s0 =	sadd.s32 $0x8F2B, s0  }
0xbd: {  	[sflag:s0] =	ssyncadd.remote.s32 $0x1  }
0xbe: {  	_ =	sfence.sel $0xFFFF  }
0xbf: {  	[dreg:$0x0] =	wrdreg $0xFFFFFFFF;
	(pc) =	sbr.abs _section_cstart, $3  }
0xc0: {  	[dreg:$0x1] =	wrdreg $0xFFFFFFFF  }
0xc1: {  	_ =	task.clear_ibuf [dreg:s7], $0x2FFFF;
	_ =	strace $0x9FFFFFFF  }
0xc2: {  	(tm) =	ssettm $0x7FFFFFFF  }
0xc3: {  	_ =	shalt  }
tec
execute0_lowered:
.L_overlay_start_1:
0x0: {  	(tag) =	ssettag $0x1  }
0x1: {  	s0 =	srdreg.scid;
	s3 =	stileid.u32  }
0x2: {  	s1 =	sand.u32 $0x1, s0;
	s22 =	sshll.u32 s3, $0x1  }
0x3: {  	s4 =	rddreg [dreg:$0x0];
	s0 =	sor.u32 s1, s22;
	s6 =	sshll.u32 s1, $0x7  }
0x4: {  	p1 =	seq.s32 s1, $0x1;
	s7 =	scvt.s32.f32 s6;
	s8 =	sor.u32 $0x10, s6  }
0x5: {  	p0 =	seq.s32 s0, $0x0;
	s10 =	sor.u32 $0x20, s6;
	s8 =	scvt.s32.f32 s8  }
0x6: {  	s12 =	sor.u32 $0x30, s6;
	s10 =	scvt.s32.f32 s10;
	s7 =	sadd.f32 $5.000000000e-01, s7  }
0x7: {  	s14 =	sor.u32 $0x40, s6;
	s12 =	scvt.s32.f32 s12;
	s8 =	sadd.f32 $5.000000000e-01, s8  }
0x8: {  	s16 =	sor.u32 $0x50, s6;
	s14 =	scvt.s32.f32 s14;
	s10 =	sadd.f32 $5.000000000e-01, s10  }
0x9: {  	s19 =	sor.u32 $0x60, s6;
	s16 =	scvt.s32.f32 s16;
	s12 =	sadd.f32 $5.000000000e-01, s12  }
0xa: {  	v13 =	vimm.s32 $0xEDCBA987;
	s6 =	sor.u32 $0x70, s6;
	s19 =	scvt.s32.f32 s19;
	s14 =	sadd.f32 $5.000000000e-01, s14  }
0xb: {  	v18 =	vimm.s32 $0x65432100;
	v21 =	vimm.s32 $0xDCBA9876;
	p0 =	por !p0, !p1;
	s6 =	scvt.s32.f32 s6;
	s16 =	sadd.f32 $5.000000000e-01, s16  }
0xc: {  	s2 =	simm.s32 $0x1;
	v22 =	vimm.s32 $0x54321000;
	v23 =	vimm.s32 $0xBA987654;
	v24 =	vimm.s32 $0xE40000;
	p0 =	por !p0, !p0;
	s19 =	sadd.f32 $5.000000000e-01, s19  }
0xd: {  	v25 =	vimm.s32 $0x32100000;
	vm0 =	vmmov $0x3;
	vm1 =	vmmov $0xf;
	s2 =	simm.s32 @!p0 $0x0;
	s6 =	sadd.f32 $5.000000000e-01, s6  }
0xe: {  	vm2 =	vcmask $0x3F30;
	v26 =	vimm.s32 $0x5000;
	vm3 =	vcmask $0x300;
	s2 =	ssub.s32 s3, s2;
	s11 =	sadd.f32 $1.500000000e+01, s7  }
0xf: {  	v17 =	vunpack.c.l.s4.s8 v13;
	v20 =	vunpack.c.l.s4.s8 v18;
	v18 =	vimm.s32 $0x0;
	s3 =	scvt.s32.f32 s2;
	s2 =	rddreg [dreg:$0x1]  }
0x10: {  	s28 =	simm.s32 $0x104A0;
	s30 =	simm.s32 $0x10520;
	v21 =	vunpack.c.l.s4.s8 v21;
	v23 =	vunpack.c.l.s4.s8 v23;
	v24 =	vunpack.c.l.s2.s4 v24;
	s13 =	sadd.f32 $1.500000000e+01, s8  }
0x11: {  	s29 =	simm.s32 $0x0;
	s25 =	sadd.s32 $0x1000, s4;
	v22 =	vunpack.c.l.s4.s8 v22;
	v25 =	vunpack.c.l.s4.s8 v25;
	v19 =	vunpack.c.0.s8.s32 v17;
	s15 =	sadd.f32 $1.500000000e+01, s10  }
0x12: {  	s26 =	sadd.s32 $0x5600, s4;
	s1 =	ssub.s32 $0x2, s1;
	v21 =	vunpack.c.0.s8.s32 v21;
	v23 =	vunpack.c.0.s8.s32 v23;
	v24 =	vunpack.c.l.s4.s8 v24;
	s17 =	sadd.f32 $1.500000000e+01, s12  }
0x13: {  	s18 =	smul.u32 $0xE00, s0;
	s23 =	sshrl.u32 s1, $0x1;
	v20 =	vunpack.c.0.s8.s32 v20;
	v22 =	vunpack.c.0.s8.s32 v22;
	v19 =	vand.u32 $0xF, v19;
	s20 =	sadd.f32 $1.500000000e+01, s14  }
0x14: {  	s22 =	sadd.s32 $0x600, s4;
	s1 =	ssub.s32 s1, s23;
	v21 =	vand.u32 $0xF, v21;
	v23 =	vand.u32 $0xF, v23;
	v24 =	vunpack.c.0.s8.s32 v24;
	s21 =	sadd.f32 $1.500000000e+01, s16  }
0x15: {  	s23 =	simm.s32 $0xFDA0;
	s18 =	sadd.s32 s18, s4;
	v19 =	vcombine.low v20, v19;
	v20 =	vlaneseq.u32;
	v21 =	vcombine.low v22, v21;
	s24 =	sadd.f32 $1.500000000e+01, s19  }
0x16: {  	v22 =	vunpack.c.0.s8.s32 v25;
	v4 =	vmov s8;
	v6 =	vmov s10;
	s31 =	sadd.f32 $1.500000000e+01, s6;
	s8 =	sadd.s32 $0xA600, s18;
	s10 =	smax.u32 s1, $0x1  }
0x17: {  	v25 =	vimm.s32 $0x7060504;
	v2 =	vmov s7;
	v8 =	vmov s12;
	s12 =	simm.s32 $0xF000;
	s5 =	smul.f32 $1.600000000e+01, s3;
	s3 =	simm.s32 $0x0  }
0x18: {  	v24 =	vand.u32 $0x3, v24;
	v10 =	vmov s14;
	v12 =	vmov s16;
	s14 =	simm.s32 $0xA000;
	s16 =	simm.s32 $0x80;
	[smem:$0x7FF] =	sst s3  }
0x19: {  	v14 =	vmov s19;
	v16 =	vmov s6;
	s18 =	simm.s32 $0xFCA0;
	s1 =	simm.s32 $0x105A0;
	v22 =	vcombine.low v22, v23;
	s5 =	sadd.f32 $5.000000000e-01, s5  }
.Ltmp0:
0x1a: {  	v23 =	vunpack.c.0.s8.s32 v25;
	v25 =	vimm.s32 $0x4FFF;
	v3 =	vmov s11;
	_ =	strace $0x80000047;
	[dreg:$0x3] =	wrdreg s22;
	(pc) =	sbr.rel .LBB2_1-.Ltmp0, $4  }
0x1b: {  	s11 =	simm.s32 $0x2;
	v5 =	vmov s13;
	v7 =	vmov s15;
	v9 =	vmov s17;
	s13 =	simm.s32 $0x5000;
	[dreg:$0x4] =	wrdreg s25  }
0x1c: {  	v11 =	vmov s20;
	v13 =	vmov s21;
	v15 =	vmov s24;
	s15 =	simm.s32 $0xFC20;
	s17 =	simm.s32 $0x10C20;
	s9 =	sadd.f32 $1.500000000e+01, s5  }
0x1d: {  	v17 =	vmov s31;
	s20 =	simm.s32 $0xFD20;
	v23 =	vsel vm2, v23, v24;
	vm2 =	vmmov $0xff;
	[dreg:$0x5] =	wrdreg s26;
	s22 =	simm.s32 $0x40  }
0x1e: {  	v24 =	vimm.s32 $0xF;
	s25 =	simm.s32 $0x10420;
	v0 =	vmov s5;
	s5 =	simm.s32 $0x1;
	v1 =	vmov s9;
	s9 =	sadd.s32 s4, s0  }
.LBB2_19:
0x1f: {  	_ =	strace $0x90000059  }
0x20: {  	_ =	swait.ge [sflag:s5], $0x400  }
0x21: {  	[sflag:s5] =	ssyncset.done $0x0  }
0x22: {  	[sflag:s5] =	ssyncadd.s32 $0xFFFFFC00  }
0x23: {  	_ =	swait.ge [sflag:s5], $0x400  }
0x24: {  	[sflag:s5] =	ssyncset.done $0x0  }
0x25: {  	[sflag:s5] =	ssyncadd.s32 $0xFFFFFC00  }
0x26: {  	_ =	swait.ge [sflag:s5], $0x400  }
0x27: {  	[sflag:s5] =	ssyncset.done $0x0  }
0x28: {  	[sflag:s5] =	ssyncadd.s32 $0xFFFFFC00  }
0x29: {  	_ =	swait.ge [sflag:s5], $0x200  }
0x2a: {  	[sflag:s5] =	ssyncset.done $0x0  }
0x2b: {  	s7 =	simm.s32 $0x16E20;
	[sflag:s5] =	ssyncadd.s32 $0xFFFFFE00  }
0x2c: {  	[tilespmem:s7], [sflag:$0x1] =	stream.indirect.gather [hbm4b:s2+s16], $0x8, s25, s16, $0xb8;
	[tilespmem:$0x17C30] =	vst v63  }
0x2d: {  	s31 =	simm.s32 $0x17220  }
0x2e: {  	[tilespmem:s31], [sflag:$0x1] =	stream.indirect.gather [hbm4b:s2+s16], $0x8, s28, s16, $0xb8;
	[tilespmem:$0x17C30] =	vst v63  }
0x2f: {  	s31 =	simm.s32 $0x17620  }
0x30: {  	[tilespmem:s31], [sflag:$0x1] =	stream.indirect.gather [hbm4b:s2+s16], $0x8, s30, s16, $0xb8;
	[tilespmem:$0x17C30] =	vst v63  }
0x31: {  	s31 =	simm.s32 $0x17A20  }
0x32: {  	[tilespmem:s31], [sflag:$0x1] =	stream.indirect.gather [hbm4b:s2+s22], $0x8, s1, s22, $0xb8;
	[tilespmem:$0x17C30] =	vst v63  }
0x33: {  	_ =	swait.ge [sflag:s5], $0x400  }
0x34: {  	[sflag:s5] =	ssyncset.done $0x0  }
0x35: {  	[sflag:s5] =	ssyncadd.s32 $0xFFFFFC00  }
0x36: {  	p0 =	slt.s32 s0, $0x1;
	_ =	swait.ge [sflag:s5], $0x400  }
0x37: {  	p6 =	slt.s32 s19, $0x1;
	s31 =	sshra.s32 s0, $0x1F;
	[sflag:s5] =	ssyncset.done $0x0  }
0x38: {  	s7 =	sshrl.u32 s31, $0x1C;
	s31 =	sand.u32 $0xF, s0;
	[sflag:s5] =	ssyncadd.s32 $0xFFFFFC00  }
0x39: {  	p3 =	slt.s32 s24, $0x1;
	p1 =	sne.s32 s31, $0x0;
	_ =	swait.ge [sflag:s5], $0x400  }
0x3a: {  	s0 =	sadd.s32 s7, s0;
	s7 =	simm.s32 $0x1;
	[sflag:s5] =	ssyncset.done $0x0  }
0x3b: {  	s31 =	sand.u32 $0xF, s19;
	p0 =	por !p0, !p1;
	[sflag:s5] =	ssyncadd.s32 $0xFFFFFC00  }
0x3c: {  	p5 =	sne.s32 s31, $0x0;
	s31 =	sshra.s32 s19, $0x1F;
	_ =	swait.ge [sflag:s5], $0x200  }
0x3d: {  	s0 =	sshra.s32 s0, $0x4;
	p1 =	slt.s32 s21, $0x1;
	[sflag:s5] =	ssyncset.done $0x0  }
0x3e: {  	p0 =	por !p0, !p0;
	s31 =	sshrl.u32 s31, $0x1C;
	[sflag:s5] =	ssyncadd.s32 $0xFFFFFE00  }
0x3f: {  	s7 =	simm.s32 @!p0 $0x0;
	p0 =	por !p6, !p5;
	_ =	strace $0x8000005A  }
0x40: {  	s19 =	sadd.s32 s31, s19;
	s31 =	simm.s32 $0x1;
	p0 =	por !p0, !p0;
	(xrf0) =	vadd.scan.msk.s32 $0xffff, v27  }
0x41: {  	s7 =	ssub.s32 s0, s7;
	s19 =	sshra.s32 s19, $0x4;
	s31 =	simm.s32 @!p0 $0x0  }
0x42: {  	s0 =	ssub.s32 s19, s31;
	s19 =	sshra.s32 s21, $0x1F;
	s31 =	sand.u32 $0xF, s21  }
0x43: {  	p5 =	slt.s32 s26, $0x1;
	s19 =	sshrl.u32 s19, $0x1C;
	p2 =	sne.s32 s31, $0x0  }
0x44: {  	s31 =	simm.s32 $0x1;
	s19 =	sadd.s32 s19, s21;
	s21 =	sshra.s32 s24, $0x1F  }
0x45: {  	p0 =	por !p1, !p2;
	p2 =	slt.s32 s4, $0x1;
	s21 =	sshrl.u32 s21, $0x1C  }
0x46: {  	p0 =	por !p0, !p0;
	s21 =	sadd.s32 s21, s24;
	s24 =	sand.u32 $0xF, s24;
	v27, _, _ =	vpop (xrf0)  }
0x47: {  	s19 =	sshra.s32 s19, $0x4;
	s31 =	simm.s32 @!p0 $0x0;
	p4 =	sne.s32 s24, $0x0;
	(v2sf) =	vpush v27, $0xF  }
0x48: {  	s19 =	ssub.s32 s19, s31;
	s21 =	sshra.s32 s21, $0x4;
	p0 =	por !p3, !p4  }
0x49: {  	[hbm4b:s8+s3] =	stream.linear.scatter [tilespmem:s17], [sflag:$0x2], $0x7000, $0x200038;
	[tilespmem:$0x17C30] =	vst v63  }
0x4a: {  	s24 =	simm.s32 $0x1;
	s31 =	sand.u32 $0xF, s26;
	p0 =	por !p0, !p0  }
0x4b: {  	p6 =	sne.s32 s31, $0x0;
	s31 =	sshra.s32 s26, $0x1F;
	s24 =	simm.s32 @!p0 $0x0  }
0x4c: {  	p3 =	slt.s32 s6, $0x1;
	p0 =	por !p5, !p6;
	s21 =	ssub.s32 s21, s24  }
0x4d: {  	s24 =	sshrl.u32 s31, $0x1C;
	p0 =	por !p0, !p0;
	s31 =	simm.s32 $0x1  }
0x4e: {  	s24 =	sadd.s32 s24, s26;
	s31 =	simm.s32 @!p0 $0x0;
	s26 =	sand.u32 $0xF, s4  }
0x4f: {  	p1 =	sne.s32 s26, $0x0;
	s26 =	sshra.s32 s4, $0x1F;
	s24 =	sshra.s32 s24, $0x4  }
0x50: {  	s26 =	sshrl.u32 s26, $0x1C;
	p0 =	por !p2, !p1;
	s24 =	ssub.s32 s24, s31  }
0x51: {  	s4 =	sadd.s32 s26, s4;
	p0 =	por !p0, !p0;
	s26 =	simm.s32 $0x1  }
0x52: {  	s31 =	sand.u32 $0xF, s6;
	s4 =	sshra.s32 s4, $0x4;
	s26 =	simm.s32 @!p0 $0x0  }
0x53: {  	p4 =	sne.s32 s31, $0x0;
	s4 =	ssub.s32 s4, s26;
	s26 =	sshra.s32 s6, $0x1F  }
0x54: {  	p0 =	por !p3, !p4;
	s26 =	sshrl.u32 s26, $0x1C  }
0x55: {  	v27 =	vmov s7;
	p0 =	por !p0, !p0;
	s31 =	sadd.s32 s26, s6  }
0x56: {  	vm4 =	veq.s32 v20, $0x1;
	v27 =	vnsel vm3, $0x0, v27;
	s6 =	sshra.s32 s31, $0x4;
	s31 =	simm.s32 $0x1;
	s26 =	spop (v2sf)  }
0x57: {  	v27 =	vsel vm4, s0, v27;
	vm4 =	veq.s32 v20, $0x2;
	s31 =	simm.s32 @!p0 $0x0;
	s7 =	sand.u32 $0xF, s26  }
0x58: {  	v27 =	vsel vm4, s19, v27;
	vm4 =	veq.s32 v20, $0x3;
	p6 =	slt.s32 s26, $0x1;
	p5 =	sne.s32 s7, $0x0;
	s7 =	sshra.s32 s26, $0x1F  }
0x59: {  	v27 =	vsel vm4, s21, v27;
	vm4 =	veq.s32 v20, $0x4;
	s6 =	ssub.s32 s6, s31;
	s7 =	sshrl.u32 s7, $0x1C;
	p0 =	por !p6, !p5  }
0x5a: {  	v27 =	vsel vm4, s24, v27;
	vm4 =	veq.s32 v20, $0x5;
	s0 =	sadd.s32 s7, s26;
	p0 =	por !p0, !p0;
	s7 =	simm.s32 $0x1  }
0x5b: {  	v27 =	vsel vm4, s4, v27;
	vm4 =	veq.s32 v20, $0x6;
	_ =	swait.ge [sflag:s11], $0x7000;
	s0 =	sshra.s32 s0, $0x4;
	s7 =	simm.s32 @!p0 $0x0  }
0x5c: {  	s29 =	sadd.s32 $0x1, s29;
	v27 =	vsel vm4, s6, v27;
	vm4 =	veq.s32 v20, $0x7;
	[sflag:s11] =	ssyncset.done $0x0;
	s0 =	ssub.s32 s0, s7  }
0x5d: {  	[sflag:s11] =	ssyncadd.s32 $0xFFFF9000;
	p0 =	sne.s32 s29, s10;
	v27 =	vsel vm4, s0, v27  }
.Ltmp1:
0x5e: {  	s31 =	simm.s32 $0x17C20;
	_ =	strace $0x9000005A;
	[tilespmem:$0x17C20] =	vst v27;
	(pc) =	sbr.rel @!p0 .LBB2_20-.Ltmp1, $4  }
0x5f: {  	[hbm4b:s9+s3] =	stream.linear.scatter [tilespmem:s31], [sflag:$0x2], $0x8, $0x38;
	[tilespmem:$0x17C30] =	vst v63  }
0x60: {  	_ =	swait.ge [sflag:s11], $0x8  }
0x61: {  	[sflag:s11] =	ssyncset.done $0x0  }
0x62: {  	[sflag:s11] =	ssyncadd.s32 $0xFFFFFFF8  }
.LBB2_1:
0x63: {  	_ =	strace $0x80000048  }
0x64: {  	s0 =	rddreg [dreg:$0x3]  }
0x65: {  	[tilespmem:s3], [sflag:$0x2] =	stream.linear.gather [hbm4b:s0+s3], $0x5000, $0x200038;
	[tilespmem:$0x17C30] =	vst v63  }
0x66: {  	_ =	swait.ge [sflag:s11], $0x5000  }
0x67: {  	[sflag:s11] =	ssyncset.done $0x0  }
0x68: {  	s26 =	rddreg [dreg:$0x4];
	[sflag:s11] =	ssyncadd.s32 $0xFFFFB000  }
0x69: {  	[tilespmem:s13], [sflag:$0x2] =	stream.linear.gather [hbm4b:s26+s3], $0x5000, $0x200038;
	[tilespmem:$0x17C30] =	vst v63  }
0x6a: {  	_ =	swait.ge [sflag:s11], $0x5000  }
0x6b: {  	[sflag:s11] =	ssyncset.done $0x0  }
0x6c: {  	s31 =	rddreg [dreg:$0x5];
	[sflag:s11] =	ssyncadd.s32 $0xFFFFB000  }
0x6d: {  	[tilespmem:s14], [sflag:$0x2] =	stream.linear.gather [hbm4b:s31+s3], $0x5000, $0x200038;
	[tilespmem:$0x17C30] =	vst v63  }
0x6e: {  	_ =	swait.ge [sflag:s11], $0x5000  }
0x6f: {  	[sflag:s11] =	ssyncset.done $0x0  }
0x70: {  	[sflag:s11] =	ssyncadd.s32 $0xFFFFB000  }
0x71: {  	_ =	strace $0x90000048  }
0x72: {  	_ =	strace $0x80000049  }
0x73: {  	v27 =	vld [tilespmem:s13+$0x0];
	_ =	sdelay $0x4  }
0x74: {  	v28 =	vsub.f32 v0, v27;
	v27 =	vsub.f32 v27, v1  }
0x75: {  	v29 =	vld [tilespmem:s14+$0x0]  }
0x76: {  	v27 =	vmax.f32 v28, v27  }
0x77: {  	v27 =	vmax.f32 v27, $0.0e+00  }
0x78: {  	v27 =	vmul.f32 v27, v27;
	_ =	sdelay $0x1  }
0x79: {  	vm5 =	vle.f32 v27, v29  }
0x7a: {  	v27 =	vsel vm5, $0x1, v18  }
0x7b: {  	v28 =	vperm.xlane v27, v19  }
0x7c: {  	vm4 =	veq.s32 v20, $0x0  }
0x7d: {  	v28 =	vsel vm4, $0x0, v28  }
0x7e: {  	v27 =	vadd.s32 v27, v28  }
0x7f: {  	v28 =	vperm.xlane v27, v21;
	_ =	sdelay $0x1  }
0x80: {  	v28 =	vsel vm0, $0x0, v28  }
0x81: {  	v27 =	vadd.s32 v28, v27  }
0x82: {  	v28 =	vperm.xlane v27, v22;
	_ =	sdelay $0x1  }
0x83: {  	v28 =	vsel vm1, $0x0, v28  }
0x84: {  	v27 =	vadd.s32 v28, v27  }
0x85: {  	v28 =	vperm.xlane v27, v23;
	_ =	sdelay $0x1  }
0x86: {  	v28 =	vsel vm2, $0x0, v28  }
0x87: {  	v27 =	vadd.s32 v28, v27  }
0x88: {  	v28 =	vadd.s32 v27, v18  }
0x89: {  	v28 =	vadd.s32 $0xFFFFFFFF, v28;
	_ =	sdelay $0x3  }
0x8a: {  	v29 =	vor.u32 s3, v20;
	v27 =	vperm.xlane v27, v24  }
0x8b: {  	s4 =	simm.s32 $0x5010;
	[tilespmem:v28+s12+$0x0] =	vst.idx.msk vm5, v29  }
0x8c: {  	s19 =	simm.s32 $0x20;
	s6 =	simm.s32 $0xA000;
	s0 =	simm.s32 $0x10;
	v27 =	vadd.s32 v18, v27;
	v28 =	vld [tilespmem:s4+$0x0]  }
.LBB2_2:
0x8d: {  	p0 =	sne.s32 s19, $0x4FF0;
	_ =	sdelay $0x3  }
0x8e: {  	s6 =	sadd.s32 $0x10, s6;
	v29 =	vsub.f32 v0, v28;
	v28 =	vsub.f32 v28, v1  }
0x8f: {  	v30 =	vld [tilespmem:s6+$0x0]  }
0x90: {  	v28 =	vmax.f32 v29, v28  }
0x91: {  	v28 =	vmax.f32 v28, $0.0e+00  }
0x92: {  	v28 =	vmul.f32 v28, v28;
	_ =	sdelay $0x1  }
0x93: {  	vm5 =	vle.f32 v28, v30  }
0x94: {  	v28 =	vsel vm5, $0x1, v18  }
0x95: {  	v29 =	vperm.xlane v28, v19;
	_ =	sdelay $0x1  }
0x96: {  	v29 =	vsel vm4, $0x0, v29  }
0x97: {  	v28 =	vadd.s32 v28, v29  }
0x98: {  	v29 =	vperm.xlane v28, v21;
	_ =	sdelay $0x1  }
0x99: {  	v29 =	vsel vm0, $0x0, v29  }
0x9a: {  	v28 =	vadd.s32 v29, v28  }
0x9b: {  	v29 =	vperm.xlane v28, v22;
	_ =	sdelay $0x1  }
0x9c: {  	v29 =	vsel vm1, $0x0, v29  }
0x9d: {  	v28 =	vadd.s32 v29, v28  }
0x9e: {  	v29 =	vperm.xlane v28, v23;
	_ =	sdelay $0x1  }
0x9f: {  	v29 =	vsel vm2, $0x0, v29  }
0xa0: {  	v28 =	vadd.s32 v29, v28  }
0xa1: {  	v29 =	vadd.s32 v28, v27;
	v28 =	vperm.xlane v28, v24  }
0xa2: {  	v29 =	vadd.s32 $0xFFFFFFFF, v29  }
0xa3: {  	v27 =	vadd.s32 v27, v28  }
.Ltmp2:
0xa4: {  	(pc) =	sbr.rel @p0 .LBB2_2-.Ltmp2, $4  }
0xa5: {  	_ = 	snop  }
0xa6: {  	v28 =	vor.u32 s0, v20;
	s0 =	smov.u32 s19  }
0xa7: {  	s4 =	sadd.s32 $0x10, s4;
	[tilespmem:v29+s12+$0x0] =	vst.idx.msk vm5, v28  }
0xa8: {  	s19 =	sadd.s32 $0x10, s19;
	v28 =	vld [tilespmem:s4+$0x0]  }
0xa9: {  	_ =	sdelay $0x3  }
0xaa: {  	s4 =	sadd.s32 $0x10, s6;
	v29 =	vsub.f32 v0, v28;
	v28 =	vsub.f32 v28, v1  }
0xab: {  	v30 =	vld [tilespmem:s4+$0x0]  }
0xac: {  	v28 =	vmax.f32 v29, v28  }
0xad: {  	v28 =	vmax.f32 v28, $0.0e+00  }
0xae: {  	v28 =	vmul.f32 v28, v28;
	_ =	sdelay $0x1  }
0xaf: {  	vm5 =	vle.f32 v28, v30  }
0xb0: {  	v28 =	vsel vm5, $0x1, v18  }
0xb1: {  	v29 =	vperm.xlane v28, v19  }
0xb2: {  	vm4 =	veq.s32 v20, $0x0  }
0xb3: {  	v29 =	vsel vm4, $0x0, v29  }
0xb4: {  	v28 =	vadd.s32 v28, v29  }
0xb5: {  	v29 =	vperm.xlane v28, v21;
	_ =	sdelay $0x1  }
0xb6: {  	v29 =	vsel vm0, $0x0, v29  }
0xb7: {  	v28 =	vadd.s32 v29, v28  }
0xb8: {  	v29 =	vperm.xlane v28, v22;
	_ =	sdelay $0x1  }
0xb9: {  	v29 =	vsel vm1, $0x0, v29  }
0xba: {  	v28 =	vadd.s32 v29, v28  }
0xbb: {  	v29 =	vperm.xlane v28, v23;
	_ =	sdelay $0x1  }
0xbc: {  	v29 =	vsel vm2, $0x0, v29  }
0xbd: {  	v28 =	vadd.s32 v29, v28  }
0xbe: {  	v29 =	vadd.s32 v28, v27;
	v28 =	vperm.xlane v28, v24;
	_ =	sdelay $0x1  }
0xbf: {  	v29 =	vadd.s32 $0xFFFFFFFF, v29;
	v27 =	vadd.s32 v27, v28  }
0xc0: {  	v28 =	vadd.s32 v20, v27;
	_ =	sdelay $0x2  }
0xc1: {  	v30 =	vor.u32 s0, v20  }
0xc2: {  	s0 =	simm.s32 $0xF000;
	[tilespmem:v29+s12+$0x0] =	vst.idx.msk vm5, v30  }
0xc3: {  	_ =	strace $0x90000049;
	[tilespmem:v28+s0+$0x0] =	vst.idx.msk $0xffff, v25  }
0xc4: {  	_ =	strace $0x8000004A  }
0xc5: {  	(xrf0) =	vadd.scan.msk.s32 $0xffff, v27;
	_ =	sdelay $0x5  }
0xc6: {  	v27, _, _ =	vpop (xrf0)  }
0xc7: {  	(v2sf) =	vpush v27, $0xF;
	_ =	sdelay $0x4  }
0xc8: {  	[tilespmem:$0xFC20] =	vst v26  }
0xc9: {  	[tilespmem:$0xFC30] =	vst v26  }
0xca: {  	[tilespmem:$0xFC40] =	vst v26  }
0xcb: {  	[tilespmem:$0xFC50] =	vst v26  }
0xcc: {  	[tilespmem:$0xFC60] =	vst v26  }
0xcd: {  	[tilespmem:$0xFC70] =	vst v26  }
0xce: {  	[tilespmem:$0xFC80] =	vst v26  }
0xcf: {  	[tilespmem:$0xFC90] =	vst v26  }
0xd0: {  	[tilespmem:$0xFCA0] =	vst v26  }
0xd1: {  	[tilespmem:$0xFCB0] =	vst v26  }
0xd2: {  	[tilespmem:$0xFCC0] =	vst v26;
	s19 =	spop (v2sf)  }
0xd3: {  	[tilespmem:$0xFCD0] =	vst v26;
	s21 =	sand.u32 $0xF, s19  }
0xd4: {  	[tilespmem:$0xFCE0] =	vst v26;
	s7 =	sshra.s32 s19, $0x1F;
	p0 =	slt.s32 s19, $0x1;
	p1 =	sne.s32 s21, $0x0  }
0xd5: {  	[tilespmem:$0xFCF0] =	vst v26;
	s24 =	sshrl.u32 s7, $0x1C;
	p0 =	por !p0, !p1  }
0xd6: {  	s6 =	simm.s32 $0x1;
	[tilespmem:$0xFD00] =	vst v26;
	s4 =	sadd.s32 s24, s19;
	p0 =	por !p0, !p0  }
0xd7: {  	[tilespmem:$0xFD10] =	vst v26;
	s4 =	sshra.s32 s4, $0x4;
	s6 =	simm.s32 @!p0 $0x0  }
0xd8: {  	[tilespmem:$0xFD20] =	vst v26;
	s4 =	ssub.s32 s4, s6  }
0xd9: {  	[tilespmem:$0xFD30] =	vst v26;
	s6 =	sadd.s32 $0xF, s4  }
0xda: {  	[tilespmem:$0xFD40] =	vst v26;
	s26 =	sand.u32 $0xF, s6  }
0xdb: {  	[tilespmem:$0xFD50] =	vst v26;
	p5 =	slt.s32 s4, $0xFFFFFFF2;
	s31 =	sshra.s32 s6, $0x1F;
	p6 =	sne.s32 s26, $0x0  }
0xdc: {  	[tilespmem:$0xFD60] =	vst v26;
	s4 =	sshrl.u32 s31, $0x1C;
	p0 =	por !p5, !p6  }
0xdd: {  	[tilespmem:$0xFD70] =	vst v26;
	s4 =	sadd.s32 s4, s6;
	s6 =	simm.s32 $0x1;
	p0 =	por !p0, !p0  }
0xde: {  	[tilespmem:$0xFD80] =	vst v26;
	s4 =	sshra.s32 s4, $0x4;
	s6 =	simm.s32 @!p0 $0x0  }
0xdf: {  	[tilespmem:$0xFD90] =	vst v26;
	s7 =	ssub.s32 s4, s6  }
0xe0: {  	[tilespmem:$0xFDA0] =	vst v26;
	p0 =	slt.s32 s7, $0x1  }
.Ltmp3:
0xe1: {  	[tilespmem:$0xFDB0] =	vst v26;
	(pc) =	sbr.rel @p0 .LBB2_5-.Ltmp3, $4  }
0xe2: {  	[tilespmem:$0xFDC0] =	vst v26  }
0xe3: {  	[tilespmem:$0xFDD0] =	vst v26  }
0xe4: {  	_ =	strace $0x9000004A  }
0xe5: {  	v28 =	vimm.s32 $0x0;
	v27 =	vimm.s32 $0x0;
	_ =	strace $0x8000004B;
	s4 =	smov.u32 s7  }
.LBB2_4:
0xe6: {  	v29 =	vld [tilespmem:s0+$0x0];
	_ =	sdelay $0x7  }
0xe7: {  	v30 =	vld.idx.msk [tilespmem:v29+s3+$0x0], $0xffff  }
0xe8: {  	v31 =	vld.idx.msk [tilespmem:v29+s13+$0x0], $0xffff;
	_ =	sdelay $0x3  }
0xe9: {  	v32 =	vsub.f32 v2, v30;
	v30 =	vsub.f32 v30, v3  }
0xea: {  	v33 =	vsub.f32 v0, v31;
	v31 =	vsub.f32 v31, v1;
	_ =	sdelay $0x1  }
0xeb: {  	v30 =	vmax.f32 v32, v30;
	v31 =	vmax.f32 v33, v31  }
0xec: {  	v63 =	vld.idx.msk [tilespmem:v29+s14+$0x0], $0xffff;
	v30 =	vmax.f32 v30, $0.0e+00;
	v31 =	vmax.f32 v31, $0.0e+00  }
0xed: {  	v30 =	vmul.f32 v30, v30;
	v31 =	vmul.f32 v31, v31;
	_ =	sdelay $0x1  }
0xee: {  	v30 =	vadd.f32 v31, v30;
	_ =	sdelay $0x1  }
0xef: {  	vm5 =	vle.f32 v30, v63  }
0xf0: {  	v30 =	vsel vm5, $0x1, v18  }
0xf1: {  	v31 =	vperm.xlane v30, v19;
	_ =	sdelay $0x1  }
0xf2: {  	v31 =	vsel vm4, $0x0, v31  }
0xf3: {  	v30 =	vadd.s32 v30, v31  }
0xf4: {  	v31 =	vperm.xlane v30, v21;
	_ =	sdelay $0x1  }
0xf5: {  	v31 =	vsel vm0, $0x0, v31  }
0xf6: {  	v30 =	vadd.s32 v31, v30  }
0xf7: {  	v31 =	vperm.xlane v30, v22;
	_ =	sdelay $0x1  }
0xf8: {  	v31 =	vsel vm1, $0x0, v31  }
0xf9: {  	v30 =	vadd.s32 v31, v30  }
0xfa: {  	v31 =	vperm.xlane v30, v23;
	_ =	sdelay $0x1  }
0xfb: {  	v31 =	vsel vm2, $0x0, v31  }
0xfc: {  	v30 =	vadd.s32 v31, v30  }
0xfd: {  	v31 =	vadd.s32 v30, v28  }
0xfe: {  	p1 =	sne.s32 s4, $0x1;
	v31 =	vadd.s32 $0xFFFFFFFF, v31  }
.Ltmp4:
0xff: {  	_ = 	snop;
	(pc) =	sbr.rel @p1 .LBB2_4-.Ltmp4, $3  }
0x100: {  	_ = 	snop  }
0x101: {  	v30 =	vperm.xlane v30, v24;
	_ =	sdelay $0x1  }
0x102: {  	s0 =	sadd.s32 $0x10, s0;
	s4 =	sadd.s32 $0xFFFFFFFF, s4;
	v28 =	vadd.s32 v28, v30;
	[tilespmem:v31+s15+$0x0] =	vst.idx.msk vm5, v29  }
.LBB2_5:
0x103: {  	_ =	strace $0x9000004B  }
0x104: {  	[tilespmem:s17], [sflag:$0x1] =	stream.indirect.gather [hbm4b:s2+s16], $0x8, s15, s16, $0xb8;
	[tilespmem:$0x17C30] =	vst v63  }
0x105: {  	s0 =	simm.s32 $0x11020  }
0x106: {  	[tilespmem:s0], [sflag:$0x1] =	stream.indirect.gather [hbm4b:s2+s16], $0x8, s18, s16, $0xb8;
	[tilespmem:$0x17C30] =	vst v63  }
0x107: {  	s26 =	simm.s32 $0x11420  }
0x108: {  	[tilespmem:s26], [sflag:$0x1] =	stream.indirect.gather [hbm4b:s2+s16], $0x8, s20, s16, $0xb8;
	[tilespmem:$0x17C30] =	vst v63  }
0x109: {  	s31 =	simm.s32 $0x11820  }
0x10a: {  	[tilespmem:s31], [sflag:$0x1] =	stream.indirect.gather [hbm4b:s2+s22], $0x8, s23, s22, $0xb8;
	[tilespmem:$0x17C30] =	vst v63  }
0x10b: {  	_ =	strace $0x8000004C;
	[tilespmem:$0x10420] =	vst v26  }
0x10c: {  	[tilespmem:$0x10430] =	vst v26  }
0x10d: {  	[tilespmem:$0x10440] =	vst v26  }
0x10e: {  	[tilespmem:$0x10450] =	vst v26  }
0x10f: {  	[tilespmem:$0x10460] =	vst v26  }
0x110: {  	[tilespmem:$0x10470] =	vst v26;
	(xrf0) =	vadd.scan.msk.s32 $0xffff, v28  }
0x111: {  	[tilespmem:$0x10480] =	vst v26  }
0x112: {  	[tilespmem:$0x10490] =	vst v26  }
0x113: {  	[tilespmem:$0x104A0] =	vst v26  }
0x114: {  	[tilespmem:$0x104B0] =	vst v26  }
0x115: {  	[tilespmem:$0x104C0] =	vst v26  }
0x116: {  	[tilespmem:$0x104D0] =	vst v26;
	v28, _, _ =	vpop (xrf0)  }
0x117: {  	[tilespmem:$0x104E0] =	vst v26;
	(v2sf) =	vpush v28, $0xF  }
0x118: {  	[tilespmem:$0x104F0] =	vst v26  }
0x119: {  	[tilespmem:$0x10500] =	vst v26  }
0x11a: {  	[tilespmem:$0x10510] =	vst v26  }
0x11b: {  	[tilespmem:$0x10520] =	vst v26  }
0x11c: {  	[tilespmem:$0x10530] =	vst v26  }
0x11d: {  	[tilespmem:$0x10540] =	vst v26  }
0x11e: {  	[tilespmem:$0x10550] =	vst v26  }
0x11f: {  	[tilespmem:$0x10560] =	vst v26  }
0x120: {  	[tilespmem:$0x10570] =	vst v26  }
0x121: {  	[tilespmem:$0x10580] =	vst v26  }
0x122: {  	[tilespmem:$0x10590] =	vst v26  }
0x123: {  	[tilespmem:$0x105A0] =	vst v26  }
.Ltmp5:
0x124: {  	[tilespmem:$0x105B0] =	vst v26;
	(pc) =	sbr.rel @p0 .LBB2_7-.Ltmp5, $4  }
0x125: {  	[tilespmem:$0x105C0] =	vst v26  }
0x126: {  	[tilespmem:$0x105D0] =	vst v26;
	s0 =	spop (v2sf)  }
0x127: {  	_ =	strace $0x9000004C  }
0x128: {  	s4 =	simm.s32 $0xF000;
	s6 =	smov.u32 s7;
	_ =	strace $0x8000004D  }
.LBB2_6:
0x129: {  	v28 =	vld [tilespmem:s4+$0x0];
	_ =	sdelay $0x7  }
0x12a: {  	v29 =	vld.idx.msk [tilespmem:v28+s3+$0x0], $0xffff  }
0x12b: {  	v30 =	vld.idx.msk [tilespmem:v28+s13+$0x0], $0xffff;
	_ =	sdelay $0x3  }
0x12c: {  	v31 =	vsub.f32 v4, v29;
	v29 =	vsub.f32 v29, v5  }
0x12d: {  	v32 =	vsub.f32 v0, v30;
	v30 =	vsub.f32 v30, v1;
	_ =	sdelay $0x1  }
0x12e: {  	v29 =	vmax.f32 v31, v29;
	v30 =	vmax.f32 v32, v30  }
0x12f: {  	v62 =	vld.idx.msk [tilespmem:v28+s14+$0x0], $0xffff;
	v29 =	vmax.f32 v29, $0.0e+00;
	v30 =	vmax.f32 v30, $0.0e+00  }
0x130: {  	v29 =	vmul.f32 v29, v29;
	v30 =	vmul.f32 v30, v30;
	_ =	sdelay $0x1  }
0x131: {  	v29 =	vadd.f32 v30, v29;
	_ =	sdelay $0x1  }
0x132: {  	vm4 =	vle.f32 v29, v62  }
0x133: {  	v29 =	vsel vm4, $0x1, v18  }
0x134: {  	v63 =	vperm.xlane v29, v19  }
0x135: {  	vm5 =	veq.s32 v20, $0x0  }
0x136: {  	v30 =	vsel vm5, $0x0, v63  }
0x137: {  	v29 =	vadd.s32 v29, v30  }
0x138: {  	v30 =	vperm.xlane v29, v21;
	_ =	sdelay $0x1  }
0x139: {  	v30 =	vsel vm0, $0x0, v30  }
0x13a: {  	v29 =	vadd.s32 v30, v29  }
0x13b: {  	v30 =	vperm.xlane v29, v22;
	_ =	sdelay $0x1  }
0x13c: {  	v30 =	vsel vm1, $0x0, v30  }
0x13d: {  	v29 =	vadd.s32 v30, v29  }
0x13e: {  	v30 =	vperm.xlane v29, v23;
	_ =	sdelay $0x1  }
0x13f: {  	v30 =	vsel vm2, $0x0, v30  }
0x140: {  	v29 =	vadd.s32 v30, v29  }
0x141: {  	v30 =	vadd.s32 v29, v27  }
0x142: {  	p1 =	sne.s32 s6, $0x1;
	v30 =	vadd.s32 $0xFFFFFFFF, v30  }
.Ltmp6:
0x143: {  	_ = 	snop;
	(pc) =	sbr.rel @p1 .LBB2_6-.Ltmp6, $3  }
0x144: {  	_ = 	snop  }
0x145: {  	v29 =	vperm.xlane v29, v24;
	_ =	sdelay $0x1  }
0x146: {  	s4 =	sadd.s32 $0x10, s4;
	s6 =	sadd.s32 $0xFFFFFFFF, s6;
	v27 =	vadd.s32 v27, v29;
	[tilespmem:v30+s25+$0x0] =	vst.idx.msk vm4, v28  }
.LBB2_7:
0x147: {  	_ =	strace $0x9000004D  }
0x148: {  	_ =	swait.ge [sflag:s5], $0x400  }
0x149: {  	[sflag:s5] =	ssyncset.done $0x0  }
0x14a: {  	[sflag:s5] =	ssyncadd.s32 $0xFFFFFC00  }
0x14b: {  	_ =	swait.ge [sflag:s5], $0x400  }
0x14c: {  	[sflag:s5] =	ssyncset.done $0x0  }
0x14d: {  	[sflag:s5] =	ssyncadd.s32 $0xFFFFFC00  }
0x14e: {  	_ =	swait.ge [sflag:s5], $0x400  }
0x14f: {  	[sflag:s5] =	ssyncset.done $0x0  }
0x150: {  	[sflag:s5] =	ssyncadd.s32 $0xFFFFFC00  }
0x151: {  	_ =	swait.ge [sflag:s5], $0x200  }
0x152: {  	[sflag:s5] =	ssyncset.done $0x0  }
0x153: {  	s4 =	simm.s32 $0x11A20;
	[sflag:s5] =	ssyncadd.s32 $0xFFFFFE00  }
0x154: {  	[tilespmem:s4], [sflag:$0x1] =	stream.indirect.gather [hbm4b:s2+s16], $0x8, s25, s16, $0xb8;
	[tilespmem:$0x17C30] =	vst v63  }
0x155: {  	s24 =	simm.s32 $0x11E20  }
0x156: {  	[tilespmem:s24], [sflag:$0x1] =	stream.indirect.gather [hbm4b:s2+s16], $0x8, s28, s16, $0xb8;
	[tilespmem:$0x17C30] =	vst v63  }
0x157: {  	s26 =	simm.s32 $0x12220  }
0x158: {  	[tilespmem:s26], [sflag:$0x1] =	stream.indirect.gather [hbm4b:s2+s16], $0x8, s30, s16, $0xb8;
	[tilespmem:$0x17C30] =	vst v63  }
0x159: {  	s31 =	simm.s32 $0x12620  }
0x15a: {  	[tilespmem:s31], [sflag:$0x1] =	stream.indirect.gather [hbm4b:s2+s22], $0x8, s1, s22, $0xb8;
	[tilespmem:$0x17C30] =	vst v63  }
0x15b: {  	_ =	strace $0x8000004E;
	[tilespmem:$0xFC20] =	vst v26  }
0x15c: {  	[tilespmem:$0xFC30] =	vst v26  }
0x15d: {  	[tilespmem:$0xFC40] =	vst v26  }
0x15e: {  	[tilespmem:$0xFC50] =	vst v26  }
0x15f: {  	[tilespmem:$0xFC60] =	vst v26  }
0x160: {  	[tilespmem:$0xFC70] =	vst v26;
	(xrf0) =	vadd.scan.msk.s32 $0xffff, v27  }
0x161: {  	[tilespmem:$0xFC80] =	vst v26  }
0x162: {  	[tilespmem:$0xFC90] =	vst v26  }
0x163: {  	[tilespmem:$0xFCA0] =	vst v26  }
0x164: {  	[tilespmem:$0xFCB0] =	vst v26  }
0x165: {  	[tilespmem:$0xFCC0] =	vst v26  }
0x166: {  	[tilespmem:$0xFCD0] =	vst v26;
	v27, _, _ =	vpop (xrf0)  }
0x167: {  	[tilespmem:$0xFCE0] =	vst v26;
	(v2sf) =	vpush v27, $0xF  }
0x168: {  	[tilespmem:$0xFCF0] =	vst v26  }
0x169: {  	[tilespmem:$0xFD00] =	vst v26  }
0x16a: {  	[tilespmem:$0xFD10] =	vst v26  }
0x16b: {  	[tilespmem:$0xFD20] =	vst v26  }
0x16c: {  	[tilespmem:$0xFD30] =	vst v26  }
0x16d: {  	[tilespmem:$0xFD40] =	vst v26  }
0x16e: {  	[tilespmem:$0xFD50] =	vst v26  }
0x16f: {  	[tilespmem:$0xFD60] =	vst v26  }
0x170: {  	[tilespmem:$0xFD70] =	vst v26  }
0x171: {  	[tilespmem:$0xFD80] =	vst v26  }
0x172: {  	[tilespmem:$0xFD90] =	vst v26  }
0x173: {  	[tilespmem:$0xFDA0] =	vst v26  }
.Ltmp7:
0x174: {  	[tilespmem:$0xFDB0] =	vst v26;
	(pc) =	sbr.rel @p0 .LBB2_9-.Ltmp7, $4  }
0x175: {  	[tilespmem:$0xFDC0] =	vst v26  }
0x176: {  	[tilespmem:$0xFDD0] =	vst v26;
	s19 =	spop (v2sf)  }
0x177: {  	_ =	strace $0x9000004E  }
0x178: {  	s6 =	smov.u32 s7;
	v28 =	vimm.s32 $0x0;
	s4 =	simm.s32 $0xF000;
	v27 =	vimm.s32 $0x0;
	_ =	strace $0x8000004F  }
.LBB2_8:
0x179: {  	v29 =	vld [tilespmem:s4+$0x0];
	_ =	sdelay $0x7  }
0x17a: {  	v30 =	vld.idx.msk [tilespmem:v29+s3+$0x0], $0xffff  }
0x17b: {  	v31 =	vld.idx.msk [tilespmem:v29+s13+$0x0], $0xffff;
	_ =	sdelay $0x3  }
0x17c: {  	v32 =	vsub.f32 v6, v30;
	v30 =	vsub.f32 v30, v7  }
0x17d: {  	v33 =	vsub.f32 v0, v31;
	v31 =	vsub.f32 v31, v1;
	_ =	sdelay $0x1  }
0x17e: {  	v30 =	vmax.f32 v32, v30;
	v31 =	vmax.f32 v33, v31  }
0x17f: {  	v63 =	vld.idx.msk [tilespmem:v29+s14+$0x0], $0xffff;
	v30 =	vmax.f32 v30, $0.0e+00;
	v31 =	vmax.f32 v31, $0.0e+00  }
0x180: {  	v30 =	vmul.f32 v30, v30;
	v31 =	vmul.f32 v31, v31;
	_ =	sdelay $0x1  }
0x181: {  	v30 =	vadd.f32 v31, v30;
	_ =	sdelay $0x1  }
0x182: {  	vm4 =	vle.f32 v30, v63  }
0x183: {  	v30 =	vsel vm4, $0x1, v18  }
0x184: {  	v31 =	vperm.xlane v30, v19  }
0x185: {  	vm5 =	veq.s32 v20, $0x0  }
0x186: {  	v31 =	vsel vm5, $0x0, v31  }
0x187: {  	v30 =	vadd.s32 v30, v31  }
0x188: {  	v31 =	vperm.xlane v30, v21;
	_ =	sdelay $0x1  }
0x189: {  	v31 =	vsel vm0, $0x0, v31  }
0x18a: {  	v30 =	vadd.s32 v31, v30  }
0x18b: {  	v31 =	vperm.xlane v30, v22;
	_ =	sdelay $0x1  }
0x18c: {  	v31 =	vsel vm1, $0x0, v31  }
0x18d: {  	v30 =	vadd.s32 v31, v30  }
0x18e: {  	v31 =	vperm.xlane v30, v23;
	_ =	sdelay $0x1  }
0x18f: {  	v31 =	vsel vm2, $0x0, v31  }
0x190: {  	v30 =	vadd.s32 v31, v30  }
0x191: {  	v31 =	vadd.s32 v30, v28  }
0x192: {  	p1 =	sne.s32 s6, $0x1;
	v31 =	vadd.s32 $0xFFFFFFFF, v31  }
.Ltmp8:
0x193: {  	_ = 	snop;
	(pc) =	sbr.rel @p1 .LBB2_8-.Ltmp8, $3  }
0x194: {  	_ = 	snop  }
0x195: {  	v30 =	vperm.xlane v30, v24;
	_ =	sdelay $0x1  }
0x196: {  	s4 =	sadd.s32 $0x10, s4;
	s6 =	sadd.s32 $0xFFFFFFFF, s6;
	v28 =	vadd.s32 v28, v30;
	[tilespmem:v31+s15+$0x0] =	vst.idx.msk vm4, v29  }
.LBB2_9:
0x197: {  	_ =	strace $0x9000004F  }
0x198: {  	_ =	swait.ge [sflag:s5], $0x400  }
0x199: {  	[sflag:s5] =	ssyncset.done $0x0  }
0x19a: {  	[sflag:s5] =	ssyncadd.s32 $0xFFFFFC00  }
0x19b: {  	_ =	swait.ge [sflag:s5], $0x400  }
0x19c: {  	[sflag:s5] =	ssyncset.done $0x0  }
0x19d: {  	[sflag:s5] =	ssyncadd.s32 $0xFFFFFC00  }
0x19e: {  	_ =	swait.ge [sflag:s5], $0x400  }
0x19f: {  	[sflag:s5] =	ssyncset.done $0x0  }
0x1a0: {  	[sflag:s5] =	ssyncadd.s32 $0xFFFFFC00  }
0x1a1: {  	_ =	swait.ge [sflag:s5], $0x200  }
0x1a2: {  	[sflag:s5] =	ssyncset.done $0x0  }
0x1a3: {  	s4 =	simm.s32 $0x12820;
	[sflag:s5] =	ssyncadd.s32 $0xFFFFFE00  }
0x1a4: {  	[tilespmem:s4], [sflag:$0x1] =	stream.indirect.gather [hbm4b:s2+s16], $0x8, s15, s16, $0xb8;
	[tilespmem:$0x17C30] =	vst v63  }
0x1a5: {  	s24 =	simm.s32 $0x12C20  }
0x1a6: {  	[tilespmem:s24], [sflag:$0x1] =	stream.indirect.gather [hbm4b:s2+s16], $0x8, s18, s16, $0xb8;
	[tilespmem:$0x17C30] =	vst v63  }
0x1a7: {  	s26 =	simm.s32 $0x13020  }
0x1a8: {  	[tilespmem:s26], [sflag:$0x1] =	stream.indirect.gather [hbm4b:s2+s16], $0x8, s20, s16, $0xb8;
	[tilespmem:$0x17C30] =	vst v63  }
0x1a9: {  	s31 =	simm.s32 $0x13420  }
0x1aa: {  	[tilespmem:s31], [sflag:$0x1] =	stream.indirect.gather [hbm4b:s2+s22], $0x8, s23, s22, $0xb8;
	[tilespmem:$0x17C30] =	vst v63  }
0x1ab: {  	_ =	strace $0x80000050;
	[tilespmem:$0x10420] =	vst v26  }
0x1ac: {  	[tilespmem:$0x10430] =	vst v26  }
0x1ad: {  	[tilespmem:$0x10440] =	vst v26  }
0x1ae: {  	[tilespmem:$0x10450] =	vst v26  }
0x1af: {  	[tilespmem:$0x10460] =	vst v26  }
0x1b0: {  	[tilespmem:$0x10470] =	vst v26;
	(xrf0) =	vadd.scan.msk.s32 $0xffff, v28  }
0x1b1: {  	[tilespmem:$0x10480] =	vst v26  }
0x1b2: {  	[tilespmem:$0x10490] =	vst v26  }
0x1b3: {  	[tilespmem:$0x104A0] =	vst v26  }
0x1b4: {  	[tilespmem:$0x104B0] =	vst v26  }
0x1b5: {  	[tilespmem:$0x104C0] =	vst v26  }
0x1b6: {  	[tilespmem:$0x104D0] =	vst v26;
	v28, _, _ =	vpop (xrf0)  }
0x1b7: {  	[tilespmem:$0x104E0] =	vst v26;
	(v2sf) =	vpush v28, $0xF  }
0x1b8: {  	[tilespmem:$0x104F0] =	vst v26  }
0x1b9: {  	[tilespmem:$0x10500] =	vst v26  }
0x1ba: {  	[tilespmem:$0x10510] =	vst v26  }
0x1bb: {  	[tilespmem:$0x10520] =	vst v26  }
0x1bc: {  	[tilespmem:$0x10530] =	vst v26  }
0x1bd: {  	[tilespmem:$0x10540] =	vst v26  }
0x1be: {  	[tilespmem:$0x10550] =	vst v26  }
0x1bf: {  	[tilespmem:$0x10560] =	vst v26  }
0x1c0: {  	[tilespmem:$0x10570] =	vst v26  }
0x1c1: {  	[tilespmem:$0x10580] =	vst v26  }
0x1c2: {  	[tilespmem:$0x10590] =	vst v26  }
0x1c3: {  	[tilespmem:$0x105A0] =	vst v26  }
.Ltmp9:
0x1c4: {  	[tilespmem:$0x105B0] =	vst v26;
	(pc) =	sbr.rel @p0 .LBB2_11-.Ltmp9, $4  }
0x1c5: {  	[tilespmem:$0x105C0] =	vst v26  }
0x1c6: {  	[tilespmem:$0x105D0] =	vst v26;
	s21 =	spop (v2sf)  }
0x1c7: {  	_ =	strace $0x90000050  }
0x1c8: {  	s6 =	smov.u32 s7;
	s4 =	simm.s32 $0xF000;
	_ =	strace $0x80000051  }
.LBB2_10:
0x1c9: {  	v28 =	vld [tilespmem:s4+$0x0];
	_ =	sdelay $0x7  }
0x1ca: {  	v29 =	vld.idx.msk [tilespmem:v28+s3+$0x0], $0xffff  }
0x1cb: {  	v30 =	vld.idx.msk [tilespmem:v28+s13+$0x0], $0xffff;
	_ =	sdelay $0x3  }
0x1cc: {  	v31 =	vsub.f32 v8, v29;
	v29 =	vsub.f32 v29, v9  }
0x1cd: {  	v32 =	vsub.f32 v0, v30;
	v30 =	vsub.f32 v30, v1;
	_ =	sdelay $0x1  }
0x1ce: {  	v29 =	vmax.f32 v31, v29;
	v30 =	vmax.f32 v32, v30  }
0x1cf: {  	v62 =	vld.idx.msk [tilespmem:v28+s14+$0x0], $0xffff;
	v29 =	vmax.f32 v29, $0.0e+00;
	v30 =	vmax.f32 v30, $0.0e+00  }
0x1d0: {  	v29 =	vmul.f32 v29, v29;
	v30 =	vmul.f32 v30, v30;
	_ =	sdelay $0x1  }
0x1d1: {  	v29 =	vadd.f32 v30, v29;
	_ =	sdelay $0x1  }
0x1d2: {  	vm4 =	vle.f32 v29, v62  }
0x1d3: {  	v29 =	vsel vm4, $0x1, v18  }
0x1d4: {  	v63 =	vperm.xlane v29, v19  }
0x1d5: {  	vm5 =	veq.s32 v20, $0x0  }
0x1d6: {  	v30 =	vsel vm5, $0x0, v63  }
0x1d7: {  	v29 =	vadd.s32 v29, v30  }
0x1d8: {  	v30 =	vperm.xlane v29, v21;
	_ =	sdelay $0x1  }
0x1d9: {  	v30 =	vsel vm0, $0x0, v30  }
0x1da: {  	v29 =	vadd.s32 v30, v29  }
0x1db: {  	v30 =	vperm.xlane v29, v22;
	_ =	sdelay $0x1  }
0x1dc: {  	v30 =	vsel vm1, $0x0, v30  }
0x1dd: {  	v29 =	vadd.s32 v30, v29  }
0x1de: {  	v30 =	vperm.xlane v29, v23;
	_ =	sdelay $0x1  }
0x1df: {  	v30 =	vsel vm2, $0x0, v30  }
0x1e0: {  	v29 =	vadd.s32 v30, v29  }
0x1e1: {  	v30 =	vadd.s32 v29, v27  }
0x1e2: {  	p1 =	sne.s32 s6, $0x1;
	v30 =	vadd.s32 $0xFFFFFFFF, v30  }
.Ltmp10:
0x1e3: {  	_ = 	snop;
	(pc) =	sbr.rel @p1 .LBB2_10-.Ltmp10, $3  }
0x1e4: {  	_ = 	snop  }
0x1e5: {  	v29 =	vperm.xlane v29, v24;
	_ =	sdelay $0x1  }
0x1e6: {  	s4 =	sadd.s32 $0x10, s4;
	s6 =	sadd.s32 $0xFFFFFFFF, s6;
	v27 =	vadd.s32 v27, v29;
	[tilespmem:v30+s25+$0x0] =	vst.idx.msk vm4, v28  }
.LBB2_11:
0x1e7: {  	_ =	strace $0x90000051  }
0x1e8: {  	_ =	swait.ge [sflag:s5], $0x400  }
0x1e9: {  	[sflag:s5] =	ssyncset.done $0x0  }
0x1ea: {  	[sflag:s5] =	ssyncadd.s32 $0xFFFFFC00  }
0x1eb: {  	_ =	swait.ge [sflag:s5], $0x400  }
0x1ec: {  	[sflag:s5] =	ssyncset.done $0x0  }
0x1ed: {  	[sflag:s5] =	ssyncadd.s32 $0xFFFFFC00  }
0x1ee: {  	_ =	swait.ge [sflag:s5], $0x400  }
0x1ef: {  	[sflag:s5] =	ssyncset.done $0x0  }
0x1f0: {  	[sflag:s5] =	ssyncadd.s32 $0xFFFFFC00  }
0x1f1: {  	_ =	swait.ge [sflag:s5], $0x200  }
0x1f2: {  	[sflag:s5] =	ssyncset.done $0x0  }
0x1f3: {  	s4 =	simm.s32 $0x13620;
	[sflag:s5] =	ssyncadd.s32 $0xFFFFFE00  }
0x1f4: {  	[tilespmem:s4], [sflag:$0x1] =	stream.indirect.gather [hbm4b:s2+s16], $0x8, s25, s16, $0xb8;
	[tilespmem:$0x17C30] =	vst v63  }
0x1f5: {  	s24 =	simm.s32 $0x13A20  }
0x1f6: {  	[tilespmem:s24], [sflag:$0x1] =	stream.indirect.gather [hbm4b:s2+s16], $0x8, s28, s16, $0xb8;
	[tilespmem:$0x17C30] =	vst v63  }
0x1f7: {  	s26 =	simm.s32 $0x13E20  }
0x1f8: {  	[tilespmem:s26], [sflag:$0x1] =	stream.indirect.gather [hbm4b:s2+s16], $0x8, s30, s16, $0xb8;
	[tilespmem:$0x17C30] =	vst v63  }
0x1f9: {  	s31 =	simm.s32 $0x14220  }
0x1fa: {  	[tilespmem:s31], [sflag:$0x1] =	stream.indirect.gather [hbm4b:s2+s22], $0x8, s1, s22, $0xb8;
	[tilespmem:$0x17C30] =	vst v63  }
0x1fb: {  	_ =	strace $0x80000052;
	[tilespmem:$0xFC20] =	vst v26  }
0x1fc: {  	[tilespmem:$0xFC30] =	vst v26  }
0x1fd: {  	[tilespmem:$0xFC40] =	vst v26  }
0x1fe: {  	[tilespmem:$0xFC50] =	vst v26  }
0x1ff: {  	[tilespmem:$0xFC60] =	vst v26  }
0x200: {  	[tilespmem:$0xFC70] =	vst v26;
	(xrf0) =	vadd.scan.msk.s32 $0xffff, v27  }
0x201: {  	[tilespmem:$0xFC80] =	vst v26  }
0x202: {  	[tilespmem:$0xFC90] =	vst v26  }
0x203: {  	[tilespmem:$0xFCA0] =	vst v26  }
0x204: {  	[tilespmem:$0xFCB0] =	vst v26  }
0x205: {  	[tilespmem:$0xFCC0] =	vst v26  }
0x206: {  	[tilespmem:$0xFCD0] =	vst v26;
	v27, _, _ =	vpop (xrf0)  }
0x207: {  	[tilespmem:$0xFCE0] =	vst v26;
	(v2sf) =	vpush v27, $0xF  }
0x208: {  	[tilespmem:$0xFCF0] =	vst v26  }
0x209: {  	[tilespmem:$0xFD00] =	vst v26  }
0x20a: {  	[tilespmem:$0xFD10] =	vst v26  }
0x20b: {  	[tilespmem:$0xFD20] =	vst v26  }
0x20c: {  	[tilespmem:$0xFD30] =	vst v26  }
0x20d: {  	[tilespmem:$0xFD40] =	vst v26  }
0x20e: {  	[tilespmem:$0xFD50] =	vst v26  }
0x20f: {  	[tilespmem:$0xFD60] =	vst v26  }
0x210: {  	[tilespmem:$0xFD70] =	vst v26  }
0x211: {  	[tilespmem:$0xFD80] =	vst v26  }
0x212: {  	[tilespmem:$0xFD90] =	vst v26  }
0x213: {  	[tilespmem:$0xFDA0] =	vst v26  }
.Ltmp11:
0x214: {  	[tilespmem:$0xFDB0] =	vst v26;
	(pc) =	sbr.rel @p0 .LBB2_13-.Ltmp11, $4  }
0x215: {  	[tilespmem:$0xFDC0] =	vst v26  }
0x216: {  	[tilespmem:$0xFDD0] =	vst v26;
	s24 =	spop (v2sf)  }
0x217: {  	_ =	strace $0x90000052  }
0x218: {  	s6 =	smov.u32 s7;
	v28 =	vimm.s32 $0x0;
	s4 =	simm.s32 $0xF000;
	v27 =	vimm.s32 $0x0;
	_ =	strace $0x80000053  }
.LBB2_12:
0x219: {  	v29 =	vld [tilespmem:s4+$0x0];
	_ =	sdelay $0x7  }
0x21a: {  	v30 =	vld.idx.msk [tilespmem:v29+s3+$0x0], $0xffff  }
0x21b: {  	v31 =	vld.idx.msk [tilespmem:v29+s13+$0x0], $0xffff;
	_ =	sdelay $0x3  }
0x21c: {  	v32 =	vsub.f32 v10, v30;
	v30 =	vsub.f32 v30, v11  }
0x21d: {  	v33 =	vsub.f32 v0, v31;
	v31 =	vsub.f32 v31, v1;
	_ =	sdelay $0x1  }
0x21e: {  	v30 =	vmax.f32 v32, v30;
	v31 =	vmax.f32 v33, v31  }
0x21f: {  	v63 =	vld.idx.msk [tilespmem:v29+s14+$0x0], $0xffff;
	v30 =	vmax.f32 v30, $0.0e+00;
	v31 =	vmax.f32 v31, $0.0e+00  }
0x220: {  	v30 =	vmul.f32 v30, v30;
	v31 =	vmul.f32 v31, v31;
	_ =	sdelay $0x1  }
0x221: {  	v30 =	vadd.f32 v31, v30;
	_ =	sdelay $0x1  }
0x222: {  	vm4 =	vle.f32 v30, v63  }
0x223: {  	v30 =	vsel vm4, $0x1, v18  }
0x224: {  	v31 =	vperm.xlane v30, v19  }
0x225: {  	vm5 =	veq.s32 v20, $0x0  }
0x226: {  	v31 =	vsel vm5, $0x0, v31  }
0x227: {  	v30 =	vadd.s32 v30, v31  }
0x228: {  	v31 =	vperm.xlane v30, v21;
	_ =	sdelay $0x1  }
0x229: {  	v31 =	vsel vm0, $0x0, v31  }
0x22a: {  	v30 =	vadd.s32 v31, v30  }
0x22b: {  	v31 =	vperm.xlane v30, v22;
	_ =	sdelay $0x1  }
0x22c: {  	v31 =	vsel vm1, $0x0, v31  }
0x22d: {  	v30 =	vadd.s32 v31, v30  }
0x22e: {  	v31 =	vperm.xlane v30, v23;
	_ =	sdelay $0x1  }
0x22f: {  	v31 =	vsel vm2, $0x0, v31  }
0x230: {  	v30 =	vadd.s32 v31, v30  }
0x231: {  	v31 =	vadd.s32 v30, v28  }
0x232: {  	p1 =	sne.s32 s6, $0x1;
	v31 =	vadd.s32 $0xFFFFFFFF, v31  }
.Ltmp12:
0x233: {  	_ = 	snop;
	(pc) =	sbr.rel @p1 .LBB2_12-.Ltmp12, $3  }
0x234: {  	_ = 	snop  }
0x235: {  	v30 =	vperm.xlane v30, v24;
	_ =	sdelay $0x1  }
0x236: {  	s4 =	sadd.s32 $0x10, s4;
	s6 =	sadd.s32 $0xFFFFFFFF, s6;
	v28 =	vadd.s32 v28, v30;
	[tilespmem:v31+s15+$0x0] =	vst.idx.msk vm4, v29  }
.LBB2_13:
0x237: {  	_ =	strace $0x90000053  }
0x238: {  	_ =	swait.ge [sflag:s5], $0x400  }
0x239: {  	[sflag:s5] =	ssyncset.done $0x0  }
0x23a: {  	[sflag:s5] =	ssyncadd.s32 $0xFFFFFC00  }
0x23b: {  	_ =	swait.ge [sflag:s5], $0x400  }
0x23c: {  	[sflag:s5] =	ssyncset.done $0x0  }
0x23d: {  	[sflag:s5] =	ssyncadd.s32 $0xFFFFFC00  }
0x23e: {  	_ =	swait.ge [sflag:s5], $0x400  }
0x23f: {  	[sflag:s5] =	ssyncset.done $0x0  }
0x240: {  	[sflag:s5] =	ssyncadd.s32 $0xFFFFFC00  }
0x241: {  	_ =	swait.ge [sflag:s5], $0x200  }
0x242: {  	[sflag:s5] =	ssyncset.done $0x0  }
0x243: {  	s4 =	simm.s32 $0x14420;
	[sflag:s5] =	ssyncadd.s32 $0xFFFFFE00  }
0x244: {  	[tilespmem:s4], [sflag:$0x1] =	stream.indirect.gather [hbm4b:s2+s16], $0x8, s15, s16, $0xb8;
	[tilespmem:$0x17C30] =	vst v63  }
0x245: {  	s6 =	simm.s32 $0x14820  }
0x246: {  	[tilespmem:s6], [sflag:$0x1] =	stream.indirect.gather [hbm4b:s2+s16], $0x8, s18, s16, $0xb8;
	[tilespmem:$0x17C30] =	vst v63  }
0x247: {  	s26 =	simm.s32 $0x14C20  }
0x248: {  	[tilespmem:s26], [sflag:$0x1] =	stream.indirect.gather [hbm4b:s2+s16], $0x8, s20, s16, $0xb8;
	[tilespmem:$0x17C30] =	vst v63  }
0x249: {  	s31 =	simm.s32 $0x15020  }
0x24a: {  	[tilespmem:s31], [sflag:$0x1] =	stream.indirect.gather [hbm4b:s2+s22], $0x8, s23, s22, $0xb8;
	[tilespmem:$0x17C30] =	vst v63  }
0x24b: {  	_ =	strace $0x80000054;
	[tilespmem:$0x10420] =	vst v26  }
0x24c: {  	[tilespmem:$0x10430] =	vst v26  }
0x24d: {  	[tilespmem:$0x10440] =	vst v26  }
0x24e: {  	[tilespmem:$0x10450] =	vst v26  }
0x24f: {  	[tilespmem:$0x10460] =	vst v26  }
0x250: {  	[tilespmem:$0x10470] =	vst v26;
	(xrf0) =	vadd.scan.msk.s32 $0xffff, v28  }
0x251: {  	[tilespmem:$0x10480] =	vst v26  }
0x252: {  	[tilespmem:$0x10490] =	vst v26  }
0x253: {  	[tilespmem:$0x104A0] =	vst v26  }
0x254: {  	[tilespmem:$0x104B0] =	vst v26  }
0x255: {  	[tilespmem:$0x104C0] =	vst v26  }
0x256: {  	[tilespmem:$0x104D0] =	vst v26;
	v28, _, _ =	vpop (xrf0)  }
0x257: {  	[tilespmem:$0x104E0] =	vst v26;
	(v2sf) =	vpush v28, $0xF  }
0x258: {  	[tilespmem:$0x104F0] =	vst v26  }
0x259: {  	[tilespmem:$0x10500] =	vst v26  }
0x25a: {  	[tilespmem:$0x10510] =	vst v26  }
0x25b: {  	[tilespmem:$0x10520] =	vst v26  }
0x25c: {  	[tilespmem:$0x10530] =	vst v26  }
0x25d: {  	[tilespmem:$0x10540] =	vst v26  }
0x25e: {  	[tilespmem:$0x10550] =	vst v26  }
0x25f: {  	[tilespmem:$0x10560] =	vst v26  }
0x260: {  	[tilespmem:$0x10570] =	vst v26  }
0x261: {  	[tilespmem:$0x10580] =	vst v26  }
0x262: {  	[tilespmem:$0x10590] =	vst v26  }
0x263: {  	[tilespmem:$0x105A0] =	vst v26  }
.Ltmp13:
0x264: {  	[tilespmem:$0x105B0] =	vst v26;
	(pc) =	sbr.rel @p0 .LBB2_15-.Ltmp13, $4  }
0x265: {  	[tilespmem:$0x105C0] =	vst v26  }
0x266: {  	[tilespmem:$0x105D0] =	vst v26;
	s26 =	spop (v2sf)  }
0x267: {  	_ =	strace $0x90000054  }
0x268: {  	s4 =	simm.s32 $0xF000;
	s6 =	smov.u32 s7;
	_ =	strace $0x80000055  }
.LBB2_14:
0x269: {  	v28 =	vld [tilespmem:s4+$0x0];
	_ =	sdelay $0x7  }
0x26a: {  	v29 =	vld.idx.msk [tilespmem:v28+s3+$0x0], $0xffff  }
0x26b: {  	v30 =	vld.idx.msk [tilespmem:v28+s13+$0x0], $0xffff;
	_ =	sdelay $0x3  }
0x26c: {  	v31 =	vsub.f32 v12, v29;
	v29 =	vsub.f32 v29, v13  }
0x26d: {  	v32 =	vsub.f32 v0, v30;
	v30 =	vsub.f32 v30, v1;
	_ =	sdelay $0x1  }
0x26e: {  	v29 =	vmax.f32 v31, v29;
	v30 =	vmax.f32 v32, v30  }
0x26f: {  	v62 =	vld.idx.msk [tilespmem:v28+s14+$0x0], $0xffff;
	v29 =	vmax.f32 v29, $0.0e+00;
	v30 =	vmax.f32 v30, $0.0e+00  }
0x270: {  	v29 =	vmul.f32 v29, v29;
	v30 =	vmul.f32 v30, v30;
	_ =	sdelay $0x1  }
0x271: {  	v29 =	vadd.f32 v30, v29;
	_ =	sdelay $0x1  }
0x272: {  	vm4 =	vle.f32 v29, v62  }
0x273: {  	v29 =	vsel vm4, $0x1, v18  }
0x274: {  	v63 =	vperm.xlane v29, v19  }
0x275: {  	vm5 =	veq.s32 v20, $0x0  }
0x276: {  	v30 =	vsel vm5, $0x0, v63  }
0x277: {  	v29 =	vadd.s32 v29, v30  }
0x278: {  	v30 =	vperm.xlane v29, v21;
	_ =	sdelay $0x1  }
0x279: {  	v30 =	vsel vm0, $0x0, v30  }
0x27a: {  	v29 =	vadd.s32 v30, v29  }
0x27b: {  	v30 =	vperm.xlane v29, v22;
	_ =	sdelay $0x1  }
0x27c: {  	v30 =	vsel vm1, $0x0, v30  }
0x27d: {  	v29 =	vadd.s32 v30, v29  }
0x27e: {  	v30 =	vperm.xlane v29, v23;
	_ =	sdelay $0x1  }
0x27f: {  	v30 =	vsel vm2, $0x0, v30  }
0x280: {  	v29 =	vadd.s32 v30, v29  }
0x281: {  	v30 =	vadd.s32 v29, v27  }
0x282: {  	p1 =	sne.s32 s6, $0x1;
	v30 =	vadd.s32 $0xFFFFFFFF, v30  }
.Ltmp14:
0x283: {  	_ = 	snop;
	(pc) =	sbr.rel @p1 .LBB2_14-.Ltmp14, $3  }
0x284: {  	_ = 	snop  }
0x285: {  	v29 =	vperm.xlane v29, v24;
	_ =	sdelay $0x1  }
0x286: {  	s4 =	sadd.s32 $0x10, s4;
	s6 =	sadd.s32 $0xFFFFFFFF, s6;
	v27 =	vadd.s32 v27, v29;
	[tilespmem:v30+s25+$0x0] =	vst.idx.msk vm4, v28  }
.LBB2_15:
0x287: {  	_ =	strace $0x90000055  }
0x288: {  	_ =	swait.ge [sflag:s5], $0x400  }
0x289: {  	[sflag:s5] =	ssyncset.done $0x0  }
0x28a: {  	[sflag:s5] =	ssyncadd.s32 $0xFFFFFC00  }
0x28b: {  	_ =	swait.ge [sflag:s5], $0x400  }
0x28c: {  	[sflag:s5] =	ssyncset.done $0x0  }
0x28d: {  	[sflag:s5] =	ssyncadd.s32 $0xFFFFFC00  }
0x28e: {  	_ =	swait.ge [sflag:s5], $0x400  }
0x28f: {  	[sflag:s5] =	ssyncset.done $0x0  }
0x290: {  	[sflag:s5] =	ssyncadd.s32 $0xFFFFFC00  }
0x291: {  	_ =	swait.ge [sflag:s5], $0x200  }
0x292: {  	[sflag:s5] =	ssyncset.done $0x0  }
0x293: {  	s4 =	simm.s32 $0x15220;
	[sflag:s5] =	ssyncadd.s32 $0xFFFFFE00  }
0x294: {  	[tilespmem:s4], [sflag:$0x1] =	stream.indirect.gather [hbm4b:s2+s16], $0x8, s25, s16, $0xb8;
	[tilespmem:$0x17C30] =	vst v63  }
0x295: {  	s6 =	simm.s32 $0x15620  }
0x296: {  	[tilespmem:s6], [sflag:$0x1] =	stream.indirect.gather [hbm4b:s2+s16], $0x8, s28, s16, $0xb8;
	[tilespmem:$0x17C30] =	vst v63  }
0x297: {  	s6 =	simm.s32 $0x15A20  }
0x298: {  	[tilespmem:s6], [sflag:$0x1] =	stream.indirect.gather [hbm4b:s2+s16], $0x8, s30, s16, $0xb8;
	[tilespmem:$0x17C30] =	vst v63  }
0x299: {  	s6 =	simm.s32 $0x15E20  }
0x29a: {  	[tilespmem:s6], [sflag:$0x1] =	stream.indirect.gather [hbm4b:s2+s22], $0x8, s1, s22, $0xb8;
	[tilespmem:$0x17C30] =	vst v63  }
0x29b: {  	_ =	strace $0x80000056;
	[tilespmem:$0xFC20] =	vst v26  }
0x29c: {  	[tilespmem:$0xFC30] =	vst v26  }
0x29d: {  	[tilespmem:$0xFC40] =	vst v26  }
0x29e: {  	[tilespmem:$0xFC50] =	vst v26  }
0x29f: {  	[tilespmem:$0xFC60] =	vst v26  }
0x2a0: {  	[tilespmem:$0xFC70] =	vst v26;
	(xrf0) =	vadd.scan.msk.s32 $0xffff, v27  }
0x2a1: {  	[tilespmem:$0xFC80] =	vst v26  }
0x2a2: {  	[tilespmem:$0xFC90] =	vst v26  }
0x2a3: {  	[tilespmem:$0xFCA0] =	vst v26  }
0x2a4: {  	[tilespmem:$0xFCB0] =	vst v26  }
0x2a5: {  	[tilespmem:$0xFCC0] =	vst v26  }
0x2a6: {  	[tilespmem:$0xFCD0] =	vst v26;
	v27, _, _ =	vpop (xrf0)  }
0x2a7: {  	[tilespmem:$0xFCE0] =	vst v26;
	(v2sf) =	vpush v27, $0xF  }
0x2a8: {  	[tilespmem:$0xFCF0] =	vst v26  }
0x2a9: {  	[tilespmem:$0xFD00] =	vst v26  }
0x2aa: {  	[tilespmem:$0xFD10] =	vst v26  }
0x2ab: {  	[tilespmem:$0xFD20] =	vst v26  }
0x2ac: {  	[tilespmem:$0xFD30] =	vst v26  }
0x2ad: {  	[tilespmem:$0xFD40] =	vst v26  }
0x2ae: {  	[tilespmem:$0xFD50] =	vst v26  }
0x2af: {  	[tilespmem:$0xFD60] =	vst v26  }
0x2b0: {  	[tilespmem:$0xFD70] =	vst v26  }
0x2b1: {  	[tilespmem:$0xFD80] =	vst v26  }
0x2b2: {  	[tilespmem:$0xFD90] =	vst v26  }
0x2b3: {  	[tilespmem:$0xFDA0] =	vst v26  }
.Ltmp15:
0x2b4: {  	[tilespmem:$0xFDB0] =	vst v26;
	(pc) =	sbr.rel @p0 .LBB2_17-.Ltmp15, $4  }
0x2b5: {  	[tilespmem:$0xFDC0] =	vst v26  }
0x2b6: {  	[tilespmem:$0xFDD0] =	vst v26;
	s4 =	spop (v2sf)  }
0x2b7: {  	_ =	strace $0x90000056  }
0x2b8: {  	s31 =	smov.u32 s7;
	v28 =	vimm.s32 $0x0;
	s6 =	simm.s32 $0xF000;
	v27 =	vimm.s32 $0x0;
	_ =	strace $0x80000057  }
.LBB2_16:
0x2b9: {  	v29 =	vld [tilespmem:s6+$0x0];
	_ =	sdelay $0x7  }
0x2ba: {  	v30 =	vld.idx.msk [tilespmem:v29+s3+$0x0], $0xffff  }
0x2bb: {  	v31 =	vld.idx.msk [tilespmem:v29+s13+$0x0], $0xffff;
	_ =	sdelay $0x3  }
0x2bc: {  	v32 =	vsub.f32 v14, v30;
	v30 =	vsub.f32 v30, v15  }
0x2bd: {  	v33 =	vsub.f32 v0, v31;
	v31 =	vsub.f32 v31, v1;
	_ =	sdelay $0x1  }
0x2be: {  	v30 =	vmax.f32 v32, v30;
	v31 =	vmax.f32 v33, v31  }
0x2bf: {  	v63 =	vld.idx.msk [tilespmem:v29+s14+$0x0], $0xffff;
	v30 =	vmax.f32 v30, $0.0e+00;
	v31 =	vmax.f32 v31, $0.0e+00  }
0x2c0: {  	v30 =	vmul.f32 v30, v30;
	v31 =	vmul.f32 v31, v31;
	_ =	sdelay $0x1  }
0x2c1: {  	v30 =	vadd.f32 v31, v30;
	_ =	sdelay $0x1  }
0x2c2: {  	vm4 =	vle.f32 v30, v63  }
0x2c3: {  	v30 =	vsel vm4, $0x1, v18  }
0x2c4: {  	v31 =	vperm.xlane v30, v19  }
0x2c5: {  	vm5 =	veq.s32 v20, $0x0  }
0x2c6: {  	v31 =	vsel vm5, $0x0, v31  }
0x2c7: {  	v30 =	vadd.s32 v30, v31  }
0x2c8: {  	v31 =	vperm.xlane v30, v21;
	_ =	sdelay $0x1  }
0x2c9: {  	v31 =	vsel vm0, $0x0, v31  }
0x2ca: {  	v30 =	vadd.s32 v31, v30  }
0x2cb: {  	v31 =	vperm.xlane v30, v22;
	_ =	sdelay $0x1  }
0x2cc: {  	v31 =	vsel vm1, $0x0, v31  }
0x2cd: {  	v30 =	vadd.s32 v31, v30  }
0x2ce: {  	v31 =	vperm.xlane v30, v23;
	_ =	sdelay $0x1  }
0x2cf: {  	v31 =	vsel vm2, $0x0, v31  }
0x2d0: {  	v30 =	vadd.s32 v31, v30  }
0x2d1: {  	v31 =	vadd.s32 v30, v28  }
0x2d2: {  	p1 =	sne.s32 s31, $0x1;
	v31 =	vadd.s32 $0xFFFFFFFF, v31  }
.Ltmp16:
0x2d3: {  	_ = 	snop;
	(pc) =	sbr.rel @p1 .LBB2_16-.Ltmp16, $3  }
0x2d4: {  	_ = 	snop  }
0x2d5: {  	v30 =	vperm.xlane v30, v24;
	_ =	sdelay $0x1  }
0x2d6: {  	s6 =	sadd.s32 $0x10, s6;
	s31 =	sadd.s32 $0xFFFFFFFF, s31;
	v28 =	vadd.s32 v28, v30;
	[tilespmem:v31+s15+$0x0] =	vst.idx.msk vm4, v29  }
.LBB2_17:
0x2d7: {  	_ =	strace $0x90000057  }
0x2d8: {  	_ =	swait.ge [sflag:s5], $0x400  }
0x2d9: {  	[sflag:s5] =	ssyncset.done $0x0  }
0x2da: {  	[sflag:s5] =	ssyncadd.s32 $0xFFFFFC00  }
0x2db: {  	_ =	swait.ge [sflag:s5], $0x400  }
0x2dc: {  	[sflag:s5] =	ssyncset.done $0x0  }
0x2dd: {  	[sflag:s5] =	ssyncadd.s32 $0xFFFFFC00  }
0x2de: {  	_ =	swait.ge [sflag:s5], $0x400  }
0x2df: {  	[sflag:s5] =	ssyncset.done $0x0  }
0x2e0: {  	[sflag:s5] =	ssyncadd.s32 $0xFFFFFC00  }
0x2e1: {  	_ =	swait.ge [sflag:s5], $0x200  }
0x2e2: {  	[sflag:s5] =	ssyncset.done $0x0  }
0x2e3: {  	s6 =	simm.s32 $0x16020;
	[sflag:s5] =	ssyncadd.s32 $0xFFFFFE00  }
0x2e4: {  	[tilespmem:s6], [sflag:$0x1] =	stream.indirect.gather [hbm4b:s2+s16], $0x8, s15, s16, $0xb8;
	[tilespmem:$0x17C30] =	vst v63  }
0x2e5: {  	s6 =	simm.s32 $0x16420  }
0x2e6: {  	[tilespmem:s6], [sflag:$0x1] =	stream.indirect.gather [hbm4b:s2+s16], $0x8, s18, s16, $0xb8;
	[tilespmem:$0x17C30] =	vst v63  }
0x2e7: {  	s6 =	simm.s32 $0x16820  }
0x2e8: {  	[tilespmem:s6], [sflag:$0x1] =	stream.indirect.gather [hbm4b:s2+s16], $0x8, s20, s16, $0xb8;
	[tilespmem:$0x17C30] =	vst v63  }
0x2e9: {  	s6 =	simm.s32 $0x16C20  }
0x2ea: {  	[tilespmem:s6], [sflag:$0x1] =	stream.indirect.gather [hbm4b:s2+s22], $0x8, s23, s22, $0xb8;
	[tilespmem:$0x17C30] =	vst v63  }
0x2eb: {  	_ =	strace $0x80000058;
	[tilespmem:$0x10420] =	vst v26  }
0x2ec: {  	[tilespmem:$0x10430] =	vst v26  }
0x2ed: {  	[tilespmem:$0x10440] =	vst v26  }
0x2ee: {  	[tilespmem:$0x10450] =	vst v26  }
0x2ef: {  	[tilespmem:$0x10460] =	vst v26  }
0x2f0: {  	[tilespmem:$0x10470] =	vst v26;
	(xrf0) =	vadd.scan.msk.s32 $0xffff, v28  }
0x2f1: {  	[tilespmem:$0x10480] =	vst v26  }
0x2f2: {  	[tilespmem:$0x10490] =	vst v26  }
0x2f3: {  	[tilespmem:$0x104A0] =	vst v26  }
0x2f4: {  	[tilespmem:$0x104B0] =	vst v26  }
0x2f5: {  	[tilespmem:$0x104C0] =	vst v26  }
0x2f6: {  	[tilespmem:$0x104D0] =	vst v26;
	v28, _, _ =	vpop (xrf0)  }
0x2f7: {  	[tilespmem:$0x104E0] =	vst v26;
	(v2sf) =	vpush v28, $0xF  }
0x2f8: {  	[tilespmem:$0x104F0] =	vst v26  }
0x2f9: {  	[tilespmem:$0x10500] =	vst v26  }
0x2fa: {  	[tilespmem:$0x10510] =	vst v26  }
0x2fb: {  	[tilespmem:$0x10520] =	vst v26  }
0x2fc: {  	[tilespmem:$0x10530] =	vst v26  }
0x2fd: {  	[tilespmem:$0x10540] =	vst v26  }
0x2fe: {  	[tilespmem:$0x10550] =	vst v26  }
0x2ff: {  	[tilespmem:$0x10560] =	vst v26  }
0x300: {  	[tilespmem:$0x10570] =	vst v26  }
0x301: {  	[tilespmem:$0x10580] =	vst v26  }
0x302: {  	[tilespmem:$0x10590] =	vst v26  }
0x303: {  	[tilespmem:$0x105A0] =	vst v26  }
.Ltmp17:
0x304: {  	[tilespmem:$0x105B0] =	vst v26;
	(pc) =	sbr.rel @p0 .LBB2_19-.Ltmp17, $4  }
0x305: {  	[tilespmem:$0x105C0] =	vst v26  }
0x306: {  	[tilespmem:$0x105D0] =	vst v26;
	s6 =	spop (v2sf)  }
0x307: {  	_ =	strace $0x90000058  }
0x308: {  	s31 =	simm.s32 $0xF000;
	_ =	strace $0x80000059  }
.LBB2_18:
0x309: {  	v28 =	vld [tilespmem:s31+$0x0];
	_ =	sdelay $0x7  }
0x30a: {  	v29 =	vld.idx.msk [tilespmem:v28+s3+$0x0], $0xffff  }
0x30b: {  	v30 =	vld.idx.msk [tilespmem:v28+s13+$0x0], $0xffff;
	_ =	sdelay $0x3  }
0x30c: {  	v31 =	vsub.f32 v16, v29;
	v29 =	vsub.f32 v29, v17  }
0x30d: {  	v32 =	vsub.f32 v0, v30;
	v30 =	vsub.f32 v30, v1;
	_ =	sdelay $0x1  }
0x30e: {  	v29 =	vmax.f32 v31, v29;
	v30 =	vmax.f32 v32, v30  }
0x30f: {  	v62 =	vld.idx.msk [tilespmem:v28+s14+$0x0], $0xffff;
	v29 =	vmax.f32 v29, $0.0e+00;
	v30 =	vmax.f32 v30, $0.0e+00  }
0x310: {  	v29 =	vmul.f32 v29, v29;
	v30 =	vmul.f32 v30, v30;
	_ =	sdelay $0x1  }
0x311: {  	v29 =	vadd.f32 v30, v29;
	_ =	sdelay $0x1  }
0x312: {  	vm4 =	vle.f32 v29, v62  }
0x313: {  	v29 =	vsel vm4, $0x1, v18  }
0x314: {  	v63 =	vperm.xlane v29, v19  }
0x315: {  	vm5 =	veq.s32 v20, $0x0  }
0x316: {  	v30 =	vsel vm5, $0x0, v63  }
0x317: {  	v29 =	vadd.s32 v29, v30  }
0x318: {  	v30 =	vperm.xlane v29, v21;
	_ =	sdelay $0x1  }
0x319: {  	v30 =	vsel vm0, $0x0, v30  }
0x31a: {  	v29 =	vadd.s32 v30, v29  }
0x31b: {  	v30 =	vperm.xlane v29, v22;
	_ =	sdelay $0x1  }
0x31c: {  	v30 =	vsel vm1, $0x0, v30  }
0x31d: {  	v29 =	vadd.s32 v30, v29  }
0x31e: {  	v30 =	vperm.xlane v29, v23;
	_ =	sdelay $0x1  }
0x31f: {  	v30 =	vsel vm2, $0x0, v30  }
0x320: {  	v29 =	vadd.s32 v30, v29  }
0x321: {  	v30 =	vadd.s32 v29, v27  }
0x322: {  	p0 =	sne.s32 s7, $0x1;
	v30 =	vadd.s32 $0xFFFFFFFF, v30  }
.Ltmp18:
0x323: {  	_ = 	snop;
	(pc) =	sbr.rel @p0 .LBB2_18-.Ltmp18, $3  }
0x324: {  	_ = 	snop  }
0x325: {  	v29 =	vperm.xlane v29, v24;
	_ =	sdelay $0x1  }
0x326: {  	s31 =	sadd.s32 $0x10, s31;
	s7 =	sadd.s32 $0xFFFFFFFF, s7;
	v27 =	vadd.s32 v27, v29;
	[tilespmem:v30+s25+$0x0] =	vst.idx.msk vm4, v28  }
.Ltmp19:
0x327: {  	_ = 	snop;
	(pc) =	sbr.rel .LBB2_19-.Ltmp19, $1  }
0x328: {  	_ =	sdelay $0x3  }
.LBB2_20:
0x329: {  	_ =	sfence.sel $0x180000  }
0x32a: {  	[bflag:$0x0] =	sbarrier.arrive $0xFFFF  }
0x32b: {  	_ =	strace $0x90000047  }
0x32c: {  	s0 =	stileid.u32;
	[bflag:$0x2] =	sbarrier.arrive $0xFFFF  }
0x32d: {  	p0 =	sne.s32 s0, $0x0;
	s0 =	rddreg [dreg:$0x2]  }
0x32e: {  	s0 =	sadd.s32 @!p0 $0x100000, s0  }
0x32f: {  	[sflag:s0] =	ssyncadd.tile.s32 @!p0 $0x1;
	_ =	shalt  }
.Lfunc_end2:
_tile_overlayer_lowered:
.L_overlay_start_2:
0x330: {  	(tag) =	ssettag $0x2  }
0x331: {  	s0 =	rddreg [dreg:$0x0];
	s2 =	stileid.u32  }
0x332: {  	s1 =	rddreg [dreg:$0x1];
	p0 =	sne.s32 s2, $0x0  }
0x333: {  	s3 =	rddreg [dreg:$0x2];
	[bflag:$0x3] =	sbarrier.arrive $0xFFFF;
	s2 =	simm.s32 @!p0 $0x1C02  }
0x334: {  	[timem:s3], [sflag:s2] =	dma.local @!p0 [hbm:s0], s1  }
0x335: {  	s0 =	simm.s32 @!p0 $0x2  }
0x336: {  	_ =	swait.ge @!p0 [sflag:s0], s1  }
0x337: {  	s1 =	ssub.s32 @!p0 $0x0, s1;
	[sflag:s0] =	ssyncset.done @!p0 $0x0  }
0x338: {  	[sflag:s0] =	ssyncadd.s32 @!p0 s1  }
0x339: {  	[bflag:$0x3] =	sbarrier.arrive $0xFFFF  }
0x33a: {  	_ =	shalt  }

</sc_bundles>
